<compile_context>
chip_gen: v7x
topology: tpu7x:2x2x1
jax: 0.10.2.dev20260603
libtpu: 0.0.44.dev20260713+nightly
codegen_flags: <defaults>
</compile_context>

<pallas_src>
import functools

import jax
import jax.numpy as jnp
from jax import lax
from jax.experimental import pallas as pl
from jax.experimental.pallas import tpu as pltpu
from jax.experimental.pallas import tpu_sc as plsc

_NUM_CLASSES = 100000
_FEAT = 128
_BATCH = 16384

_NC = 2
_NS = 16
_NW = _NC * _NS
_RPW = _BATCH // _NW
_CHUNK = 64
_NCHUNK = _RPW // _CHUNK
_HIST_PER_SUB = 6272
_HIST_PAD = _HIST_PER_SUB * _NS
_LBL_PER_SUB = _BATCH // _NS
_ZCHUNK = _HIST_PER_SUB // 4


def _sc_body(y_hbm, feat_hbm, centers_hbm, out_hbm,
             hist_sh, zeros_v, ones_v, lbl_v, own_v, cnt_v, w_v,
             wbc_v, f_v, g_v, part_v, semg0, semg1, semf0, semf1):
    cid = lax.axis_index("c")
    sid = lax.axis_index("s")
    wid = sid * _NC + cid
    semg = [semg0, semg1]
    semf = [semf0, semf1]

    pltpu.sync_copy(y_hbm.at[pl.ds(wid * _RPW, _RPW)], own_v)

    pend_g = [None, None]
    pend_f = [None, None]
    pend_g[0] = pltpu.async_copy(
        centers_hbm.at[own_v.at[pl.ds(0, _CHUNK)]], g_v.at[0], semg[0])
    pend_f[0] = pltpu.async_copy(
        feat_hbm.at[pl.ds(wid * _RPW, _CHUNK)], f_v.at[0], semf[0])

    def _fill_zeros(i, _):
        zeros_v[pl.ds(i * 16, 16)] = jnp.zeros((16,), jnp.float32)
        return 0
    lax.fori_loop(0, _ZCHUNK // 16, _fill_zeros, 0, unroll=8)
    for j in range(128 // 16):
        ones_v[pl.ds(j * 16, 16)] = jnp.ones((16,), jnp.float32)

    zcopies = [
        pltpu.async_copy(
            zeros_v,
            hist_sh.at[pl.ds(sid * _HIST_PER_SUB + j * _ZCHUNK, _ZCHUNK)],
            semf[1])
        for j in range(_HIST_PER_SUB // _ZCHUNK)
    ]
    lcopies = [
        pltpu.async_copy(
            y_hbm.at[pl.ds(sid * _LBL_PER_SUB + j * 128, 128)],
            lbl_v.at[j], semg[1])
        for j in range(_LBL_PER_SUB // 128)
    ]
    for d in zcopies + lcopies:
        d.wait()

    plsc.subcore_barrier()

    scopies = [
        pltpu.async_copy(ones_v, hist_sh.at[lbl_v.at[j]], semg[1], add=True)
        for j in range(_LBL_PER_SUB // 128)
    ]
    for d in scopies:
        d.wait()

    plsc.subcore_barrier()

    ccopies = [
        pltpu.async_copy(hist_sh.at[own_v.at[pl.ds(c * 128, 128)]],
                         cnt_v.at[pl.ds(c * 128, 128)], semg[1])
        for c in range(_RPW // 128)
    ]
    for d in ccopies:
        d.wait()

    for jj in range(_RPW // 16):
        sl = pl.ds(jj * 16, 16)
        w_v[sl] = 1.0 / (cnt_v[sl] + 1.0)

    def _wrow(rg, _):
        w16 = w_v[pl.ds(rg * 16, 16)]
        for k in range(16):
            wbc_v[rg * 16 + k, :] = jnp.broadcast_to(w16[k], (16,))
        return 0
    lax.fori_loop(0, _RPW // 16, _wrow, 0)

    acc = (jnp.zeros((16,), jnp.float32),) * (5 * _FEAT // 16)
    for c in range(_NCHUNK):
        cur = c % 2
        nxt = (c + 1) % 2
        if c + 1 < _NCHUNK:
            pend_g[nxt] = pltpu.async_copy(
                centers_hbm.at[own_v.at[pl.ds((c + 1) * _CHUNK, _CHUNK)]],
                g_v.at[nxt], semg[nxt])
            pend_f[nxt] = pltpu.async_copy(
                feat_hbm.at[pl.ds(wid * _RPW + (c + 1) * _CHUNK, _CHUNK)],
                f_v.at[nxt], semf[nxt])
        pend_g[cur].wait()
        pend_f[cur].wait()

        def _row(r, acc2):
            wb = wbc_v[c * _CHUNK + r, :]
            new = []
            for jj in range(_FEAT // 16):
                sl = pl.ds(jj * 16, 16)
                a, bb, cc, ff, ss = acc2[5 * jj:5 * jj + 5]
                f = f_v[cur, r, sl]
                g = g_v[cur, r, sl]
                t1 = f * f
                t2 = g * g
                t3 = f * g
                new.extend((a + wb * t1, bb + wb * t3, cc + wb * t2,
                            ff + t1, ss + t2))
            return tuple(new)

        acc = lax.fori_loop(0, _CHUNK, _row, acc)

    for jj in range(_FEAT // 16):
        a, b, cc, ff, ss = acc[5 * jj:5 * jj + 5]
        o = jj * 16
        part_v[pl.ds(o, 16)] = a
        part_v[pl.ds(_FEAT + o, 16)] = b
        part_v[pl.ds(2 * _FEAT + o, 16)] = cc
        part_v[pl.ds(3 * _FEAT + o, 16)] = ff
        part_v[pl.ds(4 * _FEAT + o, 16)] = ss

    pltpu.sync_copy(part_v, out_hbm.at[wid])


@functools.partial(jax.jit, static_argnames=())
def _sc_partials(y, feat, centers):
    mesh = plsc.VectorSubcoreMesh(core_axis_name="c", subcore_axis_name="s")
    return pl.kernel(
        _sc_body,
        out_type=jax.ShapeDtypeStruct((_NW, 5 * _FEAT), jnp.float32),
        mesh=mesh,
        scratch_types=[
            pltpu.VMEM_SHARED((_HIST_PAD,), jnp.float32),
            pltpu.VMEM((_ZCHUNK,), jnp.float32),
            pltpu.VMEM((128,), jnp.float32),
            pltpu.VMEM((_LBL_PER_SUB // 128, 128), jnp.int32),
            pltpu.VMEM((_RPW,), jnp.int32),
            pltpu.VMEM((_RPW,), jnp.float32),
            pltpu.VMEM((_RPW,), jnp.float32),
            pltpu.VMEM((_RPW, 16), jnp.float32),
            pltpu.VMEM((2, _CHUNK, _FEAT), jnp.float32),
            pltpu.VMEM((2, _CHUNK, _FEAT), jnp.float32),
            pltpu.VMEM((5 * _FEAT,), jnp.float32),
            pltpu.SemaphoreType.DMA,
            pltpu.SemaphoreType.DMA,
            pltpu.SemaphoreType.DMA,
            pltpu.SemaphoreType.DMA,
        ],
        name="center_loss_sc",
    )(y, feat, centers)


def _tc_finish_body(p_ref, o_ref):
    p = p_ref[...]
    s = jnp.sum(p, axis=0, keepdims=True)
    a = s[:, 0:_FEAT]
    b = s[:, _FEAT:2 * _FEAT]
    c = s[:, 2 * _FEAT:3 * _FEAT]
    f = s[:, 3 * _FEAT:4 * _FEAT]
    g = s[:, 4 * _FEAT:5 * _FEAT]
    nf = jnp.sqrt(f)
    ng = jnp.sqrt(g)
    maxnorm = 1e-05
    sf = jnp.where(nf > maxnorm, maxnorm / jnp.maximum(nf, 1e-30), 1.0) * 1e5
    sc = jnp.where(ng > maxnorm, maxnorm / jnp.maximum(ng, 1e-30), 1.0) * 1e5
    loss = 0.5 * jnp.sum(sf * sf * a - 2.0 * (sf * sc) * b + sc * sc * c)
    o_ref[0, 0] = loss


def kernel(y, feat, centers):
    part = _sc_partials(y.astype(jnp.int32), feat, centers)
    out = pl.pallas_call(
        _tc_finish_body,
        out_shape=jax.ShapeDtypeStruct((1, 1), jnp.float32),
        out_specs=pl.BlockSpec(memory_space=pltpu.SMEM),
    )(part)
    return out[0, 0]

# --- scband reference (transcript-rebuilt; emitter-appended) ---
"""Pipeline reference for scband-center-loss-26173530702198 (READ-ONLY COPY).

The authoritative reference and input builder live on the scoring server;
editing this copy changes nothing except your own understanding.
"""

import jax, jax.numpy as jnp
import numpy as np

NUM_CLASSES = 100000
FEAT_DIM = 128
BATCH = 16384
LOSS_WEIGHT = 1.0


def _renorm_cols(x, maxnorm=1e-05):
    # torch.renorm(p=2, dim=1, maxnorm): each sub-tensor along dim 1 (i.e. each
    # column x[:, j]) is rescaled so its L2 norm is at most maxnorm.
    norms = jnp.sqrt(jnp.sum(x * x, axis=0))
    scale = jnp.where(norms > maxnorm, maxnorm / jnp.maximum(norms, 1e-30), 1.0)
    return x * scale[None, :]


def setup_inputs(seed: int = 0) -> dict:
    key = jax.random.key(seed)
    k1, k2, k3 = jax.random.split(key, 3)
    y = jax.random.randint(k1, (BATCH,), 0, NUM_CLASSES)
    feat = jax.random.normal(k2, (BATCH, FEAT_DIM), dtype=jnp.float32)
    centers = jax.random.normal(k3, (NUM_CLASSES, FEAT_DIM), dtype=jnp.float32)
    return {"y": y, "feat": feat, "centers": centers}


def reference(y, feat, centers):
    # torch.histc(y.float(), bins=num_classes, min=0, max=num_classes) with
    # integer labels in [0, num_classes) is an exact per-class count.
    hist = jnp.bincount(y, length=NUM_CLASSES).astype(jnp.float32) + 1.0
    centers_count = jnp.take(hist, y, axis=0)
    centers_pred = jnp.take(centers, y, axis=0)
    centers_pred_norm = _renorm_cols(centers_pred) * 100000.0
    feat_norm = _renorm_cols(feat) * 100000.0
    diff = feat_norm - centers_pred_norm
    loss = LOSS_WEIGHT * 0.5 * jnp.sum(jnp.sum(diff * diff, axis=1) / centers_count)
    return loss

if __name__ == "__main__":
    import jax
    _d = setup_inputs()
    print(jax.jit(kernel)(*tuple(_d.values())))

</pallas_src>

<mosaic_0001>
#map = affine_map<(d0, d1) -> (0)>
#map1 = affine_map<(d0, d1) -> (0, 0)>
module attributes {stable_mosaic.version = 14 : i64} {
  func.func @center_loss_sc(%arg0: i32, %arg1: i32, %arg2: memref<16384xi32, #tpu.memory_space<hbm>>, %arg3: memref<16384x128xf32, #tpu.memory_space<hbm>>, %arg4: memref<100000x128xf32, #tpu.memory_space<hbm>>, %arg5: memref<32x640xf32, #tpu.memory_space<hbm>>, %arg6: memref<100352xf32, #tpu.memory_space<vmem_shared>>, %arg7: memref<1568xf32, #tpu.memory_space<vmem>>, %arg8: memref<128xf32, #tpu.memory_space<vmem>>, %arg9: memref<8x128xi32, #tpu.memory_space<vmem>>, %arg10: memref<512xi32, #tpu.memory_space<vmem>>, %arg11: memref<512xf32, #tpu.memory_space<vmem>>, %arg12: memref<512xf32, #tpu.memory_space<vmem>>, %arg13: memref<512x16xf32, #tpu.memory_space<vmem>>, %arg14: memref<2x64x128xf32, #tpu.memory_space<vmem>>, %arg15: memref<2x64x128xf32, #tpu.memory_space<vmem>>, %arg16: memref<640xf32, #tpu.memory_space<vmem>>, %arg17: memref<!tpu.dma_semaphore, #tpu.memory_space<semaphore_mem>>, %arg18: memref<!tpu.dma_semaphore, #tpu.memory_space<semaphore_mem>>, %arg19: memref<!tpu.dma_semaphore, #tpu.memory_space<semaphore_mem>>, %arg20: memref<!tpu.dma_semaphore, #tpu.memory_space<semaphore_mem>>) attributes {dimension_semantics = [#tpu.dimension_semantics<core_parallel>, #tpu.dimension_semantics<subcore_parallel>], iteration_bounds = array<i64: 2, 16>, scalar_prefetch = 0 : i64, scratch_operands = 15 : i64, tpu.core_type = #tpu.core_type<sc_vector_subcore>, window_params = [{transform_indices = #map}, {transform_indices = #map1}, {transform_indices = #map1}, {transform_indices = #map1}]} {
    %mul3A = arith.constant 2 : i32
    %mul3A_0 = arith.muli %arg1, %mul3A : i32
    %add3A = arith.addi %mul3A_0, %arg0 : i32
    %mul3A_1 = arith.constant 512 : i32
    %mul3A_2 = arith.muli %add3A, %mul3A_1 : i32
    "tpu.region"() ({
      %run_scoped3A = tpu.sem_alloc : memref<!tpu.dma_semaphore, #tpu.memory_space<semaphore_mem>>
      %dma_start3A_1457 = tpu.memref_slice %arg2[%mul3A_2] : memref<16384xi32, #tpu.memory_space<hbm>> -> memref<512xi32, #tpu.memory_space<hbm>>
      %dma_start3A_1458 = tpu.memref_slice %arg2[%mul3A_2] : memref<16384xi32, #tpu.memory_space<hbm>> -> memref<512xi32, #tpu.memory_space<hbm>>
      tpu.enqueue_dma source(%dma_start3A_1458 : memref<512xi32, #tpu.memory_space<hbm>>) target(%arg10 : memref<512xi32, #tpu.memory_space<vmem>>) target_semaphore(%run_scoped3A : memref<!tpu.dma_semaphore, #tpu.memory_space<semaphore_mem>>)
      %dma_wait3A_1459 = tpu.memref_slice %arg2[%mul3A_2] : memref<16384xi32, #tpu.memory_space<hbm>> -> memref<512xi32, #tpu.memory_space<hbm>>
      %dma_wait3A_1460 = tpu.memref_slice %arg2[%mul3A_2] : memref<16384xi32, #tpu.memory_space<hbm>> -> memref<512xi32, #tpu.memory_space<hbm>>
      tpu.wait_dma2 semaphore(%run_scoped3A : memref<!tpu.dma_semaphore, #tpu.memory_space<semaphore_mem>>) src(%dma_wait3A_1460 : memref<512xi32, #tpu.memory_space<hbm>>) dst(%arg10 : memref<512xi32, #tpu.memory_space<vmem>>)
      tpu.yield
    }) : () -> ()
    %dma_start3A = arith.constant 0 : i32
    %dma_start3A_3 = arith.constant 0 : i32
    %dma_start3A_4 = arith.constant 0 : i32
    %dma_start3A_5 = tpu.memref_slice %arg15[%dma_start3A, %dma_start3A_3, %dma_start3A_4] : memref<2x64x128xf32, #tpu.memory_space<vmem>> -> memref<1x64x128xf32, #tpu.memory_space<vmem>>
    %dma_start3A_6 = tpu.memref_squeeze %dma_start3A_5 : memref<1x64x128xf32, #tpu.memory_space<vmem>> -> memref<64x128xf32, #tpu.memory_space<vmem>>
    %dma_start3A_7 = arith.constant 0 : i32
    %dma_start3A_8 = tpu.memref_slice %arg10[%dma_start3A_7] : memref<512xi32, #tpu.memory_space<vmem>> -> memref<64xi32, #tpu.memory_space<vmem>>
    %dma_start3A_9 = arith.constant 0 : i32
    %dma_start3A_10 = arith.constant 0 : i32
    %dma_start3A_11 = tpu.memref_slice %arg4[%dma_start3A_9, %dma_start3A_10] : memref<100000x128xf32, #tpu.memory_space<hbm>> -> memref<100000x128xf32, #tpu.memory_space<hbm>>
    tpu.enqueue_indirect_dma source(%dma_start3A_11 : memref<100000x128xf32, #tpu.memory_space<hbm>>) target(%dma_start3A_6 : memref<64x128xf32, #tpu.memory_space<vmem>>) offsets(%dma_start3A_8 : memref<64xi32, #tpu.memory_space<vmem>>) semaphore(%arg17 : memref<!tpu.dma_semaphore, #tpu.memory_space<semaphore_mem>>)
    %mul3A_12 = arith.constant 512 : i32
    %mul3A_13 = arith.muli %add3A, %mul3A_12 : i32
    %dma_start3A_14 = arith.constant 0 : i32
    %dma_start3A_15 = arith.constant 0 : i32
    %dma_start3A_16 = arith.constant 0 : i32
    %dma_start3A_17 = tpu.memref_slice %arg14[%dma_start3A_14, %dma_start3A_15, %dma_start3A_16] : memref<2x64x128xf32, #tpu.memory_space<vmem>> -> memref<1x64x128xf32, #tpu.memory_space<vmem>>
    %dma_start3A_18 = tpu.memref_squeeze %dma_start3A_17 : memref<1x64x128xf32, #tpu.memory_space<vmem>> -> memref<64x128xf32, #tpu.memory_space<vmem>>
    %dma_start3A_19 = arith.constant 0 : i32
    %dma_start3A_20 = tpu.memref_slice %arg3[%mul3A_13, %dma_start3A_19] : memref<16384x128xf32, #tpu.memory_space<hbm>> -> memref<64x128xf32, #tpu.memory_space<hbm>>
    %dma_start3A_21 = arith.constant 0 : i32
    %dma_start3A_22 = arith.constant 0 : i32
    %dma_start3A_23 = tpu.memref_slice %arg14[%dma_start3A_14, %dma_start3A_21, %dma_start3A_22] : memref<2x64x128xf32, #tpu.memory_space<vmem>> -> memref<1x64x128xf32, #tpu.memory_space<vmem>>
    %dma_start3A_24 = tpu.memref_squeeze %dma_start3A_23 : memref<1x64x128xf32, #tpu.memory_space<vmem>> -> memref<64x128xf32, #tpu.memory_space<vmem>>
    %dma_start3A_25 = arith.constant 0 : i32
    %dma_start3A_26 = tpu.memref_slice %arg3[%mul3A_13, %dma_start3A_25] : memref<16384x128xf32, #tpu.memory_space<hbm>> -> memref<64x128xf32, #tpu.memory_space<hbm>>
    tpu.enqueue_dma source(%dma_start3A_26 : memref<64x128xf32, #tpu.memory_space<hbm>>) target(%dma_start3A_24 : memref<64x128xf32, #tpu.memory_space<vmem>>) target_semaphore(%arg19 : memref<!tpu.dma_semaphore, #tpu.memory_space<semaphore_mem>>)
    %scan3A = arith.constant 0 : i32
    %scan3A_27 = arith.constant 0 : i32
    %scan3A_28 = arith.constant 96 : i32
    %scan3A_29 = arith.addi %scan3A_27, %scan3A_28 : i32
    %scan3A_30 = arith.constant 8 : i32
    %scan3A_31 = scf.for %scan3A_1457 = %scan3A_27 to %scan3A_29 step %scan3A_30 iter_args(%scan3A_1458 = %scan3A) -> (i32)  : i32 {
      %broadcast_in_dim3A_1459 = arith.constant 0.000000e+00 : f32
      %broadcast_in_dim3A_1460 = vector.broadcast %broadcast_in_dim3A_1459 : f32 to vector<16xf32>
      %mul3A_1461 = arith.constant 16 : i32
      %mul3A_1462 = arith.muli %scan3A_1457, %mul3A_1461 : i32
      %swap3A_1463 = arith.index_cast %mul3A_1462 : i32 to index
      %swap3A_1464 = tpu.vector_load %arg7[%swap3A_1463] {strides = array<i32>} : memref<1568xf32, #tpu.memory_space<vmem>>, vector<16xf32>,
      %swap3A_1465 = vector.shape_cast %swap3A_1464 : vector<16xf32> to vector<16xf32>
      %swap3A_1466 = vector.shape_cast %broadcast_in_dim3A_1460 : vector<16xf32> to vector<16xf32>
      tpu.vector_store %arg7[%swap3A_1463], %swap3A_1466 {strides = array<i32>} : memref<1568xf32, #tpu.memory_space<vmem>>, vector<16xf32>,
      %scan3A_1467 = arith.constant 0 : i32
      %scan3A_1468 = arith.constant 1 : i32
      %scan3A_1469 = arith.addi %scan3A_1457, %scan3A_1468 : i32
      %broadcast_in_dim3A_1470 = arith.constant 0.000000e+00 : f32
      %broadcast_in_dim3A_1471 = vector.broadcast %broadcast_in_dim3A_1470 : f32 to vector<16xf32>
      %mul3A_1472 = arith.constant 16 : i32
      %mul3A_1473 = arith.muli %scan3A_1469, %mul3A_1472 : i32
      %swap3A_1474 = arith.index_cast %mul3A_1473 : i32 to index
      %swap3A_1475 = tpu.vector_load %arg7[%swap3A_1474] {strides = array<i32>} : memref<1568xf32, #tpu.memory_space<vmem>>, vector<16xf32>,
      %swap3A_1476 = vector.shape_cast %swap3A_1475 : vector<16xf32> to vector<16xf32>
      %swap3A_1477 = vector.shape_cast %broadcast_in_dim3A_1471 : vector<16xf32> to vector<16xf32>
      tpu.vector_store %arg7[%swap3A_1474], %swap3A_1477 {strides = array<i32>} : memref<1568xf32, #tpu.memory_space<vmem>>, vector<16xf32>,
      %scan3A_1478 = arith.constant 0 : i32
      %scan3A_1479 = arith.constant 2 : i32
      %scan3A_1480 = arith.addi %scan3A_1457, %scan3A_1479 : i32
      %broadcast_in_dim3A_1481 = arith.constant 0.000000e+00 : f32
      %broadcast_in_dim3A_1482 = vector.broadcast %broadcast_in_dim3A_1481 : f32 to vector<16xf32>
      %mul3A_1483 = arith.constant 16 : i32
      %mul3A_1484 = arith.muli %scan3A_1480, %mul3A_1483 : i32
      %swap3A_1485 = arith.index_cast %mul3A_1484 : i32 to index
      %swap3A_1486 = tpu.vector_load %arg7[%swap3A_1485] {strides = array<i32>} : memref<1568xf32, #tpu.memory_space<vmem>>, vector<16xf32>,
      %swap3A_1487 = vector.shape_cast %swap3A_1486 : vector<16xf32> to vector<16xf32>
      %swap3A_1488 = vector.shape_cast %broadcast_in_dim3A_1482 : vector<16xf32> to vector<16xf32>
      tpu.vector_store %arg7[%swap3A_1485], %swap3A_1488 {strides = array<i32>} : memref<1568xf32, #tpu.memory_space<vmem>>, vector<16xf32>,
      %scan3A_1489 = arith.constant 0 : i32
      %scan3A_1490 = arith.constant 3 : i32
      %scan3A_1491 = arith.addi %scan3A_1457, %scan3A_1490 : i32
      %broadcast_in_dim3A_1492 = arith.constant 0.000000e+00 : f32
      %broadcast_in_dim3A_1493 = vector.broadcast %broadcast_in_dim3A_1492 : f32 to vector<16xf32>
      %mul3A_1494 = arith.constant 16 : i32
      %mul3A_1495 = arith.muli %scan3A_1491, %mul3A_1494 : i32
      %swap3A_1496 = arith.index_cast %mul3A_1495 : i32 to index
      %swap3A_1497 = tpu.vector_load %arg7[%swap3A_1496] {strides = array<i32>} : memref<1568xf32, #tpu.memory_space<vmem>>, vector<16xf32>,
      %swap3A_1498 = vector.shape_cast %swap3A_1497 : vector<16xf32> to vector<16xf32>
      %swap3A_1499 = vector.shape_cast %broadcast_in_dim3A_1493 : vector<16xf32> to vector<16xf32>
      tpu.vector_store %arg7[%swap3A_1496], %swap3A_1499 {strides = array<i32>} : memref<1568xf32, #tpu.memory_space<vmem>>, vector<16xf32>,
      %scan3A_1500 = arith.constant 0 : i32
      %scan3A_1501 = arith.constant 4 : i32
      %scan3A_1502 = arith.addi %scan3A_1457, %scan3A_1501 : i32
      %broadcast_in_dim3A_1503 = arith.constant 0.000000e+00 : f32
      %broadcast_in_dim3A_1504 = vector.broadcast %broadcast_in_dim3A_1503 : f32 to vector<16xf32>
      %mul3A_1505 = arith.constant 16 : i32
      %mul3A_1506 = arith.muli %scan3A_1502, %mul3A_1505 : i32
      %swap3A_1507 = arith.index_cast %mul3A_1506 : i32 to index
      %swap3A_1508 = tpu.vector_load %arg7[%swap3A_1507] {strides = array<i32>} : memref<1568xf32, #tpu.memory_space<vmem>>, vector<16xf32>,
      %swap3A_1509 = vector.shape_cast %swap3A_1508 : vector<16xf32> to vector<16xf32>
      %swap3A_1510 = vector.shape_cast %broadcast_in_dim3A_1504 : vector<16xf32> to vector<16xf32>
      tpu.vector_store %arg7[%swap3A_1507], %swap3A_1510 {strides = array<i32>} : memref<1568xf32, #tpu.memory_space<vmem>>, vector<16xf32>,
      %scan3A_1511 = arith.constant 0 : i32
      %scan3A_1512 = arith.constant 5 : i32
      %scan3A_1513 = arith.addi %scan3A_1457, %scan3A_1512 : i32
      %broadcast_in_dim3A_1514 = arith.constant 0.000000e+00 : f32
      %broadcast_in_dim3A_1515 = vector.broadcast %broadcast_in_dim3A_1514 : f32 to vector<16xf32>
      %mul3A_1516 = arith.constant 16 : i32
      %mul3A_1517 = arith.muli %scan3A_1513, %mul3A_1516 : i32
      %swap3A_1518 = arith.index_cast %mul3A_1517 : i32 to index
      %swap3A_1519 = tpu.vector_load %arg7[%swap3A_1518] {strides = array<i32>} : memref<1568xf32, #tpu.memory_space<vmem>>, vector<16xf32>,
      %swap3A_1520 = vector.shape_cast %swap3A_1519 : vector<16xf32> to vector<16xf32>
      %swap3A_1521 = vector.shape_cast %broadcast_in_dim3A_1515 : vector<16xf32> to vector<16xf32>
      tpu.vector_store %arg7[%swap3A_1518], %swap3A_1521 {strides = array<i32>} : memref<1568xf32, #tpu.memory_space<vmem>>, vector<16xf32>,
      %scan3A_1522 = arith.constant 0 : i32
      %scan3A_1523 = arith.constant 6 : i32
      %scan3A_1524 = arith.addi %scan3A_1457, %scan3A_1523 : i32
      %broadcast_in_dim3A_1525 = arith.constant 0.000000e+00 : f32
      %broadcast_in_dim3A_1526 = vector.broadcast %broadcast_in_dim3A_1525 : f32 to vector<16xf32>
      %mul3A_1527 = arith.constant 16 : i32
      %mul3A_1528 = arith.muli %scan3A_1524, %mul3A_1527 : i32
      %swap3A_1529 = arith.index_cast %mul3A_1528 : i32 to index
      %swap3A_1530 = tpu.vector_load %arg7[%swap3A_1529] {strides = array<i32>} : memref<1568xf32, #tpu.memory_space<vmem>>, vector<16xf32>,
      %swap3A_1531 = vector.shape_cast %swap3A_1530 : vector<16xf32> to vector<16xf32>
      %swap3A_1532 = vector.shape_cast %broadcast_in_dim3A_1526 : vector<16xf32> to vector<16xf32>
      tpu.vector_store %arg7[%swap3A_1529], %swap3A_1532 {strides = array<i32>} : memref<1568xf32, #tpu.memory_space<vmem>>, vector<16xf32>,
      %scan3A_1533 = arith.constant 0 : i32
      %scan3A_1534 = arith.constant 7 : i32
      %scan3A_1535 = arith.addi %scan3A_1457, %scan3A_1534 : i32
      %broadcast_in_dim3A_1536 = arith.constant 0.000000e+00 : f32
      %broadcast_in_dim3A_1537 = vector.broadcast %broadcast_in_dim3A_1536 : f32 to vector<16xf32>
      %mul3A_1538 = arith.constant 16 : i32
      %mul3A_1539 = arith.muli %scan3A_1535, %mul3A_1538 : i32
      %swap3A_1540 = arith.index_cast %mul3A_1539 : i32 to index
      %swap3A_1541 = tpu.vector_load %arg7[%swap3A_1540] {strides = array<i32>} : memref<1568xf32, #tpu.memory_space<vmem>>, vector<16xf32>,
      %swap3A_1542 = vector.shape_cast %swap3A_1541 : vector<16xf32> to vector<16xf32>
      %swap3A_1543 = vector.shape_cast %broadcast_in_dim3A_1537 : vector<16xf32> to vector<16xf32>
      tpu.vector_store %arg7[%swap3A_1540], %swap3A_1543 {strides = array<i32>} : memref<1568xf32, #tpu.memory_space<vmem>>, vector<16xf32>,
      %scan3A_1544 = arith.constant 0 : i32
      scf.yield %scan3A_1544 : i32
    }
    %scan3A_32 = arith.constant 96 : i32
    %scan3A_33 = arith.addi %scan3A_27, %scan3A_32 : i32
    %broadcast_in_dim3A = arith.constant 0.000000e+00 : f32
    %broadcast_in_dim3A_34 = vector.broadcast %broadcast_in_dim3A : f32 to vector<16xf32>
    %mul3A_35 = arith.constant 16 : i32
    %mul3A_36 = arith.muli %scan3A_33, %mul3A_35 : i32
    %swap3A = arith.index_cast %mul3A_36 : i32 to index
    %swap3A_37 = tpu.vector_load %arg7[%swap3A] {strides = array<i32>} : memref<1568xf32, #tpu.memory_space<vmem>>, vector<16xf32>,
    %swap3A_38 = vector.shape_cast %swap3A_37 : vector<16xf32> to vector<16xf32>
    %swap3A_39 = vector.shape_cast %broadcast_in_dim3A_34 : vector<16xf32> to vector<16xf32>
    tpu.vector_store %arg7[%swap3A], %swap3A_39 {strides = array<i32>} : memref<1568xf32, #tpu.memory_space<vmem>>, vector<16xf32>,
    %scan3A_40 = arith.constant 0 : i32
    %scan3A_41 = arith.constant 97 : i32
    %scan3A_42 = arith.addi %scan3A_27, %scan3A_41 : i32
    %broadcast_in_dim3A_43 = arith.constant 0.000000e+00 : f32
    %broadcast_in_dim3A_44 = vector.broadcast %broadcast_in_dim3A_43 : f32 to vector<16xf32>
    %mul3A_45 = arith.constant 16 : i32
    %mul3A_46 = arith.muli %scan3A_42, %mul3A_45 : i32
    %swap3A_47 = arith.index_cast %mul3A_46 : i32 to index
    %swap3A_48 = tpu.vector_load %arg7[%swap3A_47] {strides = array<i32>} : memref<1568xf32, #tpu.memory_space<vmem>>, vector<16xf32>,
    %swap3A_49 = vector.shape_cast %swap3A_48 : vector<16xf32> to vector<16xf32>
    %swap3A_50 = vector.shape_cast %broadcast_in_dim3A_44 : vector<16xf32> to vector<16xf32>
    tpu.vector_store %arg7[%swap3A_47], %swap3A_50 {strides = array<i32>} : memref<1568xf32, #tpu.memory_space<vmem>>, vector<16xf32>,
    %scan3A_51 = arith.constant 0 : i32
    %scan3A_52 = arith.constant 98 : i32
    %broadcast_in_dim3A_53 = arith.constant 1.000000e+00 : f32
    %broadcast_in_dim3A_54 = vector.broadcast %broadcast_in_dim3A_53 : f32 to vector<16xf32>
    %swap3A_55 = arith.constant 0 : index
    %swap3A_56 = tpu.vector_load %arg8[%swap3A_55] {strides = array<i32>} : memref<128xf32, #tpu.memory_space<vmem>>, vector<16xf32>,
    %swap3A_57 = vector.shape_cast %swap3A_56 : vector<16xf32> to vector<16xf32>
    %swap3A_58 = vector.shape_cast %broadcast_in_dim3A_54 : vector<16xf32> to vector<16xf32>
    tpu.vector_store %arg8[%swap3A_55], %swap3A_58 {strides = array<i32>} : memref<128xf32, #tpu.memory_space<vmem>>, vector<16xf32>,
    %broadcast_in_dim3A_59 = arith.constant 1.000000e+00 : f32
    %broadcast_in_dim3A_60 = vector.broadcast %broadcast_in_dim3A_59 : f32 to vector<16xf32>
    %swap3A_61 = arith.constant 16 : index
    %swap3A_62 = tpu.vector_load %arg8[%swap3A_61] {strides = array<i32>} : memref<128xf32, #tpu.memory_space<vmem>>, vector<16xf32>,
    %swap3A_63 = vector.shape_cast %swap3A_62 : vector<16xf32> to vector<16xf32>
    %swap3A_64 = vector.shape_cast %broadcast_in_dim3A_60 : vector<16xf32> to vector<16xf32>
    tpu.vector_store %arg8[%swap3A_61], %swap3A_64 {strides = array<i32>} : memref<128xf32, #tpu.memory_space<vmem>>, vector<16xf32>,
    %broadcast_in_dim3A_65 = arith.constant 1.000000e+00 : f32
    %broadcast_in_dim3A_66 = vector.broadcast %broadcast_in_dim3A_65 : f32 to vector<16xf32>
    %swap3A_67 = arith.constant 32 : index
    %swap3A_68 = tpu.vector_load %arg8[%swap3A_67] {strides = array<i32>} : memref<128xf32, #tpu.memory_space<vmem>>, vector<16xf32>,
    %swap3A_69 = vector.shape_cast %swap3A_68 : vector<16xf32> to vector<16xf32>
    %swap3A_70 = vector.shape_cast %broadcast_in_dim3A_66 : vector<16xf32> to vector<16xf32>
    tpu.vector_store %arg8[%swap3A_67], %swap3A_70 {strides = array<i32>} : memref<128xf32, #tpu.memory_space<vmem>>, vector<16xf32>,
    %broadcast_in_dim3A_71 = arith.constant 1.000000e+00 : f32
    %broadcast_in_dim3A_72 = vector.broadcast %broadcast_in_dim3A_71 : f32 to vector<16xf32>
    %swap3A_73 = arith.constant 48 : index
    %swap3A_74 = tpu.vector_load %arg8[%swap3A_73] {strides = array<i32>} : memref<128xf32, #tpu.memory_space<vmem>>, vector<16xf32>,
    %swap3A_75 = vector.shape_cast %swap3A_74 : vector<16xf32> to vector<16xf32>
    %swap3A_76 = vector.shape_cast %broadcast_in_dim3A_72 : vector<16xf32> to vector<16xf32>
    tpu.vector_store %arg8[%swap3A_73], %swap3A_76 {strides = array<i32>} : memref<128xf32, #tpu.memory_space<vmem>>, vector<16xf32>,
    %broadcast_in_dim3A_77 = arith.constant 1.000000e+00 : f32
    %broadcast_in_dim3A_78 = vector.broadcast %broadcast_in_dim3A_77 : f32 to vector<16xf32>
    %swap3A_79 = arith.constant 64 : index
    %swap3A_80 = tpu.vector_load %arg8[%swap3A_79] {strides = array<i32>} : memref<128xf32, #tpu.memory_space<vmem>>, vector<16xf32>,
    %swap3A_81 = vector.shape_cast %swap3A_80 : vector<16xf32> to vector<16xf32>
    %swap3A_82 = vector.shape_cast %broadcast_in_dim3A_78 : vector<16xf32> to vector<16xf32>
    tpu.vector_store %arg8[%swap3A_79], %swap3A_82 {strides = array<i32>} : memref<128xf32, #tpu.memory_space<vmem>>, vector<16xf32>,
    %broadcast_in_dim3A_83 = arith.constant 1.000000e+00 : f32
    %broadcast_in_dim3A_84 = vector.broadcast %broadcast_in_dim3A_83 : f32 to vector<16xf32>
    %swap3A_85 = arith.constant 80 : index
    %swap3A_86 = tpu.vector_load %arg8[%swap3A_85] {strides = array<i32>} : memref<128xf32, #tpu.memory_space<vmem>>, vector<16xf32>,
    %swap3A_87 = vector.shape_cast %swap3A_86 : vector<16xf32> to vector<16xf32>
    %swap3A_88 = vector.shape_cast %broadcast_in_dim3A_84 : vector<16xf32> to vector<16xf32>
    tpu.vector_store %arg8[%swap3A_85], %swap3A_88 {strides = array<i32>} : memref<128xf32, #tpu.memory_space<vmem>>, vector<16xf32>,
    %broadcast_in_dim3A_89 = arith.constant 1.000000e+00 : f32
    %broadcast_in_dim3A_90 = vector.broadcast %broadcast_in_dim3A_89 : f32 to vector<16xf32>
    %swap3A_91 = arith.constant 96 : index
    %swap3A_92 = tpu.vector_load %arg8[%swap3A_91] {strides = array<i32>} : memref<128xf32, #tpu.memory_space<vmem>>, vector<16xf32>,
    %swap3A_93 = vector.shape_cast %swap3A_92 : vector<16xf32> to vector<16xf32>
    %swap3A_94 = vector.shape_cast %broadcast_in_dim3A_90 : vector<16xf32> to vector<16xf32>
    tpu.vector_store %arg8[%swap3A_91], %swap3A_94 {strides = array<i32>} : memref<128xf32, #tpu.memory_space<vmem>>, vector<16xf32>,
    %broadcast_in_dim3A_95 = arith.constant 1.000000e+00 : f32
    %broadcast_in_dim3A_96 = vector.broadcast %broadcast_in_dim3A_95 : f32 to vector<16xf32>
    %swap3A_97 = arith.constant 112 : index
    %swap3A_98 = tpu.vector_load %arg8[%swap3A_97] {strides = array<i32>} : memref<128xf32, #tpu.memory_space<vmem>>, vector<16xf32>,
    %swap3A_99 = vector.shape_cast %swap3A_98 : vector<16xf32> to vector<16xf32>
    %swap3A_100 = vector.shape_cast %broadcast_in_dim3A_96 : vector<16xf32> to vector<16xf32>
    tpu.vector_store %arg8[%swap3A_97], %swap3A_100 {strides = array<i32>} : memref<128xf32, #tpu.memory_space<vmem>>, vector<16xf32>,
    %mul3A_101 = arith.constant 6272 : i32
    %mul3A_102 = arith.muli %arg1, %mul3A_101 : i32
    %add3A_103 = arith.constant 0 : i32
    %add3A_104 = arith.addi %mul3A_102, %add3A_103 : i32
    %dma_start3A_105 = tpu.memref_slice %arg6[%add3A_104] : memref<100352xf32, #tpu.memory_space<vmem_shared>> -> memref<1568xf32, #tpu.memory_space<vmem_shared>>
    %dma_start3A_106 = tpu.memref_slice %arg6[%add3A_104] : memref<100352xf32, #tpu.memory_space<vmem_shared>> -> memref<1568xf32, #tpu.memory_space<vmem_shared>>
    tpu.enqueue_dma source(%arg7 : memref<1568xf32, #tpu.memory_space<vmem>>) target(%dma_start3A_106 : memref<1568xf32, #tpu.memory_space<vmem_shared>>) target_semaphore(%arg20 : memref<!tpu.dma_semaphore, #tpu.memory_space<semaphore_mem>>)
    %mul3A_107 = arith.constant 6272 : i32
    %mul3A_108 = arith.muli %arg1, %mul3A_107 : i32
    %add3A_109 = arith.constant 1568 : i32
    %add3A_110 = arith.addi %mul3A_108, %add3A_109 : i32
    %dma_start3A_111 = tpu.memref_slice %arg6[%add3A_110] : memref<100352xf32, #tpu.memory_space<vmem_shared>> -> memref<1568xf32, #tpu.memory_space<vmem_shared>>
    %dma_start3A_112 = tpu.memref_slice %arg6[%add3A_110] : memref<100352xf32, #tpu.memory_space<vmem_shared>> -> memref<1568xf32, #tpu.memory_space<vmem_shared>>
    tpu.enqueue_dma source(%arg7 : memref<1568xf32, #tpu.memory_space<vmem>>) target(%dma_start3A_112 : memref<1568xf32, #tpu.memory_space<vmem_shared>>) target_semaphore(%arg20 : memref<!tpu.dma_semaphore, #tpu.memory_space<semaphore_mem>>)
    %mul3A_113 = arith.constant 6272 : i32
    %mul3A_114 = arith.muli %arg1, %mul3A_113 : i32
    %add3A_115 = arith.constant 3136 : i32
    %add3A_116 = arith.addi %mul3A_114, %add3A_115 : i32
    %dma_start3A_117 = tpu.memref_slice %arg6[%add3A_116] : memref<100352xf32, #tpu.memory_space<vmem_shared>> -> memref<1568xf32, #tpu.memory_space<vmem_shared>>
    %dma_start3A_118 = tpu.memref_slice %arg6[%add3A_116] : memref<100352xf32, #tpu.memory_space<vmem_shared>> -> memref<1568xf32, #tpu.memory_space<vmem_shared>>
    tpu.enqueue_dma source(%arg7 : memref<1568xf32, #tpu.memory_space<vmem>>) target(%dma_start3A_118 : memref<1568xf32, #tpu.memory_space<vmem_shared>>) target_semaphore(%arg20 : memref<!tpu.dma_semaphore, #tpu.memory_space<semaphore_mem>>)
    %mul3A_119 = arith.constant 6272 : i32
    %mul3A_120 = arith.muli %arg1, %mul3A_119 : i32
    %add3A_121 = arith.constant 4704 : i32
    %add3A_122 = arith.addi %mul3A_120, %add3A_121 : i32
    %dma_start3A_123 = tpu.memref_slice %arg6[%add3A_122] : memref<100352xf32, #tpu.memory_space<vmem_shared>> -> memref<1568xf32, #tpu.memory_space<vmem_shared>>
    %dma_start3A_124 = tpu.memref_slice %arg6[%add3A_122] : memref<100352xf32, #tpu.memory_space<vmem_shared>> -> memref<1568xf32, #tpu.memory_space<vmem_shared>>
    tpu.enqueue_dma source(%arg7 : memref<1568xf32, #tpu.memory_space<vmem>>) target(%dma_start3A_124 : memref<1568xf32, #tpu.memory_space<vmem_shared>>) target_semaphore(%arg20 : memref<!tpu.dma_semaphore, #tpu.memory_space<semaphore_mem>>)
    %mul3A_125 = arith.constant 1024 : i32
    %mul3A_126 = arith.muli %arg1, %mul3A_125 : i32
    %add3A_127 = arith.constant 0 : i32
    %add3A_128 = arith.addi %mul3A_126, %add3A_127 : i32
    %dma_start3A_129 = arith.constant 0 : i32
    %dma_start3A_130 = arith.constant 0 : i32
    %dma_start3A_131 = tpu.memref_slice %arg9[%dma_start3A_129, %dma_start3A_130] : memref<8x128xi32, #tpu.memory_space<vmem>> -> memref<1x128xi32, #tpu.memory_space<vmem>>
    %dma_start3A_132 = tpu.memref_squeeze %dma_start3A_131 : memref<1x128xi32, #tpu.memory_space<vmem>> -> memref<128xi32, #tpu.memory_space<vmem>>
    %dma_start3A_133 = tpu.memref_slice %arg2[%add3A_128] : memref<16384xi32, #tpu.memory_space<hbm>> -> memref<128xi32, #tpu.memory_space<hbm>>
    %dma_start3A_134 = arith.constant 0 : i32
    %dma_start3A_135 = tpu.memref_slice %arg9[%dma_start3A_129, %dma_start3A_134] : memref<8x128xi32, #tpu.memory_space<vmem>> -> memref<1x128xi32, #tpu.memory_space<vmem>>
    %dma_start3A_136 = tpu.memref_squeeze %dma_start3A_135 : memref<1x128xi32, #tpu.memory_space<vmem>> -> memref<128xi32, #tpu.memory_space<vmem>>
    %dma_start3A_137 = tpu.memref_slice %arg2[%add3A_128] : memref<16384xi32, #tpu.memory_space<hbm>> -> memref<128xi32, #tpu.memory_space<hbm>>
    tpu.enqueue_dma source(%dma_start3A_137 : memref<128xi32, #tpu.memory_space<hbm>>) target(%dma_start3A_136 : memref<128xi32, #tpu.memory_space<vmem>>) target_semaphore(%arg18 : memref<!tpu.dma_semaphore, #tpu.memory_space<semaphore_mem>>)
    %mul3A_138 = arith.constant 1024 : i32
    %mul3A_139 = arith.muli %arg1, %mul3A_138 : i32
    %add3A_140 = arith.constant 128 : i32
    %add3A_141 = arith.addi %mul3A_139, %add3A_140 : i32
    %dma_start3A_142 = arith.constant 1 : i32
    %dma_start3A_143 = arith.constant 0 : i32
    %dma_start3A_144 = tpu.memref_slice %arg9[%dma_start3A_142, %dma_start3A_143] : memref<8x128xi32, #tpu.memory_space<vmem>> -> memref<1x128xi32, #tpu.memory_space<vmem>>
    %dma_start3A_145 = tpu.memref_squeeze %dma_start3A_144 : memref<1x128xi32, #tpu.memory_space<vmem>> -> memref<128xi32, #tpu.memory_space<vmem>>
    %dma_start3A_146 = tpu.memref_slice %arg2[%add3A_141] : memref<16384xi32, #tpu.memory_space<hbm>> -> memref<128xi32, #tpu.memory_space<hbm>>
    %dma_start3A_147 = arith.constant 0 : i32
    %dma_start3A_148 = tpu.memref_slice %arg9[%dma_start3A_142, %dma_start3A_147] : memref<8x128xi32, #tpu.memory_space<vmem>> -> memref<1x128xi32, #tpu.memory_space<vmem>>
    %dma_start3A_149 = tpu.memref_squeeze %dma_start3A_148 : memref<1x128xi32, #tpu.memory_space<vmem>> -> memref<128xi32, #tpu.memory_space<vmem>>
    %dma_start3A_150 = tpu.memref_slice %arg2[%add3A_141] : memref<16384xi32, #tpu.memory_space<hbm>> -> memref<128xi32, #tpu.memory_space<hbm>>
    tpu.enqueue_dma source(%dma_start3A_150 : memref<128xi32, #tpu.memory_space<hbm>>) target(%dma_start3A_149 : memref<128xi32, #tpu.memory_space<vmem>>) target_semaphore(%arg18 : memref<!tpu.dma_semaphore, #tpu.memory_space<semaphore_mem>>)
    %mul3A_151 = arith.constant 1024 : i32
    %mul3A_152 = arith.muli %arg1, %mul3A_151 : i32
    %add3A_153 = arith.constant 256 : i32
    %add3A_154 = arith.addi %mul3A_152, %add3A_153 : i32
    %dma_start3A_155 = arith.constant 2 : i32
    %dma_start3A_156 = arith.constant 0 : i32
    %dma_start3A_157 = tpu.memref_slice %arg9[%dma_start3A_155, %dma_start3A_156] : memref<8x128xi32, #tpu.memory_space<vmem>> -> memref<1x128xi32, #tpu.memory_space<vmem>>
    %dma_start3A_158 = tpu.memref_squeeze %dma_start3A_157 : memref<1x128xi32, #tpu.memory_space<vmem>> -> memref<128xi32, #tpu.memory_space<vmem>>
    %dma_start3A_159 = tpu.memref_slice %arg2[%add3A_154] : memref<16384xi32, #tpu.memory_space<hbm>> -> memref<128xi32, #tpu.memory_space<hbm>>
    %dma_start3A_160 = arith.constant 0 : i32
    %dma_start3A_161 = tpu.memref_slice %arg9[%dma_start3A_155, %dma_start3A_160] : memref<8x128xi32, #tpu.memory_space<vmem>> -> memref<1x128xi32, #tpu.memory_space<vmem>>
    %dma_start3A_162 = tpu.memref_squeeze %dma_start3A_161 : memref<1x128xi32, #tpu.memory_space<vmem>> -> memref<128xi32, #tpu.memory_space<vmem>>
    %dma_start3A_163 = tpu.memref_slice %arg2[%add3A_154] : memref<16384xi32, #tpu.memory_space<hbm>> -> memref<128xi32, #tpu.memory_space<hbm>>
    tpu.enqueue_dma source(%dma_start3A_163 : memref<128xi32, #tpu.memory_space<hbm>>) target(%dma_start3A_162 : memref<128xi32, #tpu.memory_space<vmem>>) target_semaphore(%arg18 : memref<!tpu.dma_semaphore, #tpu.memory_space<semaphore_mem>>)
    %mul3A_164 = arith.constant 1024 : i32
    %mul3A_165 = arith.muli %arg1, %mul3A_164 : i32
    %add3A_166 = arith.constant 384 : i32
    %add3A_167 = arith.addi %mul3A_165, %add3A_166 : i32
    %dma_start3A_168 = arith.constant 3 : i32
    %dma_start3A_169 = arith.constant 0 : i32
    %dma_start3A_170 = tpu.memref_slice %arg9[%dma_start3A_168, %dma_start3A_169] : memref<8x128xi32, #tpu.memory_space<vmem>> -> memref<1x128xi32, #tpu.memory_space<vmem>>
    %dma_start3A_171 = tpu.memref_squeeze %dma_start3A_170 : memref<1x128xi32, #tpu.memory_space<vmem>> -> memref<128xi32, #tpu.memory_space<vmem>>
    %dma_start3A_172 = tpu.memref_slice %arg2[%add3A_167] : memref<16384xi32, #tpu.memory_space<hbm>> -> memref<128xi32, #tpu.memory_space<hbm>>
    %dma_start3A_173 = arith.constant 0 : i32
    %dma_start3A_174 = tpu.memref_slice %arg9[%dma_start3A_168, %dma_start3A_173] : memref<8x128xi32, #tpu.memory_space<vmem>> -> memref<1x128xi32, #tpu.memory_space<vmem>>
    %dma_start3A_175 = tpu.memref_squeeze %dma_start3A_174 : memref<1x128xi32, #tpu.memory_space<vmem>> -> memref<128xi32, #tpu.memory_space<vmem>>
    %dma_start3A_176 = tpu.memref_slice %arg2[%add3A_167] : memref<16384xi32, #tpu.memory_space<hbm>> -> memref<128xi32, #tpu.memory_space<hbm>>
    tpu.enqueue_dma source(%dma_start3A_176 : memref<128xi32, #tpu.memory_space<hbm>>) target(%dma_start3A_175 : memref<128xi32, #tpu.memory_space<vmem>>) target_semaphore(%arg18 : memref<!tpu.dma_semaphore, #tpu.memory_space<semaphore_mem>>)
    %mul3A_177 = arith.constant 1024 : i32
    %mul3A_178 = arith.muli %arg1, %mul3A_177 : i32
    %add3A_179 = arith.constant 512 : i32
    %add3A_180 = arith.addi %mul3A_178, %add3A_179 : i32
    %dma_start3A_181 = arith.constant 4 : i32
    %dma_start3A_182 = arith.constant 0 : i32
    %dma_start3A_183 = tpu.memref_slice %arg9[%dma_start3A_181, %dma_start3A_182] : memref<8x128xi32, #tpu.memory_space<vmem>> -> memref<1x128xi32, #tpu.memory_space<vmem>>
    %dma_start3A_184 = tpu.memref_squeeze %dma_start3A_183 : memref<1x128xi32, #tpu.memory_space<vmem>> -> memref<128xi32, #tpu.memory_space<vmem>>
    %dma_start3A_185 = tpu.memref_slice %arg2[%add3A_180] : memref<16384xi32, #tpu.memory_space<hbm>> -> memref<128xi32, #tpu.memory_space<hbm>>
    %dma_start3A_186 = arith.constant 0 : i32
    %dma_start3A_187 = tpu.memref_slice %arg9[%dma_start3A_181, %dma_start3A_186] : memref<8x128xi32, #tpu.memory_space<vmem>> -> memref<1x128xi32, #tpu.memory_space<vmem>>
    %dma_start3A_188 = tpu.memref_squeeze %dma_start3A_187 : memref<1x128xi32, #tpu.memory_space<vmem>> -> memref<128xi32, #tpu.memory_space<vmem>>
    %dma_start3A_189 = tpu.memref_slice %arg2[%add3A_180] : memref<16384xi32, #tpu.memory_space<hbm>> -> memref<128xi32, #tpu.memory_space<hbm>>
    tpu.enqueue_dma source(%dma_start3A_189 : memref<128xi32, #tpu.memory_space<hbm>>) target(%dma_start3A_188 : memref<128xi32, #tpu.memory_space<vmem>>) target_semaphore(%arg18 : memref<!tpu.dma_semaphore, #tpu.memory_space<semaphore_mem>>)
    %mul3A_190 = arith.constant 1024 : i32
    %mul3A_191 = arith.muli %arg1, %mul3A_190 : i32
    %add3A_192 = arith.constant 640 : i32
    %add3A_193 = arith.addi %mul3A_191, %add3A_192 : i32
    %dma_start3A_194 = arith.constant 5 : i32
    %dma_start3A_195 = arith.constant 0 : i32
    %dma_start3A_196 = tpu.memref_slice %arg9[%dma_start3A_194, %dma_start3A_195] : memref<8x128xi32, #tpu.memory_space<vmem>> -> memref<1x128xi32, #tpu.memory_space<vmem>>
    %dma_start3A_197 = tpu.memref_squeeze %dma_start3A_196 : memref<1x128xi32, #tpu.memory_space<vmem>> -> memref<128xi32, #tpu.memory_space<vmem>>
    %dma_start3A_198 = tpu.memref_slice %arg2[%add3A_193] : memref<16384xi32, #tpu.memory_space<hbm>> -> memref<128xi32, #tpu.memory_space<hbm>>
    %dma_start3A_199 = arith.constant 0 : i32
    %dma_start3A_200 = tpu.memref_slice %arg9[%dma_start3A_194, %dma_start3A_199] : memref<8x128xi32, #tpu.memory_space<vmem>> -> memref<1x128xi32, #tpu.memory_space<vmem>>
    %dma_start3A_201 = tpu.memref_squeeze %dma_start3A_200 : memref<1x128xi32, #tpu.memory_space<vmem>> -> memref<128xi32, #tpu.memory_space<vmem>>
    %dma_start3A_202 = tpu.memref_slice %arg2[%add3A_193] : memref<16384xi32, #tpu.memory_space<hbm>> -> memref<128xi32, #tpu.memory_space<hbm>>
    tpu.enqueue_dma source(%dma_start3A_202 : memref<128xi32, #tpu.memory_space<hbm>>) target(%dma_start3A_201 : memref<128xi32, #tpu.memory_space<vmem>>) target_semaphore(%arg18 : memref<!tpu.dma_semaphore, #tpu.memory_space<semaphore_mem>>)
    %mul3A_203 = arith.constant 1024 : i32
    %mul3A_204 = arith.muli %arg1, %mul3A_203 : i32
    %add3A_205 = arith.constant 768 : i32
    %add3A_206 = arith.addi %mul3A_204, %add3A_205 : i32
    %dma_start3A_207 = arith.constant 6 : i32
    %dma_start3A_208 = arith.constant 0 : i32
    %dma_start3A_209 = tpu.memref_slice %arg9[%dma_start3A_207, %dma_start3A_208] : memref<8x128xi32, #tpu.memory_space<vmem>> -> memref<1x128xi32, #tpu.memory_space<vmem>>
    %dma_start3A_210 = tpu.memref_squeeze %dma_start3A_209 : memref<1x128xi32, #tpu.memory_space<vmem>> -> memref<128xi32, #tpu.memory_space<vmem>>
    %dma_start3A_211 = tpu.memref_slice %arg2[%add3A_206] : memref<16384xi32, #tpu.memory_space<hbm>> -> memref<128xi32, #tpu.memory_space<hbm>>
    %dma_start3A_212 = arith.constant 0 : i32
    %dma_start3A_213 = tpu.memref_slice %arg9[%dma_start3A_207, %dma_start3A_212] : memref<8x128xi32, #tpu.memory_space<vmem>> -> memref<1x128xi32, #tpu.memory_space<vmem>>
    %dma_start3A_214 = tpu.memref_squeeze %dma_start3A_213 : memref<1x128xi32, #tpu.memory_space<vmem>> -> memref<128xi32, #tpu.memory_space<vmem>>
    %dma_start3A_215 = tpu.memref_slice %arg2[%add3A_206] : memref<16384xi32, #tpu.memory_space<hbm>> -> memref<128xi32, #tpu.memory_space<hbm>>
    tpu.enqueue_dma source(%dma_start3A_215 : memref<128xi32, #tpu.memory_space<hbm>>) target(%dma_start3A_214 : memref<128xi32, #tpu.memory_space<vmem>>) target_semaphore(%arg18 : memref<!tpu.dma_semaphore, #tpu.memory_space<semaphore_mem>>)
    %mul3A_216 = arith.constant 1024 : i32
    %mul3A_217 = arith.muli %arg1, %mul3A_216 : i32
    %add3A_218 = arith.constant 896 : i32
    %add3A_219 = arith.addi %mul3A_217, %add3A_218 : i32
    %dma_start3A_220 = arith.constant 7 : i32
    %dma_start3A_221 = arith.constant 0 : i32
    %dma_start3A_222 = tpu.memref_slice %arg9[%dma_start3A_220, %dma_start3A_221] : memref<8x128xi32, #tpu.memory_space<vmem>> -> memref<1x128xi32, #tpu.memory_space<vmem>>
    %dma_start3A_223 = tpu.memref_squeeze %dma_start3A_222 : memref<1x128xi32, #tpu.memory_space<vmem>> -> memref<128xi32, #tpu.memory_space<vmem>>
    %dma_start3A_224 = tpu.memref_slice %arg2[%add3A_219] : memref<16384xi32, #tpu.memory_space<hbm>> -> memref<128xi32, #tpu.memory_space<hbm>>
    %dma_start3A_225 = arith.constant 0 : i32
    %dma_start3A_226 = tpu.memref_slice %arg9[%dma_start3A_220, %dma_start3A_225] : memref<8x128xi32, #tpu.memory_space<vmem>> -> memref<1x128xi32, #tpu.memory_space<vmem>>
    %dma_start3A_227 = tpu.memref_squeeze %dma_start3A_226 : memref<1x128xi32, #tpu.memory_space<vmem>> -> memref<128xi32, #tpu.memory_space<vmem>>
    %dma_start3A_228 = tpu.memref_slice %arg2[%add3A_219] : memref<16384xi32, #tpu.memory_space<hbm>> -> memref<128xi32, #tpu.memory_space<hbm>>
    tpu.enqueue_dma source(%dma_start3A_228 : memref<128xi32, #tpu.memory_space<hbm>>) target(%dma_start3A_227 : memref<128xi32, #tpu.memory_space<vmem>>) target_semaphore(%arg18 : memref<!tpu.dma_semaphore, #tpu.memory_space<semaphore_mem>>)
    %dma_wait3A = tpu.memref_slice %arg6[%add3A_104] : memref<100352xf32, #tpu.memory_space<vmem_shared>> -> memref<1568xf32, #tpu.memory_space<vmem_shared>>
    %dma_wait3A_229 = tpu.memref_slice %arg6[%add3A_104] : memref<100352xf32, #tpu.memory_space<vmem_shared>> -> memref<1568xf32, #tpu.memory_space<vmem_shared>>
    tpu.wait_dma2 semaphore(%arg20 : memref<!tpu.dma_semaphore, #tpu.memory_space<semaphore_mem>>) src(%arg7 : memref<1568xf32, #tpu.memory_space<vmem>>) dst(%dma_wait3A_229 : memref<1568xf32, #tpu.memory_space<vmem_shared>>)
    %dma_wait3A_230 = tpu.memref_slice %arg6[%add3A_110] : memref<100352xf32, #tpu.memory_space<vmem_shared>> -> memref<1568xf32, #tpu.memory_space<vmem_shared>>
    %dma_wait3A_231 = tpu.memref_slice %arg6[%add3A_110] : memref<100352xf32, #tpu.memory_space<vmem_shared>> -> memref<1568xf32, #tpu.memory_space<vmem_shared>>
    tpu.wait_dma2 semaphore(%arg20 : memref<!tpu.dma_semaphore, #tpu.memory_space<semaphore_mem>>) src(%arg7 : memref<1568xf32, #tpu.memory_space<vmem>>) dst(%dma_wait3A_231 : memref<1568xf32, #tpu.memory_space<vmem_shared>>)
    %dma_wait3A_232 = tpu.memref_slice %arg6[%add3A_116] : memref<100352xf32, #tpu.memory_space<vmem_shared>> -> memref<1568xf32, #tpu.memory_space<vmem_shared>>
    %dma_wait3A_233 = tpu.memref_slice %arg6[%add3A_116] : memref<100352xf32, #tpu.memory_space<vmem_shared>> -> memref<1568xf32, #tpu.memory_space<vmem_shared>>
    tpu.wait_dma2 semaphore(%arg20 : memref<!tpu.dma_semaphore, #tpu.memory_space<semaphore_mem>>) src(%arg7 : memref<1568xf32, #tpu.memory_space<vmem>>) dst(%dma_wait3A_233 : memref<1568xf32, #tpu.memory_space<vmem_shared>>)
    %dma_wait3A_234 = tpu.memref_slice %arg6[%add3A_122] : memref<100352xf32, #tpu.memory_space<vmem_shared>> -> memref<1568xf32, #tpu.memory_space<vmem_shared>>
    %dma_wait3A_235 = tpu.memref_slice %arg6[%add3A_122] : memref<100352xf32, #tpu.memory_space<vmem_shared>> -> memref<1568xf32, #tpu.memory_space<vmem_shared>>
    tpu.wait_dma2 semaphore(%arg20 : memref<!tpu.dma_semaphore, #tpu.memory_space<semaphore_mem>>) src(%arg7 : memref<1568xf32, #tpu.memory_space<vmem>>) dst(%dma_wait3A_235 : memref<1568xf32, #tpu.memory_space<vmem_shared>>)
    %dma_wait3A_236 = arith.constant 0 : i32
    %dma_wait3A_237 = arith.constant 0 : i32
    %dma_wait3A_238 = tpu.memref_slice %arg9[%dma_wait3A_236, %dma_wait3A_237] : memref<8x128xi32, #tpu.memory_space<vmem>> -> memref<1x128xi32, #tpu.memory_space<vmem>>
    %dma_wait3A_239 = tpu.memref_squeeze %dma_wait3A_238 : memref<1x128xi32, #tpu.memory_space<vmem>> -> memref<128xi32, #tpu.memory_space<vmem>>
    %dma_wait3A_240 = tpu.memref_slice %arg2[%add3A_128] : memref<16384xi32, #tpu.memory_space<hbm>> -> memref<128xi32, #tpu.memory_space<hbm>>
    %dma_wait3A_241 = arith.constant 0 : i32
    %dma_wait3A_242 = tpu.memref_slice %arg9[%dma_wait3A_236, %dma_wait3A_241] : memref<8x128xi32, #tpu.memory_space<vmem>> -> memref<1x128xi32, #tpu.memory_space<vmem>>
    %dma_wait3A_243 = tpu.memref_squeeze %dma_wait3A_242 : memref<1x128xi32, #tpu.memory_space<vmem>> -> memref<128xi32, #tpu.memory_space<vmem>>
    %dma_wait3A_244 = tpu.memref_slice %arg2[%add3A_128] : memref<16384xi32, #tpu.memory_space<hbm>> -> memref<128xi32, #tpu.memory_space<hbm>>
    tpu.wait_dma2 semaphore(%arg18 : memref<!tpu.dma_semaphore, #tpu.memory_space<semaphore_mem>>) src(%dma_wait3A_244 : memref<128xi32, #tpu.memory_space<hbm>>) dst(%dma_wait3A_243 : memref<128xi32, #tpu.memory_space<vmem>>)
    %dma_wait3A_245 = arith.constant 1 : i32
    %dma_wait3A_246 = arith.constant 0 : i32
    %dma_wait3A_247 = tpu.memref_slice %arg9[%dma_wait3A_245, %dma_wait3A_246] : memref<8x128xi32, #tpu.memory_space<vmem>> -> memref<1x128xi32, #tpu.memory_space<vmem>>
    %dma_wait3A_248 = tpu.memref_squeeze %dma_wait3A_247 : memref<1x128xi32, #tpu.memory_space<vmem>> -> memref<128xi32, #tpu.memory_space<vmem>>
    %dma_wait3A_249 = tpu.memref_slice %arg2[%add3A_141] : memref<16384xi32, #tpu.memory_space<hbm>> -> memref<128xi32, #tpu.memory_space<hbm>>
    %dma_wait3A_250 = arith.constant 0 : i32
    %dma_wait3A_251 = tpu.memref_slice %arg9[%dma_wait3A_245, %dma_wait3A_250] : memref<8x128xi32, #tpu.memory_space<vmem>> -> memref<1x128xi32, #tpu.memory_space<vmem>>
    %dma_wait3A_252 = tpu.memref_squeeze %dma_wait3A_251 : memref<1x128xi32, #tpu.memory_space<vmem>> -> memref<128xi32, #tpu.memory_space<vmem>>
    %dma_wait3A_253 = tpu.memref_slice %arg2[%add3A_141] : memref<16384xi32, #tpu.memory_space<hbm>> -> memref<128xi32, #tpu.memory_space<hbm>>
    tpu.wait_dma2 semaphore(%arg18 : memref<!tpu.dma_semaphore, #tpu.memory_space<semaphore_mem>>) src(%dma_wait3A_253 : memref<128xi32, #tpu.memory_space<hbm>>) dst(%dma_wait3A_252 : memref<128xi32, #tpu.memory_space<vmem>>)
    %dma_wait3A_254 = arith.constant 2 : i32
    %dma_wait3A_255 = arith.constant 0 : i32
    %dma_wait3A_256 = tpu.memref_slice %arg9[%dma_wait3A_254, %dma_wait3A_255] : memref<8x128xi32, #tpu.memory_space<vmem>> -> memref<1x128xi32, #tpu.memory_space<vmem>>
    %dma_wait3A_257 = tpu.memref_squeeze %dma_wait3A_256 : memref<1x128xi32, #tpu.memory_space<vmem>> -> memref<128xi32, #tpu.memory_space<vmem>>
    %dma_wait3A_258 = tpu.memref_slice %arg2[%add3A_154] : memref<16384xi32, #tpu.memory_space<hbm>> -> memref<128xi32, #tpu.memory_space<hbm>>
    %dma_wait3A_259 = arith.constant 0 : i32
    %dma_wait3A_260 = tpu.memref_slice %arg9[%dma_wait3A_254, %dma_wait3A_259] : memref<8x128xi32, #tpu.memory_space<vmem>> -> memref<1x128xi32, #tpu.memory_space<vmem>>
    %dma_wait3A_261 = tpu.memref_squeeze %dma_wait3A_260 : memref<1x128xi32, #tpu.memory_space<vmem>> -> memref<128xi32, #tpu.memory_space<vmem>>
    %dma_wait3A_262 = tpu.memref_slice %arg2[%add3A_154] : memref<16384xi32, #tpu.memory_space<hbm>> -> memref<128xi32, #tpu.memory_space<hbm>>
    tpu.wait_dma2 semaphore(%arg18 : memref<!tpu.dma_semaphore, #tpu.memory_space<semaphore_mem>>) src(%dma_wait3A_262 : memref<128xi32, #tpu.memory_space<hbm>>) dst(%dma_wait3A_261 : memref<128xi32, #tpu.memory_space<vmem>>)
    %dma_wait3A_263 = arith.constant 3 : i32
    %dma_wait3A_264 = arith.constant 0 : i32
    %dma_wait3A_265 = tpu.memref_slice %arg9[%dma_wait3A_263, %dma_wait3A_264] : memref<8x128xi32, #tpu.memory_space<vmem>> -> memref<1x128xi32, #tpu.memory_space<vmem>>
    %dma_wait3A_266 = tpu.memref_squeeze %dma_wait3A_265 : memref<1x128xi32, #tpu.memory_space<vmem>> -> memref<128xi32, #tpu.memory_space<vmem>>
    %dma_wait3A_267 = tpu.memref_slice %arg2[%add3A_167] : memref<16384xi32, #tpu.memory_space<hbm>> -> memref<128xi32, #tpu.memory_space<hbm>>
    %dma_wait3A_268 = arith.constant 0 : i32
    %dma_wait3A_269 = tpu.memref_slice %arg9[%dma_wait3A_263, %dma_wait3A_268] : memref<8x128xi32, #tpu.memory_space<vmem>> -> memref<1x128xi32, #tpu.memory_space<vmem>>
    %dma_wait3A_270 = tpu.memref_squeeze %dma_wait3A_269 : memref<1x128xi32, #tpu.memory_space<vmem>> -> memref<128xi32, #tpu.memory_space<vmem>>
    %dma_wait3A_271 = tpu.memref_slice %arg2[%add3A_167] : memref<16384xi32, #tpu.memory_space<hbm>> -> memref<128xi32, #tpu.memory_space<hbm>>
    tpu.wait_dma2 semaphore(%arg18 : memref<!tpu.dma_semaphore, #tpu.memory_space<semaphore_mem>>) src(%dma_wait3A_271 : memref<128xi32, #tpu.memory_space<hbm>>) dst(%dma_wait3A_270 : memref<128xi32, #tpu.memory_space<vmem>>)
    %dma_wait3A_272 = arith.constant 4 : i32
    %dma_wait3A_273 = arith.constant 0 : i32
    %dma_wait3A_274 = tpu.memref_slice %arg9[%dma_wait3A_272, %dma_wait3A_273] : memref<8x128xi32, #tpu.memory_space<vmem>> -> memref<1x128xi32, #tpu.memory_space<vmem>>
    %dma_wait3A_275 = tpu.memref_squeeze %dma_wait3A_274 : memref<1x128xi32, #tpu.memory_space<vmem>> -> memref<128xi32, #tpu.memory_space<vmem>>
    %dma_wait3A_276 = tpu.memref_slice %arg2[%add3A_180] : memref<16384xi32, #tpu.memory_space<hbm>> -> memref<128xi32, #tpu.memory_space<hbm>>
    %dma_wait3A_277 = arith.constant 0 : i32
    %dma_wait3A_278 = tpu.memref_slice %arg9[%dma_wait3A_272, %dma_wait3A_277] : memref<8x128xi32, #tpu.memory_space<vmem>> -> memref<1x128xi32, #tpu.memory_space<vmem>>
    %dma_wait3A_279 = tpu.memref_squeeze %dma_wait3A_278 : memref<1x128xi32, #tpu.memory_space<vmem>> -> memref<128xi32, #tpu.memory_space<vmem>>
    %dma_wait3A_280 = tpu.memref_slice %arg2[%add3A_180] : memref<16384xi32, #tpu.memory_space<hbm>> -> memref<128xi32, #tpu.memory_space<hbm>>
    tpu.wait_dma2 semaphore(%arg18 : memref<!tpu.dma_semaphore, #tpu.memory_space<semaphore_mem>>) src(%dma_wait3A_280 : memref<128xi32, #tpu.memory_space<hbm>>) dst(%dma_wait3A_279 : memref<128xi32, #tpu.memory_space<vmem>>)
    %dma_wait3A_281 = arith.constant 5 : i32
    %dma_wait3A_282 = arith.constant 0 : i32
    %dma_wait3A_283 = tpu.memref_slice %arg9[%dma_wait3A_281, %dma_wait3A_282] : memref<8x128xi32, #tpu.memory_space<vmem>> -> memref<1x128xi32, #tpu.memory_space<vmem>>
    %dma_wait3A_284 = tpu.memref_squeeze %dma_wait3A_283 : memref<1x128xi32, #tpu.memory_space<vmem>> -> memref<128xi32, #tpu.memory_space<vmem>>
    %dma_wait3A_285 = tpu.memref_slice %arg2[%add3A_193] : memref<16384xi32, #tpu.memory_space<hbm>> -> memref<128xi32, #tpu.memory_space<hbm>>
    %dma_wait3A_286 = arith.constant 0 : i32
    %dma_wait3A_287 = tpu.memref_slice %arg9[%dma_wait3A_281, %dma_wait3A_286] : memref<8x128xi32, #tpu.memory_space<vmem>> -> memref<1x128xi32, #tpu.memory_space<vmem>>
    %dma_wait3A_288 = tpu.memref_squeeze %dma_wait3A_287 : memref<1x128xi32, #tpu.memory_space<vmem>> -> memref<128xi32, #tpu.memory_space<vmem>>
    %dma_wait3A_289 = tpu.memref_slice %arg2[%add3A_193] : memref<16384xi32, #tpu.memory_space<hbm>> -> memref<128xi32, #tpu.memory_space<hbm>>
    tpu.wait_dma2 semaphore(%arg18 : memref<!tpu.dma_semaphore, #tpu.memory_space<semaphore_mem>>) src(%dma_wait3A_289 : memref<128xi32, #tpu.memory_space<hbm>>) dst(%dma_wait3A_288 : memref<128xi32, #tpu.memory_space<vmem>>)
    %dma_wait3A_290 = arith.constant 6 : i32
    %dma_wait3A_291 = arith.constant 0 : i32
    %dma_wait3A_292 = tpu.memref_slice %arg9[%dma_wait3A_290, %dma_wait3A_291] : memref<8x128xi32, #tpu.memory_space<vmem>> -> memref<1x128xi32, #tpu.memory_space<vmem>>
    %dma_wait3A_293 = tpu.memref_squeeze %dma_wait3A_292 : memref<1x128xi32, #tpu.memory_space<vmem>> -> memref<128xi32, #tpu.memory_space<vmem>>
    %dma_wait3A_294 = tpu.memref_slice %arg2[%add3A_206] : memref<16384xi32, #tpu.memory_space<hbm>> -> memref<128xi32, #tpu.memory_space<hbm>>
    %dma_wait3A_295 = arith.constant 0 : i32
    %dma_wait3A_296 = tpu.memref_slice %arg9[%dma_wait3A_290, %dma_wait3A_295] : memref<8x128xi32, #tpu.memory_space<vmem>> -> memref<1x128xi32, #tpu.memory_space<vmem>>
    %dma_wait3A_297 = tpu.memref_squeeze %dma_wait3A_296 : memref<1x128xi32, #tpu.memory_space<vmem>> -> memref<128xi32, #tpu.memory_space<vmem>>
    %dma_wait3A_298 = tpu.memref_slice %arg2[%add3A_206] : memref<16384xi32, #tpu.memory_space<hbm>> -> memref<128xi32, #tpu.memory_space<hbm>>
    tpu.wait_dma2 semaphore(%arg18 : memref<!tpu.dma_semaphore, #tpu.memory_space<semaphore_mem>>) src(%dma_wait3A_298 : memref<128xi32, #tpu.memory_space<hbm>>) dst(%dma_wait3A_297 : memref<128xi32, #tpu.memory_space<vmem>>)
    %dma_wait3A_299 = arith.constant 7 : i32
    %dma_wait3A_300 = arith.constant 0 : i32
    %dma_wait3A_301 = tpu.memref_slice %arg9[%dma_wait3A_299, %dma_wait3A_300] : memref<8x128xi32, #tpu.memory_space<vmem>> -> memref<1x128xi32, #tpu.memory_space<vmem>>
    %dma_wait3A_302 = tpu.memref_squeeze %dma_wait3A_301 : memref<1x128xi32, #tpu.memory_space<vmem>> -> memref<128xi32, #tpu.memory_space<vmem>>
    %dma_wait3A_303 = tpu.memref_slice %arg2[%add3A_219] : memref<16384xi32, #tpu.memory_space<hbm>> -> memref<128xi32, #tpu.memory_space<hbm>>
    %dma_wait3A_304 = arith.constant 0 : i32
    %dma_wait3A_305 = tpu.memref_slice %arg9[%dma_wait3A_299, %dma_wait3A_304] : memref<8x128xi32, #tpu.memory_space<vmem>> -> memref<1x128xi32, #tpu.memory_space<vmem>>
    %dma_wait3A_306 = tpu.memref_squeeze %dma_wait3A_305 : memref<1x128xi32, #tpu.memory_space<vmem>> -> memref<128xi32, #tpu.memory_space<vmem>>
    %dma_wait3A_307 = tpu.memref_slice %arg2[%add3A_219] : memref<16384xi32, #tpu.memory_space<hbm>> -> memref<128xi32, #tpu.memory_space<hbm>>
    tpu.wait_dma2 semaphore(%arg18 : memref<!tpu.dma_semaphore, #tpu.memory_space<semaphore_mem>>) src(%dma_wait3A_307 : memref<128xi32, #tpu.memory_space<hbm>>) dst(%dma_wait3A_306 : memref<128xi32, #tpu.memory_space<vmem>>)
    %barrier3A = arith.constant 0 : index
    tpu.barrier barrier_id(%barrier3A)
    %dma_start3A_308 = arith.constant 0 : i32
    %dma_start3A_309 = arith.constant 0 : i32
    %dma_start3A_310 = tpu.memref_slice %arg9[%dma_start3A_308, %dma_start3A_309] : memref<8x128xi32, #tpu.memory_space<vmem>> -> memref<1x128xi32, #tpu.memory_space<vmem>>
    %dma_start3A_311 = tpu.memref_squeeze %dma_start3A_310 : memref<1x128xi32, #tpu.memory_space<vmem>> -> memref<128xi32, #tpu.memory_space<vmem>>
    %dma_start3A_312 = arith.constant 0 : i32
    %dma_start3A_313 = tpu.memref_slice %arg6[%dma_start3A_312] : memref<100352xf32, #tpu.memory_space<vmem_shared>> -> memref<100352xf32, #tpu.memory_space<vmem_shared>>
    tpu.enqueue_indirect_dma source(%arg8 : memref<128xf32, #tpu.memory_space<vmem>>) target(%dma_start3A_313 : memref<100352xf32, #tpu.memory_space<vmem_shared>>) offsets(%dma_start3A_311 : memref<128xi32, #tpu.memory_space<vmem>>) semaphore(%arg18 : memref<!tpu.dma_semaphore, #tpu.memory_space<semaphore_mem>>) {add = true}
    %dma_start3A_314 = arith.constant 1 : i32
    %dma_start3A_315 = arith.constant 0 : i32
    %dma_start3A_316 = tpu.memref_slice %arg9[%dma_start3A_314, %dma_start3A_315] : memref<8x128xi32, #tpu.memory_space<vmem>> -> memref<1x128xi32, #tpu.memory_space<vmem>>
    %dma_start3A_317 = tpu.memref_squeeze %dma_start3A_316 : memref<1x128xi32, #tpu.memory_space<vmem>> -> memref<128xi32, #tpu.memory_space<vmem>>
    %dma_start3A_318 = arith.constant 0 : i32
    %dma_start3A_319 = tpu.memref_slice %arg6[%dma_start3A_318] : memref<100352xf32, #tpu.memory_space<vmem_shared>> -> memref<100352xf32, #tpu.memory_space<vmem_shared>>
    tpu.enqueue_indirect_dma source(%arg8 : memref<128xf32, #tpu.memory_space<vmem>>) target(%dma_start3A_319 : memref<100352xf32, #tpu.memory_space<vmem_shared>>) offsets(%dma_start3A_317 : memref<128xi32, #tpu.memory_space<vmem>>) semaphore(%arg18 : memref<!tpu.dma_semaphore, #tpu.memory_space<semaphore_mem>>) {add = true}
    %dma_start3A_320 = arith.constant 2 : i32
    %dma_start3A_321 = arith.constant 0 : i32
    %dma_start3A_322 = tpu.memref_slice %arg9[%dma_start3A_320, %dma_start3A_321] : memref<8x128xi32, #tpu.memory_space<vmem>> -> memref<1x128xi32, #tpu.memory_space<vmem>>
    %dma_start3A_323 = tpu.memref_squeeze %dma_start3A_322 : memref<1x128xi32, #tpu.memory_space<vmem>> -> memref<128xi32, #tpu.memory_space<vmem>>
    %dma_start3A_324 = arith.constant 0 : i32
    %dma_start3A_325 = tpu.memref_slice %arg6[%dma_start3A_324] : memref<100352xf32, #tpu.memory_space<vmem_shared>> -> memref<100352xf32, #tpu.memory_space<vmem_shared>>
    tpu.enqueue_indirect_dma source(%arg8 : memref<128xf32, #tpu.memory_space<vmem>>) target(%dma_start3A_325 : memref<100352xf32, #tpu.memory_space<vmem_shared>>) offsets(%dma_start3A_323 : memref<128xi32, #tpu.memory_space<vmem>>) semaphore(%arg18 : memref<!tpu.dma_semaphore, #tpu.memory_space<semaphore_mem>>) {add = true}
    %dma_start3A_326 = arith.constant 3 : i32
    %dma_start3A_327 = arith.constant 0 : i32
    %dma_start3A_328 = tpu.memref_slice %arg9[%dma_start3A_326, %dma_start3A_327] : memref<8x128xi32, #tpu.memory_space<vmem>> -> memref<1x128xi32, #tpu.memory_space<vmem>>
    %dma_start3A_329 = tpu.memref_squeeze %dma_start3A_328 : memref<1x128xi32, #tpu.memory_space<vmem>> -> memref<128xi32, #tpu.memory_space<vmem>>
    %dma_start3A_330 = arith.constant 0 : i32
    %dma_start3A_331 = tpu.memref_slice %arg6[%dma_start3A_330] : memref<100352xf32, #tpu.memory_space<vmem_shared>> -> memref<100352xf32, #tpu.memory_space<vmem_shared>>
    tpu.enqueue_indirect_dma source(%arg8 : memref<128xf32, #tpu.memory_space<vmem>>) target(%dma_start3A_331 : memref<100352xf32, #tpu.memory_space<vmem_shared>>) offsets(%dma_start3A_329 : memref<128xi32, #tpu.memory_space<vmem>>) semaphore(%arg18 : memref<!tpu.dma_semaphore, #tpu.memory_space<semaphore_mem>>) {add = true}
    %dma_start3A_332 = arith.constant 4 : i32
    %dma_start3A_333 = arith.constant 0 : i32
    %dma_start3A_334 = tpu.memref_slice %arg9[%dma_start3A_332, %dma_start3A_333] : memref<8x128xi32, #tpu.memory_space<vmem>> -> memref<1x128xi32, #tpu.memory_space<vmem>>
    %dma_start3A_335 = tpu.memref_squeeze %dma_start3A_334 : memref<1x128xi32, #tpu.memory_space<vmem>> -> memref<128xi32, #tpu.memory_space<vmem>>
    %dma_start3A_336 = arith.constant 0 : i32
    %dma_start3A_337 = tpu.memref_slice %arg6[%dma_start3A_336] : memref<100352xf32, #tpu.memory_space<vmem_shared>> -> memref<100352xf32, #tpu.memory_space<vmem_shared>>
    tpu.enqueue_indirect_dma source(%arg8 : memref<128xf32, #tpu.memory_space<vmem>>) target(%dma_start3A_337 : memref<100352xf32, #tpu.memory_space<vmem_shared>>) offsets(%dma_start3A_335 : memref<128xi32, #tpu.memory_space<vmem>>) semaphore(%arg18 : memref<!tpu.dma_semaphore, #tpu.memory_space<semaphore_mem>>) {add = true}
    %dma_start3A_338 = arith.constant 5 : i32
    %dma_start3A_339 = arith.constant 0 : i32
    %dma_start3A_340 = tpu.memref_slice %arg9[%dma_start3A_338, %dma_start3A_339] : memref<8x128xi32, #tpu.memory_space<vmem>> -> memref<1x128xi32, #tpu.memory_space<vmem>>
    %dma_start3A_341 = tpu.memref_squeeze %dma_start3A_340 : memref<1x128xi32, #tpu.memory_space<vmem>> -> memref<128xi32, #tpu.memory_space<vmem>>
    %dma_start3A_342 = arith.constant 0 : i32
    %dma_start3A_343 = tpu.memref_slice %arg6[%dma_start3A_342] : memref<100352xf32, #tpu.memory_space<vmem_shared>> -> memref<100352xf32, #tpu.memory_space<vmem_shared>>
    tpu.enqueue_indirect_dma source(%arg8 : memref<128xf32, #tpu.memory_space<vmem>>) target(%dma_start3A_343 : memref<100352xf32, #tpu.memory_space<vmem_shared>>) offsets(%dma_start3A_341 : memref<128xi32, #tpu.memory_space<vmem>>) semaphore(%arg18 : memref<!tpu.dma_semaphore, #tpu.memory_space<semaphore_mem>>) {add = true}
    %dma_start3A_344 = arith.constant 6 : i32
    %dma_start3A_345 = arith.constant 0 : i32
    %dma_start3A_346 = tpu.memref_slice %arg9[%dma_start3A_344, %dma_start3A_345] : memref<8x128xi32, #tpu.memory_space<vmem>> -> memref<1x128xi32, #tpu.memory_space<vmem>>
    %dma_start3A_347 = tpu.memref_squeeze %dma_start3A_346 : memref<1x128xi32, #tpu.memory_space<vmem>> -> memref<128xi32, #tpu.memory_space<vmem>>
    %dma_start3A_348 = arith.constant 0 : i32
    %dma_start3A_349 = tpu.memref_slice %arg6[%dma_start3A_348] : memref<100352xf32, #tpu.memory_space<vmem_shared>> -> memref<100352xf32, #tpu.memory_space<vmem_shared>>
    tpu.enqueue_indirect_dma source(%arg8 : memref<128xf32, #tpu.memory_space<vmem>>) target(%dma_start3A_349 : memref<100352xf32, #tpu.memory_space<vmem_shared>>) offsets(%dma_start3A_347 : memref<128xi32, #tpu.memory_space<vmem>>) semaphore(%arg18 : memref<!tpu.dma_semaphore, #tpu.memory_space<semaphore_mem>>) {add = true}
    %dma_start3A_350 = arith.constant 7 : i32
    %dma_start3A_351 = arith.constant 0 : i32
    %dma_start3A_352 = tpu.memref_slice %arg9[%dma_start3A_350, %dma_start3A_351] : memref<8x128xi32, #tpu.memory_space<vmem>> -> memref<1x128xi32, #tpu.memory_space<vmem>>
    %dma_start3A_353 = tpu.memref_squeeze %dma_start3A_352 : memref<1x128xi32, #tpu.memory_space<vmem>> -> memref<128xi32, #tpu.memory_space<vmem>>
    %dma_start3A_354 = arith.constant 0 : i32
    %dma_start3A_355 = tpu.memref_slice %arg6[%dma_start3A_354] : memref<100352xf32, #tpu.memory_space<vmem_shared>> -> memref<100352xf32, #tpu.memory_space<vmem_shared>>
    tpu.enqueue_indirect_dma source(%arg8 : memref<128xf32, #tpu.memory_space<vmem>>) target(%dma_start3A_355 : memref<100352xf32, #tpu.memory_space<vmem_shared>>) offsets(%dma_start3A_353 : memref<128xi32, #tpu.memory_space<vmem>>) semaphore(%arg18 : memref<!tpu.dma_semaphore, #tpu.memory_space<semaphore_mem>>) {add = true}
    %dma_wait3A_356 = arith.constant 0 : i32
    %dma_wait3A_357 = arith.constant 0 : i32
    %dma_wait3A_358 = tpu.memref_slice %arg9[%dma_wait3A_356, %dma_wait3A_357] : memref<8x128xi32, #tpu.memory_space<vmem>> -> memref<1x128xi32, #tpu.memory_space<vmem>>
    %dma_wait3A_359 = tpu.memref_squeeze %dma_wait3A_358 : memref<1x128xi32, #tpu.memory_space<vmem>> -> memref<128xi32, #tpu.memory_space<vmem>>
    %dma_wait3A_360 = arith.constant 0 : i32
    %dma_wait3A_361 = tpu.memref_slice %arg6[%dma_wait3A_360] : memref<100352xf32, #tpu.memory_space<vmem_shared>> -> memref<100352xf32, #tpu.memory_space<vmem_shared>>
    tpu.wait_indirect_dma semaphore(%arg18 : memref<!tpu.dma_semaphore, #tpu.memory_space<semaphore_mem>>) src(%arg8 : memref<128xf32, #tpu.memory_space<vmem>>) dst(%dma_wait3A_361 : memref<100352xf32, #tpu.memory_space<vmem_shared>>)
    %dma_wait3A_362 = arith.constant 1 : i32
    %dma_wait3A_363 = arith.constant 0 : i32
    %dma_wait3A_364 = tpu.memref_slice %arg9[%dma_wait3A_362, %dma_wait3A_363] : memref<8x128xi32, #tpu.memory_space<vmem>> -> memref<1x128xi32, #tpu.memory_space<vmem>>
    %dma_wait3A_365 = tpu.memref_squeeze %dma_wait3A_364 : memref<1x128xi32, #tpu.memory_space<vmem>> -> memref<128xi32, #tpu.memory_space<vmem>>
    %dma_wait3A_366 = arith.constant 0 : i32
    %dma_wait3A_367 = tpu.memref_slice %arg6[%dma_wait3A_366] : memref<100352xf32, #tpu.memory_space<vmem_shared>> -> memref<100352xf32, #tpu.memory_space<vmem_shared>>
    tpu.wait_indirect_dma semaphore(%arg18 : memref<!tpu.dma_semaphore, #tpu.memory_space<semaphore_mem>>) src(%arg8 : memref<128xf32, #tpu.memory_space<vmem>>) dst(%dma_wait3A_367 : memref<100352xf32, #tpu.memory_space<vmem_shared>>)
    %dma_wait3A_368 = arith.constant 2 : i32
    %dma_wait3A_369 = arith.constant 0 : i32
    %dma_wait3A_370 = tpu.memref_slice %arg9[%dma_wait3A_368, %dma_wait3A_369] : memref<8x128xi32, #tpu.memory_space<vmem>> -> memref<1x128xi32, #tpu.memory_space<vmem>>
    %dma_wait3A_371 = tpu.memref_squeeze %dma_wait3A_370 : memref<1x128xi32, #tpu.memory_space<vmem>> -> memref<128xi32, #tpu.memory_space<vmem>>
    %dma_wait3A_372 = arith.constant 0 : i32
    %dma_wait3A_373 = tpu.memref_slice %arg6[%dma_wait3A_372] : memref<100352xf32, #tpu.memory_space<vmem_shared>> -> memref<100352xf32, #tpu.memory_space<vmem_shared>>
    tpu.wait_indirect_dma semaphore(%arg18 : memref<!tpu.dma_semaphore, #tpu.memory_space<semaphore_mem>>) src(%arg8 : memref<128xf32, #tpu.memory_space<vmem>>) dst(%dma_wait3A_373 : memref<100352xf32, #tpu.memory_space<vmem_shared>>)
    %dma_wait3A_374 = arith.constant 3 : i32
    %dma_wait3A_375 = arith.constant 0 : i32
    %dma_wait3A_376 = tpu.memref_slice %arg9[%dma_wait3A_374, %dma_wait3A_375] : memref<8x128xi32, #tpu.memory_space<vmem>> -> memref<1x128xi32, #tpu.memory_space<vmem>>
    %dma_wait3A_377 = tpu.memref_squeeze %dma_wait3A_376 : memref<1x128xi32, #tpu.memory_space<vmem>> -> memref<128xi32, #tpu.memory_space<vmem>>
    %dma_wait3A_378 = arith.constant 0 : i32
    %dma_wait3A_379 = tpu.memref_slice %arg6[%dma_wait3A_378] : memref<100352xf32, #tpu.memory_space<vmem_shared>> -> memref<100352xf32, #tpu.memory_space<vmem_shared>>
    tpu.wait_indirect_dma semaphore(%arg18 : memref<!tpu.dma_semaphore, #tpu.memory_space<semaphore_mem>>) src(%arg8 : memref<128xf32, #tpu.memory_space<vmem>>) dst(%dma_wait3A_379 : memref<100352xf32, #tpu.memory_space<vmem_shared>>)
    %dma_wait3A_380 = arith.constant 4 : i32
    %dma_wait3A_381 = arith.constant 0 : i32
    %dma_wait3A_382 = tpu.memref_slice %arg9[%dma_wait3A_380, %dma_wait3A_381] : memref<8x128xi32, #tpu.memory_space<vmem>> -> memref<1x128xi32, #tpu.memory_space<vmem>>
    %dma_wait3A_383 = tpu.memref_squeeze %dma_wait3A_382 : memref<1x128xi32, #tpu.memory_space<vmem>> -> memref<128xi32, #tpu.memory_space<vmem>>
    %dma_wait3A_384 = arith.constant 0 : i32
    %dma_wait3A_385 = tpu.memref_slice %arg6[%dma_wait3A_384] : memref<100352xf32, #tpu.memory_space<vmem_shared>> -> memref<100352xf32, #tpu.memory_space<vmem_shared>>
    tpu.wait_indirect_dma semaphore(%arg18 : memref<!tpu.dma_semaphore, #tpu.memory_space<semaphore_mem>>) src(%arg8 : memref<128xf32, #tpu.memory_space<vmem>>) dst(%dma_wait3A_385 : memref<100352xf32, #tpu.memory_space<vmem_shared>>)
    %dma_wait3A_386 = arith.constant 5 : i32
    %dma_wait3A_387 = arith.constant 0 : i32
    %dma_wait3A_388 = tpu.memref_slice %arg9[%dma_wait3A_386, %dma_wait3A_387] : memref<8x128xi32, #tpu.memory_space<vmem>> -> memref<1x128xi32, #tpu.memory_space<vmem>>
    %dma_wait3A_389 = tpu.memref_squeeze %dma_wait3A_388 : memref<1x128xi32, #tpu.memory_space<vmem>> -> memref<128xi32, #tpu.memory_space<vmem>>
    %dma_wait3A_390 = arith.constant 0 : i32
    %dma_wait3A_391 = tpu.memref_slice %arg6[%dma_wait3A_390] : memref<100352xf32, #tpu.memory_space<vmem_shared>> -> memref<100352xf32, #tpu.memory_space<vmem_shared>>
    tpu.wait_indirect_dma semaphore(%arg18 : memref<!tpu.dma_semaphore, #tpu.memory_space<semaphore_mem>>) src(%arg8 : memref<128xf32, #tpu.memory_space<vmem>>) dst(%dma_wait3A_391 : memref<100352xf32, #tpu.memory_space<vmem_shared>>)
    %dma_wait3A_392 = arith.constant 6 : i32
    %dma_wait3A_393 = arith.constant 0 : i32
    %dma_wait3A_394 = tpu.memref_slice %arg9[%dma_wait3A_392, %dma_wait3A_393] : memref<8x128xi32, #tpu.memory_space<vmem>> -> memref<1x128xi32, #tpu.memory_space<vmem>>
    %dma_wait3A_395 = tpu.memref_squeeze %dma_wait3A_394 : memref<1x128xi32, #tpu.memory_space<vmem>> -> memref<128xi32, #tpu.memory_space<vmem>>
    %dma_wait3A_396 = arith.constant 0 : i32
    %dma_wait3A_397 = tpu.memref_slice %arg6[%dma_wait3A_396] : memref<100352xf32, #tpu.memory_space<vmem_shared>> -> memref<100352xf32, #tpu.memory_space<vmem_shared>>
    tpu.wait_indirect_dma semaphore(%arg18 : memref<!tpu.dma_semaphore, #tpu.memory_space<semaphore_mem>>) src(%arg8 : memref<128xf32, #tpu.memory_space<vmem>>) dst(%dma_wait3A_397 : memref<100352xf32, #tpu.memory_space<vmem_shared>>)
    %dma_wait3A_398 = arith.constant 7 : i32
    %dma_wait3A_399 = arith.constant 0 : i32
    %dma_wait3A_400 = tpu.memref_slice %arg9[%dma_wait3A_398, %dma_wait3A_399] : memref<8x128xi32, #tpu.memory_space<vmem>> -> memref<1x128xi32, #tpu.memory_space<vmem>>
    %dma_wait3A_401 = tpu.memref_squeeze %dma_wait3A_400 : memref<1x128xi32, #tpu.memory_space<vmem>> -> memref<128xi32, #tpu.memory_space<vmem>>
    %dma_wait3A_402 = arith.constant 0 : i32
    %dma_wait3A_403 = tpu.memref_slice %arg6[%dma_wait3A_402] : memref<100352xf32, #tpu.memory_space<vmem_shared>> -> memref<100352xf32, #tpu.memory_space<vmem_shared>>
    tpu.wait_indirect_dma semaphore(%arg18 : memref<!tpu.dma_semaphore, #tpu.memory_space<semaphore_mem>>) src(%arg8 : memref<128xf32, #tpu.memory_space<vmem>>) dst(%dma_wait3A_403 : memref<100352xf32, #tpu.memory_space<vmem_shared>>)
    %barrier3A_404 = arith.constant 0 : index
    tpu.barrier barrier_id(%barrier3A_404)
    %dma_start3A_405 = arith.constant 0 : i32
    %dma_start3A_406 = tpu.memref_slice %arg11[%dma_start3A_405] : memref<512xf32, #tpu.memory_space<vmem>> -> memref<128xf32, #tpu.memory_space<vmem>>
    %dma_start3A_407 = arith.constant 0 : i32
    %dma_start3A_408 = tpu.memref_slice %arg10[%dma_start3A_407] : memref<512xi32, #tpu.memory_space<vmem>> -> memref<128xi32, #tpu.memory_space<vmem>>
    %dma_start3A_409 = arith.constant 0 : i32
    %dma_start3A_410 = tpu.memref_slice %arg6[%dma_start3A_409] : memref<100352xf32, #tpu.memory_space<vmem_shared>> -> memref<100352xf32, #tpu.memory_space<vmem_shared>>
    tpu.enqueue_indirect_dma source(%dma_start3A_410 : memref<100352xf32, #tpu.memory_space<vmem_shared>>) target(%dma_start3A_406 : memref<128xf32, #tpu.memory_space<vmem>>) offsets(%dma_start3A_408 : memref<128xi32, #tpu.memory_space<vmem>>) semaphore(%arg18 : memref<!tpu.dma_semaphore, #tpu.memory_space<semaphore_mem>>)
    %dma_start3A_411 = arith.constant 128 : i32
    %dma_start3A_412 = tpu.memref_slice %arg11[%dma_start3A_411] : memref<512xf32, #tpu.memory_space<vmem>> -> memref<128xf32, #tpu.memory_space<vmem>>
    %dma_start3A_413 = arith.constant 128 : i32
    %dma_start3A_414 = tpu.memref_slice %arg10[%dma_start3A_413] : memref<512xi32, #tpu.memory_space<vmem>> -> memref<128xi32, #tpu.memory_space<vmem>>
    %dma_start3A_415 = arith.constant 0 : i32
    %dma_start3A_416 = tpu.memref_slice %arg6[%dma_start3A_415] : memref<100352xf32, #tpu.memory_space<vmem_shared>> -> memref<100352xf32, #tpu.memory_space<vmem_shared>>
    tpu.enqueue_indirect_dma source(%dma_start3A_416 : memref<100352xf32, #tpu.memory_space<vmem_shared>>) target(%dma_start3A_412 : memref<128xf32, #tpu.memory_space<vmem>>) offsets(%dma_start3A_414 : memref<128xi32, #tpu.memory_space<vmem>>) semaphore(%arg18 : memref<!tpu.dma_semaphore, #tpu.memory_space<semaphore_mem>>)
    %dma_start3A_417 = arith.constant 256 : i32
    %dma_start3A_418 = tpu.memref_slice %arg11[%dma_start3A_417] : memref<512xf32, #tpu.memory_space<vmem>> -> memref<128xf32, #tpu.memory_space<vmem>>
    %dma_start3A_419 = arith.constant 256 : i32
    %dma_start3A_420 = tpu.memref_slice %arg10[%dma_start3A_419] : memref<512xi32, #tpu.memory_space<vmem>> -> memref<128xi32, #tpu.memory_space<vmem>>
    %dma_start3A_421 = arith.constant 0 : i32
    %dma_start3A_422 = tpu.memref_slice %arg6[%dma_start3A_421] : memref<100352xf32, #tpu.memory_space<vmem_shared>> -> memref<100352xf32, #tpu.memory_space<vmem_shared>>
    tpu.enqueue_indirect_dma source(%dma_start3A_422 : memref<100352xf32, #tpu.memory_space<vmem_shared>>) target(%dma_start3A_418 : memref<128xf32, #tpu.memory_space<vmem>>) offsets(%dma_start3A_420 : memref<128xi32, #tpu.memory_space<vmem>>) semaphore(%arg18 : memref<!tpu.dma_semaphore, #tpu.memory_space<semaphore_mem>>)
    %dma_start3A_423 = arith.constant 384 : i32
    %dma_start3A_424 = tpu.memref_slice %arg11[%dma_start3A_423] : memref<512xf32, #tpu.memory_space<vmem>> -> memref<128xf32, #tpu.memory_space<vmem>>
    %dma_start3A_425 = arith.constant 384 : i32
    %dma_start3A_426 = tpu.memref_slice %arg10[%dma_start3A_425] : memref<512xi32, #tpu.memory_space<vmem>> -> memref<128xi32, #tpu.memory_space<vmem>>
    %dma_start3A_427 = arith.constant 0 : i32
    %dma_start3A_428 = tpu.memref_slice %arg6[%dma_start3A_427] : memref<100352xf32, #tpu.memory_space<vmem_shared>> -> memref<100352xf32, #tpu.memory_space<vmem_shared>>
    tpu.enqueue_indirect_dma source(%dma_start3A_428 : memref<100352xf32, #tpu.memory_space<vmem_shared>>) target(%dma_start3A_424 : memref<128xf32, #tpu.memory_space<vmem>>) offsets(%dma_start3A_426 : memref<128xi32, #tpu.memory_space<vmem>>) semaphore(%arg18 : memref<!tpu.dma_semaphore, #tpu.memory_space<semaphore_mem>>)
    %dma_wait3A_429 = arith.constant 0 : i32
    %dma_wait3A_430 = tpu.memref_slice %arg11[%dma_wait3A_429] : memref<512xf32, #tpu.memory_space<vmem>> -> memref<128xf32, #tpu.memory_space<vmem>>
    %dma_wait3A_431 = arith.constant 0 : i32
    %dma_wait3A_432 = tpu.memref_slice %arg10[%dma_wait3A_431] : memref<512xi32, #tpu.memory_space<vmem>> -> memref<128xi32, #tpu.memory_space<vmem>>
    %dma_wait3A_433 = arith.constant 0 : i32
    %dma_wait3A_434 = tpu.memref_slice %arg6[%dma_wait3A_433] : memref<100352xf32, #tpu.memory_space<vmem_shared>> -> memref<100352xf32, #tpu.memory_space<vmem_shared>>
    tpu.wait_indirect_dma semaphore(%arg18 : memref<!tpu.dma_semaphore, #tpu.memory_space<semaphore_mem>>) src(%dma_wait3A_434 : memref<100352xf32, #tpu.memory_space<vmem_shared>>) dst(%dma_wait3A_430 : memref<128xf32, #tpu.memory_space<vmem>>)
    %dma_wait3A_435 = arith.constant 128 : i32
    %dma_wait3A_436 = tpu.memref_slice %arg11[%dma_wait3A_435] : memref<512xf32, #tpu.memory_space<vmem>> -> memref<128xf32, #tpu.memory_space<vmem>>
    %dma_wait3A_437 = arith.constant 128 : i32
    %dma_wait3A_438 = tpu.memref_slice %arg10[%dma_wait3A_437] : memref<512xi32, #tpu.memory_space<vmem>> -> memref<128xi32, #tpu.memory_space<vmem>>
    %dma_wait3A_439 = arith.constant 0 : i32
    %dma_wait3A_440 = tpu.memref_slice %arg6[%dma_wait3A_439] : memref<100352xf32, #tpu.memory_space<vmem_shared>> -> memref<100352xf32, #tpu.memory_space<vmem_shared>>
    tpu.wait_indirect_dma semaphore(%arg18 : memref<!tpu.dma_semaphore, #tpu.memory_space<semaphore_mem>>) src(%dma_wait3A_440 : memref<100352xf32, #tpu.memory_space<vmem_shared>>) dst(%dma_wait3A_436 : memref<128xf32, #tpu.memory_space<vmem>>)
    %dma_wait3A_441 = arith.constant 256 : i32
    %dma_wait3A_442 = tpu.memref_slice %arg11[%dma_wait3A_441] : memref<512xf32, #tpu.memory_space<vmem>> -> memref<128xf32, #tpu.memory_space<vmem>>
    %dma_wait3A_443 = arith.constant 256 : i32
    %dma_wait3A_444 = tpu.memref_slice %arg10[%dma_wait3A_443] : memref<512xi32, #tpu.memory_space<vmem>> -> memref<128xi32, #tpu.memory_space<vmem>>
    %dma_wait3A_445 = arith.constant 0 : i32
    %dma_wait3A_446 = tpu.memref_slice %arg6[%dma_wait3A_445] : memref<100352xf32, #tpu.memory_space<vmem_shared>> -> memref<100352xf32, #tpu.memory_space<vmem_shared>>
    tpu.wait_indirect_dma semaphore(%arg18 : memref<!tpu.dma_semaphore, #tpu.memory_space<semaphore_mem>>) src(%dma_wait3A_446 : memref<100352xf32, #tpu.memory_space<vmem_shared>>) dst(%dma_wait3A_442 : memref<128xf32, #tpu.memory_space<vmem>>)
    %dma_wait3A_447 = arith.constant 384 : i32
    %dma_wait3A_448 = tpu.memref_slice %arg11[%dma_wait3A_447] : memref<512xf32, #tpu.memory_space<vmem>> -> memref<128xf32, #tpu.memory_space<vmem>>
    %dma_wait3A_449 = arith.constant 384 : i32
    %dma_wait3A_450 = tpu.memref_slice %arg10[%dma_wait3A_449] : memref<512xi32, #tpu.memory_space<vmem>> -> memref<128xi32, #tpu.memory_space<vmem>>
    %dma_wait3A_451 = arith.constant 0 : i32
    %dma_wait3A_452 = tpu.memref_slice %arg6[%dma_wait3A_451] : memref<100352xf32, #tpu.memory_space<vmem_shared>> -> memref<100352xf32, #tpu.memory_space<vmem_shared>>
    tpu.wait_indirect_dma semaphore(%arg18 : memref<!tpu.dma_semaphore, #tpu.memory_space<semaphore_mem>>) src(%dma_wait3A_452 : memref<100352xf32, #tpu.memory_space<vmem_shared>>) dst(%dma_wait3A_448 : memref<128xf32, #tpu.memory_space<vmem>>)
    %get3A = arith.constant 0 : index
    %get3A_453 = tpu.vector_load %arg11[%get3A] {strides = array<i32>} : memref<512xf32, #tpu.memory_space<vmem>>, vector<16xf32>,
    %get3A_454 = vector.shape_cast %get3A_453 : vector<16xf32> to vector<16xf32>
    %add3A_455 = arith.constant 1.000000e+00 : f32
    %add3A_456 = vector.broadcast %add3A_455 : f32 to vector<16xf32>
    %add3A_457 = arith.addf %get3A_454, %add3A_456 : vector<16xf32>
    %div3A = arith.constant 1.000000e+00 : f32
    %div3A_458 = vector.broadcast %div3A : f32 to vector<16xf32>
    %div3A_459 = arith.divf %div3A_458, %add3A_457 : vector<16xf32>
    %swap3A_460 = arith.constant 0 : index
    %swap3A_461 = tpu.vector_load %arg12[%swap3A_460] {strides = array<i32>} : memref<512xf32, #tpu.memory_space<vmem>>, vector<16xf32>,
    %swap3A_462 = vector.shape_cast %swap3A_461 : vector<16xf32> to vector<16xf32>
    %swap3A_463 = vector.shape_cast %div3A_459 : vector<16xf32> to vector<16xf32>
    tpu.vector_store %arg12[%swap3A_460], %swap3A_463 {strides = array<i32>} : memref<512xf32, #tpu.memory_space<vmem>>, vector<16xf32>,
    %get3A_464 = arith.constant 16 : index
    %get3A_465 = tpu.vector_load %arg11[%get3A_464] {strides = array<i32>} : memref<512xf32, #tpu.memory_space<vmem>>, vector<16xf32>,
    %get3A_466 = vector.shape_cast %get3A_465 : vector<16xf32> to vector<16xf32>
    %add3A_467 = arith.constant 1.000000e+00 : f32
    %add3A_468 = vector.broadcast %add3A_467 : f32 to vector<16xf32>
    %add3A_469 = arith.addf %get3A_466, %add3A_468 : vector<16xf32>
    %div3A_470 = arith.constant 1.000000e+00 : f32
    %div3A_471 = vector.broadcast %div3A_470 : f32 to vector<16xf32>
    %div3A_472 = arith.divf %div3A_471, %add3A_469 : vector<16xf32>
    %swap3A_473 = arith.constant 16 : index
    %swap3A_474 = tpu.vector_load %arg12[%swap3A_473] {strides = array<i32>} : memref<512xf32, #tpu.memory_space<vmem>>, vector<16xf32>,
    %swap3A_475 = vector.shape_cast %swap3A_474 : vector<16xf32> to vector<16xf32>
    %swap3A_476 = vector.shape_cast %div3A_472 : vector<16xf32> to vector<16xf32>
    tpu.vector_store %arg12[%swap3A_473], %swap3A_476 {strides = array<i32>} : memref<512xf32, #tpu.memory_space<vmem>>, vector<16xf32>,
    %get3A_477 = arith.constant 32 : index
    %get3A_478 = tpu.vector_load %arg11[%get3A_477] {strides = array<i32>} : memref<512xf32, #tpu.memory_space<vmem>>, vector<16xf32>,
    %get3A_479 = vector.shape_cast %get3A_478 : vector<16xf32> to vector<16xf32>
    %add3A_480 = arith.constant 1.000000e+00 : f32
    %add3A_481 = vector.broadcast %add3A_480 : f32 to vector<16xf32>
    %add3A_482 = arith.addf %get3A_479, %add3A_481 : vector<16xf32>
    %div3A_483 = arith.constant 1.000000e+00 : f32
    %div3A_484 = vector.broadcast %div3A_483 : f32 to vector<16xf32>
    %div3A_485 = arith.divf %div3A_484, %add3A_482 : vector<16xf32>
    %swap3A_486 = arith.constant 32 : index
    %swap3A_487 = tpu.vector_load %arg12[%swap3A_486] {strides = array<i32>} : memref<512xf32, #tpu.memory_space<vmem>>, vector<16xf32>,
    %swap3A_488 = vector.shape_cast %swap3A_487 : vector<16xf32> to vector<16xf32>
    %swap3A_489 = vector.shape_cast %div3A_485 : vector<16xf32> to vector<16xf32>
    tpu.vector_store %arg12[%swap3A_486], %swap3A_489 {strides = array<i32>} : memref<512xf32, #tpu.memory_space<vmem>>, vector<16xf32>,
    %get3A_490 = arith.constant 48 : index
    %get3A_491 = tpu.vector_load %arg11[%get3A_490] {strides = array<i32>} : memref<512xf32, #tpu.memory_space<vmem>>, vector<16xf32>,
    %get3A_492 = vector.shape_cast %get3A_491 : vector<16xf32> to vector<16xf32>
    %add3A_493 = arith.constant 1.000000e+00 : f32
    %add3A_494 = vector.broadcast %add3A_493 : f32 to vector<16xf32>
    %add3A_495 = arith.addf %get3A_492, %add3A_494 : vector<16xf32>
    %div3A_496 = arith.constant 1.000000e+00 : f32
    %div3A_497 = vector.broadcast %div3A_496 : f32 to vector<16xf32>
    %div3A_498 = arith.divf %div3A_497, %add3A_495 : vector<16xf32>
    %swap3A_499 = arith.constant 48 : index
    %swap3A_500 = tpu.vector_load %arg12[%swap3A_499] {strides = array<i32>} : memref<512xf32, #tpu.memory_space<vmem>>, vector<16xf32>,
    %swap3A_501 = vector.shape_cast %swap3A_500 : vector<16xf32> to vector<16xf32>
    %swap3A_502 = vector.shape_cast %div3A_498 : vector<16xf32> to vector<16xf32>
    tpu.vector_store %arg12[%swap3A_499], %swap3A_502 {strides = array<i32>} : memref<512xf32, #tpu.memory_space<vmem>>, vector<16xf32>,
    %get3A_503 = arith.constant 64 : index
    %get3A_504 = tpu.vector_load %arg11[%get3A_503] {strides = array<i32>} : memref<512xf32, #tpu.memory_space<vmem>>, vector<16xf32>,
    %get3A_505 = vector.shape_cast %get3A_504 : vector<16xf32> to vector<16xf32>
    %add3A_506 = arith.constant 1.000000e+00 : f32
    %add3A_507 = vector.broadcast %add3A_506 : f32 to vector<16xf32>
    %add3A_508 = arith.addf %get3A_505, %add3A_507 : vector<16xf32>
    %div3A_509 = arith.constant 1.000000e+00 : f32
    %div3A_510 = vector.broadcast %div3A_509 : f32 to vector<16xf32>
    %div3A_511 = arith.divf %div3A_510, %add3A_508 : vector<16xf32>
    %swap3A_512 = arith.constant 64 : index
    %swap3A_513 = tpu.vector_load %arg12[%swap3A_512] {strides = array<i32>} : memref<512xf32, #tpu.memory_space<vmem>>, vector<16xf32>,
    %swap3A_514 = vector.shape_cast %swap3A_513 : vector<16xf32> to vector<16xf32>
    %swap3A_515 = vector.shape_cast %div3A_511 : vector<16xf32> to vector<16xf32>
    tpu.vector_store %arg12[%swap3A_512], %swap3A_515 {strides = array<i32>} : memref<512xf32, #tpu.memory_space<vmem>>, vector<16xf32>,
    %get3A_516 = arith.constant 80 : index
    %get3A_517 = tpu.vector_load %arg11[%get3A_516] {strides = array<i32>} : memref<512xf32, #tpu.memory_space<vmem>>, vector<16xf32>,
    %get3A_518 = vector.shape_cast %get3A_517 : vector<16xf32> to vector<16xf32>
    %add3A_519 = arith.constant 1.000000e+00 : f32
    %add3A_520 = vector.broadcast %add3A_519 : f32 to vector<16xf32>
    %add3A_521 = arith.addf %get3A_518, %add3A_520 : vector<16xf32>
    %div3A_522 = arith.constant 1.000000e+00 : f32
    %div3A_523 = vector.broadcast %div3A_522 : f32 to vector<16xf32>
    %div3A_524 = arith.divf %div3A_523, %add3A_521 : vector<16xf32>
    %swap3A_525 = arith.constant 80 : index
    %swap3A_526 = tpu.vector_load %arg12[%swap3A_525] {strides = array<i32>} : memref<512xf32, #tpu.memory_space<vmem>>, vector<16xf32>,
    %swap3A_527 = vector.shape_cast %swap3A_526 : vector<16xf32> to vector<16xf32>
    %swap3A_528 = vector.shape_cast %div3A_524 : vector<16xf32> to vector<16xf32>
    tpu.vector_store %arg12[%swap3A_525], %swap3A_528 {strides = array<i32>} : memref<512xf32, #tpu.memory_space<vmem>>, vector<16xf32>,
    %get3A_529 = arith.constant 96 : index
    %get3A_530 = tpu.vector_load %arg11[%get3A_529] {strides = array<i32>} : memref<512xf32, #tpu.memory_space<vmem>>, vector<16xf32>,
    %get3A_531 = vector.shape_cast %get3A_530 : vector<16xf32> to vector<16xf32>
    %add3A_532 = arith.constant 1.000000e+00 : f32
    %add3A_533 = vector.broadcast %add3A_532 : f32 to vector<16xf32>
    %add3A_534 = arith.addf %get3A_531, %add3A_533 : vector<16xf32>
    %div3A_535 = arith.constant 1.000000e+00 : f32
    %div3A_536 = vector.broadcast %div3A_535 : f32 to vector<16xf32>
    %div3A_537 = arith.divf %div3A_536, %add3A_534 : vector<16xf32>
    %swap3A_538 = arith.constant 96 : index
    %swap3A_539 = tpu.vector_load %arg12[%swap3A_538] {strides = array<i32>} : memref<512xf32, #tpu.memory_space<vmem>>, vector<16xf32>,
    %swap3A_540 = vector.shape_cast %swap3A_539 : vector<16xf32> to vector<16xf32>
    %swap3A_541 = vector.shape_cast %div3A_537 : vector<16xf32> to vector<16xf32>
    tpu.vector_store %arg12[%swap3A_538], %swap3A_541 {strides = array<i32>} : memref<512xf32, #tpu.memory_space<vmem>>, vector<16xf32>,
    %get3A_542 = arith.constant 112 : index
    %get3A_543 = tpu.vector_load %arg11[%get3A_542] {strides = array<i32>} : memref<512xf32, #tpu.memory_space<vmem>>, vector<16xf32>,
    %get3A_544 = vector.shape_cast %get3A_543 : vector<16xf32> to vector<16xf32>
    %add3A_545 = arith.constant 1.000000e+00 : f32
    %add3A_546 = vector.broadcast %add3A_545 : f32 to vector<16xf32>
    %add3A_547 = arith.addf %get3A_544, %add3A_546 : vector<16xf32>
    %div3A_548 = arith.constant 1.000000e+00 : f32
    %div3A_549 = vector.broadcast %div3A_548 : f32 to vector<16xf32>
    %div3A_550 = arith.divf %div3A_549, %add3A_547 : vector<16xf32>
    %swap3A_551 = arith.constant 112 : index
    %swap3A_552 = tpu.vector_load %arg12[%swap3A_551] {strides = array<i32>} : memref<512xf32, #tpu.memory_space<vmem>>, vector<16xf32>,
    %swap3A_553 = vector.shape_cast %swap3A_552 : vector<16xf32> to vector<16xf32>
    %swap3A_554 = vector.shape_cast %div3A_550 : vector<16xf32> to vector<16xf32>
    tpu.vector_store %arg12[%swap3A_551], %swap3A_554 {strides = array<i32>} : memref<512xf32, #tpu.memory_space<vmem>>, vector<16xf32>,
    %get3A_555 = arith.constant 128 : index
    %get3A_556 = tpu.vector_load %arg11[%get3A_555] {strides = array<i32>} : memref<512xf32, #tpu.memory_space<vmem>>, vector<16xf32>,
    %get3A_557 = vector.shape_cast %get3A_556 : vector<16xf32> to vector<16xf32>
    %add3A_558 = arith.constant 1.000000e+00 : f32
    %add3A_559 = vector.broadcast %add3A_558 : f32 to vector<16xf32>
    %add3A_560 = arith.addf %get3A_557, %add3A_559 : vector<16xf32>
    %div3A_561 = arith.constant 1.000000e+00 : f32
    %div3A_562 = vector.broadcast %div3A_561 : f32 to vector<16xf32>
    %div3A_563 = arith.divf %div3A_562, %add3A_560 : vector<16xf32>
    %swap3A_564 = arith.constant 128 : index
    %swap3A_565 = tpu.vector_load %arg12[%swap3A_564] {strides = array<i32>} : memref<512xf32, #tpu.memory_space<vmem>>, vector<16xf32>,
    %swap3A_566 = vector.shape_cast %swap3A_565 : vector<16xf32> to vector<16xf32>
    %swap3A_567 = vector.shape_cast %div3A_563 : vector<16xf32> to vector<16xf32>
    tpu.vector_store %arg12[%swap3A_564], %swap3A_567 {strides = array<i32>} : memref<512xf32, #tpu.memory_space<vmem>>, vector<16xf32>,
    %get3A_568 = arith.constant 144 : index
    %get3A_569 = tpu.vector_load %arg11[%get3A_568] {strides = array<i32>} : memref<512xf32, #tpu.memory_space<vmem>>, vector<16xf32>,
    %get3A_570 = vector.shape_cast %get3A_569 : vector<16xf32> to vector<16xf32>
    %add3A_571 = arith.constant 1.000000e+00 : f32
    %add3A_572 = vector.broadcast %add3A_571 : f32 to vector<16xf32>
    %add3A_573 = arith.addf %get3A_570, %add3A_572 : vector<16xf32>
    %div3A_574 = arith.constant 1.000000e+00 : f32
    %div3A_575 = vector.broadcast %div3A_574 : f32 to vector<16xf32>
    %div3A_576 = arith.divf %div3A_575, %add3A_573 : vector<16xf32>
    %swap3A_577 = arith.constant 144 : index
    %swap3A_578 = tpu.vector_load %arg12[%swap3A_577] {strides = array<i32>} : memref<512xf32, #tpu.memory_space<vmem>>, vector<16xf32>,
    %swap3A_579 = vector.shape_cast %swap3A_578 : vector<16xf32> to vector<16xf32>
    %swap3A_580 = vector.shape_cast %div3A_576 : vector<16xf32> to vector<16xf32>
    tpu.vector_store %arg12[%swap3A_577], %swap3A_580 {strides = array<i32>} : memref<512xf32, #tpu.memory_space<vmem>>, vector<16xf32>,
    %get3A_581 = arith.constant 160 : index
    %get3A_582 = tpu.vector_load %arg11[%get3A_581] {strides = array<i32>} : memref<512xf32, #tpu.memory_space<vmem>>, vector<16xf32>,
    %get3A_583 = vector.shape_cast %get3A_582 : vector<16xf32> to vector<16xf32>
    %add3A_584 = arith.constant 1.000000e+00 : f32
    %add3A_585 = vector.broadcast %add3A_584 : f32 to vector<16xf32>
    %add3A_586 = arith.addf %get3A_583, %add3A_585 : vector<16xf32>
    %div3A_587 = arith.constant 1.000000e+00 : f32
    %div3A_588 = vector.broadcast %div3A_587 : f32 to vector<16xf32>
    %div3A_589 = arith.divf %div3A_588, %add3A_586 : vector<16xf32>
    %swap3A_590 = arith.constant 160 : index
    %swap3A_591 = tpu.vector_load %arg12[%swap3A_590] {strides = array<i32>} : memref<512xf32, #tpu.memory_space<vmem>>, vector<16xf32>,
    %swap3A_592 = vector.shape_cast %swap3A_591 : vector<16xf32> to vector<16xf32>
    %swap3A_593 = vector.shape_cast %div3A_589 : vector<16xf32> to vector<16xf32>
    tpu.vector_store %arg12[%swap3A_590], %swap3A_593 {strides = array<i32>} : memref<512xf32, #tpu.memory_space<vmem>>, vector<16xf32>,
    %get3A_594 = arith.constant 176 : index
    %get3A_595 = tpu.vector_load %arg11[%get3A_594] {strides = array<i32>} : memref<512xf32, #tpu.memory_space<vmem>>, vector<16xf32>,
    %get3A_596 = vector.shape_cast %get3A_595 : vector<16xf32> to vector<16xf32>
    %add3A_597 = arith.constant 1.000000e+00 : f32
    %add3A_598 = vector.broadcast %add3A_597 : f32 to vector<16xf32>
    %add3A_599 = arith.addf %get3A_596, %add3A_598 : vector<16xf32>
    %div3A_600 = arith.constant 1.000000e+00 : f32
    %div3A_601 = vector.broadcast %div3A_600 : f32 to vector<16xf32>
    %div3A_602 = arith.divf %div3A_601, %add3A_599 : vector<16xf32>
    %swap3A_603 = arith.constant 176 : index
    %swap3A_604 = tpu.vector_load %arg12[%swap3A_603] {strides = array<i32>} : memref<512xf32, #tpu.memory_space<vmem>>, vector<16xf32>,
    %swap3A_605 = vector.shape_cast %swap3A_604 : vector<16xf32> to vector<16xf32>
    %swap3A_606 = vector.shape_cast %div3A_602 : vector<16xf32> to vector<16xf32>
    tpu.vector_store %arg12[%swap3A_603], %swap3A_606 {strides = array<i32>} : memref<512xf32, #tpu.memory_space<vmem>>, vector<16xf32>,
    %get3A_607 = arith.constant 192 : index
    %get3A_608 = tpu.vector_load %arg11[%get3A_607] {strides = array<i32>} : memref<512xf32, #tpu.memory_space<vmem>>, vector<16xf32>,
    %get3A_609 = vector.shape_cast %get3A_608 : vector<16xf32> to vector<16xf32>
    %add3A_610 = arith.constant 1.000000e+00 : f32
    %add3A_611 = vector.broadcast %add3A_610 : f32 to vector<16xf32>
    %add3A_612 = arith.addf %get3A_609, %add3A_611 : vector<16xf32>
    %div3A_613 = arith.constant 1.000000e+00 : f32
    %div3A_614 = vector.broadcast %div3A_613 : f32 to vector<16xf32>
    %div3A_615 = arith.divf %div3A_614, %add3A_612 : vector<16xf32>
    %swap3A_616 = arith.constant 192 : index
    %swap3A_617 = tpu.vector_load %arg12[%swap3A_616] {strides = array<i32>} : memref<512xf32, #tpu.memory_space<vmem>>, vector<16xf32>,
    %swap3A_618 = vector.shape_cast %swap3A_617 : vector<16xf32> to vector<16xf32>
    %swap3A_619 = vector.shape_cast %div3A_615 : vector<16xf32> to vector<16xf32>
    tpu.vector_store %arg12[%swap3A_616], %swap3A_619 {strides = array<i32>} : memref<512xf32, #tpu.memory_space<vmem>>, vector<16xf32>,
    %get3A_620 = arith.constant 208 : index
    %get3A_621 = tpu.vector_load %arg11[%get3A_620] {strides = array<i32>} : memref<512xf32, #tpu.memory_space<vmem>>, vector<16xf32>,
    %get3A_622 = vector.shape_cast %get3A_621 : vector<16xf32> to vector<16xf32>
    %add3A_623 = arith.constant 1.000000e+00 : f32
    %add3A_624 = vector.broadcast %add3A_623 : f32 to vector<16xf32>
    %add3A_625 = arith.addf %get3A_622, %add3A_624 : vector<16xf32>
    %div3A_626 = arith.constant 1.000000e+00 : f32
    %div3A_627 = vector.broadcast %div3A_626 : f32 to vector<16xf32>
    %div3A_628 = arith.divf %div3A_627, %add3A_625 : vector<16xf32>
    %swap3A_629 = arith.constant 208 : index
    %swap3A_630 = tpu.vector_load %arg12[%swap3A_629] {strides = array<i32>} : memref<512xf32, #tpu.memory_space<vmem>>, vector<16xf32>,
    %swap3A_631 = vector.shape_cast %swap3A_630 : vector<16xf32> to vector<16xf32>
    %swap3A_632 = vector.shape_cast %div3A_628 : vector<16xf32> to vector<16xf32>
    tpu.vector_store %arg12[%swap3A_629], %swap3A_632 {strides = array<i32>} : memref<512xf32, #tpu.memory_space<vmem>>, vector<16xf32>,
    %get3A_633 = arith.constant 224 : index
    %get3A_634 = tpu.vector_load %arg11[%get3A_633] {strides = array<i32>} : memref<512xf32, #tpu.memory_space<vmem>>, vector<16xf32>,
    %get3A_635 = vector.shape_cast %get3A_634 : vector<16xf32> to vector<16xf32>
    %add3A_636 = arith.constant 1.000000e+00 : f32
    %add3A_637 = vector.broadcast %add3A_636 : f32 to vector<16xf32>
    %add3A_638 = arith.addf %get3A_635, %add3A_637 : vector<16xf32>
    %div3A_639 = arith.constant 1.000000e+00 : f32
    %div3A_640 = vector.broadcast %div3A_639 : f32 to vector<16xf32>
    %div3A_641 = arith.divf %div3A_640, %add3A_638 : vector<16xf32>
    %swap3A_642 = arith.constant 224 : index
    %swap3A_643 = tpu.vector_load %arg12[%swap3A_642] {strides = array<i32>} : memref<512xf32, #tpu.memory_space<vmem>>, vector<16xf32>,
    %swap3A_644 = vector.shape_cast %swap3A_643 : vector<16xf32> to vector<16xf32>
    %swap3A_645 = vector.shape_cast %div3A_641 : vector<16xf32> to vector<16xf32>
    tpu.vector_store %arg12[%swap3A_642], %swap3A_645 {strides = array<i32>} : memref<512xf32, #tpu.memory_space<vmem>>, vector<16xf32>,
    %get3A_646 = arith.constant 240 : index
    %get3A_647 = tpu.vector_load %arg11[%get3A_646] {strides = array<i32>} : memref<512xf32, #tpu.memory_space<vmem>>, vector<16xf32>,
    %get3A_648 = vector.shape_cast %get3A_647 : vector<16xf32> to vector<16xf32>
    %add3A_649 = arith.constant 1.000000e+00 : f32
    %add3A_650 = vector.broadcast %add3A_649 : f32 to vector<16xf32>
    %add3A_651 = arith.addf %get3A_648, %add3A_650 : vector<16xf32>
    %div3A_652 = arith.constant 1.000000e+00 : f32
    %div3A_653 = vector.broadcast %div3A_652 : f32 to vector<16xf32>
    %div3A_654 = arith.divf %div3A_653, %add3A_651 : vector<16xf32>
    %swap3A_655 = arith.constant 240 : index
    %swap3A_656 = tpu.vector_load %arg12[%swap3A_655] {strides = array<i32>} : memref<512xf32, #tpu.memory_space<vmem>>, vector<16xf32>,
    %swap3A_657 = vector.shape_cast %swap3A_656 : vector<16xf32> to vector<16xf32>
    %swap3A_658 = vector.shape_cast %div3A_654 : vector<16xf32> to vector<16xf32>
    tpu.vector_store %arg12[%swap3A_655], %swap3A_658 {strides = array<i32>} : memref<512xf32, #tpu.memory_space<vmem>>, vector<16xf32>,
    %get3A_659 = arith.constant 256 : index
    %get3A_660 = tpu.vector_load %arg11[%get3A_659] {strides = array<i32>} : memref<512xf32, #tpu.memory_space<vmem>>, vector<16xf32>,
    %get3A_661 = vector.shape_cast %get3A_660 : vector<16xf32> to vector<16xf32>
    %add3A_662 = arith.constant 1.000000e+00 : f32
    %add3A_663 = vector.broadcast %add3A_662 : f32 to vector<16xf32>
    %add3A_664 = arith.addf %get3A_661, %add3A_663 : vector<16xf32>
    %div3A_665 = arith.constant 1.000000e+00 : f32
    %div3A_666 = vector.broadcast %div3A_665 : f32 to vector<16xf32>
    %div3A_667 = arith.divf %div3A_666, %add3A_664 : vector<16xf32>
    %swap3A_668 = arith.constant 256 : index
    %swap3A_669 = tpu.vector_load %arg12[%swap3A_668] {strides = array<i32>} : memref<512xf32, #tpu.memory_space<vmem>>, vector<16xf32>,
    %swap3A_670 = vector.shape_cast %swap3A_669 : vector<16xf32> to vector<16xf32>
    %swap3A_671 = vector.shape_cast %div3A_667 : vector<16xf32> to vector<16xf32>
    tpu.vector_store %arg12[%swap3A_668], %swap3A_671 {strides = array<i32>} : memref<512xf32, #tpu.memory_space<vmem>>, vector<16xf32>,
    %get3A_672 = arith.constant 272 : index
    %get3A_673 = tpu.vector_load %arg11[%get3A_672] {strides = array<i32>} : memref<512xf32, #tpu.memory_space<vmem>>, vector<16xf32>,
    %get3A_674 = vector.shape_cast %get3A_673 : vector<16xf32> to vector<16xf32>
    %add3A_675 = arith.constant 1.000000e+00 : f32
    %add3A_676 = vector.broadcast %add3A_675 : f32 to vector<16xf32>
    %add3A_677 = arith.addf %get3A_674, %add3A_676 : vector<16xf32>
    %div3A_678 = arith.constant 1.000000e+00 : f32
    %div3A_679 = vector.broadcast %div3A_678 : f32 to vector<16xf32>
    %div3A_680 = arith.divf %div3A_679, %add3A_677 : vector<16xf32>
    %swap3A_681 = arith.constant 272 : index
    %swap3A_682 = tpu.vector_load %arg12[%swap3A_681] {strides = array<i32>} : memref<512xf32, #tpu.memory_space<vmem>>, vector<16xf32>,
    %swap3A_683 = vector.shape_cast %swap3A_682 : vector<16xf32> to vector<16xf32>
    %swap3A_684 = vector.shape_cast %div3A_680 : vector<16xf32> to vector<16xf32>
    tpu.vector_store %arg12[%swap3A_681], %swap3A_684 {strides = array<i32>} : memref<512xf32, #tpu.memory_space<vmem>>, vector<16xf32>,
    %get3A_685 = arith.constant 288 : index
    %get3A_686 = tpu.vector_load %arg11[%get3A_685] {strides = array<i32>} : memref<512xf32, #tpu.memory_space<vmem>>, vector<16xf32>,
    %get3A_687 = vector.shape_cast %get3A_686 : vector<16xf32> to vector<16xf32>
    %add3A_688 = arith.constant 1.000000e+00 : f32
    %add3A_689 = vector.broadcast %add3A_688 : f32 to vector<16xf32>
    %add3A_690 = arith.addf %get3A_687, %add3A_689 : vector<16xf32>
    %div3A_691 = arith.constant 1.000000e+00 : f32
    %div3A_692 = vector.broadcast %div3A_691 : f32 to vector<16xf32>
    %div3A_693 = arith.divf %div3A_692, %add3A_690 : vector<16xf32>
    %swap3A_694 = arith.constant 288 : index
    %swap3A_695 = tpu.vector_load %arg12[%swap3A_694] {strides = array<i32>} : memref<512xf32, #tpu.memory_space<vmem>>, vector<16xf32>,
    %swap3A_696 = vector.shape_cast %swap3A_695 : vector<16xf32> to vector<16xf32>
    %swap3A_697 = vector.shape_cast %div3A_693 : vector<16xf32> to vector<16xf32>
    tpu.vector_store %arg12[%swap3A_694], %swap3A_697 {strides = array<i32>} : memref<512xf32, #tpu.memory_space<vmem>>, vector<16xf32>,
    %get3A_698 = arith.constant 304 : index
    %get3A_699 = tpu.vector_load %arg11[%get3A_698] {strides = array<i32>} : memref<512xf32, #tpu.memory_space<vmem>>, vector<16xf32>,
    %get3A_700 = vector.shape_cast %get3A_699 : vector<16xf32> to vector<16xf32>
    %add3A_701 = arith.constant 1.000000e+00 : f32
    %add3A_702 = vector.broadcast %add3A_701 : f32 to vector<16xf32>
    %add3A_703 = arith.addf %get3A_700, %add3A_702 : vector<16xf32>
    %div3A_704 = arith.constant 1.000000e+00 : f32
    %div3A_705 = vector.broadcast %div3A_704 : f32 to vector<16xf32>
    %div3A_706 = arith.divf %div3A_705, %add3A_703 : vector<16xf32>
    %swap3A_707 = arith.constant 304 : index
    %swap3A_708 = tpu.vector_load %arg12[%swap3A_707] {strides = array<i32>} : memref<512xf32, #tpu.memory_space<vmem>>, vector<16xf32>,
    %swap3A_709 = vector.shape_cast %swap3A_708 : vector<16xf32> to vector<16xf32>
    %swap3A_710 = vector.shape_cast %div3A_706 : vector<16xf32> to vector<16xf32>
    tpu.vector_store %arg12[%swap3A_707], %swap3A_710 {strides = array<i32>} : memref<512xf32, #tpu.memory_space<vmem>>, vector<16xf32>,
    %get3A_711 = arith.constant 320 : index
    %get3A_712 = tpu.vector_load %arg11[%get3A_711] {strides = array<i32>} : memref<512xf32, #tpu.memory_space<vmem>>, vector<16xf32>,
    %get3A_713 = vector.shape_cast %get3A_712 : vector<16xf32> to vector<16xf32>
    %add3A_714 = arith.constant 1.000000e+00 : f32
    %add3A_715 = vector.broadcast %add3A_714 : f32 to vector<16xf32>
    %add3A_716 = arith.addf %get3A_713, %add3A_715 : vector<16xf32>
    %div3A_717 = arith.constant 1.000000e+00 : f32
    %div3A_718 = vector.broadcast %div3A_717 : f32 to vector<16xf32>
    %div3A_719 = arith.divf %div3A_718, %add3A_716 : vector<16xf32>
    %swap3A_720 = arith.constant 320 : index
    %swap3A_721 = tpu.vector_load %arg12[%swap3A_720] {strides = array<i32>} : memref<512xf32, #tpu.memory_space<vmem>>, vector<16xf32>,
    %swap3A_722 = vector.shape_cast %swap3A_721 : vector<16xf32> to vector<16xf32>
    %swap3A_723 = vector.shape_cast %div3A_719 : vector<16xf32> to vector<16xf32>
    tpu.vector_store %arg12[%swap3A_720], %swap3A_723 {strides = array<i32>} : memref<512xf32, #tpu.memory_space<vmem>>, vector<16xf32>,
    %get3A_724 = arith.constant 336 : index
    %get3A_725 = tpu.vector_load %arg11[%get3A_724] {strides = array<i32>} : memref<512xf32, #tpu.memory_space<vmem>>, vector<16xf32>,
    %get3A_726 = vector.shape_cast %get3A_725 : vector<16xf32> to vector<16xf32>
    %add3A_727 = arith.constant 1.000000e+00 : f32
    %add3A_728 = vector.broadcast %add3A_727 : f32 to vector<16xf32>
    %add3A_729 = arith.addf %get3A_726, %add3A_728 : vector<16xf32>
    %div3A_730 = arith.constant 1.000000e+00 : f32
    %div3A_731 = vector.broadcast %div3A_730 : f32 to vector<16xf32>
    %div3A_732 = arith.divf %div3A_731, %add3A_729 : vector<16xf32>
    %swap3A_733 = arith.constant 336 : index
    %swap3A_734 = tpu.vector_load %arg12[%swap3A_733] {strides = array<i32>} : memref<512xf32, #tpu.memory_space<vmem>>, vector<16xf32>,
    %swap3A_735 = vector.shape_cast %swap3A_734 : vector<16xf32> to vector<16xf32>
    %swap3A_736 = vector.shape_cast %div3A_732 : vector<16xf32> to vector<16xf32>
    tpu.vector_store %arg12[%swap3A_733], %swap3A_736 {strides = array<i32>} : memref<512xf32, #tpu.memory_space<vmem>>, vector<16xf32>,
    %get3A_737 = arith.constant 352 : index
    %get3A_738 = tpu.vector_load %arg11[%get3A_737] {strides = array<i32>} : memref<512xf32, #tpu.memory_space<vmem>>, vector<16xf32>,
    %get3A_739 = vector.shape_cast %get3A_738 : vector<16xf32> to vector<16xf32>
    %add3A_740 = arith.constant 1.000000e+00 : f32
    %add3A_741 = vector.broadcast %add3A_740 : f32 to vector<16xf32>
    %add3A_742 = arith.addf %get3A_739, %add3A_741 : vector<16xf32>
    %div3A_743 = arith.constant 1.000000e+00 : f32
    %div3A_744 = vector.broadcast %div3A_743 : f32 to vector<16xf32>
    %div3A_745 = arith.divf %div3A_744, %add3A_742 : vector<16xf32>
    %swap3A_746 = arith.constant 352 : index
    %swap3A_747 = tpu.vector_load %arg12[%swap3A_746] {strides = array<i32>} : memref<512xf32, #tpu.memory_space<vmem>>, vector<16xf32>,
    %swap3A_748 = vector.shape_cast %swap3A_747 : vector<16xf32> to vector<16xf32>
    %swap3A_749 = vector.shape_cast %div3A_745 : vector<16xf32> to vector<16xf32>
    tpu.vector_store %arg12[%swap3A_746], %swap3A_749 {strides = array<i32>} : memref<512xf32, #tpu.memory_space<vmem>>, vector<16xf32>,
    %get3A_750 = arith.constant 368 : index
    %get3A_751 = tpu.vector_load %arg11[%get3A_750] {strides = array<i32>} : memref<512xf32, #tpu.memory_space<vmem>>, vector<16xf32>,
    %get3A_752 = vector.shape_cast %get3A_751 : vector<16xf32> to vector<16xf32>
    %add3A_753 = arith.constant 1.000000e+00 : f32
    %add3A_754 = vector.broadcast %add3A_753 : f32 to vector<16xf32>
    %add3A_755 = arith.addf %get3A_752, %add3A_754 : vector<16xf32>
    %div3A_756 = arith.constant 1.000000e+00 : f32
    %div3A_757 = vector.broadcast %div3A_756 : f32 to vector<16xf32>
    %div3A_758 = arith.divf %div3A_757, %add3A_755 : vector<16xf32>
    %swap3A_759 = arith.constant 368 : index
    %swap3A_760 = tpu.vector_load %arg12[%swap3A_759] {strides = array<i32>} : memref<512xf32, #tpu.memory_space<vmem>>, vector<16xf32>,
    %swap3A_761 = vector.shape_cast %swap3A_760 : vector<16xf32> to vector<16xf32>
    %swap3A_762 = vector.shape_cast %div3A_758 : vector<16xf32> to vector<16xf32>
    tpu.vector_store %arg12[%swap3A_759], %swap3A_762 {strides = array<i32>} : memref<512xf32, #tpu.memory_space<vmem>>, vector<16xf32>,
    %get3A_763 = arith.constant 384 : index
    %get3A_764 = tpu.vector_load %arg11[%get3A_763] {strides = array<i32>} : memref<512xf32, #tpu.memory_space<vmem>>, vector<16xf32>,
    %get3A_765 = vector.shape_cast %get3A_764 : vector<16xf32> to vector<16xf32>
    %add3A_766 = arith.constant 1.000000e+00 : f32
    %add3A_767 = vector.broadcast %add3A_766 : f32 to vector<16xf32>
    %add3A_768 = arith.addf %get3A_765, %add3A_767 : vector<16xf32>
    %div3A_769 = arith.constant 1.000000e+00 : f32
    %div3A_770 = vector.broadcast %div3A_769 : f32 to vector<16xf32>
    %div3A_771 = arith.divf %div3A_770, %add3A_768 : vector<16xf32>
    %swap3A_772 = arith.constant 384 : index
    %swap3A_773 = tpu.vector_load %arg12[%swap3A_772] {strides = array<i32>} : memref<512xf32, #tpu.memory_space<vmem>>, vector<16xf32>,
    %swap3A_774 = vector.shape_cast %swap3A_773 : vector<16xf32> to vector<16xf32>
    %swap3A_775 = vector.shape_cast %div3A_771 : vector<16xf32> to vector<16xf32>
    tpu.vector_store %arg12[%swap3A_772], %swap3A_775 {strides = array<i32>} : memref<512xf32, #tpu.memory_space<vmem>>, vector<16xf32>,
    %get3A_776 = arith.constant 400 : index
    %get3A_777 = tpu.vector_load %arg11[%get3A_776] {strides = array<i32>} : memref<512xf32, #tpu.memory_space<vmem>>, vector<16xf32>,
    %get3A_778 = vector.shape_cast %get3A_777 : vector<16xf32> to vector<16xf32>
    %add3A_779 = arith.constant 1.000000e+00 : f32
    %add3A_780 = vector.broadcast %add3A_779 : f32 to vector<16xf32>
    %add3A_781 = arith.addf %get3A_778, %add3A_780 : vector<16xf32>
    %div3A_782 = arith.constant 1.000000e+00 : f32
    %div3A_783 = vector.broadcast %div3A_782 : f32 to vector<16xf32>
    %div3A_784 = arith.divf %div3A_783, %add3A_781 : vector<16xf32>
    %swap3A_785 = arith.constant 400 : index
    %swap3A_786 = tpu.vector_load %arg12[%swap3A_785] {strides = array<i32>} : memref<512xf32, #tpu.memory_space<vmem>>, vector<16xf32>,
    %swap3A_787 = vector.shape_cast %swap3A_786 : vector<16xf32> to vector<16xf32>
    %swap3A_788 = vector.shape_cast %div3A_784 : vector<16xf32> to vector<16xf32>
    tpu.vector_store %arg12[%swap3A_785], %swap3A_788 {strides = array<i32>} : memref<512xf32, #tpu.memory_space<vmem>>, vector<16xf32>,
    %get3A_789 = arith.constant 416 : index
    %get3A_790 = tpu.vector_load %arg11[%get3A_789] {strides = array<i32>} : memref<512xf32, #tpu.memory_space<vmem>>, vector<16xf32>,
    %get3A_791 = vector.shape_cast %get3A_790 : vector<16xf32> to vector<16xf32>
    %add3A_792 = arith.constant 1.000000e+00 : f32
    %add3A_793 = vector.broadcast %add3A_792 : f32 to vector<16xf32>
    %add3A_794 = arith.addf %get3A_791, %add3A_793 : vector<16xf32>
    %div3A_795 = arith.constant 1.000000e+00 : f32
    %div3A_796 = vector.broadcast %div3A_795 : f32 to vector<16xf32>
    %div3A_797 = arith.divf %div3A_796, %add3A_794 : vector<16xf32>
    %swap3A_798 = arith.constant 416 : index
    %swap3A_799 = tpu.vector_load %arg12[%swap3A_798] {strides = array<i32>} : memref<512xf32, #tpu.memory_space<vmem>>, vector<16xf32>,
    %swap3A_800 = vector.shape_cast %swap3A_799 : vector<16xf32> to vector<16xf32>
    %swap3A_801 = vector.shape_cast %div3A_797 : vector<16xf32> to vector<16xf32>
    tpu.vector_store %arg12[%swap3A_798], %swap3A_801 {strides = array<i32>} : memref<512xf32, #tpu.memory_space<vmem>>, vector<16xf32>,
    %get3A_802 = arith.constant 432 : index
    %get3A_803 = tpu.vector_load %arg11[%get3A_802] {strides = array<i32>} : memref<512xf32, #tpu.memory_space<vmem>>, vector<16xf32>,
    %get3A_804 = vector.shape_cast %get3A_803 : vector<16xf32> to vector<16xf32>
    %add3A_805 = arith.constant 1.000000e+00 : f32
    %add3A_806 = vector.broadcast %add3A_805 : f32 to vector<16xf32>
    %add3A_807 = arith.addf %get3A_804, %add3A_806 : vector<16xf32>
    %div3A_808 = arith.constant 1.000000e+00 : f32
    %div3A_809 = vector.broadcast %div3A_808 : f32 to vector<16xf32>
    %div3A_810 = arith.divf %div3A_809, %add3A_807 : vector<16xf32>
    %swap3A_811 = arith.constant 432 : index
    %swap3A_812 = tpu.vector_load %arg12[%swap3A_811] {strides = array<i32>} : memref<512xf32, #tpu.memory_space<vmem>>, vector<16xf32>,
    %swap3A_813 = vector.shape_cast %swap3A_812 : vector<16xf32> to vector<16xf32>
    %swap3A_814 = vector.shape_cast %div3A_810 : vector<16xf32> to vector<16xf32>
    tpu.vector_store %arg12[%swap3A_811], %swap3A_814 {strides = array<i32>} : memref<512xf32, #tpu.memory_space<vmem>>, vector<16xf32>,
    %get3A_815 = arith.constant 448 : index
    %get3A_816 = tpu.vector_load %arg11[%get3A_815] {strides = array<i32>} : memref<512xf32, #tpu.memory_space<vmem>>, vector<16xf32>,
    %get3A_817 = vector.shape_cast %get3A_816 : vector<16xf32> to vector<16xf32>
    %add3A_818 = arith.constant 1.000000e+00 : f32
    %add3A_819 = vector.broadcast %add3A_818 : f32 to vector<16xf32>
    %add3A_820 = arith.addf %get3A_817, %add3A_819 : vector<16xf32>
    %div3A_821 = arith.constant 1.000000e+00 : f32
    %div3A_822 = vector.broadcast %div3A_821 : f32 to vector<16xf32>
    %div3A_823 = arith.divf %div3A_822, %add3A_820 : vector<16xf32>
    %swap3A_824 = arith.constant 448 : index
    %swap3A_825 = tpu.vector_load %arg12[%swap3A_824] {strides = array<i32>} : memref<512xf32, #tpu.memory_space<vmem>>, vector<16xf32>,
    %swap3A_826 = vector.shape_cast %swap3A_825 : vector<16xf32> to vector<16xf32>
    %swap3A_827 = vector.shape_cast %div3A_823 : vector<16xf32> to vector<16xf32>
    tpu.vector_store %arg12[%swap3A_824], %swap3A_827 {strides = array<i32>} : memref<512xf32, #tpu.memory_space<vmem>>, vector<16xf32>,
    %get3A_828 = arith.constant 464 : index
    %get3A_829 = tpu.vector_load %arg11[%get3A_828] {strides = array<i32>} : memref<512xf32, #tpu.memory_space<vmem>>, vector<16xf32>,
    %get3A_830 = vector.shape_cast %get3A_829 : vector<16xf32> to vector<16xf32>
    %add3A_831 = arith.constant 1.000000e+00 : f32
    %add3A_832 = vector.broadcast %add3A_831 : f32 to vector<16xf32>
    %add3A_833 = arith.addf %get3A_830, %add3A_832 : vector<16xf32>
    %div3A_834 = arith.constant 1.000000e+00 : f32
    %div3A_835 = vector.broadcast %div3A_834 : f32 to vector<16xf32>
    %div3A_836 = arith.divf %div3A_835, %add3A_833 : vector<16xf32>
    %swap3A_837 = arith.constant 464 : index
    %swap3A_838 = tpu.vector_load %arg12[%swap3A_837] {strides = array<i32>} : memref<512xf32, #tpu.memory_space<vmem>>, vector<16xf32>,
    %swap3A_839 = vector.shape_cast %swap3A_838 : vector<16xf32> to vector<16xf32>
    %swap3A_840 = vector.shape_cast %div3A_836 : vector<16xf32> to vector<16xf32>
    tpu.vector_store %arg12[%swap3A_837], %swap3A_840 {strides = array<i32>} : memref<512xf32, #tpu.memory_space<vmem>>, vector<16xf32>,
    %get3A_841 = arith.constant 480 : index
    %get3A_842 = tpu.vector_load %arg11[%get3A_841] {strides = array<i32>} : memref<512xf32, #tpu.memory_space<vmem>>, vector<16xf32>,
    %get3A_843 = vector.shape_cast %get3A_842 : vector<16xf32> to vector<16xf32>
    %add3A_844 = arith.constant 1.000000e+00 : f32
    %add3A_845 = vector.broadcast %add3A_844 : f32 to vector<16xf32>
    %add3A_846 = arith.addf %get3A_843, %add3A_845 : vector<16xf32>
    %div3A_847 = arith.constant 1.000000e+00 : f32
    %div3A_848 = vector.broadcast %div3A_847 : f32 to vector<16xf32>
    %div3A_849 = arith.divf %div3A_848, %add3A_846 : vector<16xf32>
    %swap3A_850 = arith.constant 480 : index
    %swap3A_851 = tpu.vector_load %arg12[%swap3A_850] {strides = array<i32>} : memref<512xf32, #tpu.memory_space<vmem>>, vector<16xf32>,
    %swap3A_852 = vector.shape_cast %swap3A_851 : vector<16xf32> to vector<16xf32>
    %swap3A_853 = vector.shape_cast %div3A_849 : vector<16xf32> to vector<16xf32>
    tpu.vector_store %arg12[%swap3A_850], %swap3A_853 {strides = array<i32>} : memref<512xf32, #tpu.memory_space<vmem>>, vector<16xf32>,
    %get3A_854 = arith.constant 496 : index
    %get3A_855 = tpu.vector_load %arg11[%get3A_854] {strides = array<i32>} : memref<512xf32, #tpu.memory_space<vmem>>, vector<16xf32>,
    %get3A_856 = vector.shape_cast %get3A_855 : vector<16xf32> to vector<16xf32>
    %add3A_857 = arith.constant 1.000000e+00 : f32
    %add3A_858 = vector.broadcast %add3A_857 : f32 to vector<16xf32>
    %add3A_859 = arith.addf %get3A_856, %add3A_858 : vector<16xf32>
    %div3A_860 = arith.constant 1.000000e+00 : f32
    %div3A_861 = vector.broadcast %div3A_860 : f32 to vector<16xf32>
    %div3A_862 = arith.divf %div3A_861, %add3A_859 : vector<16xf32>
    %swap3A_863 = arith.constant 496 : index
    %swap3A_864 = tpu.vector_load %arg12[%swap3A_863] {strides = array<i32>} : memref<512xf32, #tpu.memory_space<vmem>>, vector<16xf32>,
    %swap3A_865 = vector.shape_cast %swap3A_864 : vector<16xf32> to vector<16xf32>
    %swap3A_866 = vector.shape_cast %div3A_862 : vector<16xf32> to vector<16xf32>
    tpu.vector_store %arg12[%swap3A_863], %swap3A_866 {strides = array<i32>} : memref<512xf32, #tpu.memory_space<vmem>>, vector<16xf32>,
    %scan3A_867 = arith.constant 0 : i32
    %scan3A_868 = arith.constant 0 : i32
    %scan3A_869 = arith.constant 32 : i32
    %scan3A_870 = arith.addi %scan3A_868, %scan3A_869 : i32
    %scan3A_871 = arith.constant 1 : i32
    %scan3A_872 = scf.for %scan3A_1457 = %scan3A_868 to %scan3A_870 step %scan3A_871 iter_args(%scan3A_1458 = %scan3A_867) -> (i32)  : i32 {
      %mul3A_1459 = arith.constant 16 : i32
      %mul3A_1460 = arith.muli %scan3A_1457, %mul3A_1459 : i32
      %get3A_1461 = arith.index_cast %mul3A_1460 : i32 to index
      %get3A_1462 = tpu.vector_load %arg12[%get3A_1461] {strides = array<i32>} : memref<512xf32, #tpu.memory_space<vmem>>, vector<16xf32>,
      %get3A_1463 = vector.shape_cast %get3A_1462 : vector<16xf32> to vector<16xf32>
      %slice3A = vector.extract_strided_slice %get3A_1463 {offsets = [0], sizes = [1], strides = [1]} : vector<16xf32> to vector<1xf32>
      %squeeze3A = vector.extract %slice3A[0] : f32 from vector<1xf32>
      %broadcast_in_dim3A_1464 = vector.broadcast %squeeze3A : f32 to vector<16xf32>
      %mul3A_1465 = arith.constant 16 : i32
      %mul3A_1466 = arith.muli %scan3A_1457, %mul3A_1465 : i32
      %add3A_1467 = arith.constant 0 : i32
      %add3A_1468 = arith.addi %mul3A_1466, %add3A_1467 : i32
      %swap3A_1469 = arith.index_cast %add3A_1468 : i32 to index
      %swap3A_1470 = arith.constant 0 : index
      %swap3A_1471 = tpu.vector_load %arg13[%swap3A_1469, %swap3A_1470] {strides = array<i32>} : memref<512x16xf32, #tpu.memory_space<vmem>>, vector<1x16xf32>,
      %swap3A_1472 = vector.shape_cast %swap3A_1471 : vector<1x16xf32> to vector<16xf32>
      %swap3A_1473 = vector.shape_cast %broadcast_in_dim3A_1464 : vector<16xf32> to vector<1x16xf32>
      tpu.vector_store %arg13[%swap3A_1469, %swap3A_1470], %swap3A_1473 {strides = array<i32>} : memref<512x16xf32, #tpu.memory_space<vmem>>, vector<1x16xf32>,
      %slice3A_1474 = vector.extract_strided_slice %get3A_1463 {offsets = [1], sizes = [1], strides = [1]} : vector<16xf32> to vector<1xf32>
      %squeeze3A_1475 = vector.extract %slice3A_1474[0] : f32 from vector<1xf32>
      %broadcast_in_dim3A_1476 = vector.broadcast %squeeze3A_1475 : f32 to vector<16xf32>
      %mul3A_1477 = arith.constant 16 : i32
      %mul3A_1478 = arith.muli %scan3A_1457, %mul3A_1477 : i32
      %add3A_1479 = arith.constant 1 : i32
      %add3A_1480 = arith.addi %mul3A_1478, %add3A_1479 : i32
      %swap3A_1481 = arith.index_cast %add3A_1480 : i32 to index
      %swap3A_1482 = arith.constant 0 : index
      %swap3A_1483 = tpu.vector_load %arg13[%swap3A_1481, %swap3A_1482] {strides = array<i32>} : memref<512x16xf32, #tpu.memory_space<vmem>>, vector<1x16xf32>,
      %swap3A_1484 = vector.shape_cast %swap3A_1483 : vector<1x16xf32> to vector<16xf32>
      %swap3A_1485 = vector.shape_cast %broadcast_in_dim3A_1476 : vector<16xf32> to vector<1x16xf32>
      tpu.vector_store %arg13[%swap3A_1481, %swap3A_1482], %swap3A_1485 {strides = array<i32>} : memref<512x16xf32, #tpu.memory_space<vmem>>, vector<1x16xf32>,
      %slice3A_1486 = vector.extract_strided_slice %get3A_1463 {offsets = [2], sizes = [1], strides = [1]} : vector<16xf32> to vector<1xf32>
      %squeeze3A_1487 = vector.extract %slice3A_1486[0] : f32 from vector<1xf32>
      %broadcast_in_dim3A_1488 = vector.broadcast %squeeze3A_1487 : f32 to vector<16xf32>
      %mul3A_1489 = arith.constant 16 : i32
      %mul3A_1490 = arith.muli %scan3A_1457, %mul3A_1489 : i32
      %add3A_1491 = arith.constant 2 : i32
      %add3A_1492 = arith.addi %mul3A_1490, %add3A_1491 : i32
      %swap3A_1493 = arith.index_cast %add3A_1492 : i32 to index
      %swap3A_1494 = arith.constant 0 : index
      %swap3A_1495 = tpu.vector_load %arg13[%swap3A_1493, %swap3A_1494] {strides = array<i32>} : memref<512x16xf32, #tpu.memory_space<vmem>>, vector<1x16xf32>,
      %swap3A_1496 = vector.shape_cast %swap3A_1495 : vector<1x16xf32> to vector<16xf32>
      %swap3A_1497 = vector.shape_cast %broadcast_in_dim3A_1488 : vector<16xf32> to vector<1x16xf32>
      tpu.vector_store %arg13[%swap3A_1493, %swap3A_1494], %swap3A_1497 {strides = array<i32>} : memref<512x16xf32, #tpu.memory_space<vmem>>, vector<1x16xf32>,
      %slice3A_1498 = vector.extract_strided_slice %get3A_1463 {offsets = [3], sizes = [1], strides = [1]} : vector<16xf32> to vector<1xf32>
      %squeeze3A_1499 = vector.extract %slice3A_1498[0] : f32 from vector<1xf32>
      %broadcast_in_dim3A_1500 = vector.broadcast %squeeze3A_1499 : f32 to vector<16xf32>
      %mul3A_1501 = arith.constant 16 : i32
      %mul3A_1502 = arith.muli %scan3A_1457, %mul3A_1501 : i32
      %add3A_1503 = arith.constant 3 : i32
      %add3A_1504 = arith.addi %mul3A_1502, %add3A_1503 : i32
      %swap3A_1505 = arith.index_cast %add3A_1504 : i32 to index
      %swap3A_1506 = arith.constant 0 : index
      %swap3A_1507 = tpu.vector_load %arg13[%swap3A_1505, %swap3A_1506] {strides = array<i32>} : memref<512x16xf32, #tpu.memory_space<vmem>>, vector<1x16xf32>,
      %swap3A_1508 = vector.shape_cast %swap3A_1507 : vector<1x16xf32> to vector<16xf32>
      %swap3A_1509 = vector.shape_cast %broadcast_in_dim3A_1500 : vector<16xf32> to vector<1x16xf32>
      tpu.vector_store %arg13[%swap3A_1505, %swap3A_1506], %swap3A_1509 {strides = array<i32>} : memref<512x16xf32, #tpu.memory_space<vmem>>, vector<1x16xf32>,
      %slice3A_1510 = vector.extract_strided_slice %get3A_1463 {offsets = [4], sizes = [1], strides = [1]} : vector<16xf32> to vector<1xf32>
      %squeeze3A_1511 = vector.extract %slice3A_1510[0] : f32 from vector<1xf32>
      %broadcast_in_dim3A_1512 = vector.broadcast %squeeze3A_1511 : f32 to vector<16xf32>
      %mul3A_1513 = arith.constant 16 : i32
      %mul3A_1514 = arith.muli %scan3A_1457, %mul3A_1513 : i32
      %add3A_1515 = arith.constant 4 : i32
      %add3A_1516 = arith.addi %mul3A_1514, %add3A_1515 : i32
      %swap3A_1517 = arith.index_cast %add3A_1516 : i32 to index
      %swap3A_1518 = arith.constant 0 : index
      %swap3A_1519 = tpu.vector_load %arg13[%swap3A_1517, %swap3A_1518] {strides = array<i32>} : memref<512x16xf32, #tpu.memory_space<vmem>>, vector<1x16xf32>,
      %swap3A_1520 = vector.shape_cast %swap3A_1519 : vector<1x16xf32> to vector<16xf32>
      %swap3A_1521 = vector.shape_cast %broadcast_in_dim3A_1512 : vector<16xf32> to vector<1x16xf32>
      tpu.vector_store %arg13[%swap3A_1517, %swap3A_1518], %swap3A_1521 {strides = array<i32>} : memref<512x16xf32, #tpu.memory_space<vmem>>, vector<1x16xf32>,
      %slice3A_1522 = vector.extract_strided_slice %get3A_1463 {offsets = [5], sizes = [1], strides = [1]} : vector<16xf32> to vector<1xf32>
      %squeeze3A_1523 = vector.extract %slice3A_1522[0] : f32 from vector<1xf32>
      %broadcast_in_dim3A_1524 = vector.broadcast %squeeze3A_1523 : f32 to vector<16xf32>
      %mul3A_1525 = arith.constant 16 : i32
      %mul3A_1526 = arith.muli %scan3A_1457, %mul3A_1525 : i32
      %add3A_1527 = arith.constant 5 : i32
      %add3A_1528 = arith.addi %mul3A_1526, %add3A_1527 : i32
      %swap3A_1529 = arith.index_cast %add3A_1528 : i32 to index
      %swap3A_1530 = arith.constant 0 : index
      %swap3A_1531 = tpu.vector_load %arg13[%swap3A_1529, %swap3A_1530] {strides = array<i32>} : memref<512x16xf32, #tpu.memory_space<vmem>>, vector<1x16xf32>,
      %swap3A_1532 = vector.shape_cast %swap3A_1531 : vector<1x16xf32> to vector<16xf32>
      %swap3A_1533 = vector.shape_cast %broadcast_in_dim3A_1524 : vector<16xf32> to vector<1x16xf32>
      tpu.vector_store %arg13[%swap3A_1529, %swap3A_1530], %swap3A_1533 {strides = array<i32>} : memref<512x16xf32, #tpu.memory_space<vmem>>, vector<1x16xf32>,
      %slice3A_1534 = vector.extract_strided_slice %get3A_1463 {offsets = [6], sizes = [1], strides = [1]} : vector<16xf32> to vector<1xf32>
      %squeeze3A_1535 = vector.extract %slice3A_1534[0] : f32 from vector<1xf32>
      %broadcast_in_dim3A_1536 = vector.broadcast %squeeze3A_1535 : f32 to vector<16xf32>
      %mul3A_1537 = arith.constant 16 : i32
      %mul3A_1538 = arith.muli %scan3A_1457, %mul3A_1537 : i32
      %add3A_1539 = arith.constant 6 : i32
      %add3A_1540 = arith.addi %mul3A_1538, %add3A_1539 : i32
      %swap3A_1541 = arith.index_cast %add3A_1540 : i32 to index
      %swap3A_1542 = arith.constant 0 : index
      %swap3A_1543 = tpu.vector_load %arg13[%swap3A_1541, %swap3A_1542] {strides = array<i32>} : memref<512x16xf32, #tpu.memory_space<vmem>>, vector<1x16xf32>,
      %swap3A_1544 = vector.shape_cast %swap3A_1543 : vector<1x16xf32> to vector<16xf32>
      %swap3A_1545 = vector.shape_cast %broadcast_in_dim3A_1536 : vector<16xf32> to vector<1x16xf32>
      tpu.vector_store %arg13[%swap3A_1541, %swap3A_1542], %swap3A_1545 {strides = array<i32>} : memref<512x16xf32, #tpu.memory_space<vmem>>, vector<1x16xf32>,
      %slice3A_1546 = vector.extract_strided_slice %get3A_1463 {offsets = [7], sizes = [1], strides = [1]} : vector<16xf32> to vector<1xf32>
      %squeeze3A_1547 = vector.extract %slice3A_1546[0] : f32 from vector<1xf32>
      %broadcast_in_dim3A_1548 = vector.broadcast %squeeze3A_1547 : f32 to vector<16xf32>
      %mul3A_1549 = arith.constant 16 : i32
      %mul3A_1550 = arith.muli %scan3A_1457, %mul3A_1549 : i32
      %add3A_1551 = arith.constant 7 : i32
      %add3A_1552 = arith.addi %mul3A_1550, %add3A_1551 : i32
      %swap3A_1553 = arith.index_cast %add3A_1552 : i32 to index
      %swap3A_1554 = arith.constant 0 : index
      %swap3A_1555 = tpu.vector_load %arg13[%swap3A_1553, %swap3A_1554] {strides = array<i32>} : memref<512x16xf32, #tpu.memory_space<vmem>>, vector<1x16xf32>,
      %swap3A_1556 = vector.shape_cast %swap3A_1555 : vector<1x16xf32> to vector<16xf32>
      %swap3A_1557 = vector.shape_cast %broadcast_in_dim3A_1548 : vector<16xf32> to vector<1x16xf32>
      tpu.vector_store %arg13[%swap3A_1553, %swap3A_1554], %swap3A_1557 {strides = array<i32>} : memref<512x16xf32, #tpu.memory_space<vmem>>, vector<1x16xf32>,
      %slice3A_1558 = vector.extract_strided_slice %get3A_1463 {offsets = [8], sizes = [1], strides = [1]} : vector<16xf32> to vector<1xf32>
      %squeeze3A_1559 = vector.extract %slice3A_1558[0] : f32 from vector<1xf32>
      %broadcast_in_dim3A_1560 = vector.broadcast %squeeze3A_1559 : f32 to vector<16xf32>
      %mul3A_1561 = arith.constant 16 : i32
      %mul3A_1562 = arith.muli %scan3A_1457, %mul3A_1561 : i32
      %add3A_1563 = arith.constant 8 : i32
      %add3A_1564 = arith.addi %mul3A_1562, %add3A_1563 : i32
      %swap3A_1565 = arith.index_cast %add3A_1564 : i32 to index
      %swap3A_1566 = arith.constant 0 : index
      %swap3A_1567 = tpu.vector_load %arg13[%swap3A_1565, %swap3A_1566] {strides = array<i32>} : memref<512x16xf32, #tpu.memory_space<vmem>>, vector<1x16xf32>,
      %swap3A_1568 = vector.shape_cast %swap3A_1567 : vector<1x16xf32> to vector<16xf32>
      %swap3A_1569 = vector.shape_cast %broadcast_in_dim3A_1560 : vector<16xf32> to vector<1x16xf32>
      tpu.vector_store %arg13[%swap3A_1565, %swap3A_1566], %swap3A_1569 {strides = array<i32>} : memref<512x16xf32, #tpu.memory_space<vmem>>, vector<1x16xf32>,
      %slice3A_1570 = vector.extract_strided_slice %get3A_1463 {offsets = [9], sizes = [1], strides = [1]} : vector<16xf32> to vector<1xf32>
      %squeeze3A_1571 = vector.extract %slice3A_1570[0] : f32 from vector<1xf32>
      %broadcast_in_dim3A_1572 = vector.broadcast %squeeze3A_1571 : f32 to vector<16xf32>
      %mul3A_1573 = arith.constant 16 : i32
      %mul3A_1574 = arith.muli %scan3A_1457, %mul3A_1573 : i32
      %add3A_1575 = arith.constant 9 : i32
      %add3A_1576 = arith.addi %mul3A_1574, %add3A_1575 : i32
      %swap3A_1577 = arith.index_cast %add3A_1576 : i32 to index
      %swap3A_1578 = arith.constant 0 : index
      %swap3A_1579 = tpu.vector_load %arg13[%swap3A_1577, %swap3A_1578] {strides = array<i32>} : memref<512x16xf32, #tpu.memory_space<vmem>>, vector<1x16xf32>,
      %swap3A_1580 = vector.shape_cast %swap3A_1579 : vector<1x16xf32> to vector<16xf32>
      %swap3A_1581 = vector.shape_cast %broadcast_in_dim3A_1572 : vector<16xf32> to vector<1x16xf32>
      tpu.vector_store %arg13[%swap3A_1577, %swap3A_1578], %swap3A_1581 {strides = array<i32>} : memref<512x16xf32, #tpu.memory_space<vmem>>, vector<1x16xf32>,
      %slice3A_1582 = vector.extract_strided_slice %get3A_1463 {offsets = [10], sizes = [1], strides = [1]} : vector<16xf32> to vector<1xf32>
      %squeeze3A_1583 = vector.extract %slice3A_1582[0] : f32 from vector<1xf32>
      %broadcast_in_dim3A_1584 = vector.broadcast %squeeze3A_1583 : f32 to vector<16xf32>
      %mul3A_1585 = arith.constant 16 : i32
      %mul3A_1586 = arith.muli %scan3A_1457, %mul3A_1585 : i32
      %add3A_1587 = arith.constant 10 : i32
      %add3A_1588 = arith.addi %mul3A_1586, %add3A_1587 : i32
      %swap3A_1589 = arith.index_cast %add3A_1588 : i32 to index
      %swap3A_1590 = arith.constant 0 : index
      %swap3A_1591 = tpu.vector_load %arg13[%swap3A_1589, %swap3A_1590] {strides = array<i32>} : memref<512x16xf32, #tpu.memory_space<vmem>>, vector<1x16xf32>,
      %swap3A_1592 = vector.shape_cast %swap3A_1591 : vector<1x16xf32> to vector<16xf32>
      %swap3A_1593 = vector.shape_cast %broadcast_in_dim3A_1584 : vector<16xf32> to vector<1x16xf32>
      tpu.vector_store %arg13[%swap3A_1589, %swap3A_1590], %swap3A_1593 {strides = array<i32>} : memref<512x16xf32, #tpu.memory_space<vmem>>, vector<1x16xf32>,
      %slice3A_1594 = vector.extract_strided_slice %get3A_1463 {offsets = [11], sizes = [1], strides = [1]} : vector<16xf32> to vector<1xf32>
      %squeeze3A_1595 = vector.extract %slice3A_1594[0] : f32 from vector<1xf32>
      %broadcast_in_dim3A_1596 = vector.broadcast %squeeze3A_1595 : f32 to vector<16xf32>
      %mul3A_1597 = arith.constant 16 : i32
      %mul3A_1598 = arith.muli %scan3A_1457, %mul3A_1597 : i32
      %add3A_1599 = arith.constant 11 : i32
      %add3A_1600 = arith.addi %mul3A_1598, %add3A_1599 : i32
      %swap3A_1601 = arith.index_cast %add3A_1600 : i32 to index
      %swap3A_1602 = arith.constant 0 : index
      %swap3A_1603 = tpu.vector_load %arg13[%swap3A_1601, %swap3A_1602] {strides = array<i32>} : memref<512x16xf32, #tpu.memory_space<vmem>>, vector<1x16xf32>,
      %swap3A_1604 = vector.shape_cast %swap3A_1603 : vector<1x16xf32> to vector<16xf32>
      %swap3A_1605 = vector.shape_cast %broadcast_in_dim3A_1596 : vector<16xf32> to vector<1x16xf32>
      tpu.vector_store %arg13[%swap3A_1601, %swap3A_1602], %swap3A_1605 {strides = array<i32>} : memref<512x16xf32, #tpu.memory_space<vmem>>, vector<1x16xf32>,
      %slice3A_1606 = vector.extract_strided_slice %get3A_1463 {offsets = [12], sizes = [1], strides = [1]} : vector<16xf32> to vector<1xf32>
      %squeeze3A_1607 = vector.extract %slice3A_1606[0] : f32 from vector<1xf32>
      %broadcast_in_dim3A_1608 = vector.broadcast %squeeze3A_1607 : f32 to vector<16xf32>
      %mul3A_1609 = arith.constant 16 : i32
      %mul3A_1610 = arith.muli %scan3A_1457, %mul3A_1609 : i32
      %add3A_1611 = arith.constant 12 : i32
      %add3A_1612 = arith.addi %mul3A_1610, %add3A_1611 : i32
      %swap3A_1613 = arith.index_cast %add3A_1612 : i32 to index
      %swap3A_1614 = arith.constant 0 : index
      %swap3A_1615 = tpu.vector_load %arg13[%swap3A_1613, %swap3A_1614] {strides = array<i32>} : memref<512x16xf32, #tpu.memory_space<vmem>>, vector<1x16xf32>,
      %swap3A_1616 = vector.shape_cast %swap3A_1615 : vector<1x16xf32> to vector<16xf32>
      %swap3A_1617 = vector.shape_cast %broadcast_in_dim3A_1608 : vector<16xf32> to vector<1x16xf32>
      tpu.vector_store %arg13[%swap3A_1613, %swap3A_1614], %swap3A_1617 {strides = array<i32>} : memref<512x16xf32, #tpu.memory_space<vmem>>, vector<1x16xf32>,
      %slice3A_1618 = vector.extract_strided_slice %get3A_1463 {offsets = [13], sizes = [1], strides = [1]} : vector<16xf32> to vector<1xf32>
      %squeeze3A_1619 = vector.extract %slice3A_1618[0] : f32 from vector<1xf32>
      %broadcast_in_dim3A_1620 = vector.broadcast %squeeze3A_1619 : f32 to vector<16xf32>
      %mul3A_1621 = arith.constant 16 : i32
      %mul3A_1622 = arith.muli %scan3A_1457, %mul3A_1621 : i32
      %add3A_1623 = arith.constant 13 : i32
      %add3A_1624 = arith.addi %mul3A_1622, %add3A_1623 : i32
      %swap3A_1625 = arith.index_cast %add3A_1624 : i32 to index
      %swap3A_1626 = arith.constant 0 : index
      %swap3A_1627 = tpu.vector_load %arg13[%swap3A_1625, %swap3A_1626] {strides = array<i32>} : memref<512x16xf32, #tpu.memory_space<vmem>>, vector<1x16xf32>,
      %swap3A_1628 = vector.shape_cast %swap3A_1627 : vector<1x16xf32> to vector<16xf32>
      %swap3A_1629 = vector.shape_cast %broadcast_in_dim3A_1620 : vector<16xf32> to vector<1x16xf32>
      tpu.vector_store %arg13[%swap3A_1625, %swap3A_1626], %swap3A_1629 {strides = array<i32>} : memref<512x16xf32, #tpu.memory_space<vmem>>, vector<1x16xf32>,
      %slice3A_1630 = vector.extract_strided_slice %get3A_1463 {offsets = [14], sizes = [1], strides = [1]} : vector<16xf32> to vector<1xf32>
      %squeeze3A_1631 = vector.extract %slice3A_1630[0] : f32 from vector<1xf32>
      %broadcast_in_dim3A_1632 = vector.broadcast %squeeze3A_1631 : f32 to vector<16xf32>
      %mul3A_1633 = arith.constant 16 : i32
      %mul3A_1634 = arith.muli %scan3A_1457, %mul3A_1633 : i32
      %add3A_1635 = arith.constant 14 : i32
      %add3A_1636 = arith.addi %mul3A_1634, %add3A_1635 : i32
      %swap3A_1637 = arith.index_cast %add3A_1636 : i32 to index
      %swap3A_1638 = arith.constant 0 : index
      %swap3A_1639 = tpu.vector_load %arg13[%swap3A_1637, %swap3A_1638] {strides = array<i32>} : memref<512x16xf32, #tpu.memory_space<vmem>>, vector<1x16xf32>,
      %swap3A_1640 = vector.shape_cast %swap3A_1639 : vector<1x16xf32> to vector<16xf32>
      %swap3A_1641 = vector.shape_cast %broadcast_in_dim3A_1632 : vector<16xf32> to vector<1x16xf32>
      tpu.vector_store %arg13[%swap3A_1637, %swap3A_1638], %swap3A_1641 {strides = array<i32>} : memref<512x16xf32, #tpu.memory_space<vmem>>, vector<1x16xf32>,
      %slice3A_1642 = vector.extract_strided_slice %get3A_1463 {offsets = [15], sizes = [1], strides = [1]} : vector<16xf32> to vector<1xf32>
      %squeeze3A_1643 = vector.extract %slice3A_1642[0] : f32 from vector<1xf32>
      %broadcast_in_dim3A_1644 = vector.broadcast %squeeze3A_1643 : f32 to vector<16xf32>
      %mul3A_1645 = arith.constant 16 : i32
      %mul3A_1646 = arith.muli %scan3A_1457, %mul3A_1645 : i32
      %add3A_1647 = arith.constant 15 : i32
      %add3A_1648 = arith.addi %mul3A_1646, %add3A_1647 : i32
      %swap3A_1649 = arith.index_cast %add3A_1648 : i32 to index
      %swap3A_1650 = arith.constant 0 : index
      %swap3A_1651 = tpu.vector_load %arg13[%swap3A_1649, %swap3A_1650] {strides = array<i32>} : memref<512x16xf32, #tpu.memory_space<vmem>>, vector<1x16xf32>,
      %swap3A_1652 = vector.shape_cast %swap3A_1651 : vector<1x16xf32> to vector<16xf32>
      %swap3A_1653 = vector.shape_cast %broadcast_in_dim3A_1644 : vector<16xf32> to vector<1x16xf32>
      tpu.vector_store %arg13[%swap3A_1649, %swap3A_1650], %swap3A_1653 {strides = array<i32>} : memref<512x16xf32, #tpu.memory_space<vmem>>, vector<1x16xf32>,
      %scan3A_1654 = arith.constant 0 : i32
      scf.yield %scan3A_1654 : i32
    }
    %scan3A_873 = arith.constant 32 : i32
    %broadcast_in_dim3A_874 = arith.constant 0.000000e+00 : f32
    %broadcast_in_dim3A_875 = vector.broadcast %broadcast_in_dim3A_874 : f32 to vector<16xf32>
    %dma_start3A_876 = arith.constant 1 : i32
    %dma_start3A_877 = arith.constant 0 : i32
    %dma_start3A_878 = arith.constant 0 : i32
    %dma_start3A_879 = tpu.memref_slice %arg15[%dma_start3A_876, %dma_start3A_877, %dma_start3A_878] : memref<2x64x128xf32, #tpu.memory_space<vmem>> -> memref<1x64x128xf32, #tpu.memory_space<vmem>>
    %dma_start3A_880 = tpu.memref_squeeze %dma_start3A_879 : memref<1x64x128xf32, #tpu.memory_space<vmem>> -> memref<64x128xf32, #tpu.memory_space<vmem>>
    %dma_start3A_881 = arith.constant 64 : i32
    %dma_start3A_882 = tpu.memref_slice %arg10[%dma_start3A_881] : memref<512xi32, #tpu.memory_space<vmem>> -> memref<64xi32, #tpu.memory_space<vmem>>
    %dma_start3A_883 = arith.constant 0 : i32
    %dma_start3A_884 = arith.constant 0 : i32
    %dma_start3A_885 = tpu.memref_slice %arg4[%dma_start3A_883, %dma_start3A_884] : memref<100000x128xf32, #tpu.memory_space<hbm>> -> memref<100000x128xf32, #tpu.memory_space<hbm>>
    tpu.enqueue_indirect_dma source(%dma_start3A_885 : memref<100000x128xf32, #tpu.memory_space<hbm>>) target(%dma_start3A_880 : memref<64x128xf32, #tpu.memory_space<vmem>>) offsets(%dma_start3A_882 : memref<64xi32, #tpu.memory_space<vmem>>) semaphore(%arg18 : memref<!tpu.dma_semaphore, #tpu.memory_space<semaphore_mem>>)
    %mul3A_886 = arith.constant 512 : i32
    %mul3A_887 = arith.muli %add3A, %mul3A_886 : i32
    %add3A_888 = arith.constant 64 : i32
    %add3A_889 = arith.addi %mul3A_887, %add3A_888 : i32
    %dma_start3A_890 = arith.constant 1 : i32
    %dma_start3A_891 = arith.constant 0 : i32
    %dma_start3A_892 = arith.constant 0 : i32
    %dma_start3A_893 = tpu.memref_slice %arg14[%dma_start3A_890, %dma_start3A_891, %dma_start3A_892] : memref<2x64x128xf32, #tpu.memory_space<vmem>> -> memref<1x64x128xf32, #tpu.memory_space<vmem>>
    %dma_start3A_894 = tpu.memref_squeeze %dma_start3A_893 : memref<1x64x128xf32, #tpu.memory_space<vmem>> -> memref<64x128xf32, #tpu.memory_space<vmem>>
    %dma_start3A_895 = arith.constant 0 : i32
    %dma_start3A_896 = tpu.memref_slice %arg3[%add3A_889, %dma_start3A_895] : memref<16384x128xf32, #tpu.memory_space<hbm>> -> memref<64x128xf32, #tpu.memory_space<hbm>>
    %dma_start3A_897 = arith.constant 0 : i32
    %dma_start3A_898 = arith.constant 0 : i32
    %dma_start3A_899 = tpu.memref_slice %arg14[%dma_start3A_890, %dma_start3A_897, %dma_start3A_898] : memref<2x64x128xf32, #tpu.memory_space<vmem>> -> memref<1x64x128xf32, #tpu.memory_space<vmem>>
    %dma_start3A_900 = tpu.memref_squeeze %dma_start3A_899 : memref<1x64x128xf32, #tpu.memory_space<vmem>> -> memref<64x128xf32, #tpu.memory_space<vmem>>
    %dma_start3A_901 = arith.constant 0 : i32
    %dma_start3A_902 = tpu.memref_slice %arg3[%add3A_889, %dma_start3A_901] : memref<16384x128xf32, #tpu.memory_space<hbm>> -> memref<64x128xf32, #tpu.memory_space<hbm>>
    tpu.enqueue_dma source(%dma_start3A_902 : memref<64x128xf32, #tpu.memory_space<hbm>>) target(%dma_start3A_900 : memref<64x128xf32, #tpu.memory_space<vmem>>) target_semaphore(%arg20 : memref<!tpu.dma_semaphore, #tpu.memory_space<semaphore_mem>>)
    %dma_wait3A_903 = arith.constant 0 : i32
    %dma_wait3A_904 = arith.constant 0 : i32
    %dma_wait3A_905 = arith.constant 0 : i32
    %dma_wait3A_906 = tpu.memref_slice %arg15[%dma_wait3A_903, %dma_wait3A_904, %dma_wait3A_905] : memref<2x64x128xf32, #tpu.memory_space<vmem>> -> memref<1x64x128xf32, #tpu.memory_space<vmem>>
    %dma_wait3A_907 = tpu.memref_squeeze %dma_wait3A_906 : memref<1x64x128xf32, #tpu.memory_space<vmem>> -> memref<64x128xf32, #tpu.memory_space<vmem>>
    %dma_wait3A_908 = arith.constant 0 : i32
    %dma_wait3A_909 = tpu.memref_slice %arg10[%dma_wait3A_908] : memref<512xi32, #tpu.memory_space<vmem>> -> memref<64xi32, #tpu.memory_space<vmem>>
    %dma_wait3A_910 = arith.constant 0 : i32
    %dma_wait3A_911 = arith.constant 0 : i32
    %dma_wait3A_912 = tpu.memref_slice %arg4[%dma_wait3A_910, %dma_wait3A_911] : memref<100000x128xf32, #tpu.memory_space<hbm>> -> memref<100000x128xf32, #tpu.memory_space<hbm>>
    tpu.wait_indirect_dma semaphore(%arg17 : memref<!tpu.dma_semaphore, #tpu.memory_space<semaphore_mem>>) src(%dma_wait3A_912 : memref<100000x128xf32, #tpu.memory_space<hbm>>) dst(%dma_wait3A_907 : memref<64x128xf32, #tpu.memory_space<vmem>>)
    %dma_wait3A_913 = arith.constant 0 : i32
    %dma_wait3A_914 = arith.constant 0 : i32
    %dma_wait3A_915 = arith.constant 0 : i32
    %dma_wait3A_916 = tpu.memref_slice %arg14[%dma_wait3A_913, %dma_wait3A_914, %dma_wait3A_915] : memref<2x64x128xf32, #tpu.memory_space<vmem>> -> memref<1x64x128xf32, #tpu.memory_space<vmem>>
    %dma_wait3A_917 = tpu.memref_squeeze %dma_wait3A_916 : memref<1x64x128xf32, #tpu.memory_space<vmem>> -> memref<64x128xf32, #tpu.memory_space<vmem>>
    %dma_wait3A_918 = arith.constant 0 : i32
    %dma_wait3A_919 = tpu.memref_slice %arg3[%mul3A_13, %dma_wait3A_918] : memref<16384x128xf32, #tpu.memory_space<hbm>> -> memref<64x128xf32, #tpu.memory_space<hbm>>
    %dma_wait3A_920 = arith.constant 0 : i32
    %dma_wait3A_921 = arith.constant 0 : i32
    %dma_wait3A_922 = tpu.memref_slice %arg14[%dma_wait3A_913, %dma_wait3A_920, %dma_wait3A_921] : memref<2x64x128xf32, #tpu.memory_space<vmem>> -> memref<1x64x128xf32, #tpu.memory_space<vmem>>
    %dma_wait3A_923 = tpu.memref_squeeze %dma_wait3A_922 : memref<1x64x128xf32, #tpu.memory_space<vmem>> -> memref<64x128xf32, #tpu.memory_space<vmem>>
    %dma_wait3A_924 = arith.constant 0 : i32
    %dma_wait3A_925 = tpu.memref_slice %arg3[%mul3A_13, %dma_wait3A_924] : memref<16384x128xf32, #tpu.memory_space<hbm>> -> memref<64x128xf32, #tpu.memory_space<hbm>>
    tpu.wait_dma2 semaphore(%arg19 : memref<!tpu.dma_semaphore, #tpu.memory_space<semaphore_mem>>) src(%dma_wait3A_925 : memref<64x128xf32, #tpu.memory_space<hbm>>) dst(%dma_wait3A_923 : memref<64x128xf32, #tpu.memory_space<vmem>>)
    %scan3A_926 = arith.constant 0 : i32
    %scan3A_927 = arith.constant 64 : i32
    %scan3A_928 = arith.addi %scan3A_926, %scan3A_927 : i32
    %scan3A_929 = arith.constant 1 : i32
    %scan3A_930:40 = scf.for %scan3A_1457 = %scan3A_926 to %scan3A_928 step %scan3A_929 iter_args(%scan3A_1458 = %broadcast_in_dim3A_875, %scan3A_1459 = %broadcast_in_dim3A_875, %scan3A_1460 = %broadcast_in_dim3A_875, %scan3A_1461 = %broadcast_in_dim3A_875, %scan3A_1462 = %broadcast_in_dim3A_875, %scan3A_1463 = %broadcast_in_dim3A_875, %scan3A_1464 = %broadcast_in_dim3A_875, %scan3A_1465 = %broadcast_in_dim3A_875, %scan3A_1466 = %broadcast_in_dim3A_875, %scan3A_1467 = %broadcast_in_dim3A_875, %scan3A_1468 = %broadcast_in_dim3A_875, %scan3A_1469 = %broadcast_in_dim3A_875, %scan3A_1470 = %broadcast_in_dim3A_875, %scan3A_1471 = %broadcast_in_dim3A_875, %scan3A_1472 = %broadcast_in_dim3A_875, %scan3A_1473 = %broadcast_in_dim3A_875, %scan3A_1474 = %broadcast_in_dim3A_875, %scan3A_1475 = %broadcast_in_dim3A_875, %scan3A_1476 = %broadcast_in_dim3A_875, %scan3A_1477 = %broadcast_in_dim3A_875, %scan3A_1478 = %broadcast_in_dim3A_875, %scan3A_1479 = %broadcast_in_dim3A_875, %scan3A_1480 = %broadcast_in_dim3A_875, %scan3A_1481 = %broadcast_in_dim3A_875, %scan3A_1482 = %broadcast_in_dim3A_875, %scan3A_1483 = %broadcast_in_dim3A_875, %scan3A_1484 = %broadcast_in_dim3A_875, %scan3A_1485 = %broadcast_in_dim3A_875, %scan3A_1486 = %broadcast_in_dim3A_875, %scan3A_1487 = %broadcast_in_dim3A_875, %scan3A_1488 = %broadcast_in_dim3A_875, %scan3A_1489 = %broadcast_in_dim3A_875, %scan3A_1490 = %broadcast_in_dim3A_875, %scan3A_1491 = %broadcast_in_dim3A_875, %scan3A_1492 = %broadcast_in_dim3A_875, %scan3A_1493 = %broadcast_in_dim3A_875, %scan3A_1494 = %broadcast_in_dim3A_875, %scan3A_1495 = %broadcast_in_dim3A_875, %scan3A_1496 = %broadcast_in_dim3A_875, %scan3A_1497 = %broadcast_in_dim3A_875) -> (vector<16xf32>, vector<16xf32>, vector<16xf32>, vector<16xf32>, vector<16xf32>, vector<16xf32>, vector<16xf32>, vector<16xf32>, vector<16xf32>, vector<16xf32>, vector<16xf32>, vector<16xf32>, vector<16xf32>, vector<16xf32>, vector<16xf32>, vector<16xf32>, vector<16xf32>, vector<16xf32>, vector<16xf32>, vector<16xf32>, vector<16xf32>, vector<16xf32>, vector<16xf32>, vector<16xf32>, vector<16xf32>, vector<16xf32>, vector<16xf32>, vector<16xf32>, vector<16xf32>, vector<16xf32>, vector<16xf32>, vector<16xf32>, vector<16xf32>, vector<16xf32>, vector<16xf32>, vector<16xf32>, vector<16xf32>, vector<16xf32>, vector<16xf32>, vector<16xf32>)  : i32 {
      %add3A_1498 = arith.constant 0 : i32
      %add3A_1499 = arith.addi %add3A_1498, %scan3A_1457 : i32
      %get3A_1500 = arith.index_cast %add3A_1499 : i32 to index
      %get3A_1501 = arith.constant 0 : index
      %get3A_1502 = tpu.vector_load %arg13[%get3A_1500, %get3A_1501] {strides = array<i32>} : memref<512x16xf32, #tpu.memory_space<vmem>>, vector<1x16xf32>,
      %get3A_1503 = vector.shape_cast %get3A_1502 : vector<1x16xf32> to vector<16xf32>
      %get3A_1504 = arith.constant 0 : i32
      %get3A_1505 = arith.index_cast %get3A_1504 : i32 to index
      %get3A_1506 = arith.index_cast %scan3A_1457 : i32 to index
      %get3A_1507 = arith.constant 0 : index
      %get3A_1508 = tpu.vector_load %arg14[%get3A_1505, %get3A_1506, %get3A_1507] {strides = array<i32>} : memref<2x64x128xf32, #tpu.memory_space<vmem>>, vector<1x1x16xf32>,
      %get3A_1509 = vector.shape_cast %get3A_1508 : vector<1x1x16xf32> to vector<16xf32>
      %get3A_1510 = arith.constant 0 : i32
      %get3A_1511 = arith.index_cast %get3A_1510 : i32 to index
      %get3A_1512 = arith.index_cast %scan3A_1457 : i32 to index
      %get3A_1513 = arith.constant 0 : index
      %get3A_1514 = tpu.vector_load %arg15[%get3A_1511, %get3A_1512, %get3A_1513] {strides = array<i32>} : memref<2x64x128xf32, #tpu.memory_space<vmem>>, vector<1x1x16xf32>,
      %get3A_1515 = vector.shape_cast %get3A_1514 : vector<1x1x16xf32> to vector<16xf32>
      %mul3A_1516 = arith.mulf %get3A_1509, %get3A_1509 : vector<16xf32>
      %mul3A_1517 = arith.mulf %get3A_1515, %get3A_1515 : vector<16xf32>
      %mul3A_1518 = arith.mulf %get3A_1509, %get3A_1515 : vector<16xf32>
      %mul3A_1519 = arith.mulf %get3A_1503, %mul3A_1516 : vector<16xf32>
      %add3A_1520 = arith.addf %scan3A_1458, %mul3A_1519 : vector<16xf32>
      %mul3A_1521 = arith.mulf %get3A_1503, %mul3A_1518 : vector<16xf32>
      %add3A_1522 = arith.addf %scan3A_1459, %mul3A_1521 : vector<16xf32>
      %mul3A_1523 = arith.mulf %get3A_1503, %mul3A_1517 : vector<16xf32>
      %add3A_1524 = arith.addf %scan3A_1460, %mul3A_1523 : vector<16xf32>
      %add3A_1525 = arith.addf %scan3A_1461, %mul3A_1516 : vector<16xf32>
      %add3A_1526 = arith.addf %scan3A_1462, %mul3A_1517 : vector<16xf32>
      %get3A_1527 = arith.constant 0 : i32
      %get3A_1528 = arith.index_cast %get3A_1527 : i32 to index
      %get3A_1529 = arith.index_cast %scan3A_1457 : i32 to index
      %get3A_1530 = arith.constant 16 : index
      %get3A_1531 = tpu.vector_load %arg14[%get3A_1528, %get3A_1529, %get3A_1530] {strides = array<i32>} : memref<2x64x128xf32, #tpu.memory_space<vmem>>, vector<1x1x16xf32>,
      %get3A_1532 = vector.shape_cast %get3A_1531 : vector<1x1x16xf32> to vector<16xf32>
      %get3A_1533 = arith.constant 0 : i32
      %get3A_1534 = arith.index_cast %get3A_1533 : i32 to index
      %get3A_1535 = arith.index_cast %scan3A_1457 : i32 to index
      %get3A_1536 = arith.constant 16 : index
      %get3A_1537 = tpu.vector_load %arg15[%get3A_1534, %get3A_1535, %get3A_1536] {strides = array<i32>} : memref<2x64x128xf32, #tpu.memory_space<vmem>>, vector<1x1x16xf32>,
      %get3A_1538 = vector.shape_cast %get3A_1537 : vector<1x1x16xf32> to vector<16xf32>
      %mul3A_1539 = arith.mulf %get3A_1532, %get3A_1532 : vector<16xf32>
      %mul3A_1540 = arith.mulf %get3A_1538, %get3A_1538 : vector<16xf32>
      %mul3A_1541 = arith.mulf %get3A_1532, %get3A_1538 : vector<16xf32>
      %mul3A_1542 = arith.mulf %get3A_1503, %mul3A_1539 : vector<16xf32>
      %add3A_1543 = arith.addf %scan3A_1463, %mul3A_1542 : vector<16xf32>
      %mul3A_1544 = arith.mulf %get3A_1503, %mul3A_1541 : vector<16xf32>
      %add3A_1545 = arith.addf %scan3A_1464, %mul3A_1544 : vector<16xf32>
      %mul3A_1546 = arith.mulf %get3A_1503, %mul3A_1540 : vector<16xf32>
      %add3A_1547 = arith.addf %scan3A_1465, %mul3A_1546 : vector<16xf32>
      %add3A_1548 = arith.addf %scan3A_1466, %mul3A_1539 : vector<16xf32>
      %add3A_1549 = arith.addf %scan3A_1467, %mul3A_1540 : vector<16xf32>
      %get3A_1550 = arith.constant 0 : i32
      %get3A_1551 = arith.index_cast %get3A_1550 : i32 to index
      %get3A_1552 = arith.index_cast %scan3A_1457 : i32 to index
      %get3A_1553 = arith.constant 32 : index
      %get3A_1554 = tpu.vector_load %arg14[%get3A_1551, %get3A_1552, %get3A_1553] {strides = array<i32>} : memref<2x64x128xf32, #tpu.memory_space<vmem>>, vector<1x1x16xf32>,
      %get3A_1555 = vector.shape_cast %get3A_1554 : vector<1x1x16xf32> to vector<16xf32>
      %get3A_1556 = arith.constant 0 : i32
      %get3A_1557 = arith.index_cast %get3A_1556 : i32 to index
      %get3A_1558 = arith.index_cast %scan3A_1457 : i32 to index
      %get3A_1559 = arith.constant 32 : index
      %get3A_1560 = tpu.vector_load %arg15[%get3A_1557, %get3A_1558, %get3A_1559] {strides = array<i32>} : memref<2x64x128xf32, #tpu.memory_space<vmem>>, vector<1x1x16xf32>,
      %get3A_1561 = vector.shape_cast %get3A_1560 : vector<1x1x16xf32> to vector<16xf32>
      %mul3A_1562 = arith.mulf %get3A_1555, %get3A_1555 : vector<16xf32>
      %mul3A_1563 = arith.mulf %get3A_1561, %get3A_1561 : vector<16xf32>
      %mul3A_1564 = arith.mulf %get3A_1555, %get3A_1561 : vector<16xf32>
      %mul3A_1565 = arith.mulf %get3A_1503, %mul3A_1562 : vector<16xf32>
      %add3A_1566 = arith.addf %scan3A_1468, %mul3A_1565 : vector<16xf32>
      %mul3A_1567 = arith.mulf %get3A_1503, %mul3A_1564 : vector<16xf32>
      %add3A_1568 = arith.addf %scan3A_1469, %mul3A_1567 : vector<16xf32>
      %mul3A_1569 = arith.mulf %get3A_1503, %mul3A_1563 : vector<16xf32>
      %add3A_1570 = arith.addf %scan3A_1470, %mul3A_1569 : vector<16xf32>
      %add3A_1571 = arith.addf %scan3A_1471, %mul3A_1562 : vector<16xf32>
      %add3A_1572 = arith.addf %scan3A_1472, %mul3A_1563 : vector<16xf32>
      %get3A_1573 = arith.constant 0 : i32
      %get3A_1574 = arith.index_cast %get3A_1573 : i32 to index
      %get3A_1575 = arith.index_cast %scan3A_1457 : i32 to index
      %get3A_1576 = arith.constant 48 : index
      %get3A_1577 = tpu.vector_load %arg14[%get3A_1574, %get3A_1575, %get3A_1576] {strides = array<i32>} : memref<2x64x128xf32, #tpu.memory_space<vmem>>, vector<1x1x16xf32>,
      %get3A_1578 = vector.shape_cast %get3A_1577 : vector<1x1x16xf32> to vector<16xf32>
      %get3A_1579 = arith.constant 0 : i32
      %get3A_1580 = arith.index_cast %get3A_1579 : i32 to index
      %get3A_1581 = arith.index_cast %scan3A_1457 : i32 to index
      %get3A_1582 = arith.constant 48 : index
      %get3A_1583 = tpu.vector_load %arg15[%get3A_1580, %get3A_1581, %get3A_1582] {strides = array<i32>} : memref<2x64x128xf32, #tpu.memory_space<vmem>>, vector<1x1x16xf32>,
      %get3A_1584 = vector.shape_cast %get3A_1583 : vector<1x1x16xf32> to vector<16xf32>
      %mul3A_1585 = arith.mulf %get3A_1578, %get3A_1578 : vector<16xf32>
      %mul3A_1586 = arith.mulf %get3A_1584, %get3A_1584 : vector<16xf32>
      %mul3A_1587 = arith.mulf %get3A_1578, %get3A_1584 : vector<16xf32>
      %mul3A_1588 = arith.mulf %get3A_1503, %mul3A_1585 : vector<16xf32>
      %add3A_1589 = arith.addf %scan3A_1473, %mul3A_1588 : vector<16xf32>
      %mul3A_1590 = arith.mulf %get3A_1503, %mul3A_1587 : vector<16xf32>
      %add3A_1591 = arith.addf %scan3A_1474, %mul3A_1590 : vector<16xf32>
      %mul3A_1592 = arith.mulf %get3A_1503, %mul3A_1586 : vector<16xf32>
      %add3A_1593 = arith.addf %scan3A_1475, %mul3A_1592 : vector<16xf32>
      %add3A_1594 = arith.addf %scan3A_1476, %mul3A_1585 : vector<16xf32>
      %add3A_1595 = arith.addf %scan3A_1477, %mul3A_1586 : vector<16xf32>
      %get3A_1596 = arith.constant 0 : i32
      %get3A_1597 = arith.index_cast %get3A_1596 : i32 to index
      %get3A_1598 = arith.index_cast %scan3A_1457 : i32 to index
      %get3A_1599 = arith.constant 64 : index
      %get3A_1600 = tpu.vector_load %arg14[%get3A_1597, %get3A_1598, %get3A_1599] {strides = array<i32>} : memref<2x64x128xf32, #tpu.memory_space<vmem>>, vector<1x1x16xf32>,
      %get3A_1601 = vector.shape_cast %get3A_1600 : vector<1x1x16xf32> to vector<16xf32>
      %get3A_1602 = arith.constant 0 : i32
      %get3A_1603 = arith.index_cast %get3A_1602 : i32 to index
      %get3A_1604 = arith.index_cast %scan3A_1457 : i32 to index
      %get3A_1605 = arith.constant 64 : index
      %get3A_1606 = tpu.vector_load %arg15[%get3A_1603, %get3A_1604, %get3A_1605] {strides = array<i32>} : memref<2x64x128xf32, #tpu.memory_space<vmem>>, vector<1x1x16xf32>,
      %get3A_1607 = vector.shape_cast %get3A_1606 : vector<1x1x16xf32> to vector<16xf32>
      %mul3A_1608 = arith.mulf %get3A_1601, %get3A_1601 : vector<16xf32>
      %mul3A_1609 = arith.mulf %get3A_1607, %get3A_1607 : vector<16xf32>
      %mul3A_1610 = arith.mulf %get3A_1601, %get3A_1607 : vector<16xf32>
      %mul3A_1611 = arith.mulf %get3A_1503, %mul3A_1608 : vector<16xf32>
      %add3A_1612 = arith.addf %scan3A_1478, %mul3A_1611 : vector<16xf32>
      %mul3A_1613 = arith.mulf %get3A_1503, %mul3A_1610 : vector<16xf32>
      %add3A_1614 = arith.addf %scan3A_1479, %mul3A_1613 : vector<16xf32>
      %mul3A_1615 = arith.mulf %get3A_1503, %mul3A_1609 : vector<16xf32>
      %add3A_1616 = arith.addf %scan3A_1480, %mul3A_1615 : vector<16xf32>
      %add3A_1617 = arith.addf %scan3A_1481, %mul3A_1608 : vector<16xf32>
      %add3A_1618 = arith.addf %scan3A_1482, %mul3A_1609 : vector<16xf32>
      %get3A_1619 = arith.constant 0 : i32
      %get3A_1620 = arith.index_cast %get3A_1619 : i32 to index
      %get3A_1621 = arith.index_cast %scan3A_1457 : i32 to index
      %get3A_1622 = arith.constant 80 : index
      %get3A_1623 = tpu.vector_load %arg14[%get3A_1620, %get3A_1621, %get3A_1622] {strides = array<i32>} : memref<2x64x128xf32, #tpu.memory_space<vmem>>, vector<1x1x16xf32>,
      %get3A_1624 = vector.shape_cast %get3A_1623 : vector<1x1x16xf32> to vector<16xf32>
      %get3A_1625 = arith.constant 0 : i32
      %get3A_1626 = arith.index_cast %get3A_1625 : i32 to index
      %get3A_1627 = arith.index_cast %scan3A_1457 : i32 to index
      %get3A_1628 = arith.constant 80 : index
      %get3A_1629 = tpu.vector_load %arg15[%get3A_1626, %get3A_1627, %get3A_1628] {strides = array<i32>} : memref<2x64x128xf32, #tpu.memory_space<vmem>>, vector<1x1x16xf32>,
      %get3A_1630 = vector.shape_cast %get3A_1629 : vector<1x1x16xf32> to vector<16xf32>
      %mul3A_1631 = arith.mulf %get3A_1624, %get3A_1624 : vector<16xf32>
      %mul3A_1632 = arith.mulf %get3A_1630, %get3A_1630 : vector<16xf32>
      %mul3A_1633 = arith.mulf %get3A_1624, %get3A_1630 : vector<16xf32>
      %mul3A_1634 = arith.mulf %get3A_1503, %mul3A_1631 : vector<16xf32>
      %add3A_1635 = arith.addf %scan3A_1483, %mul3A_1634 : vector<16xf32>
      %mul3A_1636 = arith.mulf %get3A_1503, %mul3A_1633 : vector<16xf32>
      %add3A_1637 = arith.addf %scan3A_1484, %mul3A_1636 : vector<16xf32>
      %mul3A_1638 = arith.mulf %get3A_1503, %mul3A_1632 : vector<16xf32>
      %add3A_1639 = arith.addf %scan3A_1485, %mul3A_1638 : vector<16xf32>
      %add3A_1640 = arith.addf %scan3A_1486, %mul3A_1631 : vector<16xf32>
      %add3A_1641 = arith.addf %scan3A_1487, %mul3A_1632 : vector<16xf32>
      %get3A_1642 = arith.constant 0 : i32
      %get3A_1643 = arith.index_cast %get3A_1642 : i32 to index
      %get3A_1644 = arith.index_cast %scan3A_1457 : i32 to index
      %get3A_1645 = arith.constant 96 : index
      %get3A_1646 = tpu.vector_load %arg14[%get3A_1643, %get3A_1644, %get3A_1645] {strides = array<i32>} : memref<2x64x128xf32, #tpu.memory_space<vmem>>, vector<1x1x16xf32>,
      %get3A_1647 = vector.shape_cast %get3A_1646 : vector<1x1x16xf32> to vector<16xf32>
      %get3A_1648 = arith.constant 0 : i32
      %get3A_1649 = arith.index_cast %get3A_1648 : i32 to index
      %get3A_1650 = arith.index_cast %scan3A_1457 : i32 to index
      %get3A_1651 = arith.constant 96 : index
      %get3A_1652 = tpu.vector_load %arg15[%get3A_1649, %get3A_1650, %get3A_1651] {strides = array<i32>} : memref<2x64x128xf32, #tpu.memory_space<vmem>>, vector<1x1x16xf32>,
      %get3A_1653 = vector.shape_cast %get3A_1652 : vector<1x1x16xf32> to vector<16xf32>
      %mul3A_1654 = arith.mulf %get3A_1647, %get3A_1647 : vector<16xf32>
      %mul3A_1655 = arith.mulf %get3A_1653, %get3A_1653 : vector<16xf32>
      %mul3A_1656 = arith.mulf %get3A_1647, %get3A_1653 : vector<16xf32>
      %mul3A_1657 = arith.mulf %get3A_1503, %mul3A_1654 : vector<16xf32>
      %add3A_1658 = arith.addf %scan3A_1488, %mul3A_1657 : vector<16xf32>
      %mul3A_1659 = arith.mulf %get3A_1503, %mul3A_1656 : vector<16xf32>
      %add3A_1660 = arith.addf %scan3A_1489, %mul3A_1659 : vector<16xf32>
      %mul3A_1661 = arith.mulf %get3A_1503, %mul3A_1655 : vector<16xf32>
      %add3A_1662 = arith.addf %scan3A_1490, %mul3A_1661 : vector<16xf32>
      %add3A_1663 = arith.addf %scan3A_1491, %mul3A_1654 : vector<16xf32>
      %add3A_1664 = arith.addf %scan3A_1492, %mul3A_1655 : vector<16xf32>
      %get3A_1665 = arith.constant 0 : i32
      %get3A_1666 = arith.index_cast %get3A_1665 : i32 to index
      %get3A_1667 = arith.index_cast %scan3A_1457 : i32 to index
      %get3A_1668 = arith.constant 112 : index
      %get3A_1669 = tpu.vector_load %arg14[%get3A_1666, %get3A_1667, %get3A_1668] {strides = array<i32>} : memref<2x64x128xf32, #tpu.memory_space<vmem>>, vector<1x1x16xf32>,
      %get3A_1670 = vector.shape_cast %get3A_1669 : vector<1x1x16xf32> to vector<16xf32>
      %get3A_1671 = arith.constant 0 : i32
      %get3A_1672 = arith.index_cast %get3A_1671 : i32 to index
      %get3A_1673 = arith.index_cast %scan3A_1457 : i32 to index
      %get3A_1674 = arith.constant 112 : index
      %get3A_1675 = tpu.vector_load %arg15[%get3A_1672, %get3A_1673, %get3A_1674] {strides = array<i32>} : memref<2x64x128xf32, #tpu.memory_space<vmem>>, vector<1x1x16xf32>,
      %get3A_1676 = vector.shape_cast %get3A_1675 : vector<1x1x16xf32> to vector<16xf32>
      %mul3A_1677 = arith.mulf %get3A_1670, %get3A_1670 : vector<16xf32>
      %mul3A_1678 = arith.mulf %get3A_1676, %get3A_1676 : vector<16xf32>
      %mul3A_1679 = arith.mulf %get3A_1670, %get3A_1676 : vector<16xf32>
      %mul3A_1680 = arith.mulf %get3A_1503, %mul3A_1677 : vector<16xf32>
      %add3A_1681 = arith.addf %scan3A_1493, %mul3A_1680 : vector<16xf32>
      %mul3A_1682 = arith.mulf %get3A_1503, %mul3A_1679 : vector<16xf32>
      %add3A_1683 = arith.addf %scan3A_1494, %mul3A_1682 : vector<16xf32>
      %mul3A_1684 = arith.mulf %get3A_1503, %mul3A_1678 : vector<16xf32>
      %add3A_1685 = arith.addf %scan3A_1495, %mul3A_1684 : vector<16xf32>
      %add3A_1686 = arith.addf %scan3A_1496, %mul3A_1677 : vector<16xf32>
      %add3A_1687 = arith.addf %scan3A_1497, %mul3A_1678 : vector<16xf32>
      scf.yield %add3A_1520, %add3A_1522, %add3A_1524, %add3A_1525, %add3A_1526, %add3A_1543, %add3A_1545, %add3A_1547, %add3A_1548, %add3A_1549, %add3A_1566, %add3A_1568, %add3A_1570, %add3A_1571, %add3A_1572, %add3A_1589, %add3A_1591, %add3A_1593, %add3A_1594, %add3A_1595, %add3A_1612, %add3A_1614, %add3A_1616, %add3A_1617, %add3A_1618, %add3A_1635, %add3A_1637, %add3A_1639, %add3A_1640, %add3A_1641, %add3A_1658, %add3A_1660, %add3A_1662, %add3A_1663, %add3A_1664, %add3A_1681, %add3A_1683, %add3A_1685, %add3A_1686, %add3A_1687 : vector<16xf32>, vector<16xf32>, vector<16xf32>, vector<16xf32>, vector<16xf32>, vector<16xf32>, vector<16xf32>, vector<16xf32>, vector<16xf32>, vector<16xf32>, vector<16xf32>, vector<16xf32>, vector<16xf32>, vector<16xf32>, vector<16xf32>, vector<16xf32>, vector<16xf32>, vector<16xf32>, vector<16xf32>, vector<16xf32>, vector<16xf32>, vector<16xf32>, vector<16xf32>, vector<16xf32>, vector<16xf32>, vector<16xf32>, vector<16xf32>, vector<16xf32>, vector<16xf32>, vector<16xf32>, vector<16xf32>, vector<16xf32>, vector<16xf32>, vector<16xf32>, vector<16xf32>, vector<16xf32>, vector<16xf32>, vector<16xf32>, vector<16xf32>, vector<16xf32>
    }
    %scan3A_931 = arith.constant 64 : i32
    %dma_start3A_932 = arith.constant 0 : i32
    %dma_start3A_933 = arith.constant 0 : i32
    %dma_start3A_934 = arith.constant 0 : i32
    %dma_start3A_935 = tpu.memref_slice %arg15[%dma_start3A_932, %dma_start3A_933, %dma_start3A_934] : memref<2x64x128xf32, #tpu.memory_space<vmem>> -> memref<1x64x128xf32, #tpu.memory_space<vmem>>
    %dma_start3A_936 = tpu.memref_squeeze %dma_start3A_935 : memref<1x64x128xf32, #tpu.memory_space<vmem>> -> memref<64x128xf32, #tpu.memory_space<vmem>>
    %dma_start3A_937 = arith.constant 128 : i32
    %dma_start3A_938 = tpu.memref_slice %arg10[%dma_start3A_937] : memref<512xi32, #tpu.memory_space<vmem>> -> memref<64xi32, #tpu.memory_space<vmem>>
    %dma_start3A_939 = arith.constant 0 : i32
    %dma_start3A_940 = arith.constant 0 : i32
    %dma_start3A_941 = tpu.memref_slice %arg4[%dma_start3A_939, %dma_start3A_940] : memref<100000x128xf32, #tpu.memory_space<hbm>> -> memref<100000x128xf32, #tpu.memory_space<hbm>>
    tpu.enqueue_indirect_dma source(%dma_start3A_941 : memref<100000x128xf32, #tpu.memory_space<hbm>>) target(%dma_start3A_936 : memref<64x128xf32, #tpu.memory_space<vmem>>) offsets(%dma_start3A_938 : memref<64xi32, #tpu.memory_space<vmem>>) semaphore(%arg17 : memref<!tpu.dma_semaphore, #tpu.memory_space<semaphore_mem>>)
    %mul3A_942 = arith.constant 512 : i32
    %mul3A_943 = arith.muli %add3A, %mul3A_942 : i32
    %add3A_944 = arith.constant 128 : i32
    %add3A_945 = arith.addi %mul3A_943, %add3A_944 : i32
    %dma_start3A_946 = arith.constant 0 : i32
    %dma_start3A_947 = arith.constant 0 : i32
    %dma_start3A_948 = arith.constant 0 : i32
    %dma_start3A_949 = tpu.memref_slice %arg14[%dma_start3A_946, %dma_start3A_947, %dma_start3A_948] : memref<2x64x128xf32, #tpu.memory_space<vmem>> -> memref<1x64x128xf32, #tpu.memory_space<vmem>>
    %dma_start3A_950 = tpu.memref_squeeze %dma_start3A_949 : memref<1x64x128xf32, #tpu.memory_space<vmem>> -> memref<64x128xf32, #tpu.memory_space<vmem>>
    %dma_start3A_951 = arith.constant 0 : i32
    %dma_start3A_952 = tpu.memref_slice %arg3[%add3A_945, %dma_start3A_951] : memref<16384x128xf32, #tpu.memory_space<hbm>> -> memref<64x128xf32, #tpu.memory_space<hbm>>
    %dma_start3A_953 = arith.constant 0 : i32
    %dma_start3A_954 = arith.constant 0 : i32
    %dma_start3A_955 = tpu.memref_slice %arg14[%dma_start3A_946, %dma_start3A_953, %dma_start3A_954] : memref<2x64x128xf32, #tpu.memory_space<vmem>> -> memref<1x64x128xf32, #tpu.memory_space<vmem>>
    %dma_start3A_956 = tpu.memref_squeeze %dma_start3A_955 : memref<1x64x128xf32, #tpu.memory_space<vmem>> -> memref<64x128xf32, #tpu.memory_space<vmem>>
    %dma_start3A_957 = arith.constant 0 : i32
    %dma_start3A_958 = tpu.memref_slice %arg3[%add3A_945, %dma_start3A_957] : memref<16384x128xf32, #tpu.memory_space<hbm>> -> memref<64x128xf32, #tpu.memory_space<hbm>>
    tpu.enqueue_dma source(%dma_start3A_958 : memref<64x128xf32, #tpu.memory_space<hbm>>) target(%dma_start3A_956 : memref<64x128xf32, #tpu.memory_space<vmem>>) target_semaphore(%arg19 : memref<!tpu.dma_semaphore, #tpu.memory_space<semaphore_mem>>)
    %dma_wait3A_959 = arith.constant 1 : i32
    %dma_wait3A_960 = arith.constant 0 : i32
    %dma_wait3A_961 = arith.constant 0 : i32
    %dma_wait3A_962 = tpu.memref_slice %arg15[%dma_wait3A_959, %dma_wait3A_960, %dma_wait3A_961] : memref<2x64x128xf32, #tpu.memory_space<vmem>> -> memref<1x64x128xf32, #tpu.memory_space<vmem>>
    %dma_wait3A_963 = tpu.memref_squeeze %dma_wait3A_962 : memref<1x64x128xf32, #tpu.memory_space<vmem>> -> memref<64x128xf32, #tpu.memory_space<vmem>>
    %dma_wait3A_964 = arith.constant 64 : i32
    %dma_wait3A_965 = tpu.memref_slice %arg10[%dma_wait3A_964] : memref<512xi32, #tpu.memory_space<vmem>> -> memref<64xi32, #tpu.memory_space<vmem>>
    %dma_wait3A_966 = arith.constant 0 : i32
    %dma_wait3A_967 = arith.constant 0 : i32
    %dma_wait3A_968 = tpu.memref_slice %arg4[%dma_wait3A_966, %dma_wait3A_967] : memref<100000x128xf32, #tpu.memory_space<hbm>> -> memref<100000x128xf32, #tpu.memory_space<hbm>>
    tpu.wait_indirect_dma semaphore(%arg18 : memref<!tpu.dma_semaphore, #tpu.memory_space<semaphore_mem>>) src(%dma_wait3A_968 : memref<100000x128xf32, #tpu.memory_space<hbm>>) dst(%dma_wait3A_963 : memref<64x128xf32, #tpu.memory_space<vmem>>)
    %dma_wait3A_969 = arith.constant 1 : i32
    %dma_wait3A_970 = arith.constant 0 : i32
    %dma_wait3A_971 = arith.constant 0 : i32
    %dma_wait3A_972 = tpu.memref_slice %arg14[%dma_wait3A_969, %dma_wait3A_970, %dma_wait3A_971] : memref<2x64x128xf32, #tpu.memory_space<vmem>> -> memref<1x64x128xf32, #tpu.memory_space<vmem>>
    %dma_wait3A_973 = tpu.memref_squeeze %dma_wait3A_972 : memref<1x64x128xf32, #tpu.memory_space<vmem>> -> memref<64x128xf32, #tpu.memory_space<vmem>>
    %dma_wait3A_974 = arith.constant 0 : i32
    %dma_wait3A_975 = tpu.memref_slice %arg3[%add3A_889, %dma_wait3A_974] : memref<16384x128xf32, #tpu.memory_space<hbm>> -> memref<64x128xf32, #tpu.memory_space<hbm>>
    %dma_wait3A_976 = arith.constant 0 : i32
    %dma_wait3A_977 = arith.constant 0 : i32
    %dma_wait3A_978 = tpu.memref_slice %arg14[%dma_wait3A_969, %dma_wait3A_976, %dma_wait3A_977] : memref<2x64x128xf32, #tpu.memory_space<vmem>> -> memref<1x64x128xf32, #tpu.memory_space<vmem>>
    %dma_wait3A_979 = tpu.memref_squeeze %dma_wait3A_978 : memref<1x64x128xf32, #tpu.memory_space<vmem>> -> memref<64x128xf32, #tpu.memory_space<vmem>>
    %dma_wait3A_980 = arith.constant 0 : i32
    %dma_wait3A_981 = tpu.memref_slice %arg3[%add3A_889, %dma_wait3A_980] : memref<16384x128xf32, #tpu.memory_space<hbm>> -> memref<64x128xf32, #tpu.memory_space<hbm>>
    tpu.wait_dma2 semaphore(%arg20 : memref<!tpu.dma_semaphore, #tpu.memory_space<semaphore_mem>>) src(%dma_wait3A_981 : memref<64x128xf32, #tpu.memory_space<hbm>>) dst(%dma_wait3A_979 : memref<64x128xf32, #tpu.memory_space<vmem>>)
    %scan3A_982 = arith.constant 0 : i32
    %scan3A_983 = arith.constant 64 : i32
    %scan3A_984 = arith.addi %scan3A_982, %scan3A_983 : i32
    %scan3A_985 = arith.constant 1 : i32
    %scan3A_986:40 = scf.for %scan3A_1457 = %scan3A_982 to %scan3A_984 step %scan3A_985 iter_args(%scan3A_1458 = %scan3A_930#0, %scan3A_1459 = %scan3A_930#1, %scan3A_1460 = %scan3A_930#2, %scan3A_1461 = %scan3A_930#3, %scan3A_1462 = %scan3A_930#4, %scan3A_1463 = %scan3A_930#5, %scan3A_1464 = %scan3A_930#6, %scan3A_1465 = %scan3A_930#7, %scan3A_1466 = %scan3A_930#8, %scan3A_1467 = %scan3A_930#9, %scan3A_1468 = %scan3A_930#10, %scan3A_1469 = %scan3A_930#11, %scan3A_1470 = %scan3A_930#12, %scan3A_1471 = %scan3A_930#13, %scan3A_1472 = %scan3A_930#14, %scan3A_1473 = %scan3A_930#15, %scan3A_1474 = %scan3A_930#16, %scan3A_1475 = %scan3A_930#17, %scan3A_1476 = %scan3A_930#18, %scan3A_1477 = %scan3A_930#19, %scan3A_1478 = %scan3A_930#20, %scan3A_1479 = %scan3A_930#21, %scan3A_1480 = %scan3A_930#22, %scan3A_1481 = %scan3A_930#23, %scan3A_1482 = %scan3A_930#24, %scan3A_1483 = %scan3A_930#25, %scan3A_1484 = %scan3A_930#26, %scan3A_1485 = %scan3A_930#27, %scan3A_1486 = %scan3A_930#28, %scan3A_1487 = %scan3A_930#29, %scan3A_1488 = %scan3A_930#30, %scan3A_1489 = %scan3A_930#31, %scan3A_1490 = %scan3A_930#32, %scan3A_1491 = %scan3A_930#33, %scan3A_1492 = %scan3A_930#34, %scan3A_1493 = %scan3A_930#35, %scan3A_1494 = %scan3A_930#36, %scan3A_1495 = %scan3A_930#37, %scan3A_1496 = %scan3A_930#38, %scan3A_1497 = %scan3A_930#39) -> (vector<16xf32>, vector<16xf32>, vector<16xf32>, vector<16xf32>, vector<16xf32>, vector<16xf32>, vector<16xf32>, vector<16xf32>, vector<16xf32>, vector<16xf32>, vector<16xf32>, vector<16xf32>, vector<16xf32>, vector<16xf32>, vector<16xf32>, vector<16xf32>, vector<16xf32>, vector<16xf32>, vector<16xf32>, vector<16xf32>, vector<16xf32>, vector<16xf32>, vector<16xf32>, vector<16xf32>, vector<16xf32>, vector<16xf32>, vector<16xf32>, vector<16xf32>, vector<16xf32>, vector<16xf32>, vector<16xf32>, vector<16xf32>, vector<16xf32>, vector<16xf32>, vector<16xf32>, vector<16xf32>, vector<16xf32>, vector<16xf32>, vector<16xf32>, vector<16xf32>)  : i32 {
      %add3A_1498 = arith.constant 64 : i32
      %add3A_1499 = arith.addi %add3A_1498, %scan3A_1457 : i32
      %get3A_1500 = arith.index_cast %add3A_1499 : i32 to index
      %get3A_1501 = arith.constant 0 : index
      %get3A_1502 = tpu.vector_load %arg13[%get3A_1500, %get3A_1501] {strides = array<i32>} : memref<512x16xf32, #tpu.memory_space<vmem>>, vector<1x16xf32>,
      %get3A_1503 = vector.shape_cast %get3A_1502 : vector<1x16xf32> to vector<16xf32>
      %get3A_1504 = arith.constant 1 : i32
      %get3A_1505 = arith.index_cast %get3A_1504 : i32 to index
      %get3A_1506 = arith.index_cast %scan3A_1457 : i32 to index
      %get3A_1507 = arith.constant 0 : index
      %get3A_1508 = tpu.vector_load %arg14[%get3A_1505, %get3A_1506, %get3A_1507] {strides = array<i32>} : memref<2x64x128xf32, #tpu.memory_space<vmem>>, vector<1x1x16xf32>,
      %get3A_1509 = vector.shape_cast %get3A_1508 : vector<1x1x16xf32> to vector<16xf32>
      %get3A_1510 = arith.constant 1 : i32
      %get3A_1511 = arith.index_cast %get3A_1510 : i32 to index
      %get3A_1512 = arith.index_cast %scan3A_1457 : i32 to index
      %get3A_1513 = arith.constant 0 : index
      %get3A_1514 = tpu.vector_load %arg15[%get3A_1511, %get3A_1512, %get3A_1513] {strides = array<i32>} : memref<2x64x128xf32, #tpu.memory_space<vmem>>, vector<1x1x16xf32>,
      %get3A_1515 = vector.shape_cast %get3A_1514 : vector<1x1x16xf32> to vector<16xf32>
      %mul3A_1516 = arith.mulf %get3A_1509, %get3A_1509 : vector<16xf32>
      %mul3A_1517 = arith.mulf %get3A_1515, %get3A_1515 : vector<16xf32>
      %mul3A_1518 = arith.mulf %get3A_1509, %get3A_1515 : vector<16xf32>
      %mul3A_1519 = arith.mulf %get3A_1503, %mul3A_1516 : vector<16xf32>
      %add3A_1520 = arith.addf %scan3A_1458, %mul3A_1519 : vector<16xf32>
      %mul3A_1521 = arith.mulf %get3A_1503, %mul3A_1518 : vector<16xf32>
      %add3A_1522 = arith.addf %scan3A_1459, %mul3A_1521 : vector<16xf32>
      %mul3A_1523 = arith.mulf %get3A_1503, %mul3A_1517 : vector<16xf32>
      %add3A_1524 = arith.addf %scan3A_1460, %mul3A_1523 : vector<16xf32>
      %add3A_1525 = arith.addf %scan3A_1461, %mul3A_1516 : vector<16xf32>
      %add3A_1526 = arith.addf %scan3A_1462, %mul3A_1517 : vector<16xf32>
      %get3A_1527 = arith.constant 1 : i32
      %get3A_1528 = arith.index_cast %get3A_1527 : i32 to index
      %get3A_1529 = arith.index_cast %scan3A_1457 : i32 to index
      %get3A_1530 = arith.constant 16 : index
      %get3A_1531 = tpu.vector_load %arg14[%get3A_1528, %get3A_1529, %get3A_1530] {strides = array<i32>} : memref<2x64x128xf32, #tpu.memory_space<vmem>>, vector<1x1x16xf32>,
      %get3A_1532 = vector.shape_cast %get3A_1531 : vector<1x1x16xf32> to vector<16xf32>
      %get3A_1533 = arith.constant 1 : i32
      %get3A_1534 = arith.index_cast %get3A_1533 : i32 to index
      %get3A_1535 = arith.index_cast %scan3A_1457 : i32 to index
      %get3A_1536 = arith.constant 16 : index
      %get3A_1537 = tpu.vector_load %arg15[%get3A_1534, %get3A_1535, %get3A_1536] {strides = array<i32>} : memref<2x64x128xf32, #tpu.memory_space<vmem>>, vector<1x1x16xf32>,
      %get3A_1538 = vector.shape_cast %get3A_1537 : vector<1x1x16xf32> to vector<16xf32>
      %mul3A_1539 = arith.mulf %get3A_1532, %get3A_1532 : vector<16xf32>
      %mul3A_1540 = arith.mulf %get3A_1538, %get3A_1538 : vector<16xf32>
      %mul3A_1541 = arith.mulf %get3A_1532, %get3A_1538 : vector<16xf32>
      %mul3A_1542 = arith.mulf %get3A_1503, %mul3A_1539 : vector<16xf32>
      %add3A_1543 = arith.addf %scan3A_1463, %mul3A_1542 : vector<16xf32>
      %mul3A_1544 = arith.mulf %get3A_1503, %mul3A_1541 : vector<16xf32>
      %add3A_1545 = arith.addf %scan3A_1464, %mul3A_1544 : vector<16xf32>
      %mul3A_1546 = arith.mulf %get3A_1503, %mul3A_1540 : vector<16xf32>
      %add3A_1547 = arith.addf %scan3A_1465, %mul3A_1546 : vector<16xf32>
      %add3A_1548 = arith.addf %scan3A_1466, %mul3A_1539 : vector<16xf32>
      %add3A_1549 = arith.addf %scan3A_1467, %mul3A_1540 : vector<16xf32>
      %get3A_1550 = arith.constant 1 : i32
      %get3A_1551 = arith.index_cast %get3A_1550 : i32 to index
      %get3A_1552 = arith.index_cast %scan3A_1457 : i32 to index
      %get3A_1553 = arith.constant 32 : index
      %get3A_1554 = tpu.vector_load %arg14[%get3A_1551, %get3A_1552, %get3A_1553] {strides = array<i32>} : memref<2x64x128xf32, #tpu.memory_space<vmem>>, vector<1x1x16xf32>,
      %get3A_1555 = vector.shape_cast %get3A_1554 : vector<1x1x16xf32> to vector<16xf32>
      %get3A_1556 = arith.constant 1 : i32
      %get3A_1557 = arith.index_cast %get3A_1556 : i32 to index
      %get3A_1558 = arith.index_cast %scan3A_1457 : i32 to index
      %get3A_1559 = arith.constant 32 : index
      %get3A_1560 = tpu.vector_load %arg15[%get3A_1557, %get3A_1558, %get3A_1559] {strides = array<i32>} : memref<2x64x128xf32, #tpu.memory_space<vmem>>, vector<1x1x16xf32>,
      %get3A_1561 = vector.shape_cast %get3A_1560 : vector<1x1x16xf32> to vector<16xf32>
      %mul3A_1562 = arith.mulf %get3A_1555, %get3A_1555 : vector<16xf32>
      %mul3A_1563 = arith.mulf %get3A_1561, %get3A_1561 : vector<16xf32>
      %mul3A_1564 = arith.mulf %get3A_1555, %get3A_1561 : vector<16xf32>
      %mul3A_1565 = arith.mulf %get3A_1503, %mul3A_1562 : vector<16xf32>
      %add3A_1566 = arith.addf %scan3A_1468, %mul3A_1565 : vector<16xf32>
      %mul3A_1567 = arith.mulf %get3A_1503, %mul3A_1564 : vector<16xf32>
      %add3A_1568 = arith.addf %scan3A_1469, %mul3A_1567 : vector<16xf32>
      %mul3A_1569 = arith.mulf %get3A_1503, %mul3A_1563 : vector<16xf32>
      %add3A_1570 = arith.addf %scan3A_1470, %mul3A_1569 : vector<16xf32>
      %add3A_1571 = arith.addf %scan3A_1471, %mul3A_1562 : vector<16xf32>
      %add3A_1572 = arith.addf %scan3A_1472, %mul3A_1563 : vector<16xf32>
      %get3A_1573 = arith.constant 1 : i32
      %get3A_1574 = arith.index_cast %get3A_1573 : i32 to index
      %get3A_1575 = arith.index_cast %scan3A_1457 : i32 to index
      %get3A_1576 = arith.constant 48 : index
      %get3A_1577 = tpu.vector_load %arg14[%get3A_1574, %get3A_1575, %get3A_1576] {strides = array<i32>} : memref<2x64x128xf32, #tpu.memory_space<vmem>>, vector<1x1x16xf32>,
      %get3A_1578 = vector.shape_cast %get3A_1577 : vector<1x1x16xf32> to vector<16xf32>
      %get3A_1579 = arith.constant 1 : i32
      %get3A_1580 = arith.index_cast %get3A_1579 : i32 to index
      %get3A_1581 = arith.index_cast %scan3A_1457 : i32 to index
      %get3A_1582 = arith.constant 48 : index
      %get3A_1583 = tpu.vector_load %arg15[%get3A_1580, %get3A_1581, %get3A_1582] {strides = array<i32>} : memref<2x64x128xf32, #tpu.memory_space<vmem>>, vector<1x1x16xf32>,
      %get3A_1584 = vector.shape_cast %get3A_1583 : vector<1x1x16xf32> to vector<16xf32>
      %mul3A_1585 = arith.mulf %get3A_1578, %get3A_1578 : vector<16xf32>
      %mul3A_1586 = arith.mulf %get3A_1584, %get3A_1584 : vector<16xf32>
      %mul3A_1587 = arith.mulf %get3A_1578, %get3A_1584 : vector<16xf32>
      %mul3A_1588 = arith.mulf %get3A_1503, %mul3A_1585 : vector<16xf32>
      %add3A_1589 = arith.addf %scan3A_1473, %mul3A_1588 : vector<16xf32>
      %mul3A_1590 = arith.mulf %get3A_1503, %mul3A_1587 : vector<16xf32>
      %add3A_1591 = arith.addf %scan3A_1474, %mul3A_1590 : vector<16xf32>
      %mul3A_1592 = arith.mulf %get3A_1503, %mul3A_1586 : vector<16xf32>
      %add3A_1593 = arith.addf %scan3A_1475, %mul3A_1592 : vector<16xf32>
      %add3A_1594 = arith.addf %scan3A_1476, %mul3A_1585 : vector<16xf32>
      %add3A_1595 = arith.addf %scan3A_1477, %mul3A_1586 : vector<16xf32>
      %get3A_1596 = arith.constant 1 : i32
      %get3A_1597 = arith.index_cast %get3A_1596 : i32 to index
      %get3A_1598 = arith.index_cast %scan3A_1457 : i32 to index
      %get3A_1599 = arith.constant 64 : index
      %get3A_1600 = tpu.vector_load %arg14[%get3A_1597, %get3A_1598, %get3A_1599] {strides = array<i32>} : memref<2x64x128xf32, #tpu.memory_space<vmem>>, vector<1x1x16xf32>,
      %get3A_1601 = vector.shape_cast %get3A_1600 : vector<1x1x16xf32> to vector<16xf32>
      %get3A_1602 = arith.constant 1 : i32
      %get3A_1603 = arith.index_cast %get3A_1602 : i32 to index
      %get3A_1604 = arith.index_cast %scan3A_1457 : i32 to index
      %get3A_1605 = arith.constant 64 : index
      %get3A_1606 = tpu.vector_load %arg15[%get3A_1603, %get3A_1604, %get3A_1605] {strides = array<i32>} : memref<2x64x128xf32, #tpu.memory_space<vmem>>, vector<1x1x16xf32>,
      %get3A_1607 = vector.shape_cast %get3A_1606 : vector<1x1x16xf32> to vector<16xf32>
      %mul3A_1608 = arith.mulf %get3A_1601, %get3A_1601 : vector<16xf32>
      %mul3A_1609 = arith.mulf %get3A_1607, %get3A_1607 : vector<16xf32>
      %mul3A_1610 = arith.mulf %get3A_1601, %get3A_1607 : vector<16xf32>
      %mul3A_1611 = arith.mulf %get3A_1503, %mul3A_1608 : vector<16xf32>
      %add3A_1612 = arith.addf %scan3A_1478, %mul3A_1611 : vector<16xf32>
      %mul3A_1613 = arith.mulf %get3A_1503, %mul3A_1610 : vector<16xf32>
      %add3A_1614 = arith.addf %scan3A_1479, %mul3A_1613 : vector<16xf32>
      %mul3A_1615 = arith.mulf %get3A_1503, %mul3A_1609 : vector<16xf32>
      %add3A_1616 = arith.addf %scan3A_1480, %mul3A_1615 : vector<16xf32>
      %add3A_1617 = arith.addf %scan3A_1481, %mul3A_1608 : vector<16xf32>
      %add3A_1618 = arith.addf %scan3A_1482, %mul3A_1609 : vector<16xf32>
      %get3A_1619 = arith.constant 1 : i32
      %get3A_1620 = arith.index_cast %get3A_1619 : i32 to index
      %get3A_1621 = arith.index_cast %scan3A_1457 : i32 to index
      %get3A_1622 = arith.constant 80 : index
      %get3A_1623 = tpu.vector_load %arg14[%get3A_1620, %get3A_1621, %get3A_1622] {strides = array<i32>} : memref<2x64x128xf32, #tpu.memory_space<vmem>>, vector<1x1x16xf32>,
      %get3A_1624 = vector.shape_cast %get3A_1623 : vector<1x1x16xf32> to vector<16xf32>
      %get3A_1625 = arith.constant 1 : i32
      %get3A_1626 = arith.index_cast %get3A_1625 : i32 to index
      %get3A_1627 = arith.index_cast %scan3A_1457 : i32 to index
      %get3A_1628 = arith.constant 80 : index
      %get3A_1629 = tpu.vector_load %arg15[%get3A_1626, %get3A_1627, %get3A_1628] {strides = array<i32>} : memref<2x64x128xf32, #tpu.memory_space<vmem>>, vector<1x1x16xf32>,
      %get3A_1630 = vector.shape_cast %get3A_1629 : vector<1x1x16xf32> to vector<16xf32>
      %mul3A_1631 = arith.mulf %get3A_1624, %get3A_1624 : vector<16xf32>
      %mul3A_1632 = arith.mulf %get3A_1630, %get3A_1630 : vector<16xf32>
      %mul3A_1633 = arith.mulf %get3A_1624, %get3A_1630 : vector<16xf32>
      %mul3A_1634 = arith.mulf %get3A_1503, %mul3A_1631 : vector<16xf32>
      %add3A_1635 = arith.addf %scan3A_1483, %mul3A_1634 : vector<16xf32>
      %mul3A_1636 = arith.mulf %get3A_1503, %mul3A_1633 : vector<16xf32>
      %add3A_1637 = arith.addf %scan3A_1484, %mul3A_1636 : vector<16xf32>
      %mul3A_1638 = arith.mulf %get3A_1503, %mul3A_1632 : vector<16xf32>
      %add3A_1639 = arith.addf %scan3A_1485, %mul3A_1638 : vector<16xf32>
      %add3A_1640 = arith.addf %scan3A_1486, %mul3A_1631 : vector<16xf32>
      %add3A_1641 = arith.addf %scan3A_1487, %mul3A_1632 : vector<16xf32>
      %get3A_1642 = arith.constant 1 : i32
      %get3A_1643 = arith.index_cast %get3A_1642 : i32 to index
      %get3A_1644 = arith.index_cast %scan3A_1457 : i32 to index
      %get3A_1645 = arith.constant 96 : index
      %get3A_1646 = tpu.vector_load %arg14[%get3A_1643, %get3A_1644, %get3A_1645] {strides = array<i32>} : memref<2x64x128xf32, #tpu.memory_space<vmem>>, vector<1x1x16xf32>,
      %get3A_1647 = vector.shape_cast %get3A_1646 : vector<1x1x16xf32> to vector<16xf32>
      %get3A_1648 = arith.constant 1 : i32
      %get3A_1649 = arith.index_cast %get3A_1648 : i32 to index
      %get3A_1650 = arith.index_cast %scan3A_1457 : i32 to index
      %get3A_1651 = arith.constant 96 : index
      %get3A_1652 = tpu.vector_load %arg15[%get3A_1649, %get3A_1650, %get3A_1651] {strides = array<i32>} : memref<2x64x128xf32, #tpu.memory_space<vmem>>, vector<1x1x16xf32>,
      %get3A_1653 = vector.shape_cast %get3A_1652 : vector<1x1x16xf32> to vector<16xf32>
      %mul3A_1654 = arith.mulf %get3A_1647, %get3A_1647 : vector<16xf32>
      %mul3A_1655 = arith.mulf %get3A_1653, %get3A_1653 : vector<16xf32>
      %mul3A_1656 = arith.mulf %get3A_1647, %get3A_1653 : vector<16xf32>
      %mul3A_1657 = arith.mulf %get3A_1503, %mul3A_1654 : vector<16xf32>
      %add3A_1658 = arith.addf %scan3A_1488, %mul3A_1657 : vector<16xf32>
      %mul3A_1659 = arith.mulf %get3A_1503, %mul3A_1656 : vector<16xf32>
      %add3A_1660 = arith.addf %scan3A_1489, %mul3A_1659 : vector<16xf32>
      %mul3A_1661 = arith.mulf %get3A_1503, %mul3A_1655 : vector<16xf32>
      %add3A_1662 = arith.addf %scan3A_1490, %mul3A_1661 : vector<16xf32>
      %add3A_1663 = arith.addf %scan3A_1491, %mul3A_1654 : vector<16xf32>
      %add3A_1664 = arith.addf %scan3A_1492, %mul3A_1655 : vector<16xf32>
      %get3A_1665 = arith.constant 1 : i32
      %get3A_1666 = arith.index_cast %get3A_1665 : i32 to index
      %get3A_1667 = arith.index_cast %scan3A_1457 : i32 to index
      %get3A_1668 = arith.constant 112 : index
      %get3A_1669 = tpu.vector_load %arg14[%get3A_1666, %get3A_1667, %get3A_1668] {strides = array<i32>} : memref<2x64x128xf32, #tpu.memory_space<vmem>>, vector<1x1x16xf32>,
      %get3A_1670 = vector.shape_cast %get3A_1669 : vector<1x1x16xf32> to vector<16xf32>
      %get3A_1671 = arith.constant 1 : i32
      %get3A_1672 = arith.index_cast %get3A_1671 : i32 to index
      %get3A_1673 = arith.index_cast %scan3A_1457 : i32 to index
      %get3A_1674 = arith.constant 112 : index
      %get3A_1675 = tpu.vector_load %arg15[%get3A_1672, %get3A_1673, %get3A_1674] {strides = array<i32>} : memref<2x64x128xf32, #tpu.memory_space<vmem>>, vector<1x1x16xf32>,
      %get3A_1676 = vector.shape_cast %get3A_1675 : vector<1x1x16xf32> to vector<16xf32>
      %mul3A_1677 = arith.mulf %get3A_1670, %get3A_1670 : vector<16xf32>
      %mul3A_1678 = arith.mulf %get3A_1676, %get3A_1676 : vector<16xf32>
      %mul3A_1679 = arith.mulf %get3A_1670, %get3A_1676 : vector<16xf32>
      %mul3A_1680 = arith.mulf %get3A_1503, %mul3A_1677 : vector<16xf32>
      %add3A_1681 = arith.addf %scan3A_1493, %mul3A_1680 : vector<16xf32>
      %mul3A_1682 = arith.mulf %get3A_1503, %mul3A_1679 : vector<16xf32>
      %add3A_1683 = arith.addf %scan3A_1494, %mul3A_1682 : vector<16xf32>
      %mul3A_1684 = arith.mulf %get3A_1503, %mul3A_1678 : vector<16xf32>
      %add3A_1685 = arith.addf %scan3A_1495, %mul3A_1684 : vector<16xf32>
      %add3A_1686 = arith.addf %scan3A_1496, %mul3A_1677 : vector<16xf32>
      %add3A_1687 = arith.addf %scan3A_1497, %mul3A_1678 : vector<16xf32>
      scf.yield %add3A_1520, %add3A_1522, %add3A_1524, %add3A_1525, %add3A_1526, %add3A_1543, %add3A_1545, %add3A_1547, %add3A_1548, %add3A_1549, %add3A_1566, %add3A_1568, %add3A_1570, %add3A_1571, %add3A_1572, %add3A_1589, %add3A_1591, %add3A_1593, %add3A_1594, %add3A_1595, %add3A_1612, %add3A_1614, %add3A_1616, %add3A_1617, %add3A_1618, %add3A_1635, %add3A_1637, %add3A_1639, %add3A_1640, %add3A_1641, %add3A_1658, %add3A_1660, %add3A_1662, %add3A_1663, %add3A_1664, %add3A_1681, %add3A_1683, %add3A_1685, %add3A_1686, %add3A_1687 : vector<16xf32>, vector<16xf32>, vector<16xf32>, vector<16xf32>, vector<16xf32>, vector<16xf32>, vector<16xf32>, vector<16xf32>, vector<16xf32>, vector<16xf32>, vector<16xf32>, vector<16xf32>, vector<16xf32>, vector<16xf32>, vector<16xf32>, vector<16xf32>, vector<16xf32>, vector<16xf32>, vector<16xf32>, vector<16xf32>, vector<16xf32>, vector<16xf32>, vector<16xf32>, vector<16xf32>, vector<16xf32>, vector<16xf32>, vector<16xf32>, vector<16xf32>, vector<16xf32>, vector<16xf32>, vector<16xf32>, vector<16xf32>, vector<16xf32>, vector<16xf32>, vector<16xf32>, vector<16xf32>, vector<16xf32>, vector<16xf32>, vector<16xf32>, vector<16xf32>
    }
    %scan3A_987 = arith.constant 64 : i32
    %dma_start3A_988 = arith.constant 1 : i32
    %dma_start3A_989 = arith.constant 0 : i32
    %dma_start3A_990 = arith.constant 0 : i32
    %dma_start3A_991 = tpu.memref_slice %arg15[%dma_start3A_988, %dma_start3A_989, %dma_start3A_990] : memref<2x64x128xf32, #tpu.memory_space<vmem>> -> memref<1x64x128xf32, #tpu.memory_space<vmem>>
    %dma_start3A_992 = tpu.memref_squeeze %dma_start3A_991 : memref<1x64x128xf32, #tpu.memory_space<vmem>> -> memref<64x128xf32, #tpu.memory_space<vmem>>
    %dma_start3A_993 = arith.constant 192 : i32
    %dma_start3A_994 = tpu.memref_slice %arg10[%dma_start3A_993] : memref<512xi32, #tpu.memory_space<vmem>> -> memref<64xi32, #tpu.memory_space<vmem>>
    %dma_start3A_995 = arith.constant 0 : i32
    %dma_start3A_996 = arith.constant 0 : i32
    %dma_start3A_997 = tpu.memref_slice %arg4[%dma_start3A_995, %dma_start3A_996] : memref<100000x128xf32, #tpu.memory_space<hbm>> -> memref<100000x128xf32, #tpu.memory_space<hbm>>
    tpu.enqueue_indirect_dma source(%dma_start3A_997 : memref<100000x128xf32, #tpu.memory_space<hbm>>) target(%dma_start3A_992 : memref<64x128xf32, #tpu.memory_space<vmem>>) offsets(%dma_start3A_994 : memref<64xi32, #tpu.memory_space<vmem>>) semaphore(%arg18 : memref<!tpu.dma_semaphore, #tpu.memory_space<semaphore_mem>>)
    %mul3A_998 = arith.constant 512 : i32
    %mul3A_999 = arith.muli %add3A, %mul3A_998 : i32
    %add3A_1000 = arith.constant 192 : i32
    %add3A_1001 = arith.addi %mul3A_999, %add3A_1000 : i32
    %dma_start3A_1002 = arith.constant 1 : i32
    %dma_start3A_1003 = arith.constant 0 : i32
    %dma_start3A_1004 = arith.constant 0 : i32
    %dma_start3A_1005 = tpu.memref_slice %arg14[%dma_start3A_1002, %dma_start3A_1003, %dma_start3A_1004] : memref<2x64x128xf32, #tpu.memory_space<vmem>> -> memref<1x64x128xf32, #tpu.memory_space<vmem>>
    %dma_start3A_1006 = tpu.memref_squeeze %dma_start3A_1005 : memref<1x64x128xf32, #tpu.memory_space<vmem>> -> memref<64x128xf32, #tpu.memory_space<vmem>>
    %dma_start3A_1007 = arith.constant 0 : i32
    %dma_start3A_1008 = tpu.memref_slice %arg3[%add3A_1001, %dma_start3A_1007] : memref<16384x128xf32, #tpu.memory_space<hbm>> -> memref<64x128xf32, #tpu.memory_space<hbm>>
    %dma_start3A_1009 = arith.constant 0 : i32
    %dma_start3A_1010 = arith.constant 0 : i32
    %dma_start3A_1011 = tpu.memref_slice %arg14[%dma_start3A_1002, %dma_start3A_1009, %dma_start3A_1010] : memref<2x64x128xf32, #tpu.memory_space<vmem>> -> memref<1x64x128xf32, #tpu.memory_space<vmem>>
    %dma_start3A_1012 = tpu.memref_squeeze %dma_start3A_1011 : memref<1x64x128xf32, #tpu.memory_space<vmem>> -> memref<64x128xf32, #tpu.memory_space<vmem>>
    %dma_start3A_1013 = arith.constant 0 : i32
    %dma_start3A_1014 = tpu.memref_slice %arg3[%add3A_1001, %dma_start3A_1013] : memref<16384x128xf32, #tpu.memory_space<hbm>> -> memref<64x128xf32, #tpu.memory_space<hbm>>
    tpu.enqueue_dma source(%dma_start3A_1014 : memref<64x128xf32, #tpu.memory_space<hbm>>) target(%dma_start3A_1012 : memref<64x128xf32, #tpu.memory_space<vmem>>) target_semaphore(%arg20 : memref<!tpu.dma_semaphore, #tpu.memory_space<semaphore_mem>>)
    %dma_wait3A_1015 = arith.constant 0 : i32
    %dma_wait3A_1016 = arith.constant 0 : i32
    %dma_wait3A_1017 = arith.constant 0 : i32
    %dma_wait3A_1018 = tpu.memref_slice %arg15[%dma_wait3A_1015, %dma_wait3A_1016, %dma_wait3A_1017] : memref<2x64x128xf32, #tpu.memory_space<vmem>> -> memref<1x64x128xf32, #tpu.memory_space<vmem>>
    %dma_wait3A_1019 = tpu.memref_squeeze %dma_wait3A_1018 : memref<1x64x128xf32, #tpu.memory_space<vmem>> -> memref<64x128xf32, #tpu.memory_space<vmem>>
    %dma_wait3A_1020 = arith.constant 128 : i32
    %dma_wait3A_1021 = tpu.memref_slice %arg10[%dma_wait3A_1020] : memref<512xi32, #tpu.memory_space<vmem>> -> memref<64xi32, #tpu.memory_space<vmem>>
    %dma_wait3A_1022 = arith.constant 0 : i32
    %dma_wait3A_1023 = arith.constant 0 : i32
    %dma_wait3A_1024 = tpu.memref_slice %arg4[%dma_wait3A_1022, %dma_wait3A_1023] : memref<100000x128xf32, #tpu.memory_space<hbm>> -> memref<100000x128xf32, #tpu.memory_space<hbm>>
    tpu.wait_indirect_dma semaphore(%arg17 : memref<!tpu.dma_semaphore, #tpu.memory_space<semaphore_mem>>) src(%dma_wait3A_1024 : memref<100000x128xf32, #tpu.memory_space<hbm>>) dst(%dma_wait3A_1019 : memref<64x128xf32, #tpu.memory_space<vmem>>)
    %dma_wait3A_1025 = arith.constant 0 : i32
    %dma_wait3A_1026 = arith.constant 0 : i32
    %dma_wait3A_1027 = arith.constant 0 : i32
    %dma_wait3A_1028 = tpu.memref_slice %arg14[%dma_wait3A_1025, %dma_wait3A_1026, %dma_wait3A_1027] : memref<2x64x128xf32, #tpu.memory_space<vmem>> -> memref<1x64x128xf32, #tpu.memory_space<vmem>>
    %dma_wait3A_1029 = tpu.memref_squeeze %dma_wait3A_1028 : memref<1x64x128xf32, #tpu.memory_space<vmem>> -> memref<64x128xf32, #tpu.memory_space<vmem>>
    %dma_wait3A_1030 = arith.constant 0 : i32
    %dma_wait3A_1031 = tpu.memref_slice %arg3[%add3A_945, %dma_wait3A_1030] : memref<16384x128xf32, #tpu.memory_space<hbm>> -> memref<64x128xf32, #tpu.memory_space<hbm>>
    %dma_wait3A_1032 = arith.constant 0 : i32
    %dma_wait3A_1033 = arith.constant 0 : i32
    %dma_wait3A_1034 = tpu.memref_slice %arg14[%dma_wait3A_1025, %dma_wait3A_1032, %dma_wait3A_1033] : memref<2x64x128xf32, #tpu.memory_space<vmem>> -> memref<1x64x128xf32, #tpu.memory_space<vmem>>
    %dma_wait3A_1035 = tpu.memref_squeeze %dma_wait3A_1034 : memref<1x64x128xf32, #tpu.memory_space<vmem>> -> memref<64x128xf32, #tpu.memory_space<vmem>>
    %dma_wait3A_1036 = arith.constant 0 : i32
    %dma_wait3A_1037 = tpu.memref_slice %arg3[%add3A_945, %dma_wait3A_1036] : memref<16384x128xf32, #tpu.memory_space<hbm>> -> memref<64x128xf32, #tpu.memory_space<hbm>>
    tpu.wait_dma2 semaphore(%arg19 : memref<!tpu.dma_semaphore, #tpu.memory_space<semaphore_mem>>) src(%dma_wait3A_1037 : memref<64x128xf32, #tpu.memory_space<hbm>>) dst(%dma_wait3A_1035 : memref<64x128xf32, #tpu.memory_space<vmem>>)
    %scan3A_1038 = arith.constant 0 : i32
    %scan3A_1039 = arith.constant 64 : i32
    %scan3A_1040 = arith.addi %scan3A_1038, %scan3A_1039 : i32
    %scan3A_1041 = arith.constant 1 : i32
    %scan3A_1042:40 = scf.for %scan3A_1457 = %scan3A_1038 to %scan3A_1040 step %scan3A_1041 iter_args(%scan3A_1458 = %scan3A_986#0, %scan3A_1459 = %scan3A_986#1, %scan3A_1460 = %scan3A_986#2, %scan3A_1461 = %scan3A_986#3, %scan3A_1462 = %scan3A_986#4, %scan3A_1463 = %scan3A_986#5, %scan3A_1464 = %scan3A_986#6, %scan3A_1465 = %scan3A_986#7, %scan3A_1466 = %scan3A_986#8, %scan3A_1467 = %scan3A_986#9, %scan3A_1468 = %scan3A_986#10, %scan3A_1469 = %scan3A_986#11, %scan3A_1470 = %scan3A_986#12, %scan3A_1471 = %scan3A_986#13, %scan3A_1472 = %scan3A_986#14, %scan3A_1473 = %scan3A_986#15, %scan3A_1474 = %scan3A_986#16, %scan3A_1475 = %scan3A_986#17, %scan3A_1476 = %scan3A_986#18, %scan3A_1477 = %scan3A_986#19, %scan3A_1478 = %scan3A_986#20, %scan3A_1479 = %scan3A_986#21, %scan3A_1480 = %scan3A_986#22, %scan3A_1481 = %scan3A_986#23, %scan3A_1482 = %scan3A_986#24, %scan3A_1483 = %scan3A_986#25, %scan3A_1484 = %scan3A_986#26, %scan3A_1485 = %scan3A_986#27, %scan3A_1486 = %scan3A_986#28, %scan3A_1487 = %scan3A_986#29, %scan3A_1488 = %scan3A_986#30, %scan3A_1489 = %scan3A_986#31, %scan3A_1490 = %scan3A_986#32, %scan3A_1491 = %scan3A_986#33, %scan3A_1492 = %scan3A_986#34, %scan3A_1493 = %scan3A_986#35, %scan3A_1494 = %scan3A_986#36, %scan3A_1495 = %scan3A_986#37, %scan3A_1496 = %scan3A_986#38, %scan3A_1497 = %scan3A_986#39) -> (vector<16xf32>, vector<16xf32>, vector<16xf32>, vector<16xf32>, vector<16xf32>, vector<16xf32>, vector<16xf32>, vector<16xf32>, vector<16xf32>, vector<16xf32>, vector<16xf32>, vector<16xf32>, vector<16xf32>, vector<16xf32>, vector<16xf32>, vector<16xf32>, vector<16xf32>, vector<16xf32>, vector<16xf32>, vector<16xf32>, vector<16xf32>, vector<16xf32>, vector<16xf32>, vector<16xf32>, vector<16xf32>, vector<16xf32>, vector<16xf32>, vector<16xf32>, vector<16xf32>, vector<16xf32>, vector<16xf32>, vector<16xf32>, vector<16xf32>, vector<16xf32>, vector<16xf32>, vector<16xf32>, vector<16xf32>, vector<16xf32>, vector<16xf32>, vector<16xf32>)  : i32 {
      %add3A_1498 = arith.constant 128 : i32
      %add3A_1499 = arith.addi %add3A_1498, %scan3A_1457 : i32
      %get3A_1500 = arith.index_cast %add3A_1499 : i32 to index
      %get3A_1501 = arith.constant 0 : index
      %get3A_1502 = tpu.vector_load %arg13[%get3A_1500, %get3A_1501] {strides = array<i32>} : memref<512x16xf32, #tpu.memory_space<vmem>>, vector<1x16xf32>,
      %get3A_1503 = vector.shape_cast %get3A_1502 : vector<1x16xf32> to vector<16xf32>
      %get3A_1504 = arith.constant 0 : i32
      %get3A_1505 = arith.index_cast %get3A_1504 : i32 to index
      %get3A_1506 = arith.index_cast %scan3A_1457 : i32 to index
      %get3A_1507 = arith.constant 0 : index
      %get3A_1508 = tpu.vector_load %arg14[%get3A_1505, %get3A_1506, %get3A_1507] {strides = array<i32>} : memref<2x64x128xf32, #tpu.memory_space<vmem>>, vector<1x1x16xf32>,
      %get3A_1509 = vector.shape_cast %get3A_1508 : vector<1x1x16xf32> to vector<16xf32>
      %get3A_1510 = arith.constant 0 : i32
      %get3A_1511 = arith.index_cast %get3A_1510 : i32 to index
      %get3A_1512 = arith.index_cast %scan3A_1457 : i32 to index
      %get3A_1513 = arith.constant 0 : index
      %get3A_1514 = tpu.vector_load %arg15[%get3A_1511, %get3A_1512, %get3A_1513] {strides = array<i32>} : memref<2x64x128xf32, #tpu.memory_space<vmem>>, vector<1x1x16xf32>,
      %get3A_1515 = vector.shape_cast %get3A_1514 : vector<1x1x16xf32> to vector<16xf32>
      %mul3A_1516 = arith.mulf %get3A_1509, %get3A_1509 : vector<16xf32>
      %mul3A_1517 = arith.mulf %get3A_1515, %get3A_1515 : vector<16xf32>
      %mul3A_1518 = arith.mulf %get3A_1509, %get3A_1515 : vector<16xf32>
      %mul3A_1519 = arith.mulf %get3A_1503, %mul3A_1516 : vector<16xf32>
      %add3A_1520 = arith.addf %scan3A_1458, %mul3A_1519 : vector<16xf32>
      %mul3A_1521 = arith.mulf %get3A_1503, %mul3A_1518 : vector<16xf32>
      %add3A_1522 = arith.addf %scan3A_1459, %mul3A_1521 : vector<16xf32>
      %mul3A_1523 = arith.mulf %get3A_1503, %mul3A_1517 : vector<16xf32>
      %add3A_1524 = arith.addf %scan3A_1460, %mul3A_1523 : vector<16xf32>
      %add3A_1525 = arith.addf %scan3A_1461, %mul3A_1516 : vector<16xf32>
      %add3A_1526 = arith.addf %scan3A_1462, %mul3A_1517 : vector<16xf32>
      %get3A_1527 = arith.constant 0 : i32
      %get3A_1528 = arith.index_cast %get3A_1527 : i32 to index
      %get3A_1529 = arith.index_cast %scan3A_1457 : i32 to index
      %get3A_1530 = arith.constant 16 : index
      %get3A_1531 = tpu.vector_load %arg14[%get3A_1528, %get3A_1529, %get3A_1530] {strides = array<i32>} : memref<2x64x128xf32, #tpu.memory_space<vmem>>, vector<1x1x16xf32>,
      %get3A_1532 = vector.shape_cast %get3A_1531 : vector<1x1x16xf32> to vector<16xf32>
      %get3A_1533 = arith.constant 0 : i32
      %get3A_1534 = arith.index_cast %get3A_1533 : i32 to index
      %get3A_1535 = arith.index_cast %scan3A_1457 : i32 to index
      %get3A_1536 = arith.constant 16 : index
      %get3A_1537 = tpu.vector_load %arg15[%get3A_1534, %get3A_1535, %get3A_1536] {strides = array<i32>} : memref<2x64x128xf32, #tpu.memory_space<vmem>>, vector<1x1x16xf32>,
      %get3A_1538 = vector.shape_cast %get3A_1537 : vector<1x1x16xf32> to vector<16xf32>
      %mul3A_1539 = arith.mulf %get3A_1532, %get3A_1532 : vector<16xf32>
      %mul3A_1540 = arith.mulf %get3A_1538, %get3A_1538 : vector<16xf32>
      %mul3A_1541 = arith.mulf %get3A_1532, %get3A_1538 : vector<16xf32>
      %mul3A_1542 = arith.mulf %get3A_1503, %mul3A_1539 : vector<16xf32>
      %add3A_1543 = arith.addf %scan3A_1463, %mul3A_1542 : vector<16xf32>
      %mul3A_1544 = arith.mulf %get3A_1503, %mul3A_1541 : vector<16xf32>
      %add3A_1545 = arith.addf %scan3A_1464, %mul3A_1544 : vector<16xf32>
      %mul3A_1546 = arith.mulf %get3A_1503, %mul3A_1540 : vector<16xf32>
      %add3A_1547 = arith.addf %scan3A_1465, %mul3A_1546 : vector<16xf32>
      %add3A_1548 = arith.addf %scan3A_1466, %mul3A_1539 : vector<16xf32>
      %add3A_1549 = arith.addf %scan3A_1467, %mul3A_1540 : vector<16xf32>
      %get3A_1550 = arith.constant 0 : i32
      %get3A_1551 = arith.index_cast %get3A_1550 : i32 to index
      %get3A_1552 = arith.index_cast %scan3A_1457 : i32 to index
      %get3A_1553 = arith.constant 32 : index
      %get3A_1554 = tpu.vector_load %arg14[%get3A_1551, %get3A_1552, %get3A_1553] {strides = array<i32>} : memref<2x64x128xf32, #tpu.memory_space<vmem>>, vector<1x1x16xf32>,
      %get3A_1555 = vector.shape_cast %get3A_1554 : vector<1x1x16xf32> to vector<16xf32>
      %get3A_1556 = arith.constant 0 : i32
      %get3A_1557 = arith.index_cast %get3A_1556 : i32 to index
      %get3A_1558 = arith.index_cast %scan3A_1457 : i32 to index
      %get3A_1559 = arith.constant 32 : index
      %get3A_1560 = tpu.vector_load %arg15[%get3A_1557, %get3A_1558, %get3A_1559] {strides = array<i32>} : memref<2x64x128xf32, #tpu.memory_space<vmem>>, vector<1x1x16xf32>,
      %get3A_1561 = vector.shape_cast %get3A_1560 : vector<1x1x16xf32> to vector<16xf32>
      %mul3A_1562 = arith.mulf %get3A_1555, %get3A_1555 : vector<16xf32>
      %mul3A_1563 = arith.mulf %get3A_1561, %get3A_1561 : vector<16xf32>
      %mul3A_1564 = arith.mulf %get3A_1555, %get3A_1561 : vector<16xf32>
      %mul3A_1565 = arith.mulf %get3A_1503, %mul3A_1562 : vector<16xf32>
      %add3A_1566 = arith.addf %scan3A_1468, %mul3A_1565 : vector<16xf32>
      %mul3A_1567 = arith.mulf %get3A_1503, %mul3A_1564 : vector<16xf32>
      %add3A_1568 = arith.addf %scan3A_1469, %mul3A_1567 : vector<16xf32>
      %mul3A_1569 = arith.mulf %get3A_1503, %mul3A_1563 : vector<16xf32>
      %add3A_1570 = arith.addf %scan3A_1470, %mul3A_1569 : vector<16xf32>
      %add3A_1571 = arith.addf %scan3A_1471, %mul3A_1562 : vector<16xf32>
      %add3A_1572 = arith.addf %scan3A_1472, %mul3A_1563 : vector<16xf32>
      %get3A_1573 = arith.constant 0 : i32
      %get3A_1574 = arith.index_cast %get3A_1573 : i32 to index
      %get3A_1575 = arith.index_cast %scan3A_1457 : i32 to index
      %get3A_1576 = arith.constant 48 : index
      %get3A_1577 = tpu.vector_load %arg14[%get3A_1574, %get3A_1575, %get3A_1576] {strides = array<i32>} : memref<2x64x128xf32, #tpu.memory_space<vmem>>, vector<1x1x16xf32>,
      %get3A_1578 = vector.shape_cast %get3A_1577 : vector<1x1x16xf32> to vector<16xf32>
      %get3A_1579 = arith.constant 0 : i32
      %get3A_1580 = arith.index_cast %get3A_1579 : i32 to index
      %get3A_1581 = arith.index_cast %scan3A_1457 : i32 to index
      %get3A_1582 = arith.constant 48 : index
      %get3A_1583 = tpu.vector_load %arg15[%get3A_1580, %get3A_1581, %get3A_1582] {strides = array<i32>} : memref<2x64x128xf32, #tpu.memory_space<vmem>>, vector<1x1x16xf32>,
      %get3A_1584 = vector.shape_cast %get3A_1583 : vector<1x1x16xf32> to vector<16xf32>
      %mul3A_1585 = arith.mulf %get3A_1578, %get3A_1578 : vector<16xf32>
      %mul3A_1586 = arith.mulf %get3A_1584, %get3A_1584 : vector<16xf32>
      %mul3A_1587 = arith.mulf %get3A_1578, %get3A_1584 : vector<16xf32>
      %mul3A_1588 = arith.mulf %get3A_1503, %mul3A_1585 : vector<16xf32>
      %add3A_1589 = arith.addf %scan3A_1473, %mul3A_1588 : vector<16xf32>
      %mul3A_1590 = arith.mulf %get3A_1503, %mul3A_1587 : vector<16xf32>
      %add3A_1591 = arith.addf %scan3A_1474, %mul3A_1590 : vector<16xf32>
      %mul3A_1592 = arith.mulf %get3A_1503, %mul3A_1586 : vector<16xf32>
      %add3A_1593 = arith.addf %scan3A_1475, %mul3A_1592 : vector<16xf32>
      %add3A_1594 = arith.addf %scan3A_1476, %mul3A_1585 : vector<16xf32>
      %add3A_1595 = arith.addf %scan3A_1477, %mul3A_1586 : vector<16xf32>
      %get3A_1596 = arith.constant 0 : i32
      %get3A_1597 = arith.index_cast %get3A_1596 : i32 to index
      %get3A_1598 = arith.index_cast %scan3A_1457 : i32 to index
      %get3A_1599 = arith.constant 64 : index
      %get3A_1600 = tpu.vector_load %arg14[%get3A_1597, %get3A_1598, %get3A_1599] {strides = array<i32>} : memref<2x64x128xf32, #tpu.memory_space<vmem>>, vector<1x1x16xf32>,
      %get3A_1601 = vector.shape_cast %get3A_1600 : vector<1x1x16xf32> to vector<16xf32>
      %get3A_1602 = arith.constant 0 : i32
      %get3A_1603 = arith.index_cast %get3A_1602 : i32 to index
      %get3A_1604 = arith.index_cast %scan3A_1457 : i32 to index
      %get3A_1605 = arith.constant 64 : index
      %get3A_1606 = tpu.vector_load %arg15[%get3A_1603, %get3A_1604, %get3A_1605] {strides = array<i32>} : memref<2x64x128xf32, #tpu.memory_space<vmem>>, vector<1x1x16xf32>,
      %get3A_1607 = vector.shape_cast %get3A_1606 : vector<1x1x16xf32> to vector<16xf32>
      %mul3A_1608 = arith.mulf %get3A_1601, %get3A_1601 : vector<16xf32>
      %mul3A_1609 = arith.mulf %get3A_1607, %get3A_1607 : vector<16xf32>
      %mul3A_1610 = arith.mulf %get3A_1601, %get3A_1607 : vector<16xf32>
      %mul3A_1611 = arith.mulf %get3A_1503, %mul3A_1608 : vector<16xf32>
      %add3A_1612 = arith.addf %scan3A_1478, %mul3A_1611 : vector<16xf32>
      %mul3A_1613 = arith.mulf %get3A_1503, %mul3A_1610 : vector<16xf32>
      %add3A_1614 = arith.addf %scan3A_1479, %mul3A_1613 : vector<16xf32>
      %mul3A_1615 = arith.mulf %get3A_1503, %mul3A_1609 : vector<16xf32>
      %add3A_1616 = arith.addf %scan3A_1480, %mul3A_1615 : vector<16xf32>
      %add3A_1617 = arith.addf %scan3A_1481, %mul3A_1608 : vector<16xf32>
      %add3A_1618 = arith.addf %scan3A_1482, %mul3A_1609 : vector<16xf32>
      %get3A_1619 = arith.constant 0 : i32
      %get3A_1620 = arith.index_cast %get3A_1619 : i32 to index
      %get3A_1621 = arith.index_cast %scan3A_1457 : i32 to index
      %get3A_1622 = arith.constant 80 : index
      %get3A_1623 = tpu.vector_load %arg14[%get3A_1620, %get3A_1621, %get3A_1622] {strides = array<i32>} : memref<2x64x128xf32, #tpu.memory_space<vmem>>, vector<1x1x16xf32>,
      %get3A_1624 = vector.shape_cast %get3A_1623 : vector<1x1x16xf32> to vector<16xf32>
      %get3A_1625 = arith.constant 0 : i32
      %get3A_1626 = arith.index_cast %get3A_1625 : i32 to index
      %get3A_1627 = arith.index_cast %scan3A_1457 : i32 to index
      %get3A_1628 = arith.constant 80 : index
      %get3A_1629 = tpu.vector_load %arg15[%get3A_1626, %get3A_1627, %get3A_1628] {strides = array<i32>} : memref<2x64x128xf32, #tpu.memory_space<vmem>>, vector<1x1x16xf32>,
      %get3A_1630 = vector.shape_cast %get3A_1629 : vector<1x1x16xf32> to vector<16xf32>
      %mul3A_1631 = arith.mulf %get3A_1624, %get3A_1624 : vector<16xf32>
      %mul3A_1632 = arith.mulf %get3A_1630, %get3A_1630 : vector<16xf32>
      %mul3A_1633 = arith.mulf %get3A_1624, %get3A_1630 : vector<16xf32>
      %mul3A_1634 = arith.mulf %get3A_1503, %mul3A_1631 : vector<16xf32>
      %add3A_1635 = arith.addf %scan3A_1483, %mul3A_1634 : vector<16xf32>
      %mul3A_1636 = arith.mulf %get3A_1503, %mul3A_1633 : vector<16xf32>
      %add3A_1637 = arith.addf %scan3A_1484, %mul3A_1636 : vector<16xf32>
      %mul3A_1638 = arith.mulf %get3A_1503, %mul3A_1632 : vector<16xf32>
      %add3A_1639 = arith.addf %scan3A_1485, %mul3A_1638 : vector<16xf32>
      %add3A_1640 = arith.addf %scan3A_1486, %mul3A_1631 : vector<16xf32>
      %add3A_1641 = arith.addf %scan3A_1487, %mul3A_1632 : vector<16xf32>
      %get3A_1642 = arith.constant 0 : i32
      %get3A_1643 = arith.index_cast %get3A_1642 : i32 to index
      %get3A_1644 = arith.index_cast %scan3A_1457 : i32 to index
      %get3A_1645 = arith.constant 96 : index
      %get3A_1646 = tpu.vector_load %arg14[%get3A_1643, %get3A_1644, %get3A_1645] {strides = array<i32>} : memref<2x64x128xf32, #tpu.memory_space<vmem>>, vector<1x1x16xf32>,
      %get3A_1647 = vector.shape_cast %get3A_1646 : vector<1x1x16xf32> to vector<16xf32>
      %get3A_1648 = arith.constant 0 : i32
      %get3A_1649 = arith.index_cast %get3A_1648 : i32 to index
      %get3A_1650 = arith.index_cast %scan3A_1457 : i32 to index
      %get3A_1651 = arith.constant 96 : index
      %get3A_1652 = tpu.vector_load %arg15[%get3A_1649, %get3A_1650, %get3A_1651] {strides = array<i32>} : memref<2x64x128xf32, #tpu.memory_space<vmem>>, vector<1x1x16xf32>,
      %get3A_1653 = vector.shape_cast %get3A_1652 : vector<1x1x16xf32> to vector<16xf32>
      %mul3A_1654 = arith.mulf %get3A_1647, %get3A_1647 : vector<16xf32>
      %mul3A_1655 = arith.mulf %get3A_1653, %get3A_1653 : vector<16xf32>
      %mul3A_1656 = arith.mulf %get3A_1647, %get3A_1653 : vector<16xf32>
      %mul3A_1657 = arith.mulf %get3A_1503, %mul3A_1654 : vector<16xf32>
      %add3A_1658 = arith.addf %scan3A_1488, %mul3A_1657 : vector<16xf32>
      %mul3A_1659 = arith.mulf %get3A_1503, %mul3A_1656 : vector<16xf32>
      %add3A_1660 = arith.addf %scan3A_1489, %mul3A_1659 : vector<16xf32>
      %mul3A_1661 = arith.mulf %get3A_1503, %mul3A_1655 : vector<16xf32>
      %add3A_1662 = arith.addf %scan3A_1490, %mul3A_1661 : vector<16xf32>
      %add3A_1663 = arith.addf %scan3A_1491, %mul3A_1654 : vector<16xf32>
      %add3A_1664 = arith.addf %scan3A_1492, %mul3A_1655 : vector<16xf32>
      %get3A_1665 = arith.constant 0 : i32
      %get3A_1666 = arith.index_cast %get3A_1665 : i32 to index
      %get3A_1667 = arith.index_cast %scan3A_1457 : i32 to index
      %get3A_1668 = arith.constant 112 : index
      %get3A_1669 = tpu.vector_load %arg14[%get3A_1666, %get3A_1667, %get3A_1668] {strides = array<i32>} : memref<2x64x128xf32, #tpu.memory_space<vmem>>, vector<1x1x16xf32>,
      %get3A_1670 = vector.shape_cast %get3A_1669 : vector<1x1x16xf32> to vector<16xf32>
      %get3A_1671 = arith.constant 0 : i32
      %get3A_1672 = arith.index_cast %get3A_1671 : i32 to index
      %get3A_1673 = arith.index_cast %scan3A_1457 : i32 to index
      %get3A_1674 = arith.constant 112 : index
      %get3A_1675 = tpu.vector_load %arg15[%get3A_1672, %get3A_1673, %get3A_1674] {strides = array<i32>} : memref<2x64x128xf32, #tpu.memory_space<vmem>>, vector<1x1x16xf32>,
      %get3A_1676 = vector.shape_cast %get3A_1675 : vector<1x1x16xf32> to vector<16xf32>
      %mul3A_1677 = arith.mulf %get3A_1670, %get3A_1670 : vector<16xf32>
      %mul3A_1678 = arith.mulf %get3A_1676, %get3A_1676 : vector<16xf32>
      %mul3A_1679 = arith.mulf %get3A_1670, %get3A_1676 : vector<16xf32>
      %mul3A_1680 = arith.mulf %get3A_1503, %mul3A_1677 : vector<16xf32>
      %add3A_1681 = arith.addf %scan3A_1493, %mul3A_1680 : vector<16xf32>
      %mul3A_1682 = arith.mulf %get3A_1503, %mul3A_1679 : vector<16xf32>
      %add3A_1683 = arith.addf %scan3A_1494, %mul3A_1682 : vector<16xf32>
      %mul3A_1684 = arith.mulf %get3A_1503, %mul3A_1678 : vector<16xf32>
      %add3A_1685 = arith.addf %scan3A_1495, %mul3A_1684 : vector<16xf32>
      %add3A_1686 = arith.addf %scan3A_1496, %mul3A_1677 : vector<16xf32>
      %add3A_1687 = arith.addf %scan3A_1497, %mul3A_1678 : vector<16xf32>
      scf.yield %add3A_1520, %add3A_1522, %add3A_1524, %add3A_1525, %add3A_1526, %add3A_1543, %add3A_1545, %add3A_1547, %add3A_1548, %add3A_1549, %add3A_1566, %add3A_1568, %add3A_1570, %add3A_1571, %add3A_1572, %add3A_1589, %add3A_1591, %add3A_1593, %add3A_1594, %add3A_1595, %add3A_1612, %add3A_1614, %add3A_1616, %add3A_1617, %add3A_1618, %add3A_1635, %add3A_1637, %add3A_1639, %add3A_1640, %add3A_1641, %add3A_1658, %add3A_1660, %add3A_1662, %add3A_1663, %add3A_1664, %add3A_1681, %add3A_1683, %add3A_1685, %add3A_1686, %add3A_1687 : vector<16xf32>, vector<16xf32>, vector<16xf32>, vector<16xf32>, vector<16xf32>, vector<16xf32>, vector<16xf32>, vector<16xf32>, vector<16xf32>, vector<16xf32>, vector<16xf32>, vector<16xf32>, vector<16xf32>, vector<16xf32>, vector<16xf32>, vector<16xf32>, vector<16xf32>, vector<16xf32>, vector<16xf32>, vector<16xf32>, vector<16xf32>, vector<16xf32>, vector<16xf32>, vector<16xf32>, vector<16xf32>, vector<16xf32>, vector<16xf32>, vector<16xf32>, vector<16xf32>, vector<16xf32>, vector<16xf32>, vector<16xf32>, vector<16xf32>, vector<16xf32>, vector<16xf32>, vector<16xf32>, vector<16xf32>, vector<16xf32>, vector<16xf32>, vector<16xf32>
    }
    %scan3A_1043 = arith.constant 64 : i32
    %dma_start3A_1044 = arith.constant 0 : i32
    %dma_start3A_1045 = arith.constant 0 : i32
    %dma_start3A_1046 = arith.constant 0 : i32
    %dma_start3A_1047 = tpu.memref_slice %arg15[%dma_start3A_1044, %dma_start3A_1045, %dma_start3A_1046] : memref<2x64x128xf32, #tpu.memory_space<vmem>> -> memref<1x64x128xf32, #tpu.memory_space<vmem>>
    %dma_start3A_1048 = tpu.memref_squeeze %dma_start3A_1047 : memref<1x64x128xf32, #tpu.memory_space<vmem>> -> memref<64x128xf32, #tpu.memory_space<vmem>>
    %dma_start3A_1049 = arith.constant 256 : i32
    %dma_start3A_1050 = tpu.memref_slice %arg10[%dma_start3A_1049] : memref<512xi32, #tpu.memory_space<vmem>> -> memref<64xi32, #tpu.memory_space<vmem>>
    %dma_start3A_1051 = arith.constant 0 : i32
    %dma_start3A_1052 = arith.constant 0 : i32
    %dma_start3A_1053 = tpu.memref_slice %arg4[%dma_start3A_1051, %dma_start3A_1052] : memref<100000x128xf32, #tpu.memory_space<hbm>> -> memref<100000x128xf32, #tpu.memory_space<hbm>>
    tpu.enqueue_indirect_dma source(%dma_start3A_1053 : memref<100000x128xf32, #tpu.memory_space<hbm>>) target(%dma_start3A_1048 : memref<64x128xf32, #tpu.memory_space<vmem>>) offsets(%dma_start3A_1050 : memref<64xi32, #tpu.memory_space<vmem>>) semaphore(%arg17 : memref<!tpu.dma_semaphore, #tpu.memory_space<semaphore_mem>>)
    %mul3A_1054 = arith.constant 512 : i32
    %mul3A_1055 = arith.muli %add3A, %mul3A_1054 : i32
    %add3A_1056 = arith.constant 256 : i32
    %add3A_1057 = arith.addi %mul3A_1055, %add3A_1056 : i32
    %dma_start3A_1058 = arith.constant 0 : i32
    %dma_start3A_1059 = arith.constant 0 : i32
    %dma_start3A_1060 = arith.constant 0 : i32
    %dma_start3A_1061 = tpu.memref_slice %arg14[%dma_start3A_1058, %dma_start3A_1059, %dma_start3A_1060] : memref<2x64x128xf32, #tpu.memory_space<vmem>> -> memref<1x64x128xf32, #tpu.memory_space<vmem>>
    %dma_start3A_1062 = tpu.memref_squeeze %dma_start3A_1061 : memref<1x64x128xf32, #tpu.memory_space<vmem>> -> memref<64x128xf32, #tpu.memory_space<vmem>>
    %dma_start3A_1063 = arith.constant 0 : i32
    %dma_start3A_1064 = tpu.memref_slice %arg3[%add3A_1057, %dma_start3A_1063] : memref<16384x128xf32, #tpu.memory_space<hbm>> -> memref<64x128xf32, #tpu.memory_space<hbm>>
    %dma_start3A_1065 = arith.constant 0 : i32
    %dma_start3A_1066 = arith.constant 0 : i32
    %dma_start3A_1067 = tpu.memref_slice %arg14[%dma_start3A_1058, %dma_start3A_1065, %dma_start3A_1066] : memref<2x64x128xf32, #tpu.memory_space<vmem>> -> memref<1x64x128xf32, #tpu.memory_space<vmem>>
    %dma_start3A_1068 = tpu.memref_squeeze %dma_start3A_1067 : memref<1x64x128xf32, #tpu.memory_space<vmem>> -> memref<64x128xf32, #tpu.memory_space<vmem>>
    %dma_start3A_1069 = arith.constant 0 : i32
    %dma_start3A_1070 = tpu.memref_slice %arg3[%add3A_1057, %dma_start3A_1069] : memref<16384x128xf32, #tpu.memory_space<hbm>> -> memref<64x128xf32, #tpu.memory_space<hbm>>
    tpu.enqueue_dma source(%dma_start3A_1070 : memref<64x128xf32, #tpu.memory_space<hbm>>) target(%dma_start3A_1068 : memref<64x128xf32, #tpu.memory_space<vmem>>) target_semaphore(%arg19 : memref<!tpu.dma_semaphore, #tpu.memory_space<semaphore_mem>>)
    %dma_wait3A_1071 = arith.constant 1 : i32
    %dma_wait3A_1072 = arith.constant 0 : i32
    %dma_wait3A_1073 = arith.constant 0 : i32
    %dma_wait3A_1074 = tpu.memref_slice %arg15[%dma_wait3A_1071, %dma_wait3A_1072, %dma_wait3A_1073] : memref<2x64x128xf32, #tpu.memory_space<vmem>> -> memref<1x64x128xf32, #tpu.memory_space<vmem>>
    %dma_wait3A_1075 = tpu.memref_squeeze %dma_wait3A_1074 : memref<1x64x128xf32, #tpu.memory_space<vmem>> -> memref<64x128xf32, #tpu.memory_space<vmem>>
    %dma_wait3A_1076 = arith.constant 192 : i32
    %dma_wait3A_1077 = tpu.memref_slice %arg10[%dma_wait3A_1076] : memref<512xi32, #tpu.memory_space<vmem>> -> memref<64xi32, #tpu.memory_space<vmem>>
    %dma_wait3A_1078 = arith.constant 0 : i32
    %dma_wait3A_1079 = arith.constant 0 : i32
    %dma_wait3A_1080 = tpu.memref_slice %arg4[%dma_wait3A_1078, %dma_wait3A_1079] : memref<100000x128xf32, #tpu.memory_space<hbm>> -> memref<100000x128xf32, #tpu.memory_space<hbm>>
    tpu.wait_indirect_dma semaphore(%arg18 : memref<!tpu.dma_semaphore, #tpu.memory_space<semaphore_mem>>) src(%dma_wait3A_1080 : memref<100000x128xf32, #tpu.memory_space<hbm>>) dst(%dma_wait3A_1075 : memref<64x128xf32, #tpu.memory_space<vmem>>)
    %dma_wait3A_1081 = arith.constant 1 : i32
    %dma_wait3A_1082 = arith.constant 0 : i32
    %dma_wait3A_1083 = arith.constant 0 : i32
    %dma_wait3A_1084 = tpu.memref_slice %arg14[%dma_wait3A_1081, %dma_wait3A_1082, %dma_wait3A_1083] : memref<2x64x128xf32, #tpu.memory_space<vmem>> -> memref<1x64x128xf32, #tpu.memory_space<vmem>>
    %dma_wait3A_1085 = tpu.memref_squeeze %dma_wait3A_1084 : memref<1x64x128xf32, #tpu.memory_space<vmem>> -> memref<64x128xf32, #tpu.memory_space<vmem>>
    %dma_wait3A_1086 = arith.constant 0 : i32
    %dma_wait3A_1087 = tpu.memref_slice %arg3[%add3A_1001, %dma_wait3A_1086] : memref<16384x128xf32, #tpu.memory_space<hbm>> -> memref<64x128xf32, #tpu.memory_space<hbm>>
    %dma_wait3A_1088 = arith.constant 0 : i32
    %dma_wait3A_1089 = arith.constant 0 : i32
    %dma_wait3A_1090 = tpu.memref_slice %arg14[%dma_wait3A_1081, %dma_wait3A_1088, %dma_wait3A_1089] : memref<2x64x128xf32, #tpu.memory_space<vmem>> -> memref<1x64x128xf32, #tpu.memory_space<vmem>>
    %dma_wait3A_1091 = tpu.memref_squeeze %dma_wait3A_1090 : memref<1x64x128xf32, #tpu.memory_space<vmem>> -> memref<64x128xf32, #tpu.memory_space<vmem>>
    %dma_wait3A_1092 = arith.constant 0 : i32
    %dma_wait3A_1093 = tpu.memref_slice %arg3[%add3A_1001, %dma_wait3A_1092] : memref<16384x128xf32, #tpu.memory_space<hbm>> -> memref<64x128xf32, #tpu.memory_space<hbm>>
    tpu.wait_dma2 semaphore(%arg20 : memref<!tpu.dma_semaphore, #tpu.memory_space<semaphore_mem>>) src(%dma_wait3A_1093 : memref<64x128xf32, #tpu.memory_space<hbm>>) dst(%dma_wait3A_1091 : memref<64x128xf32, #tpu.memory_space<vmem>>)
    %scan3A_1094 = arith.constant 0 : i32
    %scan3A_1095 = arith.constant 64 : i32
    %scan3A_1096 = arith.addi %scan3A_1094, %scan3A_1095 : i32
    %scan3A_1097 = arith.constant 1 : i32
    %scan3A_1098:40 = scf.for %scan3A_1457 = %scan3A_1094 to %scan3A_1096 step %scan3A_1097 iter_args(%scan3A_1458 = %scan3A_1042#0, %scan3A_1459 = %scan3A_1042#1, %scan3A_1460 = %scan3A_1042#2, %scan3A_1461 = %scan3A_1042#3, %scan3A_1462 = %scan3A_1042#4, %scan3A_1463 = %scan3A_1042#5, %scan3A_1464 = %scan3A_1042#6, %scan3A_1465 = %scan3A_1042#7, %scan3A_1466 = %scan3A_1042#8, %scan3A_1467 = %scan3A_1042#9, %scan3A_1468 = %scan3A_1042#10, %scan3A_1469 = %scan3A_1042#11, %scan3A_1470 = %scan3A_1042#12, %scan3A_1471 = %scan3A_1042#13, %scan3A_1472 = %scan3A_1042#14, %scan3A_1473 = %scan3A_1042#15, %scan3A_1474 = %scan3A_1042#16, %scan3A_1475 = %scan3A_1042#17, %scan3A_1476 = %scan3A_1042#18, %scan3A_1477 = %scan3A_1042#19, %scan3A_1478 = %scan3A_1042#20, %scan3A_1479 = %scan3A_1042#21, %scan3A_1480 = %scan3A_1042#22, %scan3A_1481 = %scan3A_1042#23, %scan3A_1482 = %scan3A_1042#24, %scan3A_1483 = %scan3A_1042#25, %scan3A_1484 = %scan3A_1042#26, %scan3A_1485 = %scan3A_1042#27, %scan3A_1486 = %scan3A_1042#28, %scan3A_1487 = %scan3A_1042#29, %scan3A_1488 = %scan3A_1042#30, %scan3A_1489 = %scan3A_1042#31, %scan3A_1490 = %scan3A_1042#32, %scan3A_1491 = %scan3A_1042#33, %scan3A_1492 = %scan3A_1042#34, %scan3A_1493 = %scan3A_1042#35, %scan3A_1494 = %scan3A_1042#36, %scan3A_1495 = %scan3A_1042#37, %scan3A_1496 = %scan3A_1042#38, %scan3A_1497 = %scan3A_1042#39) -> (vector<16xf32>, vector<16xf32>, vector<16xf32>, vector<16xf32>, vector<16xf32>, vector<16xf32>, vector<16xf32>, vector<16xf32>, vector<16xf32>, vector<16xf32>, vector<16xf32>, vector<16xf32>, vector<16xf32>, vector<16xf32>, vector<16xf32>, vector<16xf32>, vector<16xf32>, vector<16xf32>, vector<16xf32>, vector<16xf32>, vector<16xf32>, vector<16xf32>, vector<16xf32>, vector<16xf32>, vector<16xf32>, vector<16xf32>, vector<16xf32>, vector<16xf32>, vector<16xf32>, vector<16xf32>, vector<16xf32>, vector<16xf32>, vector<16xf32>, vector<16xf32>, vector<16xf32>, vector<16xf32>, vector<16xf32>, vector<16xf32>, vector<16xf32>, vector<16xf32>)  : i32 {
      %add3A_1498 = arith.constant 192 : i32
      %add3A_1499 = arith.addi %add3A_1498, %scan3A_1457 : i32
      %get3A_1500 = arith.index_cast %add3A_1499 : i32 to index
      %get3A_1501 = arith.constant 0 : index
      %get3A_1502 = tpu.vector_load %arg13[%get3A_1500, %get3A_1501] {strides = array<i32>} : memref<512x16xf32, #tpu.memory_space<vmem>>, vector<1x16xf32>,
      %get3A_1503 = vector.shape_cast %get3A_1502 : vector<1x16xf32> to vector<16xf32>
      %get3A_1504 = arith.constant 1 : i32
      %get3A_1505 = arith.index_cast %get3A_1504 : i32 to index
      %get3A_1506 = arith.index_cast %scan3A_1457 : i32 to index
      %get3A_1507 = arith.constant 0 : index
      %get3A_1508 = tpu.vector_load %arg14[%get3A_1505, %get3A_1506, %get3A_1507] {strides = array<i32>} : memref<2x64x128xf32, #tpu.memory_space<vmem>>, vector<1x1x16xf32>,
      %get3A_1509 = vector.shape_cast %get3A_1508 : vector<1x1x16xf32> to vector<16xf32>
      %get3A_1510 = arith.constant 1 : i32
      %get3A_1511 = arith.index_cast %get3A_1510 : i32 to index
      %get3A_1512 = arith.index_cast %scan3A_1457 : i32 to index
      %get3A_1513 = arith.constant 0 : index
      %get3A_1514 = tpu.vector_load %arg15[%get3A_1511, %get3A_1512, %get3A_1513] {strides = array<i32>} : memref<2x64x128xf32, #tpu.memory_space<vmem>>, vector<1x1x16xf32>,
      %get3A_1515 = vector.shape_cast %get3A_1514 : vector<1x1x16xf32> to vector<16xf32>
      %mul3A_1516 = arith.mulf %get3A_1509, %get3A_1509 : vector<16xf32>
      %mul3A_1517 = arith.mulf %get3A_1515, %get3A_1515 : vector<16xf32>
      %mul3A_1518 = arith.mulf %get3A_1509, %get3A_1515 : vector<16xf32>
      %mul3A_1519 = arith.mulf %get3A_1503, %mul3A_1516 : vector<16xf32>
      %add3A_1520 = arith.addf %scan3A_1458, %mul3A_1519 : vector<16xf32>
      %mul3A_1521 = arith.mulf %get3A_1503, %mul3A_1518 : vector<16xf32>
      %add3A_1522 = arith.addf %scan3A_1459, %mul3A_1521 : vector<16xf32>
      %mul3A_1523 = arith.mulf %get3A_1503, %mul3A_1517 : vector<16xf32>
      %add3A_1524 = arith.addf %scan3A_1460, %mul3A_1523 : vector<16xf32>
      %add3A_1525 = arith.addf %scan3A_1461, %mul3A_1516 : vector<16xf32>
      %add3A_1526 = arith.addf %scan3A_1462, %mul3A_1517 : vector<16xf32>
      %get3A_1527 = arith.constant 1 : i32
      %get3A_1528 = arith.index_cast %get3A_1527 : i32 to index
      %get3A_1529 = arith.index_cast %scan3A_1457 : i32 to index
      %get3A_1530 = arith.constant 16 : index
      %get3A_1531 = tpu.vector_load %arg14[%get3A_1528, %get3A_1529, %get3A_1530] {strides = array<i32>} : memref<2x64x128xf32, #tpu.memory_space<vmem>>, vector<1x1x16xf32>,
      %get3A_1532 = vector.shape_cast %get3A_1531 : vector<1x1x16xf32> to vector<16xf32>
      %get3A_1533 = arith.constant 1 : i32
      %get3A_1534 = arith.index_cast %get3A_1533 : i32 to index
      %get3A_1535 = arith.index_cast %scan3A_1457 : i32 to index
      %get3A_1536 = arith.constant 16 : index
      %get3A_1537 = tpu.vector_load %arg15[%get3A_1534, %get3A_1535, %get3A_1536] {strides = array<i32>} : memref<2x64x128xf32, #tpu.memory_space<vmem>>, vector<1x1x16xf32>,
      %get3A_1538 = vector.shape_cast %get3A_1537 : vector<1x1x16xf32> to vector<16xf32>
      %mul3A_1539 = arith.mulf %get3A_1532, %get3A_1532 : vector<16xf32>
      %mul3A_1540 = arith.mulf %get3A_1538, %get3A_1538 : vector<16xf32>
      %mul3A_1541 = arith.mulf %get3A_1532, %get3A_1538 : vector<16xf32>
      %mul3A_1542 = arith.mulf %get3A_1503, %mul3A_1539 : vector<16xf32>
      %add3A_1543 = arith.addf %scan3A_1463, %mul3A_1542 : vector<16xf32>
      %mul3A_1544 = arith.mulf %get3A_1503, %mul3A_1541 : vector<16xf32>
      %add3A_1545 = arith.addf %scan3A_1464, %mul3A_1544 : vector<16xf32>
      %mul3A_1546 = arith.mulf %get3A_1503, %mul3A_1540 : vector<16xf32>
      %add3A_1547 = arith.addf %scan3A_1465, %mul3A_1546 : vector<16xf32>
      %add3A_1548 = arith.addf %scan3A_1466, %mul3A_1539 : vector<16xf32>
      %add3A_1549 = arith.addf %scan3A_1467, %mul3A_1540 : vector<16xf32>
      %get3A_1550 = arith.constant 1 : i32
      %get3A_1551 = arith.index_cast %get3A_1550 : i32 to index
      %get3A_1552 = arith.index_cast %scan3A_1457 : i32 to index
      %get3A_1553 = arith.constant 32 : index
      %get3A_1554 = tpu.vector_load %arg14[%get3A_1551, %get3A_1552, %get3A_1553] {strides = array<i32>} : memref<2x64x128xf32, #tpu.memory_space<vmem>>, vector<1x1x16xf32>,
      %get3A_1555 = vector.shape_cast %get3A_1554 : vector<1x1x16xf32> to vector<16xf32>
      %get3A_1556 = arith.constant 1 : i32
      %get3A_1557 = arith.index_cast %get3A_1556 : i32 to index
      %get3A_1558 = arith.index_cast %scan3A_1457 : i32 to index
      %get3A_1559 = arith.constant 32 : index
      %get3A_1560 = tpu.vector_load %arg15[%get3A_1557, %get3A_1558, %get3A_1559] {strides = array<i32>} : memref<2x64x128xf32, #tpu.memory_space<vmem>>, vector<1x1x16xf32>,
      %get3A_1561 = vector.shape_cast %get3A_1560 : vector<1x1x16xf32> to vector<16xf32>
      %mul3A_1562 = arith.mulf %get3A_1555, %get3A_1555 : vector<16xf32>
      %mul3A_1563 = arith.mulf %get3A_1561, %get3A_1561 : vector<16xf32>
      %mul3A_1564 = arith.mulf %get3A_1555, %get3A_1561 : vector<16xf32>
      %mul3A_1565 = arith.mulf %get3A_1503, %mul3A_1562 : vector<16xf32>
      %add3A_1566 = arith.addf %scan3A_1468, %mul3A_1565 : vector<16xf32>
      %mul3A_1567 = arith.mulf %get3A_1503, %mul3A_1564 : vector<16xf32>
      %add3A_1568 = arith.addf %scan3A_1469, %mul3A_1567 : vector<16xf32>
      %mul3A_1569 = arith.mulf %get3A_1503, %mul3A_1563 : vector<16xf32>
      %add3A_1570 = arith.addf %scan3A_1470, %mul3A_1569 : vector<16xf32>
      %add3A_1571 = arith.addf %scan3A_1471, %mul3A_1562 : vector<16xf32>
      %add3A_1572 = arith.addf %scan3A_1472, %mul3A_1563 : vector<16xf32>
      %get3A_1573 = arith.constant 1 : i32
      %get3A_1574 = arith.index_cast %get3A_1573 : i32 to index
      %get3A_1575 = arith.index_cast %scan3A_1457 : i32 to index
      %get3A_1576 = arith.constant 48 : index
      %get3A_1577 = tpu.vector_load %arg14[%get3A_1574, %get3A_1575, %get3A_1576] {strides = array<i32>} : memref<2x64x128xf32, #tpu.memory_space<vmem>>, vector<1x1x16xf32>,
      %get3A_1578 = vector.shape_cast %get3A_1577 : vector<1x1x16xf32> to vector<16xf32>
      %get3A_1579 = arith.constant 1 : i32
      %get3A_1580 = arith.index_cast %get3A_1579 : i32 to index
      %get3A_1581 = arith.index_cast %scan3A_1457 : i32 to index
      %get3A_1582 = arith.constant 48 : index
      %get3A_1583 = tpu.vector_load %arg15[%get3A_1580, %get3A_1581, %get3A_1582] {strides = array<i32>} : memref<2x64x128xf32, #tpu.memory_space<vmem>>, vector<1x1x16xf32>,
      %get3A_1584 = vector.shape_cast %get3A_1583 : vector<1x1x16xf32> to vector<16xf32>
      %mul3A_1585 = arith.mulf %get3A_1578, %get3A_1578 : vector<16xf32>
      %mul3A_1586 = arith.mulf %get3A_1584, %get3A_1584 : vector<16xf32>
      %mul3A_1587 = arith.mulf %get3A_1578, %get3A_1584 : vector<16xf32>
      %mul3A_1588 = arith.mulf %get3A_1503, %mul3A_1585 : vector<16xf32>
      %add3A_1589 = arith.addf %scan3A_1473, %mul3A_1588 : vector<16xf32>
      %mul3A_1590 = arith.mulf %get3A_1503, %mul3A_1587 : vector<16xf32>
      %add3A_1591 = arith.addf %scan3A_1474, %mul3A_1590 : vector<16xf32>
      %mul3A_1592 = arith.mulf %get3A_1503, %mul3A_1586 : vector<16xf32>
      %add3A_1593 = arith.addf %scan3A_1475, %mul3A_1592 : vector<16xf32>
      %add3A_1594 = arith.addf %scan3A_1476, %mul3A_1585 : vector<16xf32>
      %add3A_1595 = arith.addf %scan3A_1477, %mul3A_1586 : vector<16xf32>
      %get3A_1596 = arith.constant 1 : i32
      %get3A_1597 = arith.index_cast %get3A_1596 : i32 to index
      %get3A_1598 = arith.index_cast %scan3A_1457 : i32 to index
      %get3A_1599 = arith.constant 64 : index
      %get3A_1600 = tpu.vector_load %arg14[%get3A_1597, %get3A_1598, %get3A_1599] {strides = array<i32>} : memref<2x64x128xf32, #tpu.memory_space<vmem>>, vector<1x1x16xf32>,
      %get3A_1601 = vector.shape_cast %get3A_1600 : vector<1x1x16xf32> to vector<16xf32>
      %get3A_1602 = arith.constant 1 : i32
      %get3A_1603 = arith.index_cast %get3A_1602 : i32 to index
      %get3A_1604 = arith.index_cast %scan3A_1457 : i32 to index
      %get3A_1605 = arith.constant 64 : index
      %get3A_1606 = tpu.vector_load %arg15[%get3A_1603, %get3A_1604, %get3A_1605] {strides = array<i32>} : memref<2x64x128xf32, #tpu.memory_space<vmem>>, vector<1x1x16xf32>,
      %get3A_1607 = vector.shape_cast %get3A_1606 : vector<1x1x16xf32> to vector<16xf32>
      %mul3A_1608 = arith.mulf %get3A_1601, %get3A_1601 : vector<16xf32>
      %mul3A_1609 = arith.mulf %get3A_1607, %get3A_1607 : vector<16xf32>
      %mul3A_1610 = arith.mulf %get3A_1601, %get3A_1607 : vector<16xf32>
      %mul3A_1611 = arith.mulf %get3A_1503, %mul3A_1608 : vector<16xf32>
      %add3A_1612 = arith.addf %scan3A_1478, %mul3A_1611 : vector<16xf32>
      %mul3A_1613 = arith.mulf %get3A_1503, %mul3A_1610 : vector<16xf32>
      %add3A_1614 = arith.addf %scan3A_1479, %mul3A_1613 : vector<16xf32>
      %mul3A_1615 = arith.mulf %get3A_1503, %mul3A_1609 : vector<16xf32>
      %add3A_1616 = arith.addf %scan3A_1480, %mul3A_1615 : vector<16xf32>
      %add3A_1617 = arith.addf %scan3A_1481, %mul3A_1608 : vector<16xf32>
      %add3A_1618 = arith.addf %scan3A_1482, %mul3A_1609 : vector<16xf32>
      %get3A_1619 = arith.constant 1 : i32
      %get3A_1620 = arith.index_cast %get3A_1619 : i32 to index
      %get3A_1621 = arith.index_cast %scan3A_1457 : i32 to index
      %get3A_1622 = arith.constant 80 : index
      %get3A_1623 = tpu.vector_load %arg14[%get3A_1620, %get3A_1621, %get3A_1622] {strides = array<i32>} : memref<2x64x128xf32, #tpu.memory_space<vmem>>, vector<1x1x16xf32>,
      %get3A_1624 = vector.shape_cast %get3A_1623 : vector<1x1x16xf32> to vector<16xf32>
      %get3A_1625 = arith.constant 1 : i32
      %get3A_1626 = arith.index_cast %get3A_1625 : i32 to index
      %get3A_1627 = arith.index_cast %scan3A_1457 : i32 to index
      %get3A_1628 = arith.constant 80 : index
      %get3A_1629 = tpu.vector_load %arg15[%get3A_1626, %get3A_1627, %get3A_1628] {strides = array<i32>} : memref<2x64x128xf32, #tpu.memory_space<vmem>>, vector<1x1x16xf32>,
      %get3A_1630 = vector.shape_cast %get3A_1629 : vector<1x1x16xf32> to vector<16xf32>
      %mul3A_1631 = arith.mulf %get3A_1624, %get3A_1624 : vector<16xf32>
      %mul3A_1632 = arith.mulf %get3A_1630, %get3A_1630 : vector<16xf32>
      %mul3A_1633 = arith.mulf %get3A_1624, %get3A_1630 : vector<16xf32>
      %mul3A_1634 = arith.mulf %get3A_1503, %mul3A_1631 : vector<16xf32>
      %add3A_1635 = arith.addf %scan3A_1483, %mul3A_1634 : vector<16xf32>
      %mul3A_1636 = arith.mulf %get3A_1503, %mul3A_1633 : vector<16xf32>
      %add3A_1637 = arith.addf %scan3A_1484, %mul3A_1636 : vector<16xf32>
      %mul3A_1638 = arith.mulf %get3A_1503, %mul3A_1632 : vector<16xf32>
      %add3A_1639 = arith.addf %scan3A_1485, %mul3A_1638 : vector<16xf32>
      %add3A_1640 = arith.addf %scan3A_1486, %mul3A_1631 : vector<16xf32>
      %add3A_1641 = arith.addf %scan3A_1487, %mul3A_1632 : vector<16xf32>
      %get3A_1642 = arith.constant 1 : i32
      %get3A_1643 = arith.index_cast %get3A_1642 : i32 to index
      %get3A_1644 = arith.index_cast %scan3A_1457 : i32 to index
      %get3A_1645 = arith.constant 96 : index
      %get3A_1646 = tpu.vector_load %arg14[%get3A_1643, %get3A_1644, %get3A_1645] {strides = array<i32>} : memref<2x64x128xf32, #tpu.memory_space<vmem>>, vector<1x1x16xf32>,
      %get3A_1647 = vector.shape_cast %get3A_1646 : vector<1x1x16xf32> to vector<16xf32>
      %get3A_1648 = arith.constant 1 : i32
      %get3A_1649 = arith.index_cast %get3A_1648 : i32 to index
      %get3A_1650 = arith.index_cast %scan3A_1457 : i32 to index
      %get3A_1651 = arith.constant 96 : index
      %get3A_1652 = tpu.vector_load %arg15[%get3A_1649, %get3A_1650, %get3A_1651] {strides = array<i32>} : memref<2x64x128xf32, #tpu.memory_space<vmem>>, vector<1x1x16xf32>,
      %get3A_1653 = vector.shape_cast %get3A_1652 : vector<1x1x16xf32> to vector<16xf32>
      %mul3A_1654 = arith.mulf %get3A_1647, %get3A_1647 : vector<16xf32>
      %mul3A_1655 = arith.mulf %get3A_1653, %get3A_1653 : vector<16xf32>
      %mul3A_1656 = arith.mulf %get3A_1647, %get3A_1653 : vector<16xf32>
      %mul3A_1657 = arith.mulf %get3A_1503, %mul3A_1654 : vector<16xf32>
      %add3A_1658 = arith.addf %scan3A_1488, %mul3A_1657 : vector<16xf32>
      %mul3A_1659 = arith.mulf %get3A_1503, %mul3A_1656 : vector<16xf32>
      %add3A_1660 = arith.addf %scan3A_1489, %mul3A_1659 : vector<16xf32>
      %mul3A_1661 = arith.mulf %get3A_1503, %mul3A_1655 : vector<16xf32>
      %add3A_1662 = arith.addf %scan3A_1490, %mul3A_1661 : vector<16xf32>
      %add3A_1663 = arith.addf %scan3A_1491, %mul3A_1654 : vector<16xf32>
      %add3A_1664 = arith.addf %scan3A_1492, %mul3A_1655 : vector<16xf32>
      %get3A_1665 = arith.constant 1 : i32
      %get3A_1666 = arith.index_cast %get3A_1665 : i32 to index
      %get3A_1667 = arith.index_cast %scan3A_1457 : i32 to index
      %get3A_1668 = arith.constant 112 : index
      %get3A_1669 = tpu.vector_load %arg14[%get3A_1666, %get3A_1667, %get3A_1668] {strides = array<i32>} : memref<2x64x128xf32, #tpu.memory_space<vmem>>, vector<1x1x16xf32>,
      %get3A_1670 = vector.shape_cast %get3A_1669 : vector<1x1x16xf32> to vector<16xf32>
      %get3A_1671 = arith.constant 1 : i32
      %get3A_1672 = arith.index_cast %get3A_1671 : i32 to index
      %get3A_1673 = arith.index_cast %scan3A_1457 : i32 to index
      %get3A_1674 = arith.constant 112 : index
      %get3A_1675 = tpu.vector_load %arg15[%get3A_1672, %get3A_1673, %get3A_1674] {strides = array<i32>} : memref<2x64x128xf32, #tpu.memory_space<vmem>>, vector<1x1x16xf32>,
      %get3A_1676 = vector.shape_cast %get3A_1675 : vector<1x1x16xf32> to vector<16xf32>
      %mul3A_1677 = arith.mulf %get3A_1670, %get3A_1670 : vector<16xf32>
      %mul3A_1678 = arith.mulf %get3A_1676, %get3A_1676 : vector<16xf32>
      %mul3A_1679 = arith.mulf %get3A_1670, %get3A_1676 : vector<16xf32>
      %mul3A_1680 = arith.mulf %get3A_1503, %mul3A_1677 : vector<16xf32>
      %add3A_1681 = arith.addf %scan3A_1493, %mul3A_1680 : vector<16xf32>
      %mul3A_1682 = arith.mulf %get3A_1503, %mul3A_1679 : vector<16xf32>
      %add3A_1683 = arith.addf %scan3A_1494, %mul3A_1682 : vector<16xf32>
      %mul3A_1684 = arith.mulf %get3A_1503, %mul3A_1678 : vector<16xf32>
      %add3A_1685 = arith.addf %scan3A_1495, %mul3A_1684 : vector<16xf32>
      %add3A_1686 = arith.addf %scan3A_1496, %mul3A_1677 : vector<16xf32>
      %add3A_1687 = arith.addf %scan3A_1497, %mul3A_1678 : vector<16xf32>
      scf.yield %add3A_1520, %add3A_1522, %add3A_1524, %add3A_1525, %add3A_1526, %add3A_1543, %add3A_1545, %add3A_1547, %add3A_1548, %add3A_1549, %add3A_1566, %add3A_1568, %add3A_1570, %add3A_1571, %add3A_1572, %add3A_1589, %add3A_1591, %add3A_1593, %add3A_1594, %add3A_1595, %add3A_1612, %add3A_1614, %add3A_1616, %add3A_1617, %add3A_1618, %add3A_1635, %add3A_1637, %add3A_1639, %add3A_1640, %add3A_1641, %add3A_1658, %add3A_1660, %add3A_1662, %add3A_1663, %add3A_1664, %add3A_1681, %add3A_1683, %add3A_1685, %add3A_1686, %add3A_1687 : vector<16xf32>, vector<16xf32>, vector<16xf32>, vector<16xf32>, vector<16xf32>, vector<16xf32>, vector<16xf32>, vector<16xf32>, vector<16xf32>, vector<16xf32>, vector<16xf32>, vector<16xf32>, vector<16xf32>, vector<16xf32>, vector<16xf32>, vector<16xf32>, vector<16xf32>, vector<16xf32>, vector<16xf32>, vector<16xf32>, vector<16xf32>, vector<16xf32>, vector<16xf32>, vector<16xf32>, vector<16xf32>, vector<16xf32>, vector<16xf32>, vector<16xf32>, vector<16xf32>, vector<16xf32>, vector<16xf32>, vector<16xf32>, vector<16xf32>, vector<16xf32>, vector<16xf32>, vector<16xf32>, vector<16xf32>, vector<16xf32>, vector<16xf32>, vector<16xf32>
    }
    %scan3A_1099 = arith.constant 64 : i32
    %dma_start3A_1100 = arith.constant 1 : i32
    %dma_start3A_1101 = arith.constant 0 : i32
    %dma_start3A_1102 = arith.constant 0 : i32
    %dma_start3A_1103 = tpu.memref_slice %arg15[%dma_start3A_1100, %dma_start3A_1101, %dma_start3A_1102] : memref<2x64x128xf32, #tpu.memory_space<vmem>> -> memref<1x64x128xf32, #tpu.memory_space<vmem>>
    %dma_start3A_1104 = tpu.memref_squeeze %dma_start3A_1103 : memref<1x64x128xf32, #tpu.memory_space<vmem>> -> memref<64x128xf32, #tpu.memory_space<vmem>>
    %dma_start3A_1105 = arith.constant 320 : i32
    %dma_start3A_1106 = tpu.memref_slice %arg10[%dma_start3A_1105] : memref<512xi32, #tpu.memory_space<vmem>> -> memref<64xi32, #tpu.memory_space<vmem>>
    %dma_start3A_1107 = arith.constant 0 : i32
    %dma_start3A_1108 = arith.constant 0 : i32
    %dma_start3A_1109 = tpu.memref_slice %arg4[%dma_start3A_1107, %dma_start3A_1108] : memref<100000x128xf32, #tpu.memory_space<hbm>> -> memref<100000x128xf32, #tpu.memory_space<hbm>>
    tpu.enqueue_indirect_dma source(%dma_start3A_1109 : memref<100000x128xf32, #tpu.memory_space<hbm>>) target(%dma_start3A_1104 : memref<64x128xf32, #tpu.memory_space<vmem>>) offsets(%dma_start3A_1106 : memref<64xi32, #tpu.memory_space<vmem>>) semaphore(%arg18 : memref<!tpu.dma_semaphore, #tpu.memory_space<semaphore_mem>>)
    %mul3A_1110 = arith.constant 512 : i32
    %mul3A_1111 = arith.muli %add3A, %mul3A_1110 : i32
    %add3A_1112 = arith.constant 320 : i32
    %add3A_1113 = arith.addi %mul3A_1111, %add3A_1112 : i32
    %dma_start3A_1114 = arith.constant 1 : i32
    %dma_start3A_1115 = arith.constant 0 : i32
    %dma_start3A_1116 = arith.constant 0 : i32
    %dma_start3A_1117 = tpu.memref_slice %arg14[%dma_start3A_1114, %dma_start3A_1115, %dma_start3A_1116] : memref<2x64x128xf32, #tpu.memory_space<vmem>> -> memref<1x64x128xf32, #tpu.memory_space<vmem>>
    %dma_start3A_1118 = tpu.memref_squeeze %dma_start3A_1117 : memref<1x64x128xf32, #tpu.memory_space<vmem>> -> memref<64x128xf32, #tpu.memory_space<vmem>>
    %dma_start3A_1119 = arith.constant 0 : i32
    %dma_start3A_1120 = tpu.memref_slice %arg3[%add3A_1113, %dma_start3A_1119] : memref<16384x128xf32, #tpu.memory_space<hbm>> -> memref<64x128xf32, #tpu.memory_space<hbm>>
    %dma_start3A_1121 = arith.constant 0 : i32
    %dma_start3A_1122 = arith.constant 0 : i32
    %dma_start3A_1123 = tpu.memref_slice %arg14[%dma_start3A_1114, %dma_start3A_1121, %dma_start3A_1122] : memref<2x64x128xf32, #tpu.memory_space<vmem>> -> memref<1x64x128xf32, #tpu.memory_space<vmem>>
    %dma_start3A_1124 = tpu.memref_squeeze %dma_start3A_1123 : memref<1x64x128xf32, #tpu.memory_space<vmem>> -> memref<64x128xf32, #tpu.memory_space<vmem>>
    %dma_start3A_1125 = arith.constant 0 : i32
    %dma_start3A_1126 = tpu.memref_slice %arg3[%add3A_1113, %dma_start3A_1125] : memref<16384x128xf32, #tpu.memory_space<hbm>> -> memref<64x128xf32, #tpu.memory_space<hbm>>
    tpu.enqueue_dma source(%dma_start3A_1126 : memref<64x128xf32, #tpu.memory_space<hbm>>) target(%dma_start3A_1124 : memref<64x128xf32, #tpu.memory_space<vmem>>) target_semaphore(%arg20 : memref<!tpu.dma_semaphore, #tpu.memory_space<semaphore_mem>>)
    %dma_wait3A_1127 = arith.constant 0 : i32
    %dma_wait3A_1128 = arith.constant 0 : i32
    %dma_wait3A_1129 = arith.constant 0 : i32
    %dma_wait3A_1130 = tpu.memref_slice %arg15[%dma_wait3A_1127, %dma_wait3A_1128, %dma_wait3A_1129] : memref<2x64x128xf32, #tpu.memory_space<vmem>> -> memref<1x64x128xf32, #tpu.memory_space<vmem>>
    %dma_wait3A_1131 = tpu.memref_squeeze %dma_wait3A_1130 : memref<1x64x128xf32, #tpu.memory_space<vmem>> -> memref<64x128xf32, #tpu.memory_space<vmem>>
    %dma_wait3A_1132 = arith.constant 256 : i32
    %dma_wait3A_1133 = tpu.memref_slice %arg10[%dma_wait3A_1132] : memref<512xi32, #tpu.memory_space<vmem>> -> memref<64xi32, #tpu.memory_space<vmem>>
    %dma_wait3A_1134 = arith.constant 0 : i32
    %dma_wait3A_1135 = arith.constant 0 : i32
    %dma_wait3A_1136 = tpu.memref_slice %arg4[%dma_wait3A_1134, %dma_wait3A_1135] : memref<100000x128xf32, #tpu.memory_space<hbm>> -> memref<100000x128xf32, #tpu.memory_space<hbm>>
    tpu.wait_indirect_dma semaphore(%arg17 : memref<!tpu.dma_semaphore, #tpu.memory_space<semaphore_mem>>) src(%dma_wait3A_1136 : memref<100000x128xf32, #tpu.memory_space<hbm>>) dst(%dma_wait3A_1131 : memref<64x128xf32, #tpu.memory_space<vmem>>)
    %dma_wait3A_1137 = arith.constant 0 : i32
    %dma_wait3A_1138 = arith.constant 0 : i32
    %dma_wait3A_1139 = arith.constant 0 : i32
    %dma_wait3A_1140 = tpu.memref_slice %arg14[%dma_wait3A_1137, %dma_wait3A_1138, %dma_wait3A_1139] : memref<2x64x128xf32, #tpu.memory_space<vmem>> -> memref<1x64x128xf32, #tpu.memory_space<vmem>>
    %dma_wait3A_1141 = tpu.memref_squeeze %dma_wait3A_1140 : memref<1x64x128xf32, #tpu.memory_space<vmem>> -> memref<64x128xf32, #tpu.memory_space<vmem>>
    %dma_wait3A_1142 = arith.constant 0 : i32
    %dma_wait3A_1143 = tpu.memref_slice %arg3[%add3A_1057, %dma_wait3A_1142] : memref<16384x128xf32, #tpu.memory_space<hbm>> -> memref<64x128xf32, #tpu.memory_space<hbm>>
    %dma_wait3A_1144 = arith.constant 0 : i32
    %dma_wait3A_1145 = arith.constant 0 : i32
    %dma_wait3A_1146 = tpu.memref_slice %arg14[%dma_wait3A_1137, %dma_wait3A_1144, %dma_wait3A_1145] : memref<2x64x128xf32, #tpu.memory_space<vmem>> -> memref<1x64x128xf32, #tpu.memory_space<vmem>>
    %dma_wait3A_1147 = tpu.memref_squeeze %dma_wait3A_1146 : memref<1x64x128xf32, #tpu.memory_space<vmem>> -> memref<64x128xf32, #tpu.memory_space<vmem>>
    %dma_wait3A_1148 = arith.constant 0 : i32
    %dma_wait3A_1149 = tpu.memref_slice %arg3[%add3A_1057, %dma_wait3A_1148] : memref<16384x128xf32, #tpu.memory_space<hbm>> -> memref<64x128xf32, #tpu.memory_space<hbm>>
    tpu.wait_dma2 semaphore(%arg19 : memref<!tpu.dma_semaphore, #tpu.memory_space<semaphore_mem>>) src(%dma_wait3A_1149 : memref<64x128xf32, #tpu.memory_space<hbm>>) dst(%dma_wait3A_1147 : memref<64x128xf32, #tpu.memory_space<vmem>>)
    %scan3A_1150 = arith.constant 0 : i32
    %scan3A_1151 = arith.constant 64 : i32
    %scan3A_1152 = arith.addi %scan3A_1150, %scan3A_1151 : i32
    %scan3A_1153 = arith.constant 1 : i32
    %scan3A_1154:40 = scf.for %scan3A_1457 = %scan3A_1150 to %scan3A_1152 step %scan3A_1153 iter_args(%scan3A_1458 = %scan3A_1098#0, %scan3A_1459 = %scan3A_1098#1, %scan3A_1460 = %scan3A_1098#2, %scan3A_1461 = %scan3A_1098#3, %scan3A_1462 = %scan3A_1098#4, %scan3A_1463 = %scan3A_1098#5, %scan3A_1464 = %scan3A_1098#6, %scan3A_1465 = %scan3A_1098#7, %scan3A_1466 = %scan3A_1098#8, %scan3A_1467 = %scan3A_1098#9, %scan3A_1468 = %scan3A_1098#10, %scan3A_1469 = %scan3A_1098#11, %scan3A_1470 = %scan3A_1098#12, %scan3A_1471 = %scan3A_1098#13, %scan3A_1472 = %scan3A_1098#14, %scan3A_1473 = %scan3A_1098#15, %scan3A_1474 = %scan3A_1098#16, %scan3A_1475 = %scan3A_1098#17, %scan3A_1476 = %scan3A_1098#18, %scan3A_1477 = %scan3A_1098#19, %scan3A_1478 = %scan3A_1098#20, %scan3A_1479 = %scan3A_1098#21, %scan3A_1480 = %scan3A_1098#22, %scan3A_1481 = %scan3A_1098#23, %scan3A_1482 = %scan3A_1098#24, %scan3A_1483 = %scan3A_1098#25, %scan3A_1484 = %scan3A_1098#26, %scan3A_1485 = %scan3A_1098#27, %scan3A_1486 = %scan3A_1098#28, %scan3A_1487 = %scan3A_1098#29, %scan3A_1488 = %scan3A_1098#30, %scan3A_1489 = %scan3A_1098#31, %scan3A_1490 = %scan3A_1098#32, %scan3A_1491 = %scan3A_1098#33, %scan3A_1492 = %scan3A_1098#34, %scan3A_1493 = %scan3A_1098#35, %scan3A_1494 = %scan3A_1098#36, %scan3A_1495 = %scan3A_1098#37, %scan3A_1496 = %scan3A_1098#38, %scan3A_1497 = %scan3A_1098#39) -> (vector<16xf32>, vector<16xf32>, vector<16xf32>, vector<16xf32>, vector<16xf32>, vector<16xf32>, vector<16xf32>, vector<16xf32>, vector<16xf32>, vector<16xf32>, vector<16xf32>, vector<16xf32>, vector<16xf32>, vector<16xf32>, vector<16xf32>, vector<16xf32>, vector<16xf32>, vector<16xf32>, vector<16xf32>, vector<16xf32>, vector<16xf32>, vector<16xf32>, vector<16xf32>, vector<16xf32>, vector<16xf32>, vector<16xf32>, vector<16xf32>, vector<16xf32>, vector<16xf32>, vector<16xf32>, vector<16xf32>, vector<16xf32>, vector<16xf32>, vector<16xf32>, vector<16xf32>, vector<16xf32>, vector<16xf32>, vector<16xf32>, vector<16xf32>, vector<16xf32>)  : i32 {
      %add3A_1498 = arith.constant 256 : i32
      %add3A_1499 = arith.addi %add3A_1498, %scan3A_1457 : i32
      %get3A_1500 = arith.index_cast %add3A_1499 : i32 to index
      %get3A_1501 = arith.constant 0 : index
      %get3A_1502 = tpu.vector_load %arg13[%get3A_1500, %get3A_1501] {strides = array<i32>} : memref<512x16xf32, #tpu.memory_space<vmem>>, vector<1x16xf32>,
      %get3A_1503 = vector.shape_cast %get3A_1502 : vector<1x16xf32> to vector<16xf32>
      %get3A_1504 = arith.constant 0 : i32
      %get3A_1505 = arith.index_cast %get3A_1504 : i32 to index
      %get3A_1506 = arith.index_cast %scan3A_1457 : i32 to index
      %get3A_1507 = arith.constant 0 : index
      %get3A_1508 = tpu.vector_load %arg14[%get3A_1505, %get3A_1506, %get3A_1507] {strides = array<i32>} : memref<2x64x128xf32, #tpu.memory_space<vmem>>, vector<1x1x16xf32>,
      %get3A_1509 = vector.shape_cast %get3A_1508 : vector<1x1x16xf32> to vector<16xf32>
      %get3A_1510 = arith.constant 0 : i32
      %get3A_1511 = arith.index_cast %get3A_1510 : i32 to index
      %get3A_1512 = arith.index_cast %scan3A_1457 : i32 to index
      %get3A_1513 = arith.constant 0 : index
      %get3A_1514 = tpu.vector_load %arg15[%get3A_1511, %get3A_1512, %get3A_1513] {strides = array<i32>} : memref<2x64x128xf32, #tpu.memory_space<vmem>>, vector<1x1x16xf32>,
      %get3A_1515 = vector.shape_cast %get3A_1514 : vector<1x1x16xf32> to vector<16xf32>
      %mul3A_1516 = arith.mulf %get3A_1509, %get3A_1509 : vector<16xf32>
      %mul3A_1517 = arith.mulf %get3A_1515, %get3A_1515 : vector<16xf32>
      %mul3A_1518 = arith.mulf %get3A_1509, %get3A_1515 : vector<16xf32>
      %mul3A_1519 = arith.mulf %get3A_1503, %mul3A_1516 : vector<16xf32>
      %add3A_1520 = arith.addf %scan3A_1458, %mul3A_1519 : vector<16xf32>
      %mul3A_1521 = arith.mulf %get3A_1503, %mul3A_1518 : vector<16xf32>
      %add3A_1522 = arith.addf %scan3A_1459, %mul3A_1521 : vector<16xf32>
      %mul3A_1523 = arith.mulf %get3A_1503, %mul3A_1517 : vector<16xf32>
      %add3A_1524 = arith.addf %scan3A_1460, %mul3A_1523 : vector<16xf32>
      %add3A_1525 = arith.addf %scan3A_1461, %mul3A_1516 : vector<16xf32>
      %add3A_1526 = arith.addf %scan3A_1462, %mul3A_1517 : vector<16xf32>
      %get3A_1527 = arith.constant 0 : i32
      %get3A_1528 = arith.index_cast %get3A_1527 : i32 to index
      %get3A_1529 = arith.index_cast %scan3A_1457 : i32 to index
      %get3A_1530 = arith.constant 16 : index
      %get3A_1531 = tpu.vector_load %arg14[%get3A_1528, %get3A_1529, %get3A_1530] {strides = array<i32>} : memref<2x64x128xf32, #tpu.memory_space<vmem>>, vector<1x1x16xf32>,
      %get3A_1532 = vector.shape_cast %get3A_1531 : vector<1x1x16xf32> to vector<16xf32>
      %get3A_1533 = arith.constant 0 : i32
      %get3A_1534 = arith.index_cast %get3A_1533 : i32 to index
      %get3A_1535 = arith.index_cast %scan3A_1457 : i32 to index
      %get3A_1536 = arith.constant 16 : index
      %get3A_1537 = tpu.vector_load %arg15[%get3A_1534, %get3A_1535, %get3A_1536] {strides = array<i32>} : memref<2x64x128xf32, #tpu.memory_space<vmem>>, vector<1x1x16xf32>,
      %get3A_1538 = vector.shape_cast %get3A_1537 : vector<1x1x16xf32> to vector<16xf32>
      %mul3A_1539 = arith.mulf %get3A_1532, %get3A_1532 : vector<16xf32>
      %mul3A_1540 = arith.mulf %get3A_1538, %get3A_1538 : vector<16xf32>
      %mul3A_1541 = arith.mulf %get3A_1532, %get3A_1538 : vector<16xf32>
      %mul3A_1542 = arith.mulf %get3A_1503, %mul3A_1539 : vector<16xf32>
      %add3A_1543 = arith.addf %scan3A_1463, %mul3A_1542 : vector<16xf32>
      %mul3A_1544 = arith.mulf %get3A_1503, %mul3A_1541 : vector<16xf32>
      %add3A_1545 = arith.addf %scan3A_1464, %mul3A_1544 : vector<16xf32>
      %mul3A_1546 = arith.mulf %get3A_1503, %mul3A_1540 : vector<16xf32>
      %add3A_1547 = arith.addf %scan3A_1465, %mul3A_1546 : vector<16xf32>
      %add3A_1548 = arith.addf %scan3A_1466, %mul3A_1539 : vector<16xf32>
      %add3A_1549 = arith.addf %scan3A_1467, %mul3A_1540 : vector<16xf32>
      %get3A_1550 = arith.constant 0 : i32
      %get3A_1551 = arith.index_cast %get3A_1550 : i32 to index
      %get3A_1552 = arith.index_cast %scan3A_1457 : i32 to index
      %get3A_1553 = arith.constant 32 : index
      %get3A_1554 = tpu.vector_load %arg14[%get3A_1551, %get3A_1552, %get3A_1553] {strides = array<i32>} : memref<2x64x128xf32, #tpu.memory_space<vmem>>, vector<1x1x16xf32>,
      %get3A_1555 = vector.shape_cast %get3A_1554 : vector<1x1x16xf32> to vector<16xf32>
      %get3A_1556 = arith.constant 0 : i32
      %get3A_1557 = arith.index_cast %get3A_1556 : i32 to index
      %get3A_1558 = arith.index_cast %scan3A_1457 : i32 to index
      %get3A_1559 = arith.constant 32 : index
      %get3A_1560 = tpu.vector_load %arg15[%get3A_1557, %get3A_1558, %get3A_1559] {strides = array<i32>} : memref<2x64x128xf32, #tpu.memory_space<vmem>>, vector<1x1x16xf32>,
      %get3A_1561 = vector.shape_cast %get3A_1560 : vector<1x1x16xf32> to vector<16xf32>
      %mul3A_1562 = arith.mulf %get3A_1555, %get3A_1555 : vector<16xf32>
      %mul3A_1563 = arith.mulf %get3A_1561, %get3A_1561 : vector<16xf32>
      %mul3A_1564 = arith.mulf %get3A_1555, %get3A_1561 : vector<16xf32>
      %mul3A_1565 = arith.mulf %get3A_1503, %mul3A_1562 : vector<16xf32>
      %add3A_1566 = arith.addf %scan3A_1468, %mul3A_1565 : vector<16xf32>
      %mul3A_1567 = arith.mulf %get3A_1503, %mul3A_1564 : vector<16xf32>
      %add3A_1568 = arith.addf %scan3A_1469, %mul3A_1567 : vector<16xf32>
      %mul3A_1569 = arith.mulf %get3A_1503, %mul3A_1563 : vector<16xf32>
      %add3A_1570 = arith.addf %scan3A_1470, %mul3A_1569 : vector<16xf32>
      %add3A_1571 = arith.addf %scan3A_1471, %mul3A_1562 : vector<16xf32>
      %add3A_1572 = arith.addf %scan3A_1472, %mul3A_1563 : vector<16xf32>
      %get3A_1573 = arith.constant 0 : i32
      %get3A_1574 = arith.index_cast %get3A_1573 : i32 to index
      %get3A_1575 = arith.index_cast %scan3A_1457 : i32 to index
      %get3A_1576 = arith.constant 48 : index
      %get3A_1577 = tpu.vector_load %arg14[%get3A_1574, %get3A_1575, %get3A_1576] {strides = array<i32>} : memref<2x64x128xf32, #tpu.memory_space<vmem>>, vector<1x1x16xf32>,
      %get3A_1578 = vector.shape_cast %get3A_1577 : vector<1x1x16xf32> to vector<16xf32>
      %get3A_1579 = arith.constant 0 : i32
      %get3A_1580 = arith.index_cast %get3A_1579 : i32 to index
      %get3A_1581 = arith.index_cast %scan3A_1457 : i32 to index
      %get3A_1582 = arith.constant 48 : index
      %get3A_1583 = tpu.vector_load %arg15[%get3A_1580, %get3A_1581, %get3A_1582] {strides = array<i32>} : memref<2x64x128xf32, #tpu.memory_space<vmem>>, vector<1x1x16xf32>,
      %get3A_1584 = vector.shape_cast %get3A_1583 : vector<1x1x16xf32> to vector<16xf32>
      %mul3A_1585 = arith.mulf %get3A_1578, %get3A_1578 : vector<16xf32>
      %mul3A_1586 = arith.mulf %get3A_1584, %get3A_1584 : vector<16xf32>
      %mul3A_1587 = arith.mulf %get3A_1578, %get3A_1584 : vector<16xf32>
      %mul3A_1588 = arith.mulf %get3A_1503, %mul3A_1585 : vector<16xf32>
      %add3A_1589 = arith.addf %scan3A_1473, %mul3A_1588 : vector<16xf32>
      %mul3A_1590 = arith.mulf %get3A_1503, %mul3A_1587 : vector<16xf32>
      %add3A_1591 = arith.addf %scan3A_1474, %mul3A_1590 : vector<16xf32>
      %mul3A_1592 = arith.mulf %get3A_1503, %mul3A_1586 : vector<16xf32>
      %add3A_1593 = arith.addf %scan3A_1475, %mul3A_1592 : vector<16xf32>
      %add3A_1594 = arith.addf %scan3A_1476, %mul3A_1585 : vector<16xf32>
      %add3A_1595 = arith.addf %scan3A_1477, %mul3A_1586 : vector<16xf32>
      %get3A_1596 = arith.constant 0 : i32
      %get3A_1597 = arith.index_cast %get3A_1596 : i32 to index
      %get3A_1598 = arith.index_cast %scan3A_1457 : i32 to index
      %get3A_1599 = arith.constant 64 : index
      %get3A_1600 = tpu.vector_load %arg14[%get3A_1597, %get3A_1598, %get3A_1599] {strides = array<i32>} : memref<2x64x128xf32, #tpu.memory_space<vmem>>, vector<1x1x16xf32>,
      %get3A_1601 = vector.shape_cast %get3A_1600 : vector<1x1x16xf32> to vector<16xf32>
      %get3A_1602 = arith.constant 0 : i32
      %get3A_1603 = arith.index_cast %get3A_1602 : i32 to index
      %get3A_1604 = arith.index_cast %scan3A_1457 : i32 to index
      %get3A_1605 = arith.constant 64 : index
      %get3A_1606 = tpu.vector_load %arg15[%get3A_1603, %get3A_1604, %get3A_1605] {strides = array<i32>} : memref<2x64x128xf32, #tpu.memory_space<vmem>>, vector<1x1x16xf32>,
      %get3A_1607 = vector.shape_cast %get3A_1606 : vector<1x1x16xf32> to vector<16xf32>
      %mul3A_1608 = arith.mulf %get3A_1601, %get3A_1601 : vector<16xf32>
      %mul3A_1609 = arith.mulf %get3A_1607, %get3A_1607 : vector<16xf32>
      %mul3A_1610 = arith.mulf %get3A_1601, %get3A_1607 : vector<16xf32>
      %mul3A_1611 = arith.mulf %get3A_1503, %mul3A_1608 : vector<16xf32>
      %add3A_1612 = arith.addf %scan3A_1478, %mul3A_1611 : vector<16xf32>
      %mul3A_1613 = arith.mulf %get3A_1503, %mul3A_1610 : vector<16xf32>
      %add3A_1614 = arith.addf %scan3A_1479, %mul3A_1613 : vector<16xf32>
      %mul3A_1615 = arith.mulf %get3A_1503, %mul3A_1609 : vector<16xf32>
      %add3A_1616 = arith.addf %scan3A_1480, %mul3A_1615 : vector<16xf32>
      %add3A_1617 = arith.addf %scan3A_1481, %mul3A_1608 : vector<16xf32>
      %add3A_1618 = arith.addf %scan3A_1482, %mul3A_1609 : vector<16xf32>
      %get3A_1619 = arith.constant 0 : i32
      %get3A_1620 = arith.index_cast %get3A_1619 : i32 to index
      %get3A_1621 = arith.index_cast %scan3A_1457 : i32 to index
      %get3A_1622 = arith.constant 80 : index
      %get3A_1623 = tpu.vector_load %arg14[%get3A_1620, %get3A_1621, %get3A_1622] {strides = array<i32>} : memref<2x64x128xf32, #tpu.memory_space<vmem>>, vector<1x1x16xf32>,
      %get3A_1624 = vector.shape_cast %get3A_1623 : vector<1x1x16xf32> to vector<16xf32>
      %get3A_1625 = arith.constant 0 : i32
      %get3A_1626 = arith.index_cast %get3A_1625 : i32 to index
      %get3A_1627 = arith.index_cast %scan3A_1457 : i32 to index
      %get3A_1628 = arith.constant 80 : index
      %get3A_1629 = tpu.vector_load %arg15[%get3A_1626, %get3A_1627, %get3A_1628] {strides = array<i32>} : memref<2x64x128xf32, #tpu.memory_space<vmem>>, vector<1x1x16xf32>,
      %get3A_1630 = vector.shape_cast %get3A_1629 : vector<1x1x16xf32> to vector<16xf32>
      %mul3A_1631 = arith.mulf %get3A_1624, %get3A_1624 : vector<16xf32>
      %mul3A_1632 = arith.mulf %get3A_1630, %get3A_1630 : vector<16xf32>
      %mul3A_1633 = arith.mulf %get3A_1624, %get3A_1630 : vector<16xf32>
      %mul3A_1634 = arith.mulf %get3A_1503, %mul3A_1631 : vector<16xf32>
      %add3A_1635 = arith.addf %scan3A_1483, %mul3A_1634 : vector<16xf32>
      %mul3A_1636 = arith.mulf %get3A_1503, %mul3A_1633 : vector<16xf32>
      %add3A_1637 = arith.addf %scan3A_1484, %mul3A_1636 : vector<16xf32>
      %mul3A_1638 = arith.mulf %get3A_1503, %mul3A_1632 : vector<16xf32>
      %add3A_1639 = arith.addf %scan3A_1485, %mul3A_1638 : vector<16xf32>
      %add3A_1640 = arith.addf %scan3A_1486, %mul3A_1631 : vector<16xf32>
      %add3A_1641 = arith.addf %scan3A_1487, %mul3A_1632 : vector<16xf32>
      %get3A_1642 = arith.constant 0 : i32
      %get3A_1643 = arith.index_cast %get3A_1642 : i32 to index
      %get3A_1644 = arith.index_cast %scan3A_1457 : i32 to index
      %get3A_1645 = arith.constant 96 : index
      %get3A_1646 = tpu.vector_load %arg14[%get3A_1643, %get3A_1644, %get3A_1645] {strides = array<i32>} : memref<2x64x128xf32, #tpu.memory_space<vmem>>, vector<1x1x16xf32>,
      %get3A_1647 = vector.shape_cast %get3A_1646 : vector<1x1x16xf32> to vector<16xf32>
      %get3A_1648 = arith.constant 0 : i32
      %get3A_1649 = arith.index_cast %get3A_1648 : i32 to index
      %get3A_1650 = arith.index_cast %scan3A_1457 : i32 to index
      %get3A_1651 = arith.constant 96 : index
      %get3A_1652 = tpu.vector_load %arg15[%get3A_1649, %get3A_1650, %get3A_1651] {strides = array<i32>} : memref<2x64x128xf32, #tpu.memory_space<vmem>>, vector<1x1x16xf32>,
      %get3A_1653 = vector.shape_cast %get3A_1652 : vector<1x1x16xf32> to vector<16xf32>
      %mul3A_1654 = arith.mulf %get3A_1647, %get3A_1647 : vector<16xf32>
      %mul3A_1655 = arith.mulf %get3A_1653, %get3A_1653 : vector<16xf32>
      %mul3A_1656 = arith.mulf %get3A_1647, %get3A_1653 : vector<16xf32>
      %mul3A_1657 = arith.mulf %get3A_1503, %mul3A_1654 : vector<16xf32>
      %add3A_1658 = arith.addf %scan3A_1488, %mul3A_1657 : vector<16xf32>
      %mul3A_1659 = arith.mulf %get3A_1503, %mul3A_1656 : vector<16xf32>
      %add3A_1660 = arith.addf %scan3A_1489, %mul3A_1659 : vector<16xf32>
      %mul3A_1661 = arith.mulf %get3A_1503, %mul3A_1655 : vector<16xf32>
      %add3A_1662 = arith.addf %scan3A_1490, %mul3A_1661 : vector<16xf32>
      %add3A_1663 = arith.addf %scan3A_1491, %mul3A_1654 : vector<16xf32>
      %add3A_1664 = arith.addf %scan3A_1492, %mul3A_1655 : vector<16xf32>
      %get3A_1665 = arith.constant 0 : i32
      %get3A_1666 = arith.index_cast %get3A_1665 : i32 to index
      %get3A_1667 = arith.index_cast %scan3A_1457 : i32 to index
      %get3A_1668 = arith.constant 112 : index
      %get3A_1669 = tpu.vector_load %arg14[%get3A_1666, %get3A_1667, %get3A_1668] {strides = array<i32>} : memref<2x64x128xf32, #tpu.memory_space<vmem>>, vector<1x1x16xf32>,
      %get3A_1670 = vector.shape_cast %get3A_1669 : vector<1x1x16xf32> to vector<16xf32>
      %get3A_1671 = arith.constant 0 : i32
      %get3A_1672 = arith.index_cast %get3A_1671 : i32 to index
      %get3A_1673 = arith.index_cast %scan3A_1457 : i32 to index
      %get3A_1674 = arith.constant 112 : index
      %get3A_1675 = tpu.vector_load %arg15[%get3A_1672, %get3A_1673, %get3A_1674] {strides = array<i32>} : memref<2x64x128xf32, #tpu.memory_space<vmem>>, vector<1x1x16xf32>,
      %get3A_1676 = vector.shape_cast %get3A_1675 : vector<1x1x16xf32> to vector<16xf32>
      %mul3A_1677 = arith.mulf %get3A_1670, %get3A_1670 : vector<16xf32>
      %mul3A_1678 = arith.mulf %get3A_1676, %get3A_1676 : vector<16xf32>
      %mul3A_1679 = arith.mulf %get3A_1670, %get3A_1676 : vector<16xf32>
      %mul3A_1680 = arith.mulf %get3A_1503, %mul3A_1677 : vector<16xf32>
      %add3A_1681 = arith.addf %scan3A_1493, %mul3A_1680 : vector<16xf32>
      %mul3A_1682 = arith.mulf %get3A_1503, %mul3A_1679 : vector<16xf32>
      %add3A_1683 = arith.addf %scan3A_1494, %mul3A_1682 : vector<16xf32>
      %mul3A_1684 = arith.mulf %get3A_1503, %mul3A_1678 : vector<16xf32>
      %add3A_1685 = arith.addf %scan3A_1495, %mul3A_1684 : vector<16xf32>
      %add3A_1686 = arith.addf %scan3A_1496, %mul3A_1677 : vector<16xf32>
      %add3A_1687 = arith.addf %scan3A_1497, %mul3A_1678 : vector<16xf32>
      scf.yield %add3A_1520, %add3A_1522, %add3A_1524, %add3A_1525, %add3A_1526, %add3A_1543, %add3A_1545, %add3A_1547, %add3A_1548, %add3A_1549, %add3A_1566, %add3A_1568, %add3A_1570, %add3A_1571, %add3A_1572, %add3A_1589, %add3A_1591, %add3A_1593, %add3A_1594, %add3A_1595, %add3A_1612, %add3A_1614, %add3A_1616, %add3A_1617, %add3A_1618, %add3A_1635, %add3A_1637, %add3A_1639, %add3A_1640, %add3A_1641, %add3A_1658, %add3A_1660, %add3A_1662, %add3A_1663, %add3A_1664, %add3A_1681, %add3A_1683, %add3A_1685, %add3A_1686, %add3A_1687 : vector<16xf32>, vector<16xf32>, vector<16xf32>, vector<16xf32>, vector<16xf32>, vector<16xf32>, vector<16xf32>, vector<16xf32>, vector<16xf32>, vector<16xf32>, vector<16xf32>, vector<16xf32>, vector<16xf32>, vector<16xf32>, vector<16xf32>, vector<16xf32>, vector<16xf32>, vector<16xf32>, vector<16xf32>, vector<16xf32>, vector<16xf32>, vector<16xf32>, vector<16xf32>, vector<16xf32>, vector<16xf32>, vector<16xf32>, vector<16xf32>, vector<16xf32>, vector<16xf32>, vector<16xf32>, vector<16xf32>, vector<16xf32>, vector<16xf32>, vector<16xf32>, vector<16xf32>, vector<16xf32>, vector<16xf32>, vector<16xf32>, vector<16xf32>, vector<16xf32>
    }
    %scan3A_1155 = arith.constant 64 : i32
    %dma_start3A_1156 = arith.constant 0 : i32
    %dma_start3A_1157 = arith.constant 0 : i32
    %dma_start3A_1158 = arith.constant 0 : i32
    %dma_start3A_1159 = tpu.memref_slice %arg15[%dma_start3A_1156, %dma_start3A_1157, %dma_start3A_1158] : memref<2x64x128xf32, #tpu.memory_space<vmem>> -> memref<1x64x128xf32, #tpu.memory_space<vmem>>
    %dma_start3A_1160 = tpu.memref_squeeze %dma_start3A_1159 : memref<1x64x128xf32, #tpu.memory_space<vmem>> -> memref<64x128xf32, #tpu.memory_space<vmem>>
    %dma_start3A_1161 = arith.constant 384 : i32
    %dma_start3A_1162 = tpu.memref_slice %arg10[%dma_start3A_1161] : memref<512xi32, #tpu.memory_space<vmem>> -> memref<64xi32, #tpu.memory_space<vmem>>
    %dma_start3A_1163 = arith.constant 0 : i32
    %dma_start3A_1164 = arith.constant 0 : i32
    %dma_start3A_1165 = tpu.memref_slice %arg4[%dma_start3A_1163, %dma_start3A_1164] : memref<100000x128xf32, #tpu.memory_space<hbm>> -> memref<100000x128xf32, #tpu.memory_space<hbm>>
    tpu.enqueue_indirect_dma source(%dma_start3A_1165 : memref<100000x128xf32, #tpu.memory_space<hbm>>) target(%dma_start3A_1160 : memref<64x128xf32, #tpu.memory_space<vmem>>) offsets(%dma_start3A_1162 : memref<64xi32, #tpu.memory_space<vmem>>) semaphore(%arg17 : memref<!tpu.dma_semaphore, #tpu.memory_space<semaphore_mem>>)
    %mul3A_1166 = arith.constant 512 : i32
    %mul3A_1167 = arith.muli %add3A, %mul3A_1166 : i32
    %add3A_1168 = arith.constant 384 : i32
    %add3A_1169 = arith.addi %mul3A_1167, %add3A_1168 : i32
    %dma_start3A_1170 = arith.constant 0 : i32
    %dma_start3A_1171 = arith.constant 0 : i32
    %dma_start3A_1172 = arith.constant 0 : i32
    %dma_start3A_1173 = tpu.memref_slice %arg14[%dma_start3A_1170, %dma_start3A_1171, %dma_start3A_1172] : memref<2x64x128xf32, #tpu.memory_space<vmem>> -> memref<1x64x128xf32, #tpu.memory_space<vmem>>
    %dma_start3A_1174 = tpu.memref_squeeze %dma_start3A_1173 : memref<1x64x128xf32, #tpu.memory_space<vmem>> -> memref<64x128xf32, #tpu.memory_space<vmem>>
    %dma_start3A_1175 = arith.constant 0 : i32
    %dma_start3A_1176 = tpu.memref_slice %arg3[%add3A_1169, %dma_start3A_1175] : memref<16384x128xf32, #tpu.memory_space<hbm>> -> memref<64x128xf32, #tpu.memory_space<hbm>>
    %dma_start3A_1177 = arith.constant 0 : i32
    %dma_start3A_1178 = arith.constant 0 : i32
    %dma_start3A_1179 = tpu.memref_slice %arg14[%dma_start3A_1170, %dma_start3A_1177, %dma_start3A_1178] : memref<2x64x128xf32, #tpu.memory_space<vmem>> -> memref<1x64x128xf32, #tpu.memory_space<vmem>>
    %dma_start3A_1180 = tpu.memref_squeeze %dma_start3A_1179 : memref<1x64x128xf32, #tpu.memory_space<vmem>> -> memref<64x128xf32, #tpu.memory_space<vmem>>
    %dma_start3A_1181 = arith.constant 0 : i32
    %dma_start3A_1182 = tpu.memref_slice %arg3[%add3A_1169, %dma_start3A_1181] : memref<16384x128xf32, #tpu.memory_space<hbm>> -> memref<64x128xf32, #tpu.memory_space<hbm>>
    tpu.enqueue_dma source(%dma_start3A_1182 : memref<64x128xf32, #tpu.memory_space<hbm>>) target(%dma_start3A_1180 : memref<64x128xf32, #tpu.memory_space<vmem>>) target_semaphore(%arg19 : memref<!tpu.dma_semaphore, #tpu.memory_space<semaphore_mem>>)
    %dma_wait3A_1183 = arith.constant 1 : i32
    %dma_wait3A_1184 = arith.constant 0 : i32
    %dma_wait3A_1185 = arith.constant 0 : i32
    %dma_wait3A_1186 = tpu.memref_slice %arg15[%dma_wait3A_1183, %dma_wait3A_1184, %dma_wait3A_1185] : memref<2x64x128xf32, #tpu.memory_space<vmem>> -> memref<1x64x128xf32, #tpu.memory_space<vmem>>
    %dma_wait3A_1187 = tpu.memref_squeeze %dma_wait3A_1186 : memref<1x64x128xf32, #tpu.memory_space<vmem>> -> memref<64x128xf32, #tpu.memory_space<vmem>>
    %dma_wait3A_1188 = arith.constant 320 : i32
    %dma_wait3A_1189 = tpu.memref_slice %arg10[%dma_wait3A_1188] : memref<512xi32, #tpu.memory_space<vmem>> -> memref<64xi32, #tpu.memory_space<vmem>>
    %dma_wait3A_1190 = arith.constant 0 : i32
    %dma_wait3A_1191 = arith.constant 0 : i32
    %dma_wait3A_1192 = tpu.memref_slice %arg4[%dma_wait3A_1190, %dma_wait3A_1191] : memref<100000x128xf32, #tpu.memory_space<hbm>> -> memref<100000x128xf32, #tpu.memory_space<hbm>>
    tpu.wait_indirect_dma semaphore(%arg18 : memref<!tpu.dma_semaphore, #tpu.memory_space<semaphore_mem>>) src(%dma_wait3A_1192 : memref<100000x128xf32, #tpu.memory_space<hbm>>) dst(%dma_wait3A_1187 : memref<64x128xf32, #tpu.memory_space<vmem>>)
    %dma_wait3A_1193 = arith.constant 1 : i32
    %dma_wait3A_1194 = arith.constant 0 : i32
    %dma_wait3A_1195 = arith.constant 0 : i32
    %dma_wait3A_1196 = tpu.memref_slice %arg14[%dma_wait3A_1193, %dma_wait3A_1194, %dma_wait3A_1195] : memref<2x64x128xf32, #tpu.memory_space<vmem>> -> memref<1x64x128xf32, #tpu.memory_space<vmem>>
    %dma_wait3A_1197 = tpu.memref_squeeze %dma_wait3A_1196 : memref<1x64x128xf32, #tpu.memory_space<vmem>> -> memref<64x128xf32, #tpu.memory_space<vmem>>
    %dma_wait3A_1198 = arith.constant 0 : i32
    %dma_wait3A_1199 = tpu.memref_slice %arg3[%add3A_1113, %dma_wait3A_1198] : memref<16384x128xf32, #tpu.memory_space<hbm>> -> memref<64x128xf32, #tpu.memory_space<hbm>>
    %dma_wait3A_1200 = arith.constant 0 : i32
    %dma_wait3A_1201 = arith.constant 0 : i32
    %dma_wait3A_1202 = tpu.memref_slice %arg14[%dma_wait3A_1193, %dma_wait3A_1200, %dma_wait3A_1201] : memref<2x64x128xf32, #tpu.memory_space<vmem>> -> memref<1x64x128xf32, #tpu.memory_space<vmem>>
    %dma_wait3A_1203 = tpu.memref_squeeze %dma_wait3A_1202 : memref<1x64x128xf32, #tpu.memory_space<vmem>> -> memref<64x128xf32, #tpu.memory_space<vmem>>
    %dma_wait3A_1204 = arith.constant 0 : i32
    %dma_wait3A_1205 = tpu.memref_slice %arg3[%add3A_1113, %dma_wait3A_1204] : memref<16384x128xf32, #tpu.memory_space<hbm>> -> memref<64x128xf32, #tpu.memory_space<hbm>>
    tpu.wait_dma2 semaphore(%arg20 : memref<!tpu.dma_semaphore, #tpu.memory_space<semaphore_mem>>) src(%dma_wait3A_1205 : memref<64x128xf32, #tpu.memory_space<hbm>>) dst(%dma_wait3A_1203 : memref<64x128xf32, #tpu.memory_space<vmem>>)
    %scan3A_1206 = arith.constant 0 : i32
    %scan3A_1207 = arith.constant 64 : i32
    %scan3A_1208 = arith.addi %scan3A_1206, %scan3A_1207 : i32
    %scan3A_1209 = arith.constant 1 : i32
    %scan3A_1210:40 = scf.for %scan3A_1457 = %scan3A_1206 to %scan3A_1208 step %scan3A_1209 iter_args(%scan3A_1458 = %scan3A_1154#0, %scan3A_1459 = %scan3A_1154#1, %scan3A_1460 = %scan3A_1154#2, %scan3A_1461 = %scan3A_1154#3, %scan3A_1462 = %scan3A_1154#4, %scan3A_1463 = %scan3A_1154#5, %scan3A_1464 = %scan3A_1154#6, %scan3A_1465 = %scan3A_1154#7, %scan3A_1466 = %scan3A_1154#8, %scan3A_1467 = %scan3A_1154#9, %scan3A_1468 = %scan3A_1154#10, %scan3A_1469 = %scan3A_1154#11, %scan3A_1470 = %scan3A_1154#12, %scan3A_1471 = %scan3A_1154#13, %scan3A_1472 = %scan3A_1154#14, %scan3A_1473 = %scan3A_1154#15, %scan3A_1474 = %scan3A_1154#16, %scan3A_1475 = %scan3A_1154#17, %scan3A_1476 = %scan3A_1154#18, %scan3A_1477 = %scan3A_1154#19, %scan3A_1478 = %scan3A_1154#20, %scan3A_1479 = %scan3A_1154#21, %scan3A_1480 = %scan3A_1154#22, %scan3A_1481 = %scan3A_1154#23, %scan3A_1482 = %scan3A_1154#24, %scan3A_1483 = %scan3A_1154#25, %scan3A_1484 = %scan3A_1154#26, %scan3A_1485 = %scan3A_1154#27, %scan3A_1486 = %scan3A_1154#28, %scan3A_1487 = %scan3A_1154#29, %scan3A_1488 = %scan3A_1154#30, %scan3A_1489 = %scan3A_1154#31, %scan3A_1490 = %scan3A_1154#32, %scan3A_1491 = %scan3A_1154#33, %scan3A_1492 = %scan3A_1154#34, %scan3A_1493 = %scan3A_1154#35, %scan3A_1494 = %scan3A_1154#36, %scan3A_1495 = %scan3A_1154#37, %scan3A_1496 = %scan3A_1154#38, %scan3A_1497 = %scan3A_1154#39) -> (vector<16xf32>, vector<16xf32>, vector<16xf32>, vector<16xf32>, vector<16xf32>, vector<16xf32>, vector<16xf32>, vector<16xf32>, vector<16xf32>, vector<16xf32>, vector<16xf32>, vector<16xf32>, vector<16xf32>, vector<16xf32>, vector<16xf32>, vector<16xf32>, vector<16xf32>, vector<16xf32>, vector<16xf32>, vector<16xf32>, vector<16xf32>, vector<16xf32>, vector<16xf32>, vector<16xf32>, vector<16xf32>, vector<16xf32>, vector<16xf32>, vector<16xf32>, vector<16xf32>, vector<16xf32>, vector<16xf32>, vector<16xf32>, vector<16xf32>, vector<16xf32>, vector<16xf32>, vector<16xf32>, vector<16xf32>, vector<16xf32>, vector<16xf32>, vector<16xf32>)  : i32 {
      %add3A_1498 = arith.constant 320 : i32
      %add3A_1499 = arith.addi %add3A_1498, %scan3A_1457 : i32
      %get3A_1500 = arith.index_cast %add3A_1499 : i32 to index
      %get3A_1501 = arith.constant 0 : index
      %get3A_1502 = tpu.vector_load %arg13[%get3A_1500, %get3A_1501] {strides = array<i32>} : memref<512x16xf32, #tpu.memory_space<vmem>>, vector<1x16xf32>,
      %get3A_1503 = vector.shape_cast %get3A_1502 : vector<1x16xf32> to vector<16xf32>
      %get3A_1504 = arith.constant 1 : i32
      %get3A_1505 = arith.index_cast %get3A_1504 : i32 to index
      %get3A_1506 = arith.index_cast %scan3A_1457 : i32 to index
      %get3A_1507 = arith.constant 0 : index
      %get3A_1508 = tpu.vector_load %arg14[%get3A_1505, %get3A_1506, %get3A_1507] {strides = array<i32>} : memref<2x64x128xf32, #tpu.memory_space<vmem>>, vector<1x1x16xf32>,
      %get3A_1509 = vector.shape_cast %get3A_1508 : vector<1x1x16xf32> to vector<16xf32>
      %get3A_1510 = arith.constant 1 : i32
      %get3A_1511 = arith.index_cast %get3A_1510 : i32 to index
      %get3A_1512 = arith.index_cast %scan3A_1457 : i32 to index
      %get3A_1513 = arith.constant 0 : index
      %get3A_1514 = tpu.vector_load %arg15[%get3A_1511, %get3A_1512, %get3A_1513] {strides = array<i32>} : memref<2x64x128xf32, #tpu.memory_space<vmem>>, vector<1x1x16xf32>,
      %get3A_1515 = vector.shape_cast %get3A_1514 : vector<1x1x16xf32> to vector<16xf32>
      %mul3A_1516 = arith.mulf %get3A_1509, %get3A_1509 : vector<16xf32>
      %mul3A_1517 = arith.mulf %get3A_1515, %get3A_1515 : vector<16xf32>
      %mul3A_1518 = arith.mulf %get3A_1509, %get3A_1515 : vector<16xf32>
      %mul3A_1519 = arith.mulf %get3A_1503, %mul3A_1516 : vector<16xf32>
      %add3A_1520 = arith.addf %scan3A_1458, %mul3A_1519 : vector<16xf32>
      %mul3A_1521 = arith.mulf %get3A_1503, %mul3A_1518 : vector<16xf32>
      %add3A_1522 = arith.addf %scan3A_1459, %mul3A_1521 : vector<16xf32>
      %mul3A_1523 = arith.mulf %get3A_1503, %mul3A_1517 : vector<16xf32>
      %add3A_1524 = arith.addf %scan3A_1460, %mul3A_1523 : vector<16xf32>
      %add3A_1525 = arith.addf %scan3A_1461, %mul3A_1516 : vector<16xf32>
      %add3A_1526 = arith.addf %scan3A_1462, %mul3A_1517 : vector<16xf32>
      %get3A_1527 = arith.constant 1 : i32
      %get3A_1528 = arith.index_cast %get3A_1527 : i32 to index
      %get3A_1529 = arith.index_cast %scan3A_1457 : i32 to index
      %get3A_1530 = arith.constant 16 : index
      %get3A_1531 = tpu.vector_load %arg14[%get3A_1528, %get3A_1529, %get3A_1530] {strides = array<i32>} : memref<2x64x128xf32, #tpu.memory_space<vmem>>, vector<1x1x16xf32>,
      %get3A_1532 = vector.shape_cast %get3A_1531 : vector<1x1x16xf32> to vector<16xf32>
      %get3A_1533 = arith.constant 1 : i32
      %get3A_1534 = arith.index_cast %get3A_1533 : i32 to index
      %get3A_1535 = arith.index_cast %scan3A_1457 : i32 to index
      %get3A_1536 = arith.constant 16 : index
      %get3A_1537 = tpu.vector_load %arg15[%get3A_1534, %get3A_1535, %get3A_1536] {strides = array<i32>} : memref<2x64x128xf32, #tpu.memory_space<vmem>>, vector<1x1x16xf32>,
      %get3A_1538 = vector.shape_cast %get3A_1537 : vector<1x1x16xf32> to vector<16xf32>
      %mul3A_1539 = arith.mulf %get3A_1532, %get3A_1532 : vector<16xf32>
      %mul3A_1540 = arith.mulf %get3A_1538, %get3A_1538 : vector<16xf32>
      %mul3A_1541 = arith.mulf %get3A_1532, %get3A_1538 : vector<16xf32>
      %mul3A_1542 = arith.mulf %get3A_1503, %mul3A_1539 : vector<16xf32>
      %add3A_1543 = arith.addf %scan3A_1463, %mul3A_1542 : vector<16xf32>
      %mul3A_1544 = arith.mulf %get3A_1503, %mul3A_1541 : vector<16xf32>
      %add3A_1545 = arith.addf %scan3A_1464, %mul3A_1544 : vector<16xf32>
      %mul3A_1546 = arith.mulf %get3A_1503, %mul3A_1540 : vector<16xf32>
      %add3A_1547 = arith.addf %scan3A_1465, %mul3A_1546 : vector<16xf32>
      %add3A_1548 = arith.addf %scan3A_1466, %mul3A_1539 : vector<16xf32>
      %add3A_1549 = arith.addf %scan3A_1467, %mul3A_1540 : vector<16xf32>
      %get3A_1550 = arith.constant 1 : i32
      %get3A_1551 = arith.index_cast %get3A_1550 : i32 to index
      %get3A_1552 = arith.index_cast %scan3A_1457 : i32 to index
      %get3A_1553 = arith.constant 32 : index
      %get3A_1554 = tpu.vector_load %arg14[%get3A_1551, %get3A_1552, %get3A_1553] {strides = array<i32>} : memref<2x64x128xf32, #tpu.memory_space<vmem>>, vector<1x1x16xf32>,
      %get3A_1555 = vector.shape_cast %get3A_1554 : vector<1x1x16xf32> to vector<16xf32>
      %get3A_1556 = arith.constant 1 : i32
      %get3A_1557 = arith.index_cast %get3A_1556 : i32 to index
      %get3A_1558 = arith.index_cast %scan3A_1457 : i32 to index
      %get3A_1559 = arith.constant 32 : index
      %get3A_1560 = tpu.vector_load %arg15[%get3A_1557, %get3A_1558, %get3A_1559] {strides = array<i32>} : memref<2x64x128xf32, #tpu.memory_space<vmem>>, vector<1x1x16xf32>,
      %get3A_1561 = vector.shape_cast %get3A_1560 : vector<1x1x16xf32> to vector<16xf32>
      %mul3A_1562 = arith.mulf %get3A_1555, %get3A_1555 : vector<16xf32>
      %mul3A_1563 = arith.mulf %get3A_1561, %get3A_1561 : vector<16xf32>
      %mul3A_1564 = arith.mulf %get3A_1555, %get3A_1561 : vector<16xf32>
      %mul3A_1565 = arith.mulf %get3A_1503, %mul3A_1562 : vector<16xf32>
      %add3A_1566 = arith.addf %scan3A_1468, %mul3A_1565 : vector<16xf32>
      %mul3A_1567 = arith.mulf %get3A_1503, %mul3A_1564 : vector<16xf32>
      %add3A_1568 = arith.addf %scan3A_1469, %mul3A_1567 : vector<16xf32>
      %mul3A_1569 = arith.mulf %get3A_1503, %mul3A_1563 : vector<16xf32>
      %add3A_1570 = arith.addf %scan3A_1470, %mul3A_1569 : vector<16xf32>
      %add3A_1571 = arith.addf %scan3A_1471, %mul3A_1562 : vector<16xf32>
      %add3A_1572 = arith.addf %scan3A_1472, %mul3A_1563 : vector<16xf32>
      %get3A_1573 = arith.constant 1 : i32
      %get3A_1574 = arith.index_cast %get3A_1573 : i32 to index
      %get3A_1575 = arith.index_cast %scan3A_1457 : i32 to index
      %get3A_1576 = arith.constant 48 : index
      %get3A_1577 = tpu.vector_load %arg14[%get3A_1574, %get3A_1575, %get3A_1576] {strides = array<i32>} : memref<2x64x128xf32, #tpu.memory_space<vmem>>, vector<1x1x16xf32>,
      %get3A_1578 = vector.shape_cast %get3A_1577 : vector<1x1x16xf32> to vector<16xf32>
      %get3A_1579 = arith.constant 1 : i32
      %get3A_1580 = arith.index_cast %get3A_1579 : i32 to index
      %get3A_1581 = arith.index_cast %scan3A_1457 : i32 to index
      %get3A_1582 = arith.constant 48 : index
      %get3A_1583 = tpu.vector_load %arg15[%get3A_1580, %get3A_1581, %get3A_1582] {strides = array<i32>} : memref<2x64x128xf32, #tpu.memory_space<vmem>>, vector<1x1x16xf32>,
      %get3A_1584 = vector.shape_cast %get3A_1583 : vector<1x1x16xf32> to vector<16xf32>
      %mul3A_1585 = arith.mulf %get3A_1578, %get3A_1578 : vector<16xf32>
      %mul3A_1586 = arith.mulf %get3A_1584, %get3A_1584 : vector<16xf32>
      %mul3A_1587 = arith.mulf %get3A_1578, %get3A_1584 : vector<16xf32>
      %mul3A_1588 = arith.mulf %get3A_1503, %mul3A_1585 : vector<16xf32>
      %add3A_1589 = arith.addf %scan3A_1473, %mul3A_1588 : vector<16xf32>
      %mul3A_1590 = arith.mulf %get3A_1503, %mul3A_1587 : vector<16xf32>
      %add3A_1591 = arith.addf %scan3A_1474, %mul3A_1590 : vector<16xf32>
      %mul3A_1592 = arith.mulf %get3A_1503, %mul3A_1586 : vector<16xf32>
      %add3A_1593 = arith.addf %scan3A_1475, %mul3A_1592 : vector<16xf32>
      %add3A_1594 = arith.addf %scan3A_1476, %mul3A_1585 : vector<16xf32>
      %add3A_1595 = arith.addf %scan3A_1477, %mul3A_1586 : vector<16xf32>
      %get3A_1596 = arith.constant 1 : i32
      %get3A_1597 = arith.index_cast %get3A_1596 : i32 to index
      %get3A_1598 = arith.index_cast %scan3A_1457 : i32 to index
      %get3A_1599 = arith.constant 64 : index
      %get3A_1600 = tpu.vector_load %arg14[%get3A_1597, %get3A_1598, %get3A_1599] {strides = array<i32>} : memref<2x64x128xf32, #tpu.memory_space<vmem>>, vector<1x1x16xf32>,
      %get3A_1601 = vector.shape_cast %get3A_1600 : vector<1x1x16xf32> to vector<16xf32>
      %get3A_1602 = arith.constant 1 : i32
      %get3A_1603 = arith.index_cast %get3A_1602 : i32 to index
      %get3A_1604 = arith.index_cast %scan3A_1457 : i32 to index
      %get3A_1605 = arith.constant 64 : index
      %get3A_1606 = tpu.vector_load %arg15[%get3A_1603, %get3A_1604, %get3A_1605] {strides = array<i32>} : memref<2x64x128xf32, #tpu.memory_space<vmem>>, vector<1x1x16xf32>,
      %get3A_1607 = vector.shape_cast %get3A_1606 : vector<1x1x16xf32> to vector<16xf32>
      %mul3A_1608 = arith.mulf %get3A_1601, %get3A_1601 : vector<16xf32>
      %mul3A_1609 = arith.mulf %get3A_1607, %get3A_1607 : vector<16xf32>
      %mul3A_1610 = arith.mulf %get3A_1601, %get3A_1607 : vector<16xf32>
      %mul3A_1611 = arith.mulf %get3A_1503, %mul3A_1608 : vector<16xf32>
      %add3A_1612 = arith.addf %scan3A_1478, %mul3A_1611 : vector<16xf32>
      %mul3A_1613 = arith.mulf %get3A_1503, %mul3A_1610 : vector<16xf32>
      %add3A_1614 = arith.addf %scan3A_1479, %mul3A_1613 : vector<16xf32>
      %mul3A_1615 = arith.mulf %get3A_1503, %mul3A_1609 : vector<16xf32>
      %add3A_1616 = arith.addf %scan3A_1480, %mul3A_1615 : vector<16xf32>
      %add3A_1617 = arith.addf %scan3A_1481, %mul3A_1608 : vector<16xf32>
      %add3A_1618 = arith.addf %scan3A_1482, %mul3A_1609 : vector<16xf32>
      %get3A_1619 = arith.constant 1 : i32
      %get3A_1620 = arith.index_cast %get3A_1619 : i32 to index
      %get3A_1621 = arith.index_cast %scan3A_1457 : i32 to index
      %get3A_1622 = arith.constant 80 : index
      %get3A_1623 = tpu.vector_load %arg14[%get3A_1620, %get3A_1621, %get3A_1622] {strides = array<i32>} : memref<2x64x128xf32, #tpu.memory_space<vmem>>, vector<1x1x16xf32>,
      %get3A_1624 = vector.shape_cast %get3A_1623 : vector<1x1x16xf32> to vector<16xf32>
      %get3A_1625 = arith.constant 1 : i32
      %get3A_1626 = arith.index_cast %get3A_1625 : i32 to index
      %get3A_1627 = arith.index_cast %scan3A_1457 : i32 to index
      %get3A_1628 = arith.constant 80 : index
      %get3A_1629 = tpu.vector_load %arg15[%get3A_1626, %get3A_1627, %get3A_1628] {strides = array<i32>} : memref<2x64x128xf32, #tpu.memory_space<vmem>>, vector<1x1x16xf32>,
      %get3A_1630 = vector.shape_cast %get3A_1629 : vector<1x1x16xf32> to vector<16xf32>
      %mul3A_1631 = arith.mulf %get3A_1624, %get3A_1624 : vector<16xf32>
      %mul3A_1632 = arith.mulf %get3A_1630, %get3A_1630 : vector<16xf32>
      %mul3A_1633 = arith.mulf %get3A_1624, %get3A_1630 : vector<16xf32>
      %mul3A_1634 = arith.mulf %get3A_1503, %mul3A_1631 : vector<16xf32>
      %add3A_1635 = arith.addf %scan3A_1483, %mul3A_1634 : vector<16xf32>
      %mul3A_1636 = arith.mulf %get3A_1503, %mul3A_1633 : vector<16xf32>
      %add3A_1637 = arith.addf %scan3A_1484, %mul3A_1636 : vector<16xf32>
      %mul3A_1638 = arith.mulf %get3A_1503, %mul3A_1632 : vector<16xf32>
      %add3A_1639 = arith.addf %scan3A_1485, %mul3A_1638 : vector<16xf32>
      %add3A_1640 = arith.addf %scan3A_1486, %mul3A_1631 : vector<16xf32>
      %add3A_1641 = arith.addf %scan3A_1487, %mul3A_1632 : vector<16xf32>
      %get3A_1642 = arith.constant 1 : i32
      %get3A_1643 = arith.index_cast %get3A_1642 : i32 to index
      %get3A_1644 = arith.index_cast %scan3A_1457 : i32 to index
      %get3A_1645 = arith.constant 96 : index
      %get3A_1646 = tpu.vector_load %arg14[%get3A_1643, %get3A_1644, %get3A_1645] {strides = array<i32>} : memref<2x64x128xf32, #tpu.memory_space<vmem>>, vector<1x1x16xf32>,
      %get3A_1647 = vector.shape_cast %get3A_1646 : vector<1x1x16xf32> to vector<16xf32>
      %get3A_1648 = arith.constant 1 : i32
      %get3A_1649 = arith.index_cast %get3A_1648 : i32 to index
      %get3A_1650 = arith.index_cast %scan3A_1457 : i32 to index
      %get3A_1651 = arith.constant 96 : index
      %get3A_1652 = tpu.vector_load %arg15[%get3A_1649, %get3A_1650, %get3A_1651] {strides = array<i32>} : memref<2x64x128xf32, #tpu.memory_space<vmem>>, vector<1x1x16xf32>,
      %get3A_1653 = vector.shape_cast %get3A_1652 : vector<1x1x16xf32> to vector<16xf32>
      %mul3A_1654 = arith.mulf %get3A_1647, %get3A_1647 : vector<16xf32>
      %mul3A_1655 = arith.mulf %get3A_1653, %get3A_1653 : vector<16xf32>
      %mul3A_1656 = arith.mulf %get3A_1647, %get3A_1653 : vector<16xf32>
      %mul3A_1657 = arith.mulf %get3A_1503, %mul3A_1654 : vector<16xf32>
      %add3A_1658 = arith.addf %scan3A_1488, %mul3A_1657 : vector<16xf32>
      %mul3A_1659 = arith.mulf %get3A_1503, %mul3A_1656 : vector<16xf32>
      %add3A_1660 = arith.addf %scan3A_1489, %mul3A_1659 : vector<16xf32>
      %mul3A_1661 = arith.mulf %get3A_1503, %mul3A_1655 : vector<16xf32>
      %add3A_1662 = arith.addf %scan3A_1490, %mul3A_1661 : vector<16xf32>
      %add3A_1663 = arith.addf %scan3A_1491, %mul3A_1654 : vector<16xf32>
      %add3A_1664 = arith.addf %scan3A_1492, %mul3A_1655 : vector<16xf32>
      %get3A_1665 = arith.constant 1 : i32
      %get3A_1666 = arith.index_cast %get3A_1665 : i32 to index
      %get3A_1667 = arith.index_cast %scan3A_1457 : i32 to index
      %get3A_1668 = arith.constant 112 : index
      %get3A_1669 = tpu.vector_load %arg14[%get3A_1666, %get3A_1667, %get3A_1668] {strides = array<i32>} : memref<2x64x128xf32, #tpu.memory_space<vmem>>, vector<1x1x16xf32>,
      %get3A_1670 = vector.shape_cast %get3A_1669 : vector<1x1x16xf32> to vector<16xf32>
      %get3A_1671 = arith.constant 1 : i32
      %get3A_1672 = arith.index_cast %get3A_1671 : i32 to index
      %get3A_1673 = arith.index_cast %scan3A_1457 : i32 to index
      %get3A_1674 = arith.constant 112 : index
      %get3A_1675 = tpu.vector_load %arg15[%get3A_1672, %get3A_1673, %get3A_1674] {strides = array<i32>} : memref<2x64x128xf32, #tpu.memory_space<vmem>>, vector<1x1x16xf32>,
      %get3A_1676 = vector.shape_cast %get3A_1675 : vector<1x1x16xf32> to vector<16xf32>
      %mul3A_1677 = arith.mulf %get3A_1670, %get3A_1670 : vector<16xf32>
      %mul3A_1678 = arith.mulf %get3A_1676, %get3A_1676 : vector<16xf32>
      %mul3A_1679 = arith.mulf %get3A_1670, %get3A_1676 : vector<16xf32>
      %mul3A_1680 = arith.mulf %get3A_1503, %mul3A_1677 : vector<16xf32>
      %add3A_1681 = arith.addf %scan3A_1493, %mul3A_1680 : vector<16xf32>
      %mul3A_1682 = arith.mulf %get3A_1503, %mul3A_1679 : vector<16xf32>
      %add3A_1683 = arith.addf %scan3A_1494, %mul3A_1682 : vector<16xf32>
      %mul3A_1684 = arith.mulf %get3A_1503, %mul3A_1678 : vector<16xf32>
      %add3A_1685 = arith.addf %scan3A_1495, %mul3A_1684 : vector<16xf32>
      %add3A_1686 = arith.addf %scan3A_1496, %mul3A_1677 : vector<16xf32>
      %add3A_1687 = arith.addf %scan3A_1497, %mul3A_1678 : vector<16xf32>
      scf.yield %add3A_1520, %add3A_1522, %add3A_1524, %add3A_1525, %add3A_1526, %add3A_1543, %add3A_1545, %add3A_1547, %add3A_1548, %add3A_1549, %add3A_1566, %add3A_1568, %add3A_1570, %add3A_1571, %add3A_1572, %add3A_1589, %add3A_1591, %add3A_1593, %add3A_1594, %add3A_1595, %add3A_1612, %add3A_1614, %add3A_1616, %add3A_1617, %add3A_1618, %add3A_1635, %add3A_1637, %add3A_1639, %add3A_1640, %add3A_1641, %add3A_1658, %add3A_1660, %add3A_1662, %add3A_1663, %add3A_1664, %add3A_1681, %add3A_1683, %add3A_1685, %add3A_1686, %add3A_1687 : vector<16xf32>, vector<16xf32>, vector<16xf32>, vector<16xf32>, vector<16xf32>, vector<16xf32>, vector<16xf32>, vector<16xf32>, vector<16xf32>, vector<16xf32>, vector<16xf32>, vector<16xf32>, vector<16xf32>, vector<16xf32>, vector<16xf32>, vector<16xf32>, vector<16xf32>, vector<16xf32>, vector<16xf32>, vector<16xf32>, vector<16xf32>, vector<16xf32>, vector<16xf32>, vector<16xf32>, vector<16xf32>, vector<16xf32>, vector<16xf32>, vector<16xf32>, vector<16xf32>, vector<16xf32>, vector<16xf32>, vector<16xf32>, vector<16xf32>, vector<16xf32>, vector<16xf32>, vector<16xf32>, vector<16xf32>, vector<16xf32>, vector<16xf32>, vector<16xf32>
    }
    %scan3A_1211 = arith.constant 64 : i32
    %dma_start3A_1212 = arith.constant 1 : i32
    %dma_start3A_1213 = arith.constant 0 : i32
    %dma_start3A_1214 = arith.constant 0 : i32
    %dma_start3A_1215 = tpu.memref_slice %arg15[%dma_start3A_1212, %dma_start3A_1213, %dma_start3A_1214] : memref<2x64x128xf32, #tpu.memory_space<vmem>> -> memref<1x64x128xf32, #tpu.memory_space<vmem>>
    %dma_start3A_1216 = tpu.memref_squeeze %dma_start3A_1215 : memref<1x64x128xf32, #tpu.memory_space<vmem>> -> memref<64x128xf32, #tpu.memory_space<vmem>>
    %dma_start3A_1217 = arith.constant 448 : i32
    %dma_start3A_1218 = tpu.memref_slice %arg10[%dma_start3A_1217] : memref<512xi32, #tpu.memory_space<vmem>> -> memref<64xi32, #tpu.memory_space<vmem>>
    %dma_start3A_1219 = arith.constant 0 : i32
    %dma_start3A_1220 = arith.constant 0 : i32
    %dma_start3A_1221 = tpu.memref_slice %arg4[%dma_start3A_1219, %dma_start3A_1220] : memref<100000x128xf32, #tpu.memory_space<hbm>> -> memref<100000x128xf32, #tpu.memory_space<hbm>>
    tpu.enqueue_indirect_dma source(%dma_start3A_1221 : memref<100000x128xf32, #tpu.memory_space<hbm>>) target(%dma_start3A_1216 : memref<64x128xf32, #tpu.memory_space<vmem>>) offsets(%dma_start3A_1218 : memref<64xi32, #tpu.memory_space<vmem>>) semaphore(%arg18 : memref<!tpu.dma_semaphore, #tpu.memory_space<semaphore_mem>>)
    %mul3A_1222 = arith.constant 512 : i32
    %mul3A_1223 = arith.muli %add3A, %mul3A_1222 : i32
    %add3A_1224 = arith.constant 448 : i32
    %add3A_1225 = arith.addi %mul3A_1223, %add3A_1224 : i32
    %dma_start3A_1226 = arith.constant 1 : i32
    %dma_start3A_1227 = arith.constant 0 : i32
    %dma_start3A_1228 = arith.constant 0 : i32
    %dma_start3A_1229 = tpu.memref_slice %arg14[%dma_start3A_1226, %dma_start3A_1227, %dma_start3A_1228] : memref<2x64x128xf32, #tpu.memory_space<vmem>> -> memref<1x64x128xf32, #tpu.memory_space<vmem>>
    %dma_start3A_1230 = tpu.memref_squeeze %dma_start3A_1229 : memref<1x64x128xf32, #tpu.memory_space<vmem>> -> memref<64x128xf32, #tpu.memory_space<vmem>>
    %dma_start3A_1231 = arith.constant 0 : i32
    %dma_start3A_1232 = tpu.memref_slice %arg3[%add3A_1225, %dma_start3A_1231] : memref<16384x128xf32, #tpu.memory_space<hbm>> -> memref<64x128xf32, #tpu.memory_space<hbm>>
    %dma_start3A_1233 = arith.constant 0 : i32
    %dma_start3A_1234 = arith.constant 0 : i32
    %dma_start3A_1235 = tpu.memref_slice %arg14[%dma_start3A_1226, %dma_start3A_1233, %dma_start3A_1234] : memref<2x64x128xf32, #tpu.memory_space<vmem>> -> memref<1x64x128xf32, #tpu.memory_space<vmem>>
    %dma_start3A_1236 = tpu.memref_squeeze %dma_start3A_1235 : memref<1x64x128xf32, #tpu.memory_space<vmem>> -> memref<64x128xf32, #tpu.memory_space<vmem>>
    %dma_start3A_1237 = arith.constant 0 : i32
    %dma_start3A_1238 = tpu.memref_slice %arg3[%add3A_1225, %dma_start3A_1237] : memref<16384x128xf32, #tpu.memory_space<hbm>> -> memref<64x128xf32, #tpu.memory_space<hbm>>
    tpu.enqueue_dma source(%dma_start3A_1238 : memref<64x128xf32, #tpu.memory_space<hbm>>) target(%dma_start3A_1236 : memref<64x128xf32, #tpu.memory_space<vmem>>) target_semaphore(%arg20 : memref<!tpu.dma_semaphore, #tpu.memory_space<semaphore_mem>>)
    %dma_wait3A_1239 = arith.constant 0 : i32
    %dma_wait3A_1240 = arith.constant 0 : i32
    %dma_wait3A_1241 = arith.constant 0 : i32
    %dma_wait3A_1242 = tpu.memref_slice %arg15[%dma_wait3A_1239, %dma_wait3A_1240, %dma_wait3A_1241] : memref<2x64x128xf32, #tpu.memory_space<vmem>> -> memref<1x64x128xf32, #tpu.memory_space<vmem>>
    %dma_wait3A_1243 = tpu.memref_squeeze %dma_wait3A_1242 : memref<1x64x128xf32, #tpu.memory_space<vmem>> -> memref<64x128xf32, #tpu.memory_space<vmem>>
    %dma_wait3A_1244 = arith.constant 384 : i32
    %dma_wait3A_1245 = tpu.memref_slice %arg10[%dma_wait3A_1244] : memref<512xi32, #tpu.memory_space<vmem>> -> memref<64xi32, #tpu.memory_space<vmem>>
    %dma_wait3A_1246 = arith.constant 0 : i32
    %dma_wait3A_1247 = arith.constant 0 : i32
    %dma_wait3A_1248 = tpu.memref_slice %arg4[%dma_wait3A_1246, %dma_wait3A_1247] : memref<100000x128xf32, #tpu.memory_space<hbm>> -> memref<100000x128xf32, #tpu.memory_space<hbm>>
    tpu.wait_indirect_dma semaphore(%arg17 : memref<!tpu.dma_semaphore, #tpu.memory_space<semaphore_mem>>) src(%dma_wait3A_1248 : memref<100000x128xf32, #tpu.memory_space<hbm>>) dst(%dma_wait3A_1243 : memref<64x128xf32, #tpu.memory_space<vmem>>)
    %dma_wait3A_1249 = arith.constant 0 : i32
    %dma_wait3A_1250 = arith.constant 0 : i32
    %dma_wait3A_1251 = arith.constant 0 : i32
    %dma_wait3A_1252 = tpu.memref_slice %arg14[%dma_wait3A_1249, %dma_wait3A_1250, %dma_wait3A_1251] : memref<2x64x128xf32, #tpu.memory_space<vmem>> -> memref<1x64x128xf32, #tpu.memory_space<vmem>>
    %dma_wait3A_1253 = tpu.memref_squeeze %dma_wait3A_1252 : memref<1x64x128xf32, #tpu.memory_space<vmem>> -> memref<64x128xf32, #tpu.memory_space<vmem>>
    %dma_wait3A_1254 = arith.constant 0 : i32
    %dma_wait3A_1255 = tpu.memref_slice %arg3[%add3A_1169, %dma_wait3A_1254] : memref<16384x128xf32, #tpu.memory_space<hbm>> -> memref<64x128xf32, #tpu.memory_space<hbm>>
    %dma_wait3A_1256 = arith.constant 0 : i32
    %dma_wait3A_1257 = arith.constant 0 : i32
    %dma_wait3A_1258 = tpu.memref_slice %arg14[%dma_wait3A_1249, %dma_wait3A_1256, %dma_wait3A_1257] : memref<2x64x128xf32, #tpu.memory_space<vmem>> -> memref<1x64x128xf32, #tpu.memory_space<vmem>>
    %dma_wait3A_1259 = tpu.memref_squeeze %dma_wait3A_1258 : memref<1x64x128xf32, #tpu.memory_space<vmem>> -> memref<64x128xf32, #tpu.memory_space<vmem>>
    %dma_wait3A_1260 = arith.constant 0 : i32
    %dma_wait3A_1261 = tpu.memref_slice %arg3[%add3A_1169, %dma_wait3A_1260] : memref<16384x128xf32, #tpu.memory_space<hbm>> -> memref<64x128xf32, #tpu.memory_space<hbm>>
    tpu.wait_dma2 semaphore(%arg19 : memref<!tpu.dma_semaphore, #tpu.memory_space<semaphore_mem>>) src(%dma_wait3A_1261 : memref<64x128xf32, #tpu.memory_space<hbm>>) dst(%dma_wait3A_1259 : memref<64x128xf32, #tpu.memory_space<vmem>>)
    %scan3A_1262 = arith.constant 0 : i32
    %scan3A_1263 = arith.constant 64 : i32
    %scan3A_1264 = arith.addi %scan3A_1262, %scan3A_1263 : i32
    %scan3A_1265 = arith.constant 1 : i32
    %scan3A_1266:40 = scf.for %scan3A_1457 = %scan3A_1262 to %scan3A_1264 step %scan3A_1265 iter_args(%scan3A_1458 = %scan3A_1210#0, %scan3A_1459 = %scan3A_1210#1, %scan3A_1460 = %scan3A_1210#2, %scan3A_1461 = %scan3A_1210#3, %scan3A_1462 = %scan3A_1210#4, %scan3A_1463 = %scan3A_1210#5, %scan3A_1464 = %scan3A_1210#6, %scan3A_1465 = %scan3A_1210#7, %scan3A_1466 = %scan3A_1210#8, %scan3A_1467 = %scan3A_1210#9, %scan3A_1468 = %scan3A_1210#10, %scan3A_1469 = %scan3A_1210#11, %scan3A_1470 = %scan3A_1210#12, %scan3A_1471 = %scan3A_1210#13, %scan3A_1472 = %scan3A_1210#14, %scan3A_1473 = %scan3A_1210#15, %scan3A_1474 = %scan3A_1210#16, %scan3A_1475 = %scan3A_1210#17, %scan3A_1476 = %scan3A_1210#18, %scan3A_1477 = %scan3A_1210#19, %scan3A_1478 = %scan3A_1210#20, %scan3A_1479 = %scan3A_1210#21, %scan3A_1480 = %scan3A_1210#22, %scan3A_1481 = %scan3A_1210#23, %scan3A_1482 = %scan3A_1210#24, %scan3A_1483 = %scan3A_1210#25, %scan3A_1484 = %scan3A_1210#26, %scan3A_1485 = %scan3A_1210#27, %scan3A_1486 = %scan3A_1210#28, %scan3A_1487 = %scan3A_1210#29, %scan3A_1488 = %scan3A_1210#30, %scan3A_1489 = %scan3A_1210#31, %scan3A_1490 = %scan3A_1210#32, %scan3A_1491 = %scan3A_1210#33, %scan3A_1492 = %scan3A_1210#34, %scan3A_1493 = %scan3A_1210#35, %scan3A_1494 = %scan3A_1210#36, %scan3A_1495 = %scan3A_1210#37, %scan3A_1496 = %scan3A_1210#38, %scan3A_1497 = %scan3A_1210#39) -> (vector<16xf32>, vector<16xf32>, vector<16xf32>, vector<16xf32>, vector<16xf32>, vector<16xf32>, vector<16xf32>, vector<16xf32>, vector<16xf32>, vector<16xf32>, vector<16xf32>, vector<16xf32>, vector<16xf32>, vector<16xf32>, vector<16xf32>, vector<16xf32>, vector<16xf32>, vector<16xf32>, vector<16xf32>, vector<16xf32>, vector<16xf32>, vector<16xf32>, vector<16xf32>, vector<16xf32>, vector<16xf32>, vector<16xf32>, vector<16xf32>, vector<16xf32>, vector<16xf32>, vector<16xf32>, vector<16xf32>, vector<16xf32>, vector<16xf32>, vector<16xf32>, vector<16xf32>, vector<16xf32>, vector<16xf32>, vector<16xf32>, vector<16xf32>, vector<16xf32>)  : i32 {
      %add3A_1498 = arith.constant 384 : i32
      %add3A_1499 = arith.addi %add3A_1498, %scan3A_1457 : i32
      %get3A_1500 = arith.index_cast %add3A_1499 : i32 to index
      %get3A_1501 = arith.constant 0 : index
      %get3A_1502 = tpu.vector_load %arg13[%get3A_1500, %get3A_1501] {strides = array<i32>} : memref<512x16xf32, #tpu.memory_space<vmem>>, vector<1x16xf32>,
      %get3A_1503 = vector.shape_cast %get3A_1502 : vector<1x16xf32> to vector<16xf32>
      %get3A_1504 = arith.constant 0 : i32
      %get3A_1505 = arith.index_cast %get3A_1504 : i32 to index
      %get3A_1506 = arith.index_cast %scan3A_1457 : i32 to index
      %get3A_1507 = arith.constant 0 : index
      %get3A_1508 = tpu.vector_load %arg14[%get3A_1505, %get3A_1506, %get3A_1507] {strides = array<i32>} : memref<2x64x128xf32, #tpu.memory_space<vmem>>, vector<1x1x16xf32>,
      %get3A_1509 = vector.shape_cast %get3A_1508 : vector<1x1x16xf32> to vector<16xf32>
      %get3A_1510 = arith.constant 0 : i32
      %get3A_1511 = arith.index_cast %get3A_1510 : i32 to index
      %get3A_1512 = arith.index_cast %scan3A_1457 : i32 to index
      %get3A_1513 = arith.constant 0 : index
      %get3A_1514 = tpu.vector_load %arg15[%get3A_1511, %get3A_1512, %get3A_1513] {strides = array<i32>} : memref<2x64x128xf32, #tpu.memory_space<vmem>>, vector<1x1x16xf32>,
      %get3A_1515 = vector.shape_cast %get3A_1514 : vector<1x1x16xf32> to vector<16xf32>
      %mul3A_1516 = arith.mulf %get3A_1509, %get3A_1509 : vector<16xf32>
      %mul3A_1517 = arith.mulf %get3A_1515, %get3A_1515 : vector<16xf32>
      %mul3A_1518 = arith.mulf %get3A_1509, %get3A_1515 : vector<16xf32>
      %mul3A_1519 = arith.mulf %get3A_1503, %mul3A_1516 : vector<16xf32>
      %add3A_1520 = arith.addf %scan3A_1458, %mul3A_1519 : vector<16xf32>
      %mul3A_1521 = arith.mulf %get3A_1503, %mul3A_1518 : vector<16xf32>
      %add3A_1522 = arith.addf %scan3A_1459, %mul3A_1521 : vector<16xf32>
      %mul3A_1523 = arith.mulf %get3A_1503, %mul3A_1517 : vector<16xf32>
      %add3A_1524 = arith.addf %scan3A_1460, %mul3A_1523 : vector<16xf32>
      %add3A_1525 = arith.addf %scan3A_1461, %mul3A_1516 : vector<16xf32>
      %add3A_1526 = arith.addf %scan3A_1462, %mul3A_1517 : vector<16xf32>
      %get3A_1527 = arith.constant 0 : i32
      %get3A_1528 = arith.index_cast %get3A_1527 : i32 to index
      %get3A_1529 = arith.index_cast %scan3A_1457 : i32 to index
      %get3A_1530 = arith.constant 16 : index
      %get3A_1531 = tpu.vector_load %arg14[%get3A_1528, %get3A_1529, %get3A_1530] {strides = array<i32>} : memref<2x64x128xf32, #tpu.memory_space<vmem>>, vector<1x1x16xf32>,
      %get3A_1532 = vector.shape_cast %get3A_1531 : vector<1x1x16xf32> to vector<16xf32>
      %get3A_1533 = arith.constant 0 : i32
      %get3A_1534 = arith.index_cast %get3A_1533 : i32 to index
      %get3A_1535 = arith.index_cast %scan3A_1457 : i32 to index
      %get3A_1536 = arith.constant 16 : index
      %get3A_1537 = tpu.vector_load %arg15[%get3A_1534, %get3A_1535, %get3A_1536] {strides = array<i32>} : memref<2x64x128xf32, #tpu.memory_space<vmem>>, vector<1x1x16xf32>,
      %get3A_1538 = vector.shape_cast %get3A_1537 : vector<1x1x16xf32> to vector<16xf32>
      %mul3A_1539 = arith.mulf %get3A_1532, %get3A_1532 : vector<16xf32>
      %mul3A_1540 = arith.mulf %get3A_1538, %get3A_1538 : vector<16xf32>
      %mul3A_1541 = arith.mulf %get3A_1532, %get3A_1538 : vector<16xf32>
      %mul3A_1542 = arith.mulf %get3A_1503, %mul3A_1539 : vector<16xf32>
      %add3A_1543 = arith.addf %scan3A_1463, %mul3A_1542 : vector<16xf32>
      %mul3A_1544 = arith.mulf %get3A_1503, %mul3A_1541 : vector<16xf32>
      %add3A_1545 = arith.addf %scan3A_1464, %mul3A_1544 : vector<16xf32>
      %mul3A_1546 = arith.mulf %get3A_1503, %mul3A_1540 : vector<16xf32>
      %add3A_1547 = arith.addf %scan3A_1465, %mul3A_1546 : vector<16xf32>
      %add3A_1548 = arith.addf %scan3A_1466, %mul3A_1539 : vector<16xf32>
      %add3A_1549 = arith.addf %scan3A_1467, %mul3A_1540 : vector<16xf32>
      %get3A_1550 = arith.constant 0 : i32
      %get3A_1551 = arith.index_cast %get3A_1550 : i32 to index
      %get3A_1552 = arith.index_cast %scan3A_1457 : i32 to index
      %get3A_1553 = arith.constant 32 : index
      %get3A_1554 = tpu.vector_load %arg14[%get3A_1551, %get3A_1552, %get3A_1553] {strides = array<i32>} : memref<2x64x128xf32, #tpu.memory_space<vmem>>, vector<1x1x16xf32>,
      %get3A_1555 = vector.shape_cast %get3A_1554 : vector<1x1x16xf32> to vector<16xf32>
      %get3A_1556 = arith.constant 0 : i32
      %get3A_1557 = arith.index_cast %get3A_1556 : i32 to index
      %get3A_1558 = arith.index_cast %scan3A_1457 : i32 to index
      %get3A_1559 = arith.constant 32 : index
      %get3A_1560 = tpu.vector_load %arg15[%get3A_1557, %get3A_1558, %get3A_1559] {strides = array<i32>} : memref<2x64x128xf32, #tpu.memory_space<vmem>>, vector<1x1x16xf32>,
      %get3A_1561 = vector.shape_cast %get3A_1560 : vector<1x1x16xf32> to vector<16xf32>
      %mul3A_1562 = arith.mulf %get3A_1555, %get3A_1555 : vector<16xf32>
      %mul3A_1563 = arith.mulf %get3A_1561, %get3A_1561 : vector<16xf32>
      %mul3A_1564 = arith.mulf %get3A_1555, %get3A_1561 : vector<16xf32>
      %mul3A_1565 = arith.mulf %get3A_1503, %mul3A_1562 : vector<16xf32>
      %add3A_1566 = arith.addf %scan3A_1468, %mul3A_1565 : vector<16xf32>
      %mul3A_1567 = arith.mulf %get3A_1503, %mul3A_1564 : vector<16xf32>
      %add3A_1568 = arith.addf %scan3A_1469, %mul3A_1567 : vector<16xf32>
      %mul3A_1569 = arith.mulf %get3A_1503, %mul3A_1563 : vector<16xf32>
      %add3A_1570 = arith.addf %scan3A_1470, %mul3A_1569 : vector<16xf32>
      %add3A_1571 = arith.addf %scan3A_1471, %mul3A_1562 : vector<16xf32>
      %add3A_1572 = arith.addf %scan3A_1472, %mul3A_1563 : vector<16xf32>
      %get3A_1573 = arith.constant 0 : i32
      %get3A_1574 = arith.index_cast %get3A_1573 : i32 to index
      %get3A_1575 = arith.index_cast %scan3A_1457 : i32 to index
      %get3A_1576 = arith.constant 48 : index
      %get3A_1577 = tpu.vector_load %arg14[%get3A_1574, %get3A_1575, %get3A_1576] {strides = array<i32>} : memref<2x64x128xf32, #tpu.memory_space<vmem>>, vector<1x1x16xf32>,
      %get3A_1578 = vector.shape_cast %get3A_1577 : vector<1x1x16xf32> to vector<16xf32>
      %get3A_1579 = arith.constant 0 : i32
      %get3A_1580 = arith.index_cast %get3A_1579 : i32 to index
      %get3A_1581 = arith.index_cast %scan3A_1457 : i32 to index
      %get3A_1582 = arith.constant 48 : index
      %get3A_1583 = tpu.vector_load %arg15[%get3A_1580, %get3A_1581, %get3A_1582] {strides = array<i32>} : memref<2x64x128xf32, #tpu.memory_space<vmem>>, vector<1x1x16xf32>,
      %get3A_1584 = vector.shape_cast %get3A_1583 : vector<1x1x16xf32> to vector<16xf32>
      %mul3A_1585 = arith.mulf %get3A_1578, %get3A_1578 : vector<16xf32>
      %mul3A_1586 = arith.mulf %get3A_1584, %get3A_1584 : vector<16xf32>
      %mul3A_1587 = arith.mulf %get3A_1578, %get3A_1584 : vector<16xf32>
      %mul3A_1588 = arith.mulf %get3A_1503, %mul3A_1585 : vector<16xf32>
      %add3A_1589 = arith.addf %scan3A_1473, %mul3A_1588 : vector<16xf32>
      %mul3A_1590 = arith.mulf %get3A_1503, %mul3A_1587 : vector<16xf32>
      %add3A_1591 = arith.addf %scan3A_1474, %mul3A_1590 : vector<16xf32>
      %mul3A_1592 = arith.mulf %get3A_1503, %mul3A_1586 : vector<16xf32>
      %add3A_1593 = arith.addf %scan3A_1475, %mul3A_1592 : vector<16xf32>
      %add3A_1594 = arith.addf %scan3A_1476, %mul3A_1585 : vector<16xf32>
      %add3A_1595 = arith.addf %scan3A_1477, %mul3A_1586 : vector<16xf32>
      %get3A_1596 = arith.constant 0 : i32
      %get3A_1597 = arith.index_cast %get3A_1596 : i32 to index
      %get3A_1598 = arith.index_cast %scan3A_1457 : i32 to index
      %get3A_1599 = arith.constant 64 : index
      %get3A_1600 = tpu.vector_load %arg14[%get3A_1597, %get3A_1598, %get3A_1599] {strides = array<i32>} : memref<2x64x128xf32, #tpu.memory_space<vmem>>, vector<1x1x16xf32>,
      %get3A_1601 = vector.shape_cast %get3A_1600 : vector<1x1x16xf32> to vector<16xf32>
      %get3A_1602 = arith.constant 0 : i32
      %get3A_1603 = arith.index_cast %get3A_1602 : i32 to index
      %get3A_1604 = arith.index_cast %scan3A_1457 : i32 to index
      %get3A_1605 = arith.constant 64 : index
      %get3A_1606 = tpu.vector_load %arg15[%get3A_1603, %get3A_1604, %get3A_1605] {strides = array<i32>} : memref<2x64x128xf32, #tpu.memory_space<vmem>>, vector<1x1x16xf32>,
      %get3A_1607 = vector.shape_cast %get3A_1606 : vector<1x1x16xf32> to vector<16xf32>
      %mul3A_1608 = arith.mulf %get3A_1601, %get3A_1601 : vector<16xf32>
      %mul3A_1609 = arith.mulf %get3A_1607, %get3A_1607 : vector<16xf32>
      %mul3A_1610 = arith.mulf %get3A_1601, %get3A_1607 : vector<16xf32>
      %mul3A_1611 = arith.mulf %get3A_1503, %mul3A_1608 : vector<16xf32>
      %add3A_1612 = arith.addf %scan3A_1478, %mul3A_1611 : vector<16xf32>
      %mul3A_1613 = arith.mulf %get3A_1503, %mul3A_1610 : vector<16xf32>
      %add3A_1614 = arith.addf %scan3A_1479, %mul3A_1613 : vector<16xf32>
      %mul3A_1615 = arith.mulf %get3A_1503, %mul3A_1609 : vector<16xf32>
      %add3A_1616 = arith.addf %scan3A_1480, %mul3A_1615 : vector<16xf32>
      %add3A_1617 = arith.addf %scan3A_1481, %mul3A_1608 : vector<16xf32>
      %add3A_1618 = arith.addf %scan3A_1482, %mul3A_1609 : vector<16xf32>
      %get3A_1619 = arith.constant 0 : i32
      %get3A_1620 = arith.index_cast %get3A_1619 : i32 to index
      %get3A_1621 = arith.index_cast %scan3A_1457 : i32 to index
      %get3A_1622 = arith.constant 80 : index
      %get3A_1623 = tpu.vector_load %arg14[%get3A_1620, %get3A_1621, %get3A_1622] {strides = array<i32>} : memref<2x64x128xf32, #tpu.memory_space<vmem>>, vector<1x1x16xf32>,
      %get3A_1624 = vector.shape_cast %get3A_1623 : vector<1x1x16xf32> to vector<16xf32>
      %get3A_1625 = arith.constant 0 : i32
      %get3A_1626 = arith.index_cast %get3A_1625 : i32 to index
      %get3A_1627 = arith.index_cast %scan3A_1457 : i32 to index
      %get3A_1628 = arith.constant 80 : index
      %get3A_1629 = tpu.vector_load %arg15[%get3A_1626, %get3A_1627, %get3A_1628] {strides = array<i32>} : memref<2x64x128xf32, #tpu.memory_space<vmem>>, vector<1x1x16xf32>,
      %get3A_1630 = vector.shape_cast %get3A_1629 : vector<1x1x16xf32> to vector<16xf32>
      %mul3A_1631 = arith.mulf %get3A_1624, %get3A_1624 : vector<16xf32>
      %mul3A_1632 = arith.mulf %get3A_1630, %get3A_1630 : vector<16xf32>
      %mul3A_1633 = arith.mulf %get3A_1624, %get3A_1630 : vector<16xf32>
      %mul3A_1634 = arith.mulf %get3A_1503, %mul3A_1631 : vector<16xf32>
      %add3A_1635 = arith.addf %scan3A_1483, %mul3A_1634 : vector<16xf32>
      %mul3A_1636 = arith.mulf %get3A_1503, %mul3A_1633 : vector<16xf32>
      %add3A_1637 = arith.addf %scan3A_1484, %mul3A_1636 : vector<16xf32>
      %mul3A_1638 = arith.mulf %get3A_1503, %mul3A_1632 : vector<16xf32>
      %add3A_1639 = arith.addf %scan3A_1485, %mul3A_1638 : vector<16xf32>
      %add3A_1640 = arith.addf %scan3A_1486, %mul3A_1631 : vector<16xf32>
      %add3A_1641 = arith.addf %scan3A_1487, %mul3A_1632 : vector<16xf32>
      %get3A_1642 = arith.constant 0 : i32
      %get3A_1643 = arith.index_cast %get3A_1642 : i32 to index
      %get3A_1644 = arith.index_cast %scan3A_1457 : i32 to index
      %get3A_1645 = arith.constant 96 : index
      %get3A_1646 = tpu.vector_load %arg14[%get3A_1643, %get3A_1644, %get3A_1645] {strides = array<i32>} : memref<2x64x128xf32, #tpu.memory_space<vmem>>, vector<1x1x16xf32>,
      %get3A_1647 = vector.shape_cast %get3A_1646 : vector<1x1x16xf32> to vector<16xf32>
      %get3A_1648 = arith.constant 0 : i32
      %get3A_1649 = arith.index_cast %get3A_1648 : i32 to index
      %get3A_1650 = arith.index_cast %scan3A_1457 : i32 to index
      %get3A_1651 = arith.constant 96 : index
      %get3A_1652 = tpu.vector_load %arg15[%get3A_1649, %get3A_1650, %get3A_1651] {strides = array<i32>} : memref<2x64x128xf32, #tpu.memory_space<vmem>>, vector<1x1x16xf32>,
      %get3A_1653 = vector.shape_cast %get3A_1652 : vector<1x1x16xf32> to vector<16xf32>
      %mul3A_1654 = arith.mulf %get3A_1647, %get3A_1647 : vector<16xf32>
      %mul3A_1655 = arith.mulf %get3A_1653, %get3A_1653 : vector<16xf32>
      %mul3A_1656 = arith.mulf %get3A_1647, %get3A_1653 : vector<16xf32>
      %mul3A_1657 = arith.mulf %get3A_1503, %mul3A_1654 : vector<16xf32>
      %add3A_1658 = arith.addf %scan3A_1488, %mul3A_1657 : vector<16xf32>
      %mul3A_1659 = arith.mulf %get3A_1503, %mul3A_1656 : vector<16xf32>
      %add3A_1660 = arith.addf %scan3A_1489, %mul3A_1659 : vector<16xf32>
      %mul3A_1661 = arith.mulf %get3A_1503, %mul3A_1655 : vector<16xf32>
      %add3A_1662 = arith.addf %scan3A_1490, %mul3A_1661 : vector<16xf32>
      %add3A_1663 = arith.addf %scan3A_1491, %mul3A_1654 : vector<16xf32>
      %add3A_1664 = arith.addf %scan3A_1492, %mul3A_1655 : vector<16xf32>
      %get3A_1665 = arith.constant 0 : i32
      %get3A_1666 = arith.index_cast %get3A_1665 : i32 to index
      %get3A_1667 = arith.index_cast %scan3A_1457 : i32 to index
      %get3A_1668 = arith.constant 112 : index
      %get3A_1669 = tpu.vector_load %arg14[%get3A_1666, %get3A_1667, %get3A_1668] {strides = array<i32>} : memref<2x64x128xf32, #tpu.memory_space<vmem>>, vector<1x1x16xf32>,
      %get3A_1670 = vector.shape_cast %get3A_1669 : vector<1x1x16xf32> to vector<16xf32>
      %get3A_1671 = arith.constant 0 : i32
      %get3A_1672 = arith.index_cast %get3A_1671 : i32 to index
      %get3A_1673 = arith.index_cast %scan3A_1457 : i32 to index
      %get3A_1674 = arith.constant 112 : index
      %get3A_1675 = tpu.vector_load %arg15[%get3A_1672, %get3A_1673, %get3A_1674] {strides = array<i32>} : memref<2x64x128xf32, #tpu.memory_space<vmem>>, vector<1x1x16xf32>,
      %get3A_1676 = vector.shape_cast %get3A_1675 : vector<1x1x16xf32> to vector<16xf32>
      %mul3A_1677 = arith.mulf %get3A_1670, %get3A_1670 : vector<16xf32>
      %mul3A_1678 = arith.mulf %get3A_1676, %get3A_1676 : vector<16xf32>
      %mul3A_1679 = arith.mulf %get3A_1670, %get3A_1676 : vector<16xf32>
      %mul3A_1680 = arith.mulf %get3A_1503, %mul3A_1677 : vector<16xf32>
      %add3A_1681 = arith.addf %scan3A_1493, %mul3A_1680 : vector<16xf32>
      %mul3A_1682 = arith.mulf %get3A_1503, %mul3A_1679 : vector<16xf32>
      %add3A_1683 = arith.addf %scan3A_1494, %mul3A_1682 : vector<16xf32>
      %mul3A_1684 = arith.mulf %get3A_1503, %mul3A_1678 : vector<16xf32>
      %add3A_1685 = arith.addf %scan3A_1495, %mul3A_1684 : vector<16xf32>
      %add3A_1686 = arith.addf %scan3A_1496, %mul3A_1677 : vector<16xf32>
      %add3A_1687 = arith.addf %scan3A_1497, %mul3A_1678 : vector<16xf32>
      scf.yield %add3A_1520, %add3A_1522, %add3A_1524, %add3A_1525, %add3A_1526, %add3A_1543, %add3A_1545, %add3A_1547, %add3A_1548, %add3A_1549, %add3A_1566, %add3A_1568, %add3A_1570, %add3A_1571, %add3A_1572, %add3A_1589, %add3A_1591, %add3A_1593, %add3A_1594, %add3A_1595, %add3A_1612, %add3A_1614, %add3A_1616, %add3A_1617, %add3A_1618, %add3A_1635, %add3A_1637, %add3A_1639, %add3A_1640, %add3A_1641, %add3A_1658, %add3A_1660, %add3A_1662, %add3A_1663, %add3A_1664, %add3A_1681, %add3A_1683, %add3A_1685, %add3A_1686, %add3A_1687 : vector<16xf32>, vector<16xf32>, vector<16xf32>, vector<16xf32>, vector<16xf32>, vector<16xf32>, vector<16xf32>, vector<16xf32>, vector<16xf32>, vector<16xf32>, vector<16xf32>, vector<16xf32>, vector<16xf32>, vector<16xf32>, vector<16xf32>, vector<16xf32>, vector<16xf32>, vector<16xf32>, vector<16xf32>, vector<16xf32>, vector<16xf32>, vector<16xf32>, vector<16xf32>, vector<16xf32>, vector<16xf32>, vector<16xf32>, vector<16xf32>, vector<16xf32>, vector<16xf32>, vector<16xf32>, vector<16xf32>, vector<16xf32>, vector<16xf32>, vector<16xf32>, vector<16xf32>, vector<16xf32>, vector<16xf32>, vector<16xf32>, vector<16xf32>, vector<16xf32>
    }
    %scan3A_1267 = arith.constant 64 : i32
    %dma_wait3A_1268 = arith.constant 1 : i32
    %dma_wait3A_1269 = arith.constant 0 : i32
    %dma_wait3A_1270 = arith.constant 0 : i32
    %dma_wait3A_1271 = tpu.memref_slice %arg15[%dma_wait3A_1268, %dma_wait3A_1269, %dma_wait3A_1270] : memref<2x64x128xf32, #tpu.memory_space<vmem>> -> memref<1x64x128xf32, #tpu.memory_space<vmem>>
    %dma_wait3A_1272 = tpu.memref_squeeze %dma_wait3A_1271 : memref<1x64x128xf32, #tpu.memory_space<vmem>> -> memref<64x128xf32, #tpu.memory_space<vmem>>
    %dma_wait3A_1273 = arith.constant 448 : i32
    %dma_wait3A_1274 = tpu.memref_slice %arg10[%dma_wait3A_1273] : memref<512xi32, #tpu.memory_space<vmem>> -> memref<64xi32, #tpu.memory_space<vmem>>
    %dma_wait3A_1275 = arith.constant 0 : i32
    %dma_wait3A_1276 = arith.constant 0 : i32
    %dma_wait3A_1277 = tpu.memref_slice %arg4[%dma_wait3A_1275, %dma_wait3A_1276] : memref<100000x128xf32, #tpu.memory_space<hbm>> -> memref<100000x128xf32, #tpu.memory_space<hbm>>
    tpu.wait_indirect_dma semaphore(%arg18 : memref<!tpu.dma_semaphore, #tpu.memory_space<semaphore_mem>>) src(%dma_wait3A_1277 : memref<100000x128xf32, #tpu.memory_space<hbm>>) dst(%dma_wait3A_1272 : memref<64x128xf32, #tpu.memory_space<vmem>>)
    %dma_wait3A_1278 = arith.constant 1 : i32
    %dma_wait3A_1279 = arith.constant 0 : i32
    %dma_wait3A_1280 = arith.constant 0 : i32
    %dma_wait3A_1281 = tpu.memref_slice %arg14[%dma_wait3A_1278, %dma_wait3A_1279, %dma_wait3A_1280] : memref<2x64x128xf32, #tpu.memory_space<vmem>> -> memref<1x64x128xf32, #tpu.memory_space<vmem>>
    %dma_wait3A_1282 = tpu.memref_squeeze %dma_wait3A_1281 : memref<1x64x128xf32, #tpu.memory_space<vmem>> -> memref<64x128xf32, #tpu.memory_space<vmem>>
    %dma_wait3A_1283 = arith.constant 0 : i32
    %dma_wait3A_1284 = tpu.memref_slice %arg3[%add3A_1225, %dma_wait3A_1283] : memref<16384x128xf32, #tpu.memory_space<hbm>> -> memref<64x128xf32, #tpu.memory_space<hbm>>
    %dma_wait3A_1285 = arith.constant 0 : i32
    %dma_wait3A_1286 = arith.constant 0 : i32
    %dma_wait3A_1287 = tpu.memref_slice %arg14[%dma_wait3A_1278, %dma_wait3A_1285, %dma_wait3A_1286] : memref<2x64x128xf32, #tpu.memory_space<vmem>> -> memref<1x64x128xf32, #tpu.memory_space<vmem>>
    %dma_wait3A_1288 = tpu.memref_squeeze %dma_wait3A_1287 : memref<1x64x128xf32, #tpu.memory_space<vmem>> -> memref<64x128xf32, #tpu.memory_space<vmem>>
    %dma_wait3A_1289 = arith.constant 0 : i32
    %dma_wait3A_1290 = tpu.memref_slice %arg3[%add3A_1225, %dma_wait3A_1289] : memref<16384x128xf32, #tpu.memory_space<hbm>> -> memref<64x128xf32, #tpu.memory_space<hbm>>
    tpu.wait_dma2 semaphore(%arg20 : memref<!tpu.dma_semaphore, #tpu.memory_space<semaphore_mem>>) src(%dma_wait3A_1290 : memref<64x128xf32, #tpu.memory_space<hbm>>) dst(%dma_wait3A_1288 : memref<64x128xf32, #tpu.memory_space<vmem>>)
    %scan3A_1291 = arith.constant 0 : i32
    %scan3A_1292 = arith.constant 64 : i32
    %scan3A_1293 = arith.addi %scan3A_1291, %scan3A_1292 : i32
    %scan3A_1294 = arith.constant 1 : i32
    %scan3A_1295:40 = scf.for %scan3A_1457 = %scan3A_1291 to %scan3A_1293 step %scan3A_1294 iter_args(%scan3A_1458 = %scan3A_1266#0, %scan3A_1459 = %scan3A_1266#1, %scan3A_1460 = %scan3A_1266#2, %scan3A_1461 = %scan3A_1266#3, %scan3A_1462 = %scan3A_1266#4, %scan3A_1463 = %scan3A_1266#5, %scan3A_1464 = %scan3A_1266#6, %scan3A_1465 = %scan3A_1266#7, %scan3A_1466 = %scan3A_1266#8, %scan3A_1467 = %scan3A_1266#9, %scan3A_1468 = %scan3A_1266#10, %scan3A_1469 = %scan3A_1266#11, %scan3A_1470 = %scan3A_1266#12, %scan3A_1471 = %scan3A_1266#13, %scan3A_1472 = %scan3A_1266#14, %scan3A_1473 = %scan3A_1266#15, %scan3A_1474 = %scan3A_1266#16, %scan3A_1475 = %scan3A_1266#17, %scan3A_1476 = %scan3A_1266#18, %scan3A_1477 = %scan3A_1266#19, %scan3A_1478 = %scan3A_1266#20, %scan3A_1479 = %scan3A_1266#21, %scan3A_1480 = %scan3A_1266#22, %scan3A_1481 = %scan3A_1266#23, %scan3A_1482 = %scan3A_1266#24, %scan3A_1483 = %scan3A_1266#25, %scan3A_1484 = %scan3A_1266#26, %scan3A_1485 = %scan3A_1266#27, %scan3A_1486 = %scan3A_1266#28, %scan3A_1487 = %scan3A_1266#29, %scan3A_1488 = %scan3A_1266#30, %scan3A_1489 = %scan3A_1266#31, %scan3A_1490 = %scan3A_1266#32, %scan3A_1491 = %scan3A_1266#33, %scan3A_1492 = %scan3A_1266#34, %scan3A_1493 = %scan3A_1266#35, %scan3A_1494 = %scan3A_1266#36, %scan3A_1495 = %scan3A_1266#37, %scan3A_1496 = %scan3A_1266#38, %scan3A_1497 = %scan3A_1266#39) -> (vector<16xf32>, vector<16xf32>, vector<16xf32>, vector<16xf32>, vector<16xf32>, vector<16xf32>, vector<16xf32>, vector<16xf32>, vector<16xf32>, vector<16xf32>, vector<16xf32>, vector<16xf32>, vector<16xf32>, vector<16xf32>, vector<16xf32>, vector<16xf32>, vector<16xf32>, vector<16xf32>, vector<16xf32>, vector<16xf32>, vector<16xf32>, vector<16xf32>, vector<16xf32>, vector<16xf32>, vector<16xf32>, vector<16xf32>, vector<16xf32>, vector<16xf32>, vector<16xf32>, vector<16xf32>, vector<16xf32>, vector<16xf32>, vector<16xf32>, vector<16xf32>, vector<16xf32>, vector<16xf32>, vector<16xf32>, vector<16xf32>, vector<16xf32>, vector<16xf32>)  : i32 {
      %add3A_1498 = arith.constant 448 : i32
      %add3A_1499 = arith.addi %add3A_1498, %scan3A_1457 : i32
      %get3A_1500 = arith.index_cast %add3A_1499 : i32 to index
      %get3A_1501 = arith.constant 0 : index
      %get3A_1502 = tpu.vector_load %arg13[%get3A_1500, %get3A_1501] {strides = array<i32>} : memref<512x16xf32, #tpu.memory_space<vmem>>, vector<1x16xf32>,
      %get3A_1503 = vector.shape_cast %get3A_1502 : vector<1x16xf32> to vector<16xf32>
      %get3A_1504 = arith.constant 1 : i32
      %get3A_1505 = arith.index_cast %get3A_1504 : i32 to index
      %get3A_1506 = arith.index_cast %scan3A_1457 : i32 to index
      %get3A_1507 = arith.constant 0 : index
      %get3A_1508 = tpu.vector_load %arg14[%get3A_1505, %get3A_1506, %get3A_1507] {strides = array<i32>} : memref<2x64x128xf32, #tpu.memory_space<vmem>>, vector<1x1x16xf32>,
      %get3A_1509 = vector.shape_cast %get3A_1508 : vector<1x1x16xf32> to vector<16xf32>
      %get3A_1510 = arith.constant 1 : i32
      %get3A_1511 = arith.index_cast %get3A_1510 : i32 to index
      %get3A_1512 = arith.index_cast %scan3A_1457 : i32 to index
      %get3A_1513 = arith.constant 0 : index
      %get3A_1514 = tpu.vector_load %arg15[%get3A_1511, %get3A_1512, %get3A_1513] {strides = array<i32>} : memref<2x64x128xf32, #tpu.memory_space<vmem>>, vector<1x1x16xf32>,
      %get3A_1515 = vector.shape_cast %get3A_1514 : vector<1x1x16xf32> to vector<16xf32>
      %mul3A_1516 = arith.mulf %get3A_1509, %get3A_1509 : vector<16xf32>
      %mul3A_1517 = arith.mulf %get3A_1515, %get3A_1515 : vector<16xf32>
      %mul3A_1518 = arith.mulf %get3A_1509, %get3A_1515 : vector<16xf32>
      %mul3A_1519 = arith.mulf %get3A_1503, %mul3A_1516 : vector<16xf32>
      %add3A_1520 = arith.addf %scan3A_1458, %mul3A_1519 : vector<16xf32>
      %mul3A_1521 = arith.mulf %get3A_1503, %mul3A_1518 : vector<16xf32>
      %add3A_1522 = arith.addf %scan3A_1459, %mul3A_1521 : vector<16xf32>
      %mul3A_1523 = arith.mulf %get3A_1503, %mul3A_1517 : vector<16xf32>
      %add3A_1524 = arith.addf %scan3A_1460, %mul3A_1523 : vector<16xf32>
      %add3A_1525 = arith.addf %scan3A_1461, %mul3A_1516 : vector<16xf32>
      %add3A_1526 = arith.addf %scan3A_1462, %mul3A_1517 : vector<16xf32>
      %get3A_1527 = arith.constant 1 : i32
      %get3A_1528 = arith.index_cast %get3A_1527 : i32 to index
      %get3A_1529 = arith.index_cast %scan3A_1457 : i32 to index
      %get3A_1530 = arith.constant 16 : index
      %get3A_1531 = tpu.vector_load %arg14[%get3A_1528, %get3A_1529, %get3A_1530] {strides = array<i32>} : memref<2x64x128xf32, #tpu.memory_space<vmem>>, vector<1x1x16xf32>,
      %get3A_1532 = vector.shape_cast %get3A_1531 : vector<1x1x16xf32> to vector<16xf32>
      %get3A_1533 = arith.constant 1 : i32
      %get3A_1534 = arith.index_cast %get3A_1533 : i32 to index
      %get3A_1535 = arith.index_cast %scan3A_1457 : i32 to index
      %get3A_1536 = arith.constant 16 : index
      %get3A_1537 = tpu.vector_load %arg15[%get3A_1534, %get3A_1535, %get3A_1536] {strides = array<i32>} : memref<2x64x128xf32, #tpu.memory_space<vmem>>, vector<1x1x16xf32>,
      %get3A_1538 = vector.shape_cast %get3A_1537 : vector<1x1x16xf32> to vector<16xf32>
      %mul3A_1539 = arith.mulf %get3A_1532, %get3A_1532 : vector<16xf32>
      %mul3A_1540 = arith.mulf %get3A_1538, %get3A_1538 : vector<16xf32>
      %mul3A_1541 = arith.mulf %get3A_1532, %get3A_1538 : vector<16xf32>
      %mul3A_1542 = arith.mulf %get3A_1503, %mul3A_1539 : vector<16xf32>
      %add3A_1543 = arith.addf %scan3A_1463, %mul3A_1542 : vector<16xf32>
      %mul3A_1544 = arith.mulf %get3A_1503, %mul3A_1541 : vector<16xf32>
      %add3A_1545 = arith.addf %scan3A_1464, %mul3A_1544 : vector<16xf32>
      %mul3A_1546 = arith.mulf %get3A_1503, %mul3A_1540 : vector<16xf32>
      %add3A_1547 = arith.addf %scan3A_1465, %mul3A_1546 : vector<16xf32>
      %add3A_1548 = arith.addf %scan3A_1466, %mul3A_1539 : vector<16xf32>
      %add3A_1549 = arith.addf %scan3A_1467, %mul3A_1540 : vector<16xf32>
      %get3A_1550 = arith.constant 1 : i32
      %get3A_1551 = arith.index_cast %get3A_1550 : i32 to index
      %get3A_1552 = arith.index_cast %scan3A_1457 : i32 to index
      %get3A_1553 = arith.constant 32 : index
      %get3A_1554 = tpu.vector_load %arg14[%get3A_1551, %get3A_1552, %get3A_1553] {strides = array<i32>} : memref<2x64x128xf32, #tpu.memory_space<vmem>>, vector<1x1x16xf32>,
      %get3A_1555 = vector.shape_cast %get3A_1554 : vector<1x1x16xf32> to vector<16xf32>
      %get3A_1556 = arith.constant 1 : i32
      %get3A_1557 = arith.index_cast %get3A_1556 : i32 to index
      %get3A_1558 = arith.index_cast %scan3A_1457 : i32 to index
      %get3A_1559 = arith.constant 32 : index
      %get3A_1560 = tpu.vector_load %arg15[%get3A_1557, %get3A_1558, %get3A_1559] {strides = array<i32>} : memref<2x64x128xf32, #tpu.memory_space<vmem>>, vector<1x1x16xf32>,
      %get3A_1561 = vector.shape_cast %get3A_1560 : vector<1x1x16xf32> to vector<16xf32>
      %mul3A_1562 = arith.mulf %get3A_1555, %get3A_1555 : vector<16xf32>
      %mul3A_1563 = arith.mulf %get3A_1561, %get3A_1561 : vector<16xf32>
      %mul3A_1564 = arith.mulf %get3A_1555, %get3A_1561 : vector<16xf32>
      %mul3A_1565 = arith.mulf %get3A_1503, %mul3A_1562 : vector<16xf32>
      %add3A_1566 = arith.addf %scan3A_1468, %mul3A_1565 : vector<16xf32>
      %mul3A_1567 = arith.mulf %get3A_1503, %mul3A_1564 : vector<16xf32>
      %add3A_1568 = arith.addf %scan3A_1469, %mul3A_1567 : vector<16xf32>
      %mul3A_1569 = arith.mulf %get3A_1503, %mul3A_1563 : vector<16xf32>
      %add3A_1570 = arith.addf %scan3A_1470, %mul3A_1569 : vector<16xf32>
      %add3A_1571 = arith.addf %scan3A_1471, %mul3A_1562 : vector<16xf32>
      %add3A_1572 = arith.addf %scan3A_1472, %mul3A_1563 : vector<16xf32>
      %get3A_1573 = arith.constant 1 : i32
      %get3A_1574 = arith.index_cast %get3A_1573 : i32 to index
      %get3A_1575 = arith.index_cast %scan3A_1457 : i32 to index
      %get3A_1576 = arith.constant 48 : index
      %get3A_1577 = tpu.vector_load %arg14[%get3A_1574, %get3A_1575, %get3A_1576] {strides = array<i32>} : memref<2x64x128xf32, #tpu.memory_space<vmem>>, vector<1x1x16xf32>,
      %get3A_1578 = vector.shape_cast %get3A_1577 : vector<1x1x16xf32> to vector<16xf32>
      %get3A_1579 = arith.constant 1 : i32
      %get3A_1580 = arith.index_cast %get3A_1579 : i32 to index
      %get3A_1581 = arith.index_cast %scan3A_1457 : i32 to index
      %get3A_1582 = arith.constant 48 : index
      %get3A_1583 = tpu.vector_load %arg15[%get3A_1580, %get3A_1581, %get3A_1582] {strides = array<i32>} : memref<2x64x128xf32, #tpu.memory_space<vmem>>, vector<1x1x16xf32>,
      %get3A_1584 = vector.shape_cast %get3A_1583 : vector<1x1x16xf32> to vector<16xf32>
      %mul3A_1585 = arith.mulf %get3A_1578, %get3A_1578 : vector<16xf32>
      %mul3A_1586 = arith.mulf %get3A_1584, %get3A_1584 : vector<16xf32>
      %mul3A_1587 = arith.mulf %get3A_1578, %get3A_1584 : vector<16xf32>
      %mul3A_1588 = arith.mulf %get3A_1503, %mul3A_1585 : vector<16xf32>
      %add3A_1589 = arith.addf %scan3A_1473, %mul3A_1588 : vector<16xf32>
      %mul3A_1590 = arith.mulf %get3A_1503, %mul3A_1587 : vector<16xf32>
      %add3A_1591 = arith.addf %scan3A_1474, %mul3A_1590 : vector<16xf32>
      %mul3A_1592 = arith.mulf %get3A_1503, %mul3A_1586 : vector<16xf32>
      %add3A_1593 = arith.addf %scan3A_1475, %mul3A_1592 : vector<16xf32>
      %add3A_1594 = arith.addf %scan3A_1476, %mul3A_1585 : vector<16xf32>
      %add3A_1595 = arith.addf %scan3A_1477, %mul3A_1586 : vector<16xf32>
      %get3A_1596 = arith.constant 1 : i32
      %get3A_1597 = arith.index_cast %get3A_1596 : i32 to index
      %get3A_1598 = arith.index_cast %scan3A_1457 : i32 to index
      %get3A_1599 = arith.constant 64 : index
      %get3A_1600 = tpu.vector_load %arg14[%get3A_1597, %get3A_1598, %get3A_1599] {strides = array<i32>} : memref<2x64x128xf32, #tpu.memory_space<vmem>>, vector<1x1x16xf32>,
      %get3A_1601 = vector.shape_cast %get3A_1600 : vector<1x1x16xf32> to vector<16xf32>
      %get3A_1602 = arith.constant 1 : i32
      %get3A_1603 = arith.index_cast %get3A_1602 : i32 to index
      %get3A_1604 = arith.index_cast %scan3A_1457 : i32 to index
      %get3A_1605 = arith.constant 64 : index
      %get3A_1606 = tpu.vector_load %arg15[%get3A_1603, %get3A_1604, %get3A_1605] {strides = array<i32>} : memref<2x64x128xf32, #tpu.memory_space<vmem>>, vector<1x1x16xf32>,
      %get3A_1607 = vector.shape_cast %get3A_1606 : vector<1x1x16xf32> to vector<16xf32>
      %mul3A_1608 = arith.mulf %get3A_1601, %get3A_1601 : vector<16xf32>
      %mul3A_1609 = arith.mulf %get3A_1607, %get3A_1607 : vector<16xf32>
      %mul3A_1610 = arith.mulf %get3A_1601, %get3A_1607 : vector<16xf32>
      %mul3A_1611 = arith.mulf %get3A_1503, %mul3A_1608 : vector<16xf32>
      %add3A_1612 = arith.addf %scan3A_1478, %mul3A_1611 : vector<16xf32>
      %mul3A_1613 = arith.mulf %get3A_1503, %mul3A_1610 : vector<16xf32>
      %add3A_1614 = arith.addf %scan3A_1479, %mul3A_1613 : vector<16xf32>
      %mul3A_1615 = arith.mulf %get3A_1503, %mul3A_1609 : vector<16xf32>
      %add3A_1616 = arith.addf %scan3A_1480, %mul3A_1615 : vector<16xf32>
      %add3A_1617 = arith.addf %scan3A_1481, %mul3A_1608 : vector<16xf32>
      %add3A_1618 = arith.addf %scan3A_1482, %mul3A_1609 : vector<16xf32>
      %get3A_1619 = arith.constant 1 : i32
      %get3A_1620 = arith.index_cast %get3A_1619 : i32 to index
      %get3A_1621 = arith.index_cast %scan3A_1457 : i32 to index
      %get3A_1622 = arith.constant 80 : index
      %get3A_1623 = tpu.vector_load %arg14[%get3A_1620, %get3A_1621, %get3A_1622] {strides = array<i32>} : memref<2x64x128xf32, #tpu.memory_space<vmem>>, vector<1x1x16xf32>,
      %get3A_1624 = vector.shape_cast %get3A_1623 : vector<1x1x16xf32> to vector<16xf32>
      %get3A_1625 = arith.constant 1 : i32
      %get3A_1626 = arith.index_cast %get3A_1625 : i32 to index
      %get3A_1627 = arith.index_cast %scan3A_1457 : i32 to index
      %get3A_1628 = arith.constant 80 : index
      %get3A_1629 = tpu.vector_load %arg15[%get3A_1626, %get3A_1627, %get3A_1628] {strides = array<i32>} : memref<2x64x128xf32, #tpu.memory_space<vmem>>, vector<1x1x16xf32>,
      %get3A_1630 = vector.shape_cast %get3A_1629 : vector<1x1x16xf32> to vector<16xf32>
      %mul3A_1631 = arith.mulf %get3A_1624, %get3A_1624 : vector<16xf32>
      %mul3A_1632 = arith.mulf %get3A_1630, %get3A_1630 : vector<16xf32>
      %mul3A_1633 = arith.mulf %get3A_1624, %get3A_1630 : vector<16xf32>
      %mul3A_1634 = arith.mulf %get3A_1503, %mul3A_1631 : vector<16xf32>
      %add3A_1635 = arith.addf %scan3A_1483, %mul3A_1634 : vector<16xf32>
      %mul3A_1636 = arith.mulf %get3A_1503, %mul3A_1633 : vector<16xf32>
      %add3A_1637 = arith.addf %scan3A_1484, %mul3A_1636 : vector<16xf32>
      %mul3A_1638 = arith.mulf %get3A_1503, %mul3A_1632 : vector<16xf32>
      %add3A_1639 = arith.addf %scan3A_1485, %mul3A_1638 : vector<16xf32>
      %add3A_1640 = arith.addf %scan3A_1486, %mul3A_1631 : vector<16xf32>
      %add3A_1641 = arith.addf %scan3A_1487, %mul3A_1632 : vector<16xf32>
      %get3A_1642 = arith.constant 1 : i32
      %get3A_1643 = arith.index_cast %get3A_1642 : i32 to index
      %get3A_1644 = arith.index_cast %scan3A_1457 : i32 to index
      %get3A_1645 = arith.constant 96 : index
      %get3A_1646 = tpu.vector_load %arg14[%get3A_1643, %get3A_1644, %get3A_1645] {strides = array<i32>} : memref<2x64x128xf32, #tpu.memory_space<vmem>>, vector<1x1x16xf32>,
      %get3A_1647 = vector.shape_cast %get3A_1646 : vector<1x1x16xf32> to vector<16xf32>
      %get3A_1648 = arith.constant 1 : i32
      %get3A_1649 = arith.index_cast %get3A_1648 : i32 to index
      %get3A_1650 = arith.index_cast %scan3A_1457 : i32 to index
      %get3A_1651 = arith.constant 96 : index
      %get3A_1652 = tpu.vector_load %arg15[%get3A_1649, %get3A_1650, %get3A_1651] {strides = array<i32>} : memref<2x64x128xf32, #tpu.memory_space<vmem>>, vector<1x1x16xf32>,
      %get3A_1653 = vector.shape_cast %get3A_1652 : vector<1x1x16xf32> to vector<16xf32>
      %mul3A_1654 = arith.mulf %get3A_1647, %get3A_1647 : vector<16xf32>
      %mul3A_1655 = arith.mulf %get3A_1653, %get3A_1653 : vector<16xf32>
      %mul3A_1656 = arith.mulf %get3A_1647, %get3A_1653 : vector<16xf32>
      %mul3A_1657 = arith.mulf %get3A_1503, %mul3A_1654 : vector<16xf32>
      %add3A_1658 = arith.addf %scan3A_1488, %mul3A_1657 : vector<16xf32>
      %mul3A_1659 = arith.mulf %get3A_1503, %mul3A_1656 : vector<16xf32>
      %add3A_1660 = arith.addf %scan3A_1489, %mul3A_1659 : vector<16xf32>
      %mul3A_1661 = arith.mulf %get3A_1503, %mul3A_1655 : vector<16xf32>
      %add3A_1662 = arith.addf %scan3A_1490, %mul3A_1661 : vector<16xf32>
      %add3A_1663 = arith.addf %scan3A_1491, %mul3A_1654 : vector<16xf32>
      %add3A_1664 = arith.addf %scan3A_1492, %mul3A_1655 : vector<16xf32>
      %get3A_1665 = arith.constant 1 : i32
      %get3A_1666 = arith.index_cast %get3A_1665 : i32 to index
      %get3A_1667 = arith.index_cast %scan3A_1457 : i32 to index
      %get3A_1668 = arith.constant 112 : index
      %get3A_1669 = tpu.vector_load %arg14[%get3A_1666, %get3A_1667, %get3A_1668] {strides = array<i32>} : memref<2x64x128xf32, #tpu.memory_space<vmem>>, vector<1x1x16xf32>,
      %get3A_1670 = vector.shape_cast %get3A_1669 : vector<1x1x16xf32> to vector<16xf32>
      %get3A_1671 = arith.constant 1 : i32
      %get3A_1672 = arith.index_cast %get3A_1671 : i32 to index
      %get3A_1673 = arith.index_cast %scan3A_1457 : i32 to index
      %get3A_1674 = arith.constant 112 : index
      %get3A_1675 = tpu.vector_load %arg15[%get3A_1672, %get3A_1673, %get3A_1674] {strides = array<i32>} : memref<2x64x128xf32, #tpu.memory_space<vmem>>, vector<1x1x16xf32>,
      %get3A_1676 = vector.shape_cast %get3A_1675 : vector<1x1x16xf32> to vector<16xf32>
      %mul3A_1677 = arith.mulf %get3A_1670, %get3A_1670 : vector<16xf32>
      %mul3A_1678 = arith.mulf %get3A_1676, %get3A_1676 : vector<16xf32>
      %mul3A_1679 = arith.mulf %get3A_1670, %get3A_1676 : vector<16xf32>
      %mul3A_1680 = arith.mulf %get3A_1503, %mul3A_1677 : vector<16xf32>
      %add3A_1681 = arith.addf %scan3A_1493, %mul3A_1680 : vector<16xf32>
      %mul3A_1682 = arith.mulf %get3A_1503, %mul3A_1679 : vector<16xf32>
      %add3A_1683 = arith.addf %scan3A_1494, %mul3A_1682 : vector<16xf32>
      %mul3A_1684 = arith.mulf %get3A_1503, %mul3A_1678 : vector<16xf32>
      %add3A_1685 = arith.addf %scan3A_1495, %mul3A_1684 : vector<16xf32>
      %add3A_1686 = arith.addf %scan3A_1496, %mul3A_1677 : vector<16xf32>
      %add3A_1687 = arith.addf %scan3A_1497, %mul3A_1678 : vector<16xf32>
      scf.yield %add3A_1520, %add3A_1522, %add3A_1524, %add3A_1525, %add3A_1526, %add3A_1543, %add3A_1545, %add3A_1547, %add3A_1548, %add3A_1549, %add3A_1566, %add3A_1568, %add3A_1570, %add3A_1571, %add3A_1572, %add3A_1589, %add3A_1591, %add3A_1593, %add3A_1594, %add3A_1595, %add3A_1612, %add3A_1614, %add3A_1616, %add3A_1617, %add3A_1618, %add3A_1635, %add3A_1637, %add3A_1639, %add3A_1640, %add3A_1641, %add3A_1658, %add3A_1660, %add3A_1662, %add3A_1663, %add3A_1664, %add3A_1681, %add3A_1683, %add3A_1685, %add3A_1686, %add3A_1687 : vector<16xf32>, vector<16xf32>, vector<16xf32>, vector<16xf32>, vector<16xf32>, vector<16xf32>, vector<16xf32>, vector<16xf32>, vector<16xf32>, vector<16xf32>, vector<16xf32>, vector<16xf32>, vector<16xf32>, vector<16xf32>, vector<16xf32>, vector<16xf32>, vector<16xf32>, vector<16xf32>, vector<16xf32>, vector<16xf32>, vector<16xf32>, vector<16xf32>, vector<16xf32>, vector<16xf32>, vector<16xf32>, vector<16xf32>, vector<16xf32>, vector<16xf32>, vector<16xf32>, vector<16xf32>, vector<16xf32>, vector<16xf32>, vector<16xf32>, vector<16xf32>, vector<16xf32>, vector<16xf32>, vector<16xf32>, vector<16xf32>, vector<16xf32>, vector<16xf32>
    }
    %scan3A_1296 = arith.constant 64 : i32
    %swap3A_1297 = arith.constant 0 : index
    %swap3A_1298 = tpu.vector_load %arg16[%swap3A_1297] {strides = array<i32>} : memref<640xf32, #tpu.memory_space<vmem>>, vector<16xf32>,
    %swap3A_1299 = vector.shape_cast %swap3A_1298 : vector<16xf32> to vector<16xf32>
    %swap3A_1300 = vector.shape_cast %scan3A_1295#0 : vector<16xf32> to vector<16xf32>
    tpu.vector_store %arg16[%swap3A_1297], %swap3A_1300 {strides = array<i32>} : memref<640xf32, #tpu.memory_space<vmem>>, vector<16xf32>,
    %swap3A_1301 = arith.constant 128 : index
    %swap3A_1302 = tpu.vector_load %arg16[%swap3A_1301] {strides = array<i32>} : memref<640xf32, #tpu.memory_space<vmem>>, vector<16xf32>,
    %swap3A_1303 = vector.shape_cast %swap3A_1302 : vector<16xf32> to vector<16xf32>
    %swap3A_1304 = vector.shape_cast %scan3A_1295#1 : vector<16xf32> to vector<16xf32>
    tpu.vector_store %arg16[%swap3A_1301], %swap3A_1304 {strides = array<i32>} : memref<640xf32, #tpu.memory_space<vmem>>, vector<16xf32>,
    %swap3A_1305 = arith.constant 256 : index
    %swap3A_1306 = tpu.vector_load %arg16[%swap3A_1305] {strides = array<i32>} : memref<640xf32, #tpu.memory_space<vmem>>, vector<16xf32>,
    %swap3A_1307 = vector.shape_cast %swap3A_1306 : vector<16xf32> to vector<16xf32>
    %swap3A_1308 = vector.shape_cast %scan3A_1295#2 : vector<16xf32> to vector<16xf32>
    tpu.vector_store %arg16[%swap3A_1305], %swap3A_1308 {strides = array<i32>} : memref<640xf32, #tpu.memory_space<vmem>>, vector<16xf32>,
    %swap3A_1309 = arith.constant 384 : index
    %swap3A_1310 = tpu.vector_load %arg16[%swap3A_1309] {strides = array<i32>} : memref<640xf32, #tpu.memory_space<vmem>>, vector<16xf32>,
    %swap3A_1311 = vector.shape_cast %swap3A_1310 : vector<16xf32> to vector<16xf32>
    %swap3A_1312 = vector.shape_cast %scan3A_1295#3 : vector<16xf32> to vector<16xf32>
    tpu.vector_store %arg16[%swap3A_1309], %swap3A_1312 {strides = array<i32>} : memref<640xf32, #tpu.memory_space<vmem>>, vector<16xf32>,
    %swap3A_1313 = arith.constant 512 : index
    %swap3A_1314 = tpu.vector_load %arg16[%swap3A_1313] {strides = array<i32>} : memref<640xf32, #tpu.memory_space<vmem>>, vector<16xf32>,
    %swap3A_1315 = vector.shape_cast %swap3A_1314 : vector<16xf32> to vector<16xf32>
    %swap3A_1316 = vector.shape_cast %scan3A_1295#4 : vector<16xf32> to vector<16xf32>
    tpu.vector_store %arg16[%swap3A_1313], %swap3A_1316 {strides = array<i32>} : memref<640xf32, #tpu.memory_space<vmem>>, vector<16xf32>,
    %swap3A_1317 = arith.constant 16 : index
    %swap3A_1318 = tpu.vector_load %arg16[%swap3A_1317] {strides = array<i32>} : memref<640xf32, #tpu.memory_space<vmem>>, vector<16xf32>,
    %swap3A_1319 = vector.shape_cast %swap3A_1318 : vector<16xf32> to vector<16xf32>
    %swap3A_1320 = vector.shape_cast %scan3A_1295#5 : vector<16xf32> to vector<16xf32>
    tpu.vector_store %arg16[%swap3A_1317], %swap3A_1320 {strides = array<i32>} : memref<640xf32, #tpu.memory_space<vmem>>, vector<16xf32>,
    %swap3A_1321 = arith.constant 144 : index
    %swap3A_1322 = tpu.vector_load %arg16[%swap3A_1321] {strides = array<i32>} : memref<640xf32, #tpu.memory_space<vmem>>, vector<16xf32>,
    %swap3A_1323 = vector.shape_cast %swap3A_1322 : vector<16xf32> to vector<16xf32>
    %swap3A_1324 = vector.shape_cast %scan3A_1295#6 : vector<16xf32> to vector<16xf32>
    tpu.vector_store %arg16[%swap3A_1321], %swap3A_1324 {strides = array<i32>} : memref<640xf32, #tpu.memory_space<vmem>>, vector<16xf32>,
    %swap3A_1325 = arith.constant 272 : index
    %swap3A_1326 = tpu.vector_load %arg16[%swap3A_1325] {strides = array<i32>} : memref<640xf32, #tpu.memory_space<vmem>>, vector<16xf32>,
    %swap3A_1327 = vector.shape_cast %swap3A_1326 : vector<16xf32> to vector<16xf32>
    %swap3A_1328 = vector.shape_cast %scan3A_1295#7 : vector<16xf32> to vector<16xf32>
    tpu.vector_store %arg16[%swap3A_1325], %swap3A_1328 {strides = array<i32>} : memref<640xf32, #tpu.memory_space<vmem>>, vector<16xf32>,
    %swap3A_1329 = arith.constant 400 : index
    %swap3A_1330 = tpu.vector_load %arg16[%swap3A_1329] {strides = array<i32>} : memref<640xf32, #tpu.memory_space<vmem>>, vector<16xf32>,
    %swap3A_1331 = vector.shape_cast %swap3A_1330 : vector<16xf32> to vector<16xf32>
    %swap3A_1332 = vector.shape_cast %scan3A_1295#8 : vector<16xf32> to vector<16xf32>
    tpu.vector_store %arg16[%swap3A_1329], %swap3A_1332 {strides = array<i32>} : memref<640xf32, #tpu.memory_space<vmem>>, vector<16xf32>,
    %swap3A_1333 = arith.constant 528 : index
    %swap3A_1334 = tpu.vector_load %arg16[%swap3A_1333] {strides = array<i32>} : memref<640xf32, #tpu.memory_space<vmem>>, vector<16xf32>,
    %swap3A_1335 = vector.shape_cast %swap3A_1334 : vector<16xf32> to vector<16xf32>
    %swap3A_1336 = vector.shape_cast %scan3A_1295#9 : vector<16xf32> to vector<16xf32>
    tpu.vector_store %arg16[%swap3A_1333], %swap3A_1336 {strides = array<i32>} : memref<640xf32, #tpu.memory_space<vmem>>, vector<16xf32>,
    %swap3A_1337 = arith.constant 32 : index
    %swap3A_1338 = tpu.vector_load %arg16[%swap3A_1337] {strides = array<i32>} : memref<640xf32, #tpu.memory_space<vmem>>, vector<16xf32>,
    %swap3A_1339 = vector.shape_cast %swap3A_1338 : vector<16xf32> to vector<16xf32>
    %swap3A_1340 = vector.shape_cast %scan3A_1295#10 : vector<16xf32> to vector<16xf32>
    tpu.vector_store %arg16[%swap3A_1337], %swap3A_1340 {strides = array<i32>} : memref<640xf32, #tpu.memory_space<vmem>>, vector<16xf32>,
    %swap3A_1341 = arith.constant 160 : index
    %swap3A_1342 = tpu.vector_load %arg16[%swap3A_1341] {strides = array<i32>} : memref<640xf32, #tpu.memory_space<vmem>>, vector<16xf32>,
    %swap3A_1343 = vector.shape_cast %swap3A_1342 : vector<16xf32> to vector<16xf32>
    %swap3A_1344 = vector.shape_cast %scan3A_1295#11 : vector<16xf32> to vector<16xf32>
    tpu.vector_store %arg16[%swap3A_1341], %swap3A_1344 {strides = array<i32>} : memref<640xf32, #tpu.memory_space<vmem>>, vector<16xf32>,
    %swap3A_1345 = arith.constant 288 : index
    %swap3A_1346 = tpu.vector_load %arg16[%swap3A_1345] {strides = array<i32>} : memref<640xf32, #tpu.memory_space<vmem>>, vector<16xf32>,
    %swap3A_1347 = vector.shape_cast %swap3A_1346 : vector<16xf32> to vector<16xf32>
    %swap3A_1348 = vector.shape_cast %scan3A_1295#12 : vector<16xf32> to vector<16xf32>
    tpu.vector_store %arg16[%swap3A_1345], %swap3A_1348 {strides = array<i32>} : memref<640xf32, #tpu.memory_space<vmem>>, vector<16xf32>,
    %swap3A_1349 = arith.constant 416 : index
    %swap3A_1350 = tpu.vector_load %arg16[%swap3A_1349] {strides = array<i32>} : memref<640xf32, #tpu.memory_space<vmem>>, vector<16xf32>,
    %swap3A_1351 = vector.shape_cast %swap3A_1350 : vector<16xf32> to vector<16xf32>
    %swap3A_1352 = vector.shape_cast %scan3A_1295#13 : vector<16xf32> to vector<16xf32>
    tpu.vector_store %arg16[%swap3A_1349], %swap3A_1352 {strides = array<i32>} : memref<640xf32, #tpu.memory_space<vmem>>, vector<16xf32>,
    %swap3A_1353 = arith.constant 544 : index
    %swap3A_1354 = tpu.vector_load %arg16[%swap3A_1353] {strides = array<i32>} : memref<640xf32, #tpu.memory_space<vmem>>, vector<16xf32>,
    %swap3A_1355 = vector.shape_cast %swap3A_1354 : vector<16xf32> to vector<16xf32>
    %swap3A_1356 = vector.shape_cast %scan3A_1295#14 : vector<16xf32> to vector<16xf32>
    tpu.vector_store %arg16[%swap3A_1353], %swap3A_1356 {strides = array<i32>} : memref<640xf32, #tpu.memory_space<vmem>>, vector<16xf32>,
    %swap3A_1357 = arith.constant 48 : index
    %swap3A_1358 = tpu.vector_load %arg16[%swap3A_1357] {strides = array<i32>} : memref<640xf32, #tpu.memory_space<vmem>>, vector<16xf32>,
    %swap3A_1359 = vector.shape_cast %swap3A_1358 : vector<16xf32> to vector<16xf32>
    %swap3A_1360 = vector.shape_cast %scan3A_1295#15 : vector<16xf32> to vector<16xf32>
    tpu.vector_store %arg16[%swap3A_1357], %swap3A_1360 {strides = array<i32>} : memref<640xf32, #tpu.memory_space<vmem>>, vector<16xf32>,
    %swap3A_1361 = arith.constant 176 : index
    %swap3A_1362 = tpu.vector_load %arg16[%swap3A_1361] {strides = array<i32>} : memref<640xf32, #tpu.memory_space<vmem>>, vector<16xf32>,
    %swap3A_1363 = vector.shape_cast %swap3A_1362 : vector<16xf32> to vector<16xf32>
    %swap3A_1364 = vector.shape_cast %scan3A_1295#16 : vector<16xf32> to vector<16xf32>
    tpu.vector_store %arg16[%swap3A_1361], %swap3A_1364 {strides = array<i32>} : memref<640xf32, #tpu.memory_space<vmem>>, vector<16xf32>,
    %swap3A_1365 = arith.constant 304 : index
    %swap3A_1366 = tpu.vector_load %arg16[%swap3A_1365] {strides = array<i32>} : memref<640xf32, #tpu.memory_space<vmem>>, vector<16xf32>,
    %swap3A_1367 = vector.shape_cast %swap3A_1366 : vector<16xf32> to vector<16xf32>
    %swap3A_1368 = vector.shape_cast %scan3A_1295#17 : vector<16xf32> to vector<16xf32>
    tpu.vector_store %arg16[%swap3A_1365], %swap3A_1368 {strides = array<i32>} : memref<640xf32, #tpu.memory_space<vmem>>, vector<16xf32>,
    %swap3A_1369 = arith.constant 432 : index
    %swap3A_1370 = tpu.vector_load %arg16[%swap3A_1369] {strides = array<i32>} : memref<640xf32, #tpu.memory_space<vmem>>, vector<16xf32>,
    %swap3A_1371 = vector.shape_cast %swap3A_1370 : vector<16xf32> to vector<16xf32>
    %swap3A_1372 = vector.shape_cast %scan3A_1295#18 : vector<16xf32> to vector<16xf32>
    tpu.vector_store %arg16[%swap3A_1369], %swap3A_1372 {strides = array<i32>} : memref<640xf32, #tpu.memory_space<vmem>>, vector<16xf32>,
    %swap3A_1373 = arith.constant 560 : index
    %swap3A_1374 = tpu.vector_load %arg16[%swap3A_1373] {strides = array<i32>} : memref<640xf32, #tpu.memory_space<vmem>>, vector<16xf32>,
    %swap3A_1375 = vector.shape_cast %swap3A_1374 : vector<16xf32> to vector<16xf32>
    %swap3A_1376 = vector.shape_cast %scan3A_1295#19 : vector<16xf32> to vector<16xf32>
    tpu.vector_store %arg16[%swap3A_1373], %swap3A_1376 {strides = array<i32>} : memref<640xf32, #tpu.memory_space<vmem>>, vector<16xf32>,
    %swap3A_1377 = arith.constant 64 : index
    %swap3A_1378 = tpu.vector_load %arg16[%swap3A_1377] {strides = array<i32>} : memref<640xf32, #tpu.memory_space<vmem>>, vector<16xf32>,
    %swap3A_1379 = vector.shape_cast %swap3A_1378 : vector<16xf32> to vector<16xf32>
    %swap3A_1380 = vector.shape_cast %scan3A_1295#20 : vector<16xf32> to vector<16xf32>
    tpu.vector_store %arg16[%swap3A_1377], %swap3A_1380 {strides = array<i32>} : memref<640xf32, #tpu.memory_space<vmem>>, vector<16xf32>,
    %swap3A_1381 = arith.constant 192 : index
    %swap3A_1382 = tpu.vector_load %arg16[%swap3A_1381] {strides = array<i32>} : memref<640xf32, #tpu.memory_space<vmem>>, vector<16xf32>,
    %swap3A_1383 = vector.shape_cast %swap3A_1382 : vector<16xf32> to vector<16xf32>
    %swap3A_1384 = vector.shape_cast %scan3A_1295#21 : vector<16xf32> to vector<16xf32>
    tpu.vector_store %arg16[%swap3A_1381], %swap3A_1384 {strides = array<i32>} : memref<640xf32, #tpu.memory_space<vmem>>, vector<16xf32>,
    %swap3A_1385 = arith.constant 320 : index
    %swap3A_1386 = tpu.vector_load %arg16[%swap3A_1385] {strides = array<i32>} : memref<640xf32, #tpu.memory_space<vmem>>, vector<16xf32>,
    %swap3A_1387 = vector.shape_cast %swap3A_1386 : vector<16xf32> to vector<16xf32>
    %swap3A_1388 = vector.shape_cast %scan3A_1295#22 : vector<16xf32> to vector<16xf32>
    tpu.vector_store %arg16[%swap3A_1385], %swap3A_1388 {strides = array<i32>} : memref<640xf32, #tpu.memory_space<vmem>>, vector<16xf32>,
    %swap3A_1389 = arith.constant 448 : index
    %swap3A_1390 = tpu.vector_load %arg16[%swap3A_1389] {strides = array<i32>} : memref<640xf32, #tpu.memory_space<vmem>>, vector<16xf32>,
    %swap3A_1391 = vector.shape_cast %swap3A_1390 : vector<16xf32> to vector<16xf32>
    %swap3A_1392 = vector.shape_cast %scan3A_1295#23 : vector<16xf32> to vector<16xf32>
    tpu.vector_store %arg16[%swap3A_1389], %swap3A_1392 {strides = array<i32>} : memref<640xf32, #tpu.memory_space<vmem>>, vector<16xf32>,
    %swap3A_1393 = arith.constant 576 : index
    %swap3A_1394 = tpu.vector_load %arg16[%swap3A_1393] {strides = array<i32>} : memref<640xf32, #tpu.memory_space<vmem>>, vector<16xf32>,
    %swap3A_1395 = vector.shape_cast %swap3A_1394 : vector<16xf32> to vector<16xf32>
    %swap3A_1396 = vector.shape_cast %scan3A_1295#24 : vector<16xf32> to vector<16xf32>
    tpu.vector_store %arg16[%swap3A_1393], %swap3A_1396 {strides = array<i32>} : memref<640xf32, #tpu.memory_space<vmem>>, vector<16xf32>,
    %swap3A_1397 = arith.constant 80 : index
    %swap3A_1398 = tpu.vector_load %arg16[%swap3A_1397] {strides = array<i32>} : memref<640xf32, #tpu.memory_space<vmem>>, vector<16xf32>,
    %swap3A_1399 = vector.shape_cast %swap3A_1398 : vector<16xf32> to vector<16xf32>
    %swap3A_1400 = vector.shape_cast %scan3A_1295#25 : vector<16xf32> to vector<16xf32>
    tpu.vector_store %arg16[%swap3A_1397], %swap3A_1400 {strides = array<i32>} : memref<640xf32, #tpu.memory_space<vmem>>, vector<16xf32>,
    %swap3A_1401 = arith.constant 208 : index
    %swap3A_1402 = tpu.vector_load %arg16[%swap3A_1401] {strides = array<i32>} : memref<640xf32, #tpu.memory_space<vmem>>, vector<16xf32>,
    %swap3A_1403 = vector.shape_cast %swap3A_1402 : vector<16xf32> to vector<16xf32>
    %swap3A_1404 = vector.shape_cast %scan3A_1295#26 : vector<16xf32> to vector<16xf32>
    tpu.vector_store %arg16[%swap3A_1401], %swap3A_1404 {strides = array<i32>} : memref<640xf32, #tpu.memory_space<vmem>>, vector<16xf32>,
    %swap3A_1405 = arith.constant 336 : index
    %swap3A_1406 = tpu.vector_load %arg16[%swap3A_1405] {strides = array<i32>} : memref<640xf32, #tpu.memory_space<vmem>>, vector<16xf32>,
    %swap3A_1407 = vector.shape_cast %swap3A_1406 : vector<16xf32> to vector<16xf32>
    %swap3A_1408 = vector.shape_cast %scan3A_1295#27 : vector<16xf32> to vector<16xf32>
    tpu.vector_store %arg16[%swap3A_1405], %swap3A_1408 {strides = array<i32>} : memref<640xf32, #tpu.memory_space<vmem>>, vector<16xf32>,
    %swap3A_1409 = arith.constant 464 : index
    %swap3A_1410 = tpu.vector_load %arg16[%swap3A_1409] {strides = array<i32>} : memref<640xf32, #tpu.memory_space<vmem>>, vector<16xf32>,
    %swap3A_1411 = vector.shape_cast %swap3A_1410 : vector<16xf32> to vector<16xf32>
    %swap3A_1412 = vector.shape_cast %scan3A_1295#28 : vector<16xf32> to vector<16xf32>
    tpu.vector_store %arg16[%swap3A_1409], %swap3A_1412 {strides = array<i32>} : memref<640xf32, #tpu.memory_space<vmem>>, vector<16xf32>,
    %swap3A_1413 = arith.constant 592 : index
    %swap3A_1414 = tpu.vector_load %arg16[%swap3A_1413] {strides = array<i32>} : memref<640xf32, #tpu.memory_space<vmem>>, vector<16xf32>,
    %swap3A_1415 = vector.shape_cast %swap3A_1414 : vector<16xf32> to vector<16xf32>
    %swap3A_1416 = vector.shape_cast %scan3A_1295#29 : vector<16xf32> to vector<16xf32>
    tpu.vector_store %arg16[%swap3A_1413], %swap3A_1416 {strides = array<i32>} : memref<640xf32, #tpu.memory_space<vmem>>, vector<16xf32>,
    %swap3A_1417 = arith.constant 96 : index
    %swap3A_1418 = tpu.vector_load %arg16[%swap3A_1417] {strides = array<i32>} : memref<640xf32, #tpu.memory_space<vmem>>, vector<16xf32>,
    %swap3A_1419 = vector.shape_cast %swap3A_1418 : vector<16xf32> to vector<16xf32>
    %swap3A_1420 = vector.shape_cast %scan3A_1295#30 : vector<16xf32> to vector<16xf32>
    tpu.vector_store %arg16[%swap3A_1417], %swap3A_1420 {strides = array<i32>} : memref<640xf32, #tpu.memory_space<vmem>>, vector<16xf32>,
    %swap3A_1421 = arith.constant 224 : index
    %swap3A_1422 = tpu.vector_load %arg16[%swap3A_1421] {strides = array<i32>} : memref<640xf32, #tpu.memory_space<vmem>>, vector<16xf32>,
    %swap3A_1423 = vector.shape_cast %swap3A_1422 : vector<16xf32> to vector<16xf32>
    %swap3A_1424 = vector.shape_cast %scan3A_1295#31 : vector<16xf32> to vector<16xf32>
    tpu.vector_store %arg16[%swap3A_1421], %swap3A_1424 {strides = array<i32>} : memref<640xf32, #tpu.memory_space<vmem>>, vector<16xf32>,
    %swap3A_1425 = arith.constant 352 : index
    %swap3A_1426 = tpu.vector_load %arg16[%swap3A_1425] {strides = array<i32>} : memref<640xf32, #tpu.memory_space<vmem>>, vector<16xf32>,
    %swap3A_1427 = vector.shape_cast %swap3A_1426 : vector<16xf32> to vector<16xf32>
    %swap3A_1428 = vector.shape_cast %scan3A_1295#32 : vector<16xf32> to vector<16xf32>
    tpu.vector_store %arg16[%swap3A_1425], %swap3A_1428 {strides = array<i32>} : memref<640xf32, #tpu.memory_space<vmem>>, vector<16xf32>,
    %swap3A_1429 = arith.constant 480 : index
    %swap3A_1430 = tpu.vector_load %arg16[%swap3A_1429] {strides = array<i32>} : memref<640xf32, #tpu.memory_space<vmem>>, vector<16xf32>,
    %swap3A_1431 = vector.shape_cast %swap3A_1430 : vector<16xf32> to vector<16xf32>
    %swap3A_1432 = vector.shape_cast %scan3A_1295#33 : vector<16xf32> to vector<16xf32>
    tpu.vector_store %arg16[%swap3A_1429], %swap3A_1432 {strides = array<i32>} : memref<640xf32, #tpu.memory_space<vmem>>, vector<16xf32>,
    %swap3A_1433 = arith.constant 608 : index
    %swap3A_1434 = tpu.vector_load %arg16[%swap3A_1433] {strides = array<i32>} : memref<640xf32, #tpu.memory_space<vmem>>, vector<16xf32>,
    %swap3A_1435 = vector.shape_cast %swap3A_1434 : vector<16xf32> to vector<16xf32>
    %swap3A_1436 = vector.shape_cast %scan3A_1295#34 : vector<16xf32> to vector<16xf32>
    tpu.vector_store %arg16[%swap3A_1433], %swap3A_1436 {strides = array<i32>} : memref<640xf32, #tpu.memory_space<vmem>>, vector<16xf32>,
    %swap3A_1437 = arith.constant 112 : index
    %swap3A_1438 = tpu.vector_load %arg16[%swap3A_1437] {strides = array<i32>} : memref<640xf32, #tpu.memory_space<vmem>>, vector<16xf32>,
    %swap3A_1439 = vector.shape_cast %swap3A_1438 : vector<16xf32> to vector<16xf32>
    %swap3A_1440 = vector.shape_cast %scan3A_1295#35 : vector<16xf32> to vector<16xf32>
    tpu.vector_store %arg16[%swap3A_1437], %swap3A_1440 {strides = array<i32>} : memref<640xf32, #tpu.memory_space<vmem>>, vector<16xf32>,
    %swap3A_1441 = arith.constant 240 : index
    %swap3A_1442 = tpu.vector_load %arg16[%swap3A_1441] {strides = array<i32>} : memref<640xf32, #tpu.memory_space<vmem>>, vector<16xf32>,
    %swap3A_1443 = vector.shape_cast %swap3A_1442 : vector<16xf32> to vector<16xf32>
    %swap3A_1444 = vector.shape_cast %scan3A_1295#36 : vector<16xf32> to vector<16xf32>
    tpu.vector_store %arg16[%swap3A_1441], %swap3A_1444 {strides = array<i32>} : memref<640xf32, #tpu.memory_space<vmem>>, vector<16xf32>,
    %swap3A_1445 = arith.constant 368 : index
    %swap3A_1446 = tpu.vector_load %arg16[%swap3A_1445] {strides = array<i32>} : memref<640xf32, #tpu.memory_space<vmem>>, vector<16xf32>,
    %swap3A_1447 = vector.shape_cast %swap3A_1446 : vector<16xf32> to vector<16xf32>
    %swap3A_1448 = vector.shape_cast %scan3A_1295#37 : vector<16xf32> to vector<16xf32>
    tpu.vector_store %arg16[%swap3A_1445], %swap3A_1448 {strides = array<i32>} : memref<640xf32, #tpu.memory_space<vmem>>, vector<16xf32>,
    %swap3A_1449 = arith.constant 496 : index
    %swap3A_1450 = tpu.vector_load %arg16[%swap3A_1449] {strides = array<i32>} : memref<640xf32, #tpu.memory_space<vmem>>, vector<16xf32>,
    %swap3A_1451 = vector.shape_cast %swap3A_1450 : vector<16xf32> to vector<16xf32>
    %swap3A_1452 = vector.shape_cast %scan3A_1295#38 : vector<16xf32> to vector<16xf32>
    tpu.vector_store %arg16[%swap3A_1449], %swap3A_1452 {strides = array<i32>} : memref<640xf32, #tpu.memory_space<vmem>>, vector<16xf32>,
    %swap3A_1453 = arith.constant 624 : index
    %swap3A_1454 = tpu.vector_load %arg16[%swap3A_1453] {strides = array<i32>} : memref<640xf32, #tpu.memory_space<vmem>>, vector<16xf32>,
    %swap3A_1455 = vector.shape_cast %swap3A_1454 : vector<16xf32> to vector<16xf32>
    %swap3A_1456 = vector.shape_cast %scan3A_1295#39 : vector<16xf32> to vector<16xf32>
    tpu.vector_store %arg16[%swap3A_1453], %swap3A_1456 {strides = array<i32>} : memref<640xf32, #tpu.memory_space<vmem>>, vector<16xf32>,
    "tpu.region"() ({
      %run_scoped3A = tpu.sem_alloc : memref<!tpu.dma_semaphore, #tpu.memory_space<semaphore_mem>>
      %dma_start3A_1457 = arith.constant 0 : i32
      %dma_start3A_1458 = tpu.memref_slice %arg5[%add3A, %dma_start3A_1457] : memref<32x640xf32, #tpu.memory_space<hbm>> -> memref<1x640xf32, #tpu.memory_space<hbm>>
      %dma_start3A_1459 = tpu.memref_squeeze %dma_start3A_1458 : memref<1x640xf32, #tpu.memory_space<hbm>> -> memref<640xf32, #tpu.memory_space<hbm>>
      %dma_start3A_1460 = arith.constant 0 : i32
      %dma_start3A_1461 = tpu.memref_slice %arg5[%add3A, %dma_start3A_1460] : memref<32x640xf32, #tpu.memory_space<hbm>> -> memref<1x640xf32, #tpu.memory_space<hbm>>
      %dma_start3A_1462 = tpu.memref_squeeze %dma_start3A_1461 : memref<1x640xf32, #tpu.memory_space<hbm>> -> memref<640xf32, #tpu.memory_space<hbm>>
      tpu.enqueue_dma source(%arg16 : memref<640xf32, #tpu.memory_space<vmem>>) target(%dma_start3A_1462 : memref<640xf32, #tpu.memory_space<hbm>>) target_semaphore(%run_scoped3A : memref<!tpu.dma_semaphore, #tpu.memory_space<semaphore_mem>>)
      %dma_wait3A_1463 = arith.constant 0 : i32
      %dma_wait3A_1464 = tpu.memref_slice %arg5[%add3A, %dma_wait3A_1463] : memref<32x640xf32, #tpu.memory_space<hbm>> -> memref<1x640xf32, #tpu.memory_space<hbm>>
      %dma_wait3A_1465 = tpu.memref_squeeze %dma_wait3A_1464 : memref<1x640xf32, #tpu.memory_space<hbm>> -> memref<640xf32, #tpu.memory_space<hbm>>
      %dma_wait3A_1466 = arith.constant 0 : i32
      %dma_wait3A_1467 = tpu.memref_slice %arg5[%add3A, %dma_wait3A_1466] : memref<32x640xf32, #tpu.memory_space<hbm>> -> memref<1x640xf32, #tpu.memory_space<hbm>>
      %dma_wait3A_1468 = tpu.memref_squeeze %dma_wait3A_1467 : memref<1x640xf32, #tpu.memory_space<hbm>> -> memref<640xf32, #tpu.memory_space<hbm>>
      tpu.wait_dma2 semaphore(%run_scoped3A : memref<!tpu.dma_semaphore, #tpu.memory_space<semaphore_mem>>) src(%arg16 : memref<640xf32, #tpu.memory_space<vmem>>) dst(%dma_wait3A_1468 : memref<640xf32, #tpu.memory_space<hbm>>)
      tpu.yield
    }) : () -> ()
    return
  }
}

</mosaic_0001>

<sc_bundles>
// kernel: center_loss_sc.3.cloned.1.call-start
scs
__scs_entry_jumppad:
0x0: {  	(pc) =	sbr.rel $0x88, $3  }
0x1: {  	(tag) =	ssettag $0x0;
	lr =	simm.s32 $0x1  }
0x2: {  	[smem:$0x3F9E] =	sst lr;
	_ =	strace $0xD0000000  }
0x3: {  	_ = 	snop  }
0x4: {  	_ = 	snop  }
0x5: {  	_ = 	snop  }
0x6: {  	_ = 	snop  }
0x7: {  	_ = 	snop  }
__scs_overlays_trampoline_lowered:
0x8: {  	[smem:$0x3FAD] =	sst s0  }
0x9: {  	[smem:$0x3FAE] =	sst s1  }
0xa: {  	[smem:$0x3FAF] =	sst s2  }
0xb: {  	[smem:$0x3FB0] =	sst s3  }
0xc: {  	[smem:$0x3FB1] =	sst s4  }
0xd: {  	[smem:$0x3FB2] =	sst s5  }
0xe: {  	[smem:$0x3FB3] =	sst s6  }
0xf: {  	[smem:$0x3FB4] =	sst s7  }
0x10: {  	[smem:$0x3FB5] =	sst s8  }
0x11: {  	[smem:$0x3FB6] =	sst s9;
	s0 =	simm.s32 @!p0 $0x0  }
0x12: {  	s1 =	sld [smem:$0x3F9C];
	s0 =	simm.s32 @p0 $0x1  }
0x13: {  	[smem:$0x3FB7] =	sst s0;
	s0 =	simm.s32 @!p1 $0x0  }
0x14: {  	s2 =	sld [smem:$0x3F9B];
	s0 =	simm.s32 @p1 $0x1  }
0x15: {  	[smem:$0x3FB8] =	sst s0;
	s0 =	simm.s32 @!p2 $0x0  }
0x16: {  	s3 =	sld [smem:$0x3FDB];
	s0 =	simm.s32 @p2 $0x1  }
0x17: {  	s4 =	simm.s32 $0x1BF5;
	[smem:$0x3FBA] =	sst s0  }
0x18: {  	s0 =	sld [smem:$0x3F9D];
	_ =	swait.ge [sflag:s4], $0x0  }
0x19: {  	s7 =	sld [smem:$0x3F9E]  }
0x1a: {  	s8 =	sadd.s32 $0xFFFFE003, lr  }
0x1b: {  	s9 =	sadd.s32 $0xFFFFFEF7, lr;
	s5 =	simm.s32 $0xFFFFFFFF;
	p2 =	slt.u32 s8, $0xFFFFF086  }
0x1c: {  	p1 =	slt.u32 s9, $0xF7A;
	s5 =	simm.s32 @!p2 $0x0  }
0x1d: {  	s5 =	simm.s32 @p1 $0x1;
	p0 =	seq.s32 s7, s2  }
0x1e: {  	s7 =	smul.u32 @!p0 $0xF7A, s2;
	p2 =	seq.s32 @!p0 s5, $0x0  }
0x1f: {  	s9 =	smul.u32 $0xF7A, s1;
	s8 =	simm.s32 @!p0 $0x1BF5;
	p2 =	por !p2, p0  }
0x20: {  	[sflag:s8] =	ssyncset.s32 @!p0 $0xFFFFF086;
	s6 =	sadd.s32 @!p0 s3, s7;
	s7 =	simm.s32 @!p0 $0x108  }
0x21: {  	s3 =	sadd.s32 s3, s9;
	s6 =	sadd.s32 @!p0 $0x88, s6;
	s7 =	simm.s32 @p2 $0x1082  }
0x22: {  	[simem:s7], [sflag:s8] =	dma.local @!p0 [hbm:s6], $0xF7A  }
0x23: {  	s9 =	sor.u32 $0xD0000000, s2;
	s6 =	simm.s32 $0x108;
	_ =	swait.ge @!p0 [sflag:s8], $0x0  }
0x24: {  	s3 =	sadd.s32 $0x88, s3;
	s6 =	simm.s32 @!p1 $0x1082;
	[sflag:s4] =	ssyncset.s32 $0xFFFFF086  }
0x25: {  	[simem:s6], [sflag:s4] =	dma.local [hbm:s3], $0xF7A  }
0x26: {  	[smem:$0x3F9E] =	sst s1;
	(tag) =	ssettag s2;
	_ =	strace s9  }
0x27: {  	s1 =	sld [smem:$0x3FAE]  }
0x28: {  	s2 =	sld [smem:$0x3FAF]  }
0x29: {  	s4 =	sld [smem:$0x3FB1]  }
0x2a: {  	p0 =	seq.s32 s5, $0x0;
	s5 =	sld [smem:$0x3FB2]  }
0x2b: {  	s6 =	sld [smem:$0x3FB3]  }
0x2c: {  	s7 =	sld [smem:$0x3FB4]  }
0x2d: {  	s3 =	simm.s32 $0x108;
	s8 =	sld [smem:$0x3FB5]  }
0x2e: {  	s3 =	simm.s32 @!p0 $0x1082;
	s9 =	sld [smem:$0x3FB6]  }
0x2f: {  	lr =	sadd.s32 s0, s3;
	s0 =	sld [smem:$0x3FAD]  }
0x30: {  	s3 =	sld [smem:$0x3FB0]  }
0x31: {  	[smem:$0x3FB9] =	sst s10  }
0x32: {  	s10 =	sld [smem:$0x3FB7];
	_ =	sdelay $0x3  }
0x33: {  	p0 =	seq.s32 s10, $0x1;
	s10 =	sld [smem:$0x3FB9];
	_ =	sdelay $0x3  }
0x34: {  	[smem:$0x3FB9] =	sst s10  }
0x35: {  	s10 =	sld [smem:$0x3FB8];
	_ =	sdelay $0x3  }
0x36: {  	p1 =	seq.s32 s10, $0x1;
	s10 =	sld [smem:$0x3FB9];
	_ =	sdelay $0x3  }
0x37: {  	[smem:$0x3FB9] =	sst s10  }
0x38: {  	s10 =	sld [smem:$0x3FBA]  }
0x39: {  	_ = 	snop;
	(pc) =	sbr.ind lr, $3  }
0x3a: {  	_ = 	snop  }
0x3b: {  	_ = 	snop  }
0x3c: {  	p2 =	seq.s32 s10, $0x1;
	s10 =	sld [smem:$0x3FB9]  }
0x3d: {  	_ =	shalt  }
0x3e: {  	_ =	shalt  }
0x3f: {  	_ =	shalt  }
0x40: {  	_ =	shalt  }
0x41: {  	_ =	shalt  }
0x42: {  	_ =	shalt  }
0x43: {  	_ =	shalt  }
0x44: {  	_ =	shalt  }
0x45: {  	_ =	shalt  }
0x46: {  	_ =	shalt  }
0x47: {  	_ =	shalt  }
0x48: {  	_ =	shalt  }
0x49: {  	_ =	shalt  }
0x4a: {  	_ =	shalt  }
0x4b: {  	_ =	shalt  }
0x4c: {  	_ =	shalt  }
0x4d: {  	_ =	shalt  }
0x4e: {  	_ =	shalt  }
0x4f: {  	_ =	shalt  }
0x50: {  	_ =	shalt  }
0x51: {  	_ =	shalt  }
0x52: {  	_ =	shalt  }
0x53: {  	_ =	shalt  }
0x54: {  	_ =	shalt  }
0x55: {  	_ =	shalt  }
0x56: {  	_ =	shalt  }
0x57: {  	_ =	shalt  }
0x58: {  	_ =	shalt  }
0x59: {  	_ =	shalt  }
0x5a: {  	_ =	shalt  }
0x5b: {  	_ =	shalt  }
0x5c: {  	_ =	shalt  }
0x5d: {  	_ =	shalt  }
0x5e: {  	_ =	shalt  }
0x5f: {  	_ =	shalt  }
0x60: {  	_ =	shalt  }
0x61: {  	_ =	shalt  }
0x62: {  	_ =	shalt  }
0x63: {  	_ =	shalt  }
0x64: {  	_ =	shalt  }
0x65: {  	_ =	shalt  }
0x66: {  	_ =	shalt  }
0x67: {  	_ =	shalt  }
0x68: {  	_ =	shalt  }
0x69: {  	_ =	shalt  }
0x6a: {  	_ =	shalt  }
0x6b: {  	_ =	shalt  }
0x6c: {  	_ =	shalt  }
0x6d: {  	_ =	shalt  }
0x6e: {  	_ =	shalt  }
0x6f: {  	_ =	shalt  }
0x70: {  	_ =	shalt  }
0x71: {  	_ =	shalt  }
0x72: {  	_ =	shalt  }
0x73: {  	_ =	shalt  }
0x74: {  	_ =	shalt  }
0x75: {  	_ =	shalt  }
0x76: {  	_ =	shalt  }
0x77: {  	_ =	shalt  }
0x78: {  	_ =	shalt  }
0x79: {  	_ =	shalt  }
0x7a: {  	_ =	shalt  }
0x7b: {  	_ =	shalt  }
0x7c: {  	_ =	shalt  }
0x7d: {  	_ =	shalt  }
0x7e: {  	_ =	shalt  }
0x7f: {  	_ =	shalt  }
0x80: {  	_ =	shalt  }
0x81: {  	_ =	shalt  }
0x82: {  	_ =	shalt  }
0x83: {  	_ =	shalt  }
0x84: {  	_ =	shalt  }
0x85: {  	_ =	shalt  }
0x86: {  	_ =	shalt  }
0x87: {  	_ =	shalt  }
.Lfunc_end0:
.L_simem_size_0:
called_computation_lowered:
.L_overlay_start_0:
0x88: {  	s2 =	sld [smem:$0x3FD9]  }
0x89: {  	s3 =	sld [smem:$0x3FFE];
	_ =	sdelay $0x1  }
0x8a: {  	s1 =	srdreg.scid  }
0x8b: {  	s0 =	sand.u32 $0x1, s1  }
0x8c: {  	s18 =	sshll.u32 s0, $0xA;
	s2 =	sadd.s32 s3, s2  }
0x8d: {  	s2 =	sadd.s32 s2, s18  }
0x8e: {  	[smem:$0x3FC5] =	sst s2  }
0x8f: {  	_ = 	snop  }
0x90: {  	s2 =	sld [smem:$0x3FC9]  }
0x91: {  	s19 =	sld [smem:$0x3FC8]  }
0x92: {  	s4 =	sld [smem:$0x3FC7]  }
0x93: {  	s5 =	sld [smem:$0x3FD0];
	(tm) =	ssettm $0x1  }
0x94: {  	s6 =	sld [smem:$0x3FFB];
	_ =	sdelay $0x3  }
0x95: {  	_ =	strace s6  }
0x96: {  	s6 =	sld [smem:$0x3FFC];
	_ =	sdelay $0x3  }
0x97: {  	_ =	strace s6  }
0x98: {  	s6 =	sld [smem:$0x3FFD];
	_ =	sdelay $0x3  }
0x99: {  	_ =	strace s6  }
0x9a: {  	_ =	strace $0x8FFFFFFF  }
0x9b: {  	s20 =	sld [smem:$0x3FDB];
	_ =	sdelay $0x1  }
0x9c: {  	s7 =	simm.s32 $_scs_section_size  }
0x9d: {  	s8 =	simm.s32 $_size__tile_overlayer_lowered;
	s9 =	simm.s32 $_tile_overlayer_lowered  }
0x9e: {  	s23 =	simm.s32 $0x1BFF;
	s22 =	sshll.u32 s9, $0x1;
	s6 =	sadd.s32 s7, s20  }
0x9f: {  	s10 =	simm.s32 $0x0;
	s21 =	sshll.u32 s8, $0x1;
	s8 =	sadd.s32 s22, s6  }
0xa0: {  	[timem:s10], [sflag:s23] =	dma.local [hbm:s8], s21  }
0xa1: {  	_ =	swait.ge [sflag:s23], s21  }
0xa2: {  	s7 =	ssub.s32 $0x0, s21;
	[sflag:s23] =	ssyncset.done $0x0  }
0xa3: {  	[sflag:s23] =	ssyncadd.s32 s7;
	_ =	sdelay $0x1  }
0xa4: {  	s24 =	simm.s32 $0x1B8B  }
0xa5: {  	_ =	swait.ge [sflag:s24], $0x1  }
0xa6: {  	[sflag:s24] =	ssyncset.done $0x0  }
0xa7: {  	s25 =	simm.s32 $0x1B8E;
	[sflag:s24] =	ssyncadd.s32 $0xFFFFFFFF  }
0xa8: {  	s26 =	simm.s32 $execute0_lowered;
	[smem:$0x3FD2] =	sst s25  }
0xa9: {  	s7 =	sshll.u32 s26, $0x1;
	_ =	strace $0x80000046;
	[dreg:$0x1] =	wrdreg $0xFFFFFFFF  }
0xaa: {  	s28 =	simm.s32 $_size_execute0_lowered;
	s6 =	sadd.s32 s6, s7;
	[dreg:$0x0] =	wrdreg $0x0  }
0xab: {  	s7 =	sshll.u32 s28, $0x1;
	[dreg:$0x2] =	wrdreg s6  }
0xac: {  	[dreg:$0x3] =	wrdreg s7  }
0xad: {  	[dreg:$0x4] =	wrdreg $0xC0  }
0xae: {  	_ =	task [dreg:s10], $0x5FFFF  }
0xaf: {  	[dreg:$0x1] =	wrdreg $0xFFFFFFFF  }
0xb0: {  	[dreg:$0x0] =	wrdreg $0x60  }
0xb1: {  	[dreg:$0x2] =	wrdreg s2  }
0xb2: {  	[dreg:$0x3] =	wrdreg s19  }
0xb3: {  	[dreg:$0x4] =	wrdreg s4  }
0xb4: {  	[dreg:$0x5] =	wrdreg s5  }
0xb5: {  	[dreg:$0x6] =	wrdreg $0x0  }
0xb6: {  	[dreg:$0x7] =	wrdreg $0x9  }
0xb7: {  	_ =	task.clear_ibuf [dreg:s10], $0x8FFFF;
	_ =	strace $0x90000046  }
0xb8: {  	s29 =	simm.s32 $0x9;
	_ =	strace $0x80000048  }
0xb9: {  	_ =	swait.ge [sflag:s29], $0x1  }
0xba: {  	[sflag:s29] =	ssyncadd.s32 $0xFFFFFFFF  }
0xbb: {  	_ =	strace $0x90000048  }
0xbc: {  	_ =	sfence  }
0xbd: {  	s30 =	sld [smem:$0x0];
	_ =	sdelay $0x2  }
0xbe: {  	s31 =	sshll.u32 s1, $0xD;
	s1 =	sshrl.u32 s1, $0x2  }
0xbf: {  	s3 =	sand.u32 $0x4000, s31;
	s1 =	sadd.s32 s1, s30  }
0xc0: {  	s0 =	sor.u32 s3, s0;
	s1 =	sshll.u32 s1, $0x11  }
0xc1: {  	s0 =	sor.u32 s1, s0  }
0xc2: {  	s0 =	sadd.s32 $0x8F2B, s0  }
0xc3: {  	[sflag:s0] =	ssyncadd.remote.s32 $0x1  }
0xc4: {  	_ =	sfence.sel $0xFFFF  }
0xc5: {  	[dreg:$0x0] =	wrdreg $0xFFFFFFFF;
	(pc) =	sbr.abs _section_cstart, $3  }
0xc6: {  	[dreg:$0x1] =	wrdreg $0xFFFFFFFF  }
0xc7: {  	_ =	task.clear_ibuf [dreg:s10], $0x2FFFF;
	_ =	strace $0x9FFFFFFF  }
0xc8: {  	(tm) =	ssettm $0x7FFFFFFF  }
0xc9: {  	_ =	shalt  }
tec
execute0_lowered:
.L_overlay_start_1:
0x0: {  	(tag) =	ssettag $0x1  }
0x1: {  	s0 =	rddreg [dreg:$0x0]  }
0x2: {  	s2 =	rddreg [dreg:$0x1]  }
0x3: {  	s1 =	rddreg [dreg:$0x2]  }
0x4: {  	s5 =	rddreg [dreg:$0x3]  }
0x5: {  	s3 =	rddreg [dreg:$0x4];
	s4 =	simm.s32 $0x0  }
0x6: {  	s6 =	srdreg.scid;
	s11 =	stileid.u32;
	s29 =	simm.s32 $0x2380  }
0x7: {  	s6 =	sand.u32 $0x1, s6;
	s7 =	sshll.u32 s11, $0x1;
	s19 =	smul.u32 $0x6200, s11  }
0x8: {  	s30 =	simm.s32 $0x5;
	[smem:$0x7FF] =	sst s4;
	s10 =	sor.u32 s6, s7  }
0x9: {  	s8 =	ssub.s32 $0x2, s6;
	s9 =	sshll.u32 s10, $0x6;
	s6 =	sshrl.u32 s19, $0x2  }
0xa: {  	s23 =	sshll.u32 s11, $0x7;
	s21 =	sadd.s32 s0, s9;
	s6 =	sadd.s32 s6, s3  }
0xb: {  	_ =	strace $0x80000047;
	[dreg:$0x6] =	wrdreg s21;
	s24 =	sadd.s32 $0x620, s6  }
0xc: {  	s22 =	sshll.u32 s10, $0xD;
	s25 =	sadd.s32 $0xC40, s6;
	[dreg:$0x7] =	wrdreg s24  }
0xd: {  	s9 =	sadd.s32 s0, s23;
	s26 =	sadd.s32 $0x1260, s6;
	[dreg:$0x8] =	wrdreg s25  }
0xe: {  	s7 =	sadd.s32 s2, s22;
	s2 =	sadd.s32 $0x10, s9;
	[dreg:$0x9] =	wrdreg s26  }
0xf: {  	s31 =	simm.s32 $0x40;
	s12 =	sadd.s32 $0x20, s9;
	[dreg:$0xa] =	wrdreg s2  }
0x10: {  	s14 =	sshrl.u32 s11, $0x2;
	s13 =	sadd.s32 $0x30, s9;
	[dreg:$0xb] =	wrdreg s12  }
0x11: {  	s11 =	simm.s32 $0x80;
	s15 =	sadd.s32 $0x40, s9;
	[dreg:$0xc] =	wrdreg s13  }
0x12: {  	s20 =	sshrl.u32 s8, $0x1;
	s17 =	sadd.s32 $0x50, s9;
	[dreg:$0xd] =	wrdreg s15  }
0x13: {  	s16 =	sshll.u32 s10, $0x7;
	s18 =	sadd.s32 $0x60, s9;
	[dreg:$0xe] =	wrdreg s17  }
0x14: {  	s10 =	simm.s32 $0x2;
	s19 =	sadd.s32 $0x70, s9;
	[dreg:$0xf] =	wrdreg s18  }
0x15: {  	s8 =	ssub.s32 s8, s20;
	s20 =	sadd.s32 $0x400, s7;
	[dreg:$0x10] =	wrdreg s19  }
0x16: {  	s0 =	smul.u32 $0x1400, s14;
	s21 =	sadd.s32 $0x800, s7;
	[dreg:$0x11] =	wrdreg s20  }
0x17: {  	s14 =	simm.s32 $0x18980;
	s22 =	sadd.s32 $0xC00, s7;
	[dreg:$0x12] =	wrdreg s21  }
0x18: {  	s23 =	sadd.s32 $0x1000, s7;
	s28 =	sadd.s32 $0x1C00, s7;
	[dreg:$0x13] =	wrdreg s22  }
0x19: {  	s2 =	sand.u32 $0x380, s16;
	[dreg:$0x14] =	wrdreg s23;
	s24 =	sadd.s32 $0x1400, s7  }
0x1a: {  	s25 =	smax.u32 s8, $0x1;
	s26 =	sadd.s32 $0x1800, s7;
	s8 =	simm.s32 $0x4  }
0x1b: {  	s12 =	simm.s32 $0x1F00;
	s13 =	simm.s32 $0x14980;
	[dreg:$0x16] =	wrdreg s24  }
0x1c: {  	s15 =	simm.s32 $0x1;
	s16 =	simm.s32 $0x3;
	[dreg:$0x17] =	wrdreg s25  }
0x1d: {  	s17 =	simm.s32 $0x0;
	s0 =	sor.u32 s0, s2;
	[dreg:$0x18] =	wrdreg s26  }
0x1e: {  	s2 =	simm.s32 $0x12980;
	s24 =	simm.s32 $0x2200;
	s0 =	sshrl.u32 s0, $0x3  }
0x1f: {  	s25 =	simm.s32 $0x2280;
	s26 =	simm.s32 $0x2300;
	s0 =	sadd.s32 s5, s0  }
0x20: {  	s5 =	simm.s32 $0x1880;
	[dreg:$0x15] =	wrdreg s0;
	s0 =	simm.s32 $0x16980  }
.LBB2_1:
0x21: {  	s18 =	rddreg [dreg:$0x6]  }
0x22: {  	[tilespmem:s29], [sflag:$0x5] =	stream.linear.gather [hbm4b:s18+s4], $0x200, $0x38;
	[tilespmem:$0x1AC00] =	vst v63  }
0x23: {  	_ =	swait.ge [sflag:s30], $0x200  }
0x24: {  	[sflag:s30] =	ssyncset.done $0x0  }
0x25: {  	[sflag:s30] =	ssyncadd.s32 $0xFFFFFE00  }
0x26: {  	[tilespmem:s0], [sflag:$0x1] =	stream.indirect.gather [hbm4b:s1+s31], $0x80, s29, s31, $0xb8;
	[tilespmem:$0x1AC00] =	vst v63  }
0x27: {  	_ = 	snop  }
0x28: {  	v0 =	vimm.f32 $0.0e+00;
	[tilespmem:s2], [sflag:$0x3] =	stream.linear.gather [hbm4b:s7+s4], $0x2000, $0x38;
	[tilespmem:$0x1AC00] =	vst v63  }
0x29: {  	[tilespmem:$0x1880] =	vst v0  }
0x2a: {  	[tilespmem:$0x1890] =	vst v0  }
0x2b: {  	[tilespmem:$0x18A0] =	vst v0  }
0x2c: {  	[tilespmem:$0x18B0] =	vst v0  }
0x2d: {  	[tilespmem:$0x18C0] =	vst v0  }
0x2e: {  	[tilespmem:$0x18D0] =	vst v0  }
0x2f: {  	[tilespmem:$0x18E0] =	vst v0  }
0x30: {  	[tilespmem:$0x18F0] =	vst v0  }
0x31: {  	[tilespmem:$0x1900] =	vst v0  }
0x32: {  	[tilespmem:$0x1910] =	vst v0  }
0x33: {  	[tilespmem:$0x1920] =	vst v0  }
0x34: {  	[tilespmem:$0x1930] =	vst v0  }
0x35: {  	[tilespmem:$0x1940] =	vst v0  }
0x36: {  	[tilespmem:$0x1950] =	vst v0  }
0x37: {  	[tilespmem:$0x1960] =	vst v0  }
0x38: {  	[tilespmem:$0x1970] =	vst v0  }
0x39: {  	[tilespmem:$0x1980] =	vst v0  }
0x3a: {  	[tilespmem:$0x1990] =	vst v0  }
0x3b: {  	[tilespmem:$0x19A0] =	vst v0  }
0x3c: {  	[tilespmem:$0x19B0] =	vst v0  }
0x3d: {  	[tilespmem:$0x19C0] =	vst v0  }
0x3e: {  	[tilespmem:$0x19D0] =	vst v0  }
0x3f: {  	[tilespmem:$0x19E0] =	vst v0  }
0x40: {  	[tilespmem:$0x19F0] =	vst v0  }
0x41: {  	[tilespmem:$0x1A00] =	vst v0  }
0x42: {  	[tilespmem:$0x1A10] =	vst v0  }
0x43: {  	[tilespmem:$0x1A20] =	vst v0  }
0x44: {  	[tilespmem:$0x1A30] =	vst v0  }
0x45: {  	[tilespmem:$0x1A40] =	vst v0  }
0x46: {  	[tilespmem:$0x1A50] =	vst v0  }
0x47: {  	[tilespmem:$0x1A60] =	vst v0  }
0x48: {  	[tilespmem:$0x1A70] =	vst v0  }
0x49: {  	[tilespmem:$0x1A80] =	vst v0  }
0x4a: {  	[tilespmem:$0x1A90] =	vst v0  }
0x4b: {  	[tilespmem:$0x1AA0] =	vst v0  }
0x4c: {  	[tilespmem:$0x1AB0] =	vst v0  }
0x4d: {  	[tilespmem:$0x1AC0] =	vst v0  }
0x4e: {  	[tilespmem:$0x1AD0] =	vst v0  }
0x4f: {  	[tilespmem:$0x1AE0] =	vst v0  }
0x50: {  	[tilespmem:$0x1AF0] =	vst v0  }
0x51: {  	[tilespmem:$0x1B00] =	vst v0  }
0x52: {  	[tilespmem:$0x1B10] =	vst v0  }
0x53: {  	[tilespmem:$0x1B20] =	vst v0  }
0x54: {  	[tilespmem:$0x1B30] =	vst v0  }
0x55: {  	[tilespmem:$0x1B40] =	vst v0  }
0x56: {  	[tilespmem:$0x1B50] =	vst v0  }
0x57: {  	[tilespmem:$0x1B60] =	vst v0  }
0x58: {  	[tilespmem:$0x1B70] =	vst v0  }
0x59: {  	[tilespmem:$0x1B80] =	vst v0  }
0x5a: {  	[tilespmem:$0x1B90] =	vst v0  }
0x5b: {  	[tilespmem:$0x1BA0] =	vst v0  }
0x5c: {  	[tilespmem:$0x1BB0] =	vst v0  }
0x5d: {  	[tilespmem:$0x1BC0] =	vst v0  }
0x5e: {  	[tilespmem:$0x1BD0] =	vst v0  }
0x5f: {  	[tilespmem:$0x1BE0] =	vst v0  }
0x60: {  	[tilespmem:$0x1BF0] =	vst v0  }
0x61: {  	[tilespmem:$0x1C00] =	vst v0  }
0x62: {  	[tilespmem:$0x1C10] =	vst v0  }
0x63: {  	[tilespmem:$0x1C20] =	vst v0  }
0x64: {  	[tilespmem:$0x1C30] =	vst v0  }
0x65: {  	[tilespmem:$0x1C40] =	vst v0  }
0x66: {  	[tilespmem:$0x1C50] =	vst v0  }
0x67: {  	[tilespmem:$0x1C60] =	vst v0  }
0x68: {  	[tilespmem:$0x1C70] =	vst v0  }
0x69: {  	[tilespmem:$0x1C80] =	vst v0  }
0x6a: {  	[tilespmem:$0x1C90] =	vst v0  }
0x6b: {  	[tilespmem:$0x1CA0] =	vst v0  }
0x6c: {  	[tilespmem:$0x1CB0] =	vst v0  }
0x6d: {  	[tilespmem:$0x1CC0] =	vst v0  }
0x6e: {  	[tilespmem:$0x1CD0] =	vst v0  }
0x6f: {  	[tilespmem:$0x1CE0] =	vst v0  }
0x70: {  	[tilespmem:$0x1CF0] =	vst v0  }
0x71: {  	[tilespmem:$0x1D00] =	vst v0  }
0x72: {  	[tilespmem:$0x1D10] =	vst v0  }
0x73: {  	[tilespmem:$0x1D20] =	vst v0  }
0x74: {  	[tilespmem:$0x1D30] =	vst v0  }
0x75: {  	[tilespmem:$0x1D40] =	vst v0  }
0x76: {  	[tilespmem:$0x1D50] =	vst v0  }
0x77: {  	[tilespmem:$0x1D60] =	vst v0  }
0x78: {  	[tilespmem:$0x1D70] =	vst v0  }
0x79: {  	[tilespmem:$0x1D80] =	vst v0  }
0x7a: {  	[tilespmem:$0x1D90] =	vst v0  }
0x7b: {  	[tilespmem:$0x1DA0] =	vst v0  }
0x7c: {  	[tilespmem:$0x1DB0] =	vst v0  }
0x7d: {  	[tilespmem:$0x1DC0] =	vst v0  }
0x7e: {  	[tilespmem:$0x1DD0] =	vst v0  }
0x7f: {  	[tilespmem:$0x1DE0] =	vst v0  }
0x80: {  	[tilespmem:$0x1DF0] =	vst v0  }
0x81: {  	[tilespmem:$0x1E00] =	vst v0  }
0x82: {  	[tilespmem:$0x1E10] =	vst v0  }
0x83: {  	[tilespmem:$0x1E20] =	vst v0  }
0x84: {  	[tilespmem:$0x1E30] =	vst v0  }
0x85: {  	[tilespmem:$0x1E40] =	vst v0  }
0x86: {  	[tilespmem:$0x1E50] =	vst v0  }
0x87: {  	[tilespmem:$0x1E60] =	vst v0  }
0x88: {  	[tilespmem:$0x1E70] =	vst v0  }
0x89: {  	[tilespmem:$0x1E80] =	vst v0  }
0x8a: {  	v14 =	vimm.f32 $1.000000000e+00;
	[tilespmem:$0x1E90] =	vst v0  }
0x8b: {  	[tilespmem:$0x1F00] =	vst v14  }
0x8c: {  	[tilespmem:$0x1F10] =	vst v14  }
0x8d: {  	[tilespmem:$0x1F20] =	vst v14  }
0x8e: {  	[tilespmem:$0x1F30] =	vst v14  }
0x8f: {  	[tilespmem:$0x1F40] =	vst v14  }
0x90: {  	[tilespmem:$0x1F50] =	vst v14  }
0x91: {  	[tilespmem:$0x1F60] =	vst v14  }
0x92: {  	[tilespmem:$0x1F70] =	vst v14  }
0x93: {  	[spmem:s6] =	stream.linear.scatter [tilespmem:s5], [sflag:$0x4], $0x620, $0x38;
	[tilespmem:$0x1AC00] =	vst v63  }
0x94: {  	s23 =	rddreg [dreg:$0x7]  }
0x95: {  	[spmem:s23] =	stream.linear.scatter [tilespmem:s5], [sflag:$0x4], $0x620, $0x38;
	[tilespmem:$0x1AC00] =	vst v63  }
0x96: {  	s19 =	rddreg [dreg:$0x8]  }
0x97: {  	[spmem:s19] =	stream.linear.scatter [tilespmem:s5], [sflag:$0x4], $0x620, $0x38;
	[tilespmem:$0x1AC00] =	vst v63  }
0x98: {  	s20 =	rddreg [dreg:$0x9]  }
0x99: {  	[spmem:s20] =	stream.linear.scatter [tilespmem:s5], [sflag:$0x4], $0x620, $0x38;
	[tilespmem:$0x1AC00] =	vst v63  }
0x9a: {  	s19 =	simm.s32 $0x1F80  }
0x9b: {  	[tilespmem:s19], [sflag:$0x2] =	stream.linear.gather [hbm4b:s9+s4], $0x80, $0x38;
	[tilespmem:$0x1AC00] =	vst v63  }
0x9c: {  	s21 =	rddreg [dreg:$0xa];
	s20 =	simm.s32 $0x2000  }
0x9d: {  	[tilespmem:s20], [sflag:$0x2] =	stream.linear.gather [hbm4b:s21+s4], $0x80, $0x38;
	[tilespmem:$0x1AC00] =	vst v63  }
0x9e: {  	s22 =	rddreg [dreg:$0xb];
	s21 =	simm.s32 $0x2080  }
0x9f: {  	[tilespmem:s21], [sflag:$0x2] =	stream.linear.gather [hbm4b:s22+s4], $0x80, $0x38;
	[tilespmem:$0x1AC00] =	vst v63  }
0xa0: {  	s23 =	rddreg [dreg:$0xc];
	s22 =	simm.s32 $0x2100  }
0xa1: {  	[tilespmem:s22], [sflag:$0x2] =	stream.linear.gather [hbm4b:s23+s4], $0x80, $0x38;
	[tilespmem:$0x1AC00] =	vst v63  }
0xa2: {  	s18 =	rddreg [dreg:$0xd];
	s23 =	simm.s32 $0x2180  }
0xa3: {  	[tilespmem:s23], [sflag:$0x2] =	stream.linear.gather [hbm4b:s18+s4], $0x80, $0x38;
	[tilespmem:$0x1AC00] =	vst v63  }
0xa4: {  	s18 =	rddreg [dreg:$0xe]  }
0xa5: {  	[tilespmem:s24], [sflag:$0x2] =	stream.linear.gather [hbm4b:s18+s4], $0x80, $0x38;
	[tilespmem:$0x1AC00] =	vst v63  }
0xa6: {  	s18 =	rddreg [dreg:$0xf]  }
0xa7: {  	[tilespmem:s25], [sflag:$0x2] =	stream.linear.gather [hbm4b:s18+s4], $0x80, $0x38;
	[tilespmem:$0x1AC00] =	vst v63  }
0xa8: {  	s18 =	rddreg [dreg:$0x10]  }
0xa9: {  	[tilespmem:s26], [sflag:$0x2] =	stream.linear.gather [hbm4b:s18+s4], $0x80, $0x38;
	[tilespmem:$0x1AC00] =	vst v63  }
0xaa: {  	_ =	swait.ge [sflag:s8], $0x620  }
0xab: {  	[sflag:s8] =	ssyncset.done $0x0  }
0xac: {  	[sflag:s8] =	ssyncadd.s32 $0xFFFFF9E0  }
0xad: {  	_ =	swait.ge [sflag:s8], $0x620  }
0xae: {  	[sflag:s8] =	ssyncset.done $0x0  }
0xaf: {  	[sflag:s8] =	ssyncadd.s32 $0xFFFFF9E0  }
0xb0: {  	_ =	swait.ge [sflag:s8], $0x620  }
0xb1: {  	[sflag:s8] =	ssyncset.done $0x0  }
0xb2: {  	[sflag:s8] =	ssyncadd.s32 $0xFFFFF9E0  }
0xb3: {  	_ =	swait.ge [sflag:s8], $0x620  }
0xb4: {  	[sflag:s8] =	ssyncset.done $0x0  }
0xb5: {  	[sflag:s8] =	ssyncadd.s32 $0xFFFFF9E0  }
0xb6: {  	_ =	swait.ge [sflag:s10], $0x80  }
0xb7: {  	[sflag:s10] =	ssyncset.done $0x0  }
0xb8: {  	[sflag:s10] =	ssyncadd.s32 $0xFFFFFF80  }
0xb9: {  	_ =	swait.ge [sflag:s10], $0x80  }
0xba: {  	[sflag:s10] =	ssyncset.done $0x0  }
0xbb: {  	[sflag:s10] =	ssyncadd.s32 $0xFFFFFF80  }
0xbc: {  	_ =	swait.ge [sflag:s10], $0x80  }
0xbd: {  	[sflag:s10] =	ssyncset.done $0x0  }
0xbe: {  	[sflag:s10] =	ssyncadd.s32 $0xFFFFFF80  }
0xbf: {  	_ =	swait.ge [sflag:s10], $0x80  }
0xc0: {  	[sflag:s10] =	ssyncset.done $0x0  }
0xc1: {  	[sflag:s10] =	ssyncadd.s32 $0xFFFFFF80  }
0xc2: {  	_ =	swait.ge [sflag:s10], $0x80  }
0xc3: {  	[sflag:s10] =	ssyncset.done $0x0  }
0xc4: {  	[sflag:s10] =	ssyncadd.s32 $0xFFFFFF80  }
0xc5: {  	_ =	swait.ge [sflag:s10], $0x80  }
0xc6: {  	[sflag:s10] =	ssyncset.done $0x0  }
0xc7: {  	[sflag:s10] =	ssyncadd.s32 $0xFFFFFF80  }
0xc8: {  	_ =	swait.ge [sflag:s10], $0x80  }
0xc9: {  	[sflag:s10] =	ssyncset.done $0x0  }
0xca: {  	[sflag:s10] =	ssyncadd.s32 $0xFFFFFF80  }
0xcb: {  	_ =	swait.ge [sflag:s10], $0x80  }
0xcc: {  	[sflag:s10] =	ssyncset.done $0x0  }
0xcd: {  	[sflag:s10] =	ssyncadd.s32 $0xFFFFFF80  }
0xce: {  	[bflag:$0x0] =	sbarrier.arrive $0xFFFF  }
0xcf: {  	[spmem:s3] =	stream.indirect.scatter.add.f32 [tilespmem:s12], [sflag:$0x2], $0x1, s19, s11, $0xb8;
	[tilespmem:$0x1AC00] =	vst v63  }
0xd0: {  	_ = 	snop  }
0xd1: {  	[spmem:s3] =	stream.indirect.scatter.add.f32 [tilespmem:s12], [sflag:$0x2], $0x1, s20, s11, $0xb8;
	[tilespmem:$0x1AC00] =	vst v63  }
0xd2: {  	_ = 	snop  }
0xd3: {  	[spmem:s3] =	stream.indirect.scatter.add.f32 [tilespmem:s12], [sflag:$0x2], $0x1, s21, s11, $0xb8;
	[tilespmem:$0x1AC00] =	vst v63  }
0xd4: {  	_ = 	snop  }
0xd5: {  	[spmem:s3] =	stream.indirect.scatter.add.f32 [tilespmem:s12], [sflag:$0x2], $0x1, s22, s11, $0xb8;
	[tilespmem:$0x1AC00] =	vst v63  }
0xd6: {  	_ = 	snop  }
0xd7: {  	[spmem:s3] =	stream.indirect.scatter.add.f32 [tilespmem:s12], [sflag:$0x2], $0x1, s23, s11, $0xb8;
	[tilespmem:$0x1AC00] =	vst v63  }
0xd8: {  	_ = 	snop  }
0xd9: {  	[spmem:s3] =	stream.indirect.scatter.add.f32 [tilespmem:s12], [sflag:$0x2], $0x1, s24, s11, $0xb8;
	[tilespmem:$0x1AC00] =	vst v63  }
0xda: {  	_ = 	snop  }
0xdb: {  	[spmem:s3] =	stream.indirect.scatter.add.f32 [tilespmem:s12], [sflag:$0x2], $0x1, s25, s11, $0xb8;
	[tilespmem:$0x1AC00] =	vst v63  }
0xdc: {  	_ = 	snop  }
0xdd: {  	[spmem:s3] =	stream.indirect.scatter.add.f32 [tilespmem:s12], [sflag:$0x2], $0x1, s26, s11, $0xb8;
	[tilespmem:$0x1AC00] =	vst v63  }
0xde: {  	_ =	swait.ge [sflag:s10], $0x80  }
0xdf: {  	[sflag:s10] =	ssyncset.done $0x0  }
0xe0: {  	[sflag:s10] =	ssyncadd.s32 $0xFFFFFF80  }
0xe1: {  	_ =	swait.ge [sflag:s10], $0x80  }
0xe2: {  	[sflag:s10] =	ssyncset.done $0x0  }
0xe3: {  	[sflag:s10] =	ssyncadd.s32 $0xFFFFFF80  }
0xe4: {  	_ =	swait.ge [sflag:s10], $0x80  }
0xe5: {  	[sflag:s10] =	ssyncset.done $0x0  }
0xe6: {  	[sflag:s10] =	ssyncadd.s32 $0xFFFFFF80  }
0xe7: {  	_ =	swait.ge [sflag:s10], $0x80  }
0xe8: {  	[sflag:s10] =	ssyncset.done $0x0  }
0xe9: {  	[sflag:s10] =	ssyncadd.s32 $0xFFFFFF80  }
0xea: {  	_ =	swait.ge [sflag:s10], $0x80  }
0xeb: {  	[sflag:s10] =	ssyncset.done $0x0  }
0xec: {  	[sflag:s10] =	ssyncadd.s32 $0xFFFFFF80  }
0xed: {  	_ =	swait.ge [sflag:s10], $0x80  }
0xee: {  	[sflag:s10] =	ssyncset.done $0x0  }
0xef: {  	[sflag:s10] =	ssyncadd.s32 $0xFFFFFF80  }
0xf0: {  	_ =	swait.ge [sflag:s10], $0x80  }
0xf1: {  	[sflag:s10] =	ssyncset.done $0x0  }
0xf2: {  	[sflag:s10] =	ssyncadd.s32 $0xFFFFFF80  }
0xf3: {  	_ =	swait.ge [sflag:s10], $0x80  }
0xf4: {  	[sflag:s10] =	ssyncset.done $0x0  }
0xf5: {  	[sflag:s10] =	ssyncadd.s32 $0xFFFFFF80  }
0xf6: {  	s20 =	simm.s32 $0x2580;
	[bflag:$0x0] =	sbarrier.arrive $0xFFFF  }
0xf7: {  	[tilespmem:s20], [sflag:$0x2] =	stream.indirect.gather [spmem:s3], $0x1, s29, s11, $0xb8;
	[tilespmem:$0x1AC00] =	vst v63  }
0xf8: {  	s19 =	simm.s32 $0x2600;
	s21 =	simm.s32 $0x2400  }
0xf9: {  	[tilespmem:s19], [sflag:$0x2] =	stream.indirect.gather [spmem:s3], $0x1, s21, s11, $0xb8;
	[tilespmem:$0x1AC00] =	vst v63  }
0xfa: {  	s22 =	simm.s32 $0x2480;
	s20 =	simm.s32 $0x2680  }
0xfb: {  	[tilespmem:s20], [sflag:$0x2] =	stream.indirect.gather [spmem:s3], $0x1, s22, s11, $0xb8;
	[tilespmem:$0x1AC00] =	vst v63  }
0xfc: {  	s23 =	simm.s32 $0x2500;
	s19 =	simm.s32 $0x2700  }
0xfd: {  	[tilespmem:s19], [sflag:$0x2] =	stream.indirect.gather [spmem:s3], $0x1, s23, s11, $0xb8;
	[tilespmem:$0x1AC00] =	vst v63  }
0xfe: {  	_ =	swait.ge [sflag:s10], $0x80  }
0xff: {  	[sflag:s10] =	ssyncset.done $0x0  }
0x100: {  	[sflag:s10] =	ssyncadd.s32 $0xFFFFFF80  }
0x101: {  	_ =	swait.ge [sflag:s10], $0x80  }
0x102: {  	[sflag:s10] =	ssyncset.done $0x0  }
0x103: {  	[sflag:s10] =	ssyncadd.s32 $0xFFFFFF80  }
0x104: {  	_ =	swait.ge [sflag:s10], $0x80  }
0x105: {  	[sflag:s10] =	ssyncset.done $0x0  }
0x106: {  	[sflag:s10] =	ssyncadd.s32 $0xFFFFFF80  }
0x107: {  	_ =	swait.ge [sflag:s10], $0x80  }
0x108: {  	[sflag:s10] =	ssyncset.done $0x0  }
0x109: {  	[sflag:s10] =	ssyncadd.s32 $0xFFFFFF80  }
0x10a: {  	v2 =	vld [tilespmem:$0x2580]  }
0x10b: {  	v3 =	vld [tilespmem:$0x2590]  }
0x10c: {  	v4 =	vld [tilespmem:$0x25A0]  }
0x10d: {  	v5 =	vld [tilespmem:$0x25B0]  }
0x10e: {  	v6 =	vld [tilespmem:$0x25C0]  }
0x10f: {  	v7 =	vld [tilespmem:$0x25D0];
	v2 =	vadd.f32 $1.000000000e+00, v2  }
0x110: {  	v8 =	vld [tilespmem:$0x25E0];
	v3 =	vadd.f32 $1.000000000e+00, v3  }
0x111: {  	v16 =	vld [tilespmem:$0x25F0];
	v15 =	vadd.f32 $1.000000000e+00, v4;
	(erf) = vrcp.f32 v2  }
0x112: {  	v18 =	vld [tilespmem:$0x2600];
	v17 =	vadd.f32 $1.000000000e+00, v5;
	(erf) = vrcp.f32 v3  }
0x113: {  	v20 =	vld [tilespmem:$0x2610];
	v19 =	vadd.f32 $1.000000000e+00, v6;
	(erf) = vrcp.f32 v15  }
0x114: {  	v22 =	vld [tilespmem:$0x2620];
	v21 =	vadd.f32 $1.000000000e+00, v7;
	(erf) = vrcp.f32 v17  }
0x115: {  	v24 =	vld [tilespmem:$0x2630];
	v23 =	vadd.f32 $1.000000000e+00, v8;
	(erf) = vrcp.f32 v19  }
0x116: {  	v26 =	vld [tilespmem:$0x2640];
	v25 =	vadd.f32 $1.000000000e+00, v16;
	(erf) = vrcp.f32 v21  }
0x117: {  	v28 =	vld [tilespmem:$0x2650];
	v27 =	vadd.f32 $1.000000000e+00, v18;
	(erf) = vrcp.f32 v23  }
0x118: {  	v30 =	vld [tilespmem:$0x2660];
	v29 =	vadd.f32 $1.000000000e+00, v20;
	(erf) = vrcp.f32 v25  }
0x119: {  	v32 =	vld [tilespmem:$0x2670];
	v31 =	vadd.f32 $1.000000000e+00, v22;
	(erf) = vrcp.f32 v27  }
0x11a: {  	v34 =	vld [tilespmem:$0x2680];
	v33 =	vadd.f32 $1.000000000e+00, v24;
	v9 =	vpop (erf);
	(erf) = vrcp.f32 v29  }
0x11b: {  	v37 =	vld [tilespmem:$0x2690];
	v36 =	vadd.f32 $1.000000000e+00, v26;
	[tilespmem:$0x2780] =	vst v9;
	v35 =	vpop (erf);
	(erf) = vrcp.f32 v31  }
0x11c: {  	v40 =	vld [tilespmem:$0x26A0];
	v39 =	vadd.f32 $1.000000000e+00, v28;
	[tilespmem:$0x2790] =	vst v35;
	v38 =	vpop (erf);
	(erf) = vrcp.f32 v33  }
0x11d: {  	v43 =	vld [tilespmem:$0x26B0];
	v42 =	vadd.f32 $1.000000000e+00, v30;
	[tilespmem:$0x27A0] =	vst v38;
	v41 =	vpop (erf);
	(erf) = vrcp.f32 v36  }
0x11e: {  	v46 =	vld [tilespmem:$0x26C0];
	v45 =	vadd.f32 $1.000000000e+00, v32;
	[tilespmem:$0x27B0] =	vst v41;
	v44 =	vpop (erf);
	(erf) = vrcp.f32 v39  }
0x11f: {  	v49 =	vld [tilespmem:$0x26D0];
	v48 =	vadd.f32 $1.000000000e+00, v34;
	[tilespmem:$0x27C0] =	vst v44;
	v47 =	vpop (erf);
	(erf) = vrcp.f32 v42  }
0x120: {  	v52 =	vld [tilespmem:$0x26E0];
	v51 =	vadd.f32 $1.000000000e+00, v37;
	[tilespmem:$0x27D0] =	vst v47;
	v50 =	vpop (erf);
	(erf) = vrcp.f32 v45  }
0x121: {  	v55 =	vld [tilespmem:$0x26F0];
	v54 =	vadd.f32 $1.000000000e+00, v40;
	[tilespmem:$0x27E0] =	vst v50;
	v53 =	vpop (erf);
	(erf) = vrcp.f32 v48  }
0x122: {  	v58 =	vld [tilespmem:$0x2700];
	v57 =	vadd.f32 $1.000000000e+00, v43;
	[tilespmem:$0x27F0] =	vst v53;
	v56 =	vpop (erf);
	(erf) = vrcp.f32 v51  }
0x123: {  	v61 =	vld [tilespmem:$0x2710];
	v60 =	vadd.f32 $1.000000000e+00, v46;
	[tilespmem:$0x2800] =	vst v56;
	v59 =	vpop (erf);
	(erf) = vrcp.f32 v54  }
0x124: {  	v12 =	vld [tilespmem:$0x2720];
	v63 =	vadd.f32 $1.000000000e+00, v49;
	[tilespmem:$0x2810] =	vst v59;
	v62 =	vpop (erf);
	(erf) = vrcp.f32 v57  }
0x125: {  	v14 =	vadd.f32 $1.000000000e+00, v52;
	v15 =	vld [tilespmem:$0x2730];
	[tilespmem:$0x2820] =	vst v62;
	v13 =	vpop (erf);
	(erf) = vrcp.f32 v60  }
0x126: {  	v18 =	vld [tilespmem:$0x2740];
	v17 =	vadd.f32 $1.000000000e+00, v55;
	[tilespmem:$0x2830] =	vst v13;
	v16 =	vpop (erf);
	(erf) = vrcp.f32 v63  }
0x127: {  	v20 =	vadd.f32 $1.000000000e+00, v58;
	v21 =	vld [tilespmem:$0x2750];
	[tilespmem:$0x2840] =	vst v16;
	v19 =	vpop (erf);
	(erf) = vrcp.f32 v14  }
0x128: {  	v24 =	vld [tilespmem:$0x2760];
	v23 =	vadd.f32 $1.000000000e+00, v61;
	[tilespmem:$0x2850] =	vst v19;
	v22 =	vpop (erf);
	(erf) = vrcp.f32 v17  }
0x129: {  	v26 =	vadd.f32 $1.000000000e+00, v12;
	v27 =	vld [tilespmem:$0x2770];
	[tilespmem:$0x2860] =	vst v22;
	v25 =	vpop (erf);
	(erf) = vrcp.f32 v20  }
0x12a: {  	v29 =	vadd.f32 $1.000000000e+00, v15;
	[tilespmem:$0x2870] =	vst v25;
	v28 =	vpop (erf);
	(erf) = vrcp.f32 v23  }
0x12b: {  	v31 =	vadd.f32 $1.000000000e+00, v18;
	[tilespmem:$0x2880] =	vst v28;
	v30 =	vpop (erf);
	(erf) = vrcp.f32 v26  }
0x12c: {  	v33 =	vadd.f32 $1.000000000e+00, v21;
	[tilespmem:$0x2890] =	vst v30;
	v32 =	vpop (erf);
	(erf) = vrcp.f32 v29  }
0x12d: {  	v35 =	vadd.f32 $1.000000000e+00, v24;
	[tilespmem:$0x28A0] =	vst v32;
	v34 =	vpop (erf);
	(erf) = vrcp.f32 v31  }
0x12e: {  	v37 =	vadd.f32 $1.000000000e+00, v27;
	[tilespmem:$0x28B0] =	vst v34;
	v36 =	vpop (erf);
	(erf) = vrcp.f32 v33  }
0x12f: {  	[tilespmem:$0x28C0] =	vst v36;
	v38 =	vpop (erf);
	(erf) = vrcp.f32 v35  }
0x130: {  	[tilespmem:$0x28D0] =	vst v38;
	v39 =	vpop (erf);
	(erf) = vrcp.f32 v37  }
0x131: {  	v40 =	vpop (erf);
	[tilespmem:$0x28E0] =	vst v39  }
0x132: {  	v41 =	vpop (erf);
	[tilespmem:$0x28F0] =	vst v40  }
0x133: {  	v42 =	vpop (erf);
	[tilespmem:$0x2900] =	vst v41  }
0x134: {  	v43 =	vpop (erf);
	[tilespmem:$0x2910] =	vst v42  }
0x135: {  	v44 =	vpop (erf);
	[tilespmem:$0x2920] =	vst v43  }
0x136: {  	v45 =	vpop (erf);
	[tilespmem:$0x2930] =	vst v44  }
0x137: {  	v46 =	vpop (erf);
	[tilespmem:$0x2940] =	vst v45  }
0x138: {  	v47 =	vpop (erf);
	[tilespmem:$0x2950] =	vst v46  }
0x139: {  	[tilespmem:$0x2960] =	vst v47;
	v48 =	vpop (erf)  }
0x13a: {  	s20 =	simm.s32 $0x0;
	[tilespmem:$0x2970] =	vst v48  }
0x13b: {  	v2 =	vld [tilespmem:s20+$0x2780];
	_ =	sdelay $0x4  }
0x13c: {  	v49 =	vbroadcast v2, $0x0  }
0x13d: {  	s18 =	simm.s32 $0x2D80;
	v50 =	vbroadcast v2, $0x1  }
0x13e: {  	v51 =	vbroadcast v2, $0x2;
	[tilespmem:s18+$0xFFFFFC00] =	vst v49  }
0x13f: {  	v52 =	vbroadcast v2, $0x3;
	[tilespmem:s18+$0xFFFFFC80] =	vst v50  }
0x140: {  	v53 =	vbroadcast v2, $0x4;
	[tilespmem:s18+$0xFFFFFD00] =	vst v51  }
0x141: {  	v54 =	vbroadcast v2, $0x5;
	[tilespmem:s18+$0xFFFFFD80] =	vst v52  }
0x142: {  	v55 =	vbroadcast v2, $0x6;
	[tilespmem:s18+$0xFFFFFE00] =	vst v53  }
0x143: {  	v56 =	vbroadcast v2, $0x7;
	[tilespmem:s18+$0xFFFFFE80] =	vst v54  }
0x144: {  	v57 =	vbroadcast v2, $0x8;
	[tilespmem:s18+$0xFFFFFF00] =	vst v55  }
0x145: {  	v58 =	vbroadcast v2, $0x9;
	[tilespmem:s18+$0xFFFFFF80] =	vst v56  }
0x146: {  	v59 =	vbroadcast v2, $0xA;
	[tilespmem:s18+$0x0] =	vst v57  }
0x147: {  	v60 =	vbroadcast v2, $0xB;
	[tilespmem:s18+$0x80] =	vst v58  }
0x148: {  	v61 =	vbroadcast v2, $0xC;
	[tilespmem:s18+$0x100] =	vst v59  }
0x149: {  	v62 =	vbroadcast v2, $0xD;
	[tilespmem:s18+$0x180] =	vst v60  }
0x14a: {  	v63 =	vbroadcast v2, $0xE;
	[tilespmem:s18+$0x200] =	vst v61  }
0x14b: {  	v2 =	vbroadcast v2, $0xF;
	[tilespmem:s18+$0x280] =	vst v62  }
0x14c: {  	[tilespmem:s18+$0x300] =	vst v63  }
0x14d: {  	s19 =	simm.s32 $0x80;
	s20 =	simm.s32 $0x10;
	[tilespmem:s18+$0x380] =	vst v2  }
.LBB2_2:
0x14e: {  	p0 =	sne.s32 s19, $0x7C0;
	v2 =	vld [tilespmem:s20+$0x2780];
	_ =	sdelay $0x4  }
0x14f: {  	v3 =	vbroadcast v2, $0x0;
	v4 =	vbroadcast v2, $0x1  }
0x150: {  	s18 =	sadd.s32 $0x800, s18;
	v5 =	vbroadcast v2, $0x2;
	v6 =	vbroadcast v2, $0x3  }
0x151: {  	v7 =	vbroadcast v2, $0x5;
	[tilespmem:s18+$0xFFFFFC00] =	vst v3;
	v3 =	vbroadcast v2, $0x4  }
0x152: {  	v8 =	vbroadcast v2, $0x7;
	[tilespmem:s18+$0xFFFFFC80] =	vst v4;
	v4 =	vbroadcast v2, $0x6  }
0x153: {  	v9 =	vbroadcast v2, $0x9;
	[tilespmem:s18+$0xFFFFFD00] =	vst v5;
	v5 =	vbroadcast v2, $0x8  }
0x154: {  	v10 =	vbroadcast v2, $0xB;
	[tilespmem:s18+$0xFFFFFD80] =	vst v6;
	v6 =	vbroadcast v2, $0xA  }
0x155: {  	v11 =	vbroadcast v2, $0xD;
	[tilespmem:s18+$0xFFFFFE00] =	vst v3;
	v3 =	vbroadcast v2, $0xC  }
0x156: {  	[tilespmem:s18+$0xFFFFFE80] =	vst v7;
	v7 =	vbroadcast v2, $0xE;
	v2 =	vbroadcast v2, $0xF  }
0x157: {  	[tilespmem:s18+$0xFFFFFF00] =	vst v4  }
0x158: {  	[tilespmem:s18+$0xFFFFFF80] =	vst v8  }
0x159: {  	[tilespmem:s18+$0x0] =	vst v5  }
0x15a: {  	[tilespmem:s18+$0x80] =	vst v9  }
0x15b: {  	[tilespmem:s18+$0x100] =	vst v6  }
.Ltmp0:
0x15c: {  	[tilespmem:s18+$0x180] =	vst v10;
	(pc) =	sbr.rel @p0 .LBB2_2-.Ltmp0, $4  }
0x15d: {  	[tilespmem:s18+$0x200] =	vst v3  }
0x15e: {  	[tilespmem:s18+$0x280] =	vst v11  }
0x15f: {  	[tilespmem:s18+$0x300] =	vst v7  }
0x160: {  	s20 =	sshra.s32 s19, $0x2;
	s19 =	sadd.s32 $0x40, s19;
	[tilespmem:s18+$0x380] =	vst v2  }
0x161: {  	v2 =	vld [tilespmem:s20+$0x2780];
	_ =	sdelay $0x4  }
0x162: {  	v3 =	vbroadcast v2, $0x0  }
0x163: {  	s18 =	sadd.s32 $0x800, s18;
	v4 =	vbroadcast v2, $0x1  }
0x164: {  	v5 =	vbroadcast v2, $0x2;
	[tilespmem:s18+$0xFFFFFC00] =	vst v3  }
0x165: {  	v3 =	vbroadcast v2, $0x3;
	[tilespmem:s18+$0xFFFFFC80] =	vst v4  }
0x166: {  	v4 =	vbroadcast v2, $0x4;
	[tilespmem:s18+$0xFFFFFD00] =	vst v5  }
0x167: {  	v5 =	vbroadcast v2, $0x5;
	[tilespmem:s18+$0xFFFFFD80] =	vst v3  }
0x168: {  	v3 =	vbroadcast v2, $0x6;
	[tilespmem:s18+$0xFFFFFE00] =	vst v4  }
0x169: {  	v4 =	vbroadcast v2, $0x7;
	[tilespmem:s18+$0xFFFFFE80] =	vst v5  }
0x16a: {  	v5 =	vbroadcast v2, $0x8;
	[tilespmem:s18+$0xFFFFFF00] =	vst v3  }
0x16b: {  	v3 =	vbroadcast v2, $0x9;
	[tilespmem:s18+$0xFFFFFF80] =	vst v4  }
0x16c: {  	v4 =	vbroadcast v2, $0xA;
	[tilespmem:s18+$0x0] =	vst v5  }
0x16d: {  	v5 =	vbroadcast v2, $0xB;
	[tilespmem:s18+$0x80] =	vst v3  }
0x16e: {  	v3 =	vbroadcast v2, $0xC;
	[tilespmem:s18+$0x100] =	vst v4  }
0x16f: {  	v4 =	vbroadcast v2, $0xD;
	[tilespmem:s18+$0x180] =	vst v5  }
0x170: {  	v5 =	vbroadcast v2, $0xE;
	[tilespmem:s18+$0x200] =	vst v3  }
0x171: {  	v2 =	vbroadcast v2, $0xF;
	[tilespmem:s18+$0x280] =	vst v4  }
0x172: {  	[tilespmem:s18+$0x300] =	vst v5  }
0x173: {  	s19 =	simm.s32 $0x23C0;
	[tilespmem:s18+$0x380] =	vst v2  }
0x174: {  	[tilespmem:s14], [sflag:$0x2] =	stream.indirect.gather [hbm4b:s1+s31], $0x80, s19, s31, $0xb8;
	[tilespmem:$0x1AC00] =	vst v63  }
0x175: {  	s20 =	simm.s32 $0x0;
	s19 =	rddreg [dreg:$0x11]  }
0x176: {  	[tilespmem:s13], [sflag:$0x4] =	stream.linear.gather [hbm4b:s19+s20], $0x2000, $0x38;
	[tilespmem:$0x1AC00] =	vst v63  }
0x177: {  	_ =	swait.ge [sflag:s15], $0x2000  }
0x178: {  	[sflag:s15] =	ssyncset.done $0x0  }
0x179: {  	[sflag:s15] =	ssyncadd.s32 $0xFFFFE000  }
0x17a: {  	_ =	swait.ge [sflag:s16], $0x2000  }
0x17b: {  	[sflag:s16] =	ssyncset.done $0x0  }
0x17c: {  	s20 =	simm.s32 $0x0;
	[sflag:s16] =	ssyncadd.s32 $0xFFFFE000  }
0x17d: {  	v2 =	vld [tilespmem:s20+$0x169D0]  }
0x17e: {  	v3 =	vld [tilespmem:s20+$0x129C0]  }
0x17f: {  	v4 =	vld [tilespmem:s20+$0x169E0]  }
0x180: {  	v5 =	vld [tilespmem:s20+$0x129D0]  }
0x181: {  	v6 =	vld [tilespmem:s20+$0x169C0]  }
0x182: {  	v18 =	vld [tilespmem:s20+$0x16990]  }
0x183: {  	v11 =	vld [tilespmem:s20+$0x129F0]  }
0x184: {  	v20 =	vld [tilespmem:s20+$0x169B0]  }
0x185: {  	v12 =	vld [tilespmem:s20+$0x169F0]  }
0x186: {  	v27 =	vld [tilespmem:s20+$0x129E0]  }
0x187: {  	v28 =	vld [tilespmem:s20+$0x16980]  }
0x188: {  	v26 =	vimm.f32 $0.0e+00;
	v23 =	vld [tilespmem:s20+$0x129B0];
	v7 =	vmul.f32 v3, v3  }
0x189: {  	v45 =	vimm.f32 $0.0e+00;
	v29 =	vld [tilespmem:s20+$0x12990];
	v19 =	vmul.f32 v2, v2;
	v13 =	vmul.f32 v4, v4  }
0x18a: {  	v42 =	vimm.f32 $0.0e+00;
	v34 =	vld [tilespmem:s20+$0x129A0];
	v33 =	vmul.f32 v5, v5;
	v2 =	vmul.f32 v2, v5  }
0x18b: {  	v36 =	vimm.f32 $0.0e+00;
	v47 =	vld [tilespmem:s20+$0x169A0];
	v8 =	vmul.f32 v6, v6;
	v3 =	vmul.f32 v6, v3  }
0x18c: {  	v37 =	vimm.f32 $0.0e+00;
	v35 =	vld [tilespmem:s20+$0x12980];
	v10 =	vmul.f32 v18, v18;
	v16 =	vmul.f32 v20, v20  }
0x18d: {  	v38 =	vimm.f32 $0.0e+00;
	v41 =	vmul.f32 v12, v12;
	v30 =	vmul.f32 v12, v11  }
0x18e: {  	v39 =	vimm.f32 $0.0e+00;
	v25 =	vld [tilespmem:s20+$0x2980];
	v50 =	vmul.f32 v28, v28;
	v48 =	vmul.f32 v29, v29  }
0x18f: {  	v40 =	vimm.f32 $0.0e+00;
	v54 =	vmul.f32 v18, v29;
	v20 =	vmul.f32 v20, v23  }
0x190: {  	v44 =	vimm.f32 $0.0e+00;
	v49 =	vmul.f32 v34, v34;
	v53 =	vmul.f32 v47, v47  }
0x191: {  	v43 =	vimm.f32 $0.0e+00;
	v57 =	vmul.f32 v4, v27;
	v55 =	vmul.f32 v35, v35  }
0x192: {  	v56 =	vmul.f32 v28, v35;
	v28 =	vimm.f32 $0.0e+00;
	v35 =	vimm.f32 $0.0e+00  }
0x193: {  	v24 =	vadd.f32 v7, v26;
	v5 =	vadd.f32 v19, v26;
	v7 =	vmul.f32 v7, v25  }
0x194: {  	v9 =	vmul.f32 v2, v25;
	v6 =	vadd.f32 v13, v26;
	v14 =	vmul.f32 v3, v25  }
0x195: {  	v21 =	vadd.f32 v8, v26;
	v15 =	vmul.f32 v8, v25;
	v46 =	vmul.f32 v10, v25  }
0x196: {  	v22 =	vadd.f32 v16, v26;
	v51 =	vmul.f32 v16, v25;
	v16 =	vmul.f32 v23, v23  }
0x197: {  	v31 =	vmul.f32 v13, v25;
	v19 =	vmul.f32 v19, v25;
	v23 =	vadd.f32 v48, v26  }
0x198: {  	v29 =	vmul.f32 v30, v25;
	v52 =	vmul.f32 v20, v25;
	v20 =	vadd.f32 v33, v26  }
0x199: {  	v30 =	vimm.f32 $0.0e+00;
	v2 =	vadd.f32 v7, v26;
	v3 =	vadd.f32 v9, v26  }
0x19a: {  	v7 =	vadd.f32 v10, v26;
	v10 =	vmul.f32 v11, v11;
	v8 =	vadd.f32 v14, v26  }
0x19b: {  	v9 =	vadd.f32 v15, v26;
	v15 =	vmul.f32 v27, v27;
	v32 =	vmul.f32 v16, v25  }
0x19c: {  	v19 =	vadd.f32 v19, v26;
	v4 =	vadd.f32 v29, v26;
	v27 =	vimm.f32 $0.0e+00  }
0x19d: {  	v29 =	vimm.f32 $0.0e+00;
	v14 =	vmul.f32 v10, v25;
	v10 =	vadd.f32 v10, v26  }
0x19e: {  	v12 =	vadd.f32 v15, v26;
	v17 =	vmul.f32 v15, v25;
	v15 =	vadd.f32 v16, v26  }
0x19f: {  	v18 =	vadd.f32 v32, v26;
	v11 =	vadd.f32 v14, v26;
	v14 =	vmul.f32 v41, v25  }
0x1a0: {  	v32 =	vimm.f32 $0.0e+00;
	v16 =	vadd.f32 v17, v26;
	v17 =	vadd.f32 v31, v26  }
0x1a1: {  	s18 =	simm.s32 $0x200;
	v31 =	vimm.f32 $0.0e+00;
	v13 =	vadd.f32 v14, v26;
	v14 =	vadd.f32 v50, v26  }
.LBB2_4:
0x1a2: {  	s19 =	sshra.s32 s18, $0x2;
	p0 =	sne.s32 s18, $0x7E00;
	s18 =	sadd.s32 $0x200, s18;
	v58 =	vmul.f32 v49, v25;
	v26 =	vadd.f32 v51, v26;
	v51 =	vmul.f32 v57, v25  }
0x1a3: {  	v54 =	vmul.f32 v54, v25;
	v27 =	vadd.f32 v53, v27;
	v57 =	vld [tilespmem:s19+$0x129B0];
	v56 =	vmul.f32 v56, v25  }
0x1a4: {  	v53 =	vmul.f32 v53, v25;
	v60 =	vmul.f32 v55, v25;
	v28 =	vadd.f32 v55, v28;
	v59 =	vld [tilespmem:s19+$0x169D0]  }
0x1a5: {  	v50 =	vmul.f32 v50, v25;
	v29 =	vadd.f32 v58, v29;
	v30 =	vadd.f32 v51, v30;
	v55 =	vld [tilespmem:s19+$0x129F0]  }
0x1a6: {  	v31 =	vadd.f32 v46, v31;
	v32 =	vadd.f32 v52, v32;
	v33 =	vmul.f32 v33, v25;
	v51 =	vld [tilespmem:s19+$0x129C0]  }
0x1a7: {  	v34 =	vmul.f32 v47, v34;
	v45 =	vadd.f32 v50, v45;
	v35 =	vadd.f32 v53, v35;
	v58 =	vld [tilespmem:s19+$0x169E0]  }
0x1a8: {  	v47 =	vmul.f32 v48, v25;
	v36 =	vadd.f32 v54, v36;
	v42 =	vadd.f32 v60, v42;
	v46 =	vld [tilespmem:s19+$0x129D0]  }
0x1a9: {  	v34 =	vmul.f32 v34, v25;
	v38 =	vadd.f32 v33, v38;
	v37 =	vadd.f32 v56, v37;
	v48 =	vld [tilespmem:s19+$0x169C0]  }
0x1aa: {  	v40 =	vadd.f32 v49, v40;
	v39 =	vadd.f32 v47, v39;
	v25 =	vld [tilespmem:s19+$0x2980]  }
0x1ab: {  	v43 =	vadd.f32 v41, v43;
	v44 =	vadd.f32 v34, v44;
	v49 =	vld [tilespmem:s19+$0x16990];
	v47 =	vmul.f32 v51, v51  }
0x1ac: {  	v53 =	vmul.f32 v59, v59;
	v52 =	vld [tilespmem:s19+$0x169B0];
	v54 =	vmul.f32 v58, v58  }
0x1ad: {  	v34 =	vld [tilespmem:s19+$0x129A0];
	v24 =	vadd.f32 v47, v24;
	v33 =	vmul.f32 v46, v46;
	v41 =	vmul.f32 v59, v46  }
0x1ae: {  	v5 =	vadd.f32 v53, v5;
	v46 =	vmul.f32 v48, v48;
	v48 =	vmul.f32 v48, v51;
	v50 =	vld [tilespmem:s19+$0x169F0]  }
0x1af: {  	v6 =	vadd.f32 v54, v6;
	v47 =	vmul.f32 v47, v25;
	v41 =	vmul.f32 v41, v25  }
0x1b0: {  	v51 =	vmul.f32 v49, v49;
	v48 =	vmul.f32 v48, v25;
	v21 =	vadd.f32 v46, v21;
	v56 =	vld [tilespmem:s19+$0x129E0]  }
0x1b1: {  	v2 =	vadd.f32 v47, v2;
	v47 =	vmul.f32 v46, v25;
	v3 =	vadd.f32 v41, v3  }
0x1b2: {  	v59 =	vld [tilespmem:s19+$0x16980];
	v46 =	vmul.f32 v51, v25;
	v7 =	vadd.f32 v51, v7;
	v51 =	vmul.f32 v55, v55  }
0x1b3: {  	v60 =	vmul.f32 v52, v52;
	v8 =	vadd.f32 v48, v8;
	v9 =	vadd.f32 v47, v9  }
0x1b4: {  	v41 =	vmul.f32 v50, v50;
	v47 =	vmul.f32 v51, v25;
	v10 =	vadd.f32 v51, v10  }
0x1b5: {  	v22 =	vadd.f32 v60, v22;
	v55 =	vmul.f32 v50, v55;
	v61 =	vld [tilespmem:s19+$0x12990];
	v48 =	vmul.f32 v56, v56  }
0x1b6: {  	v51 =	vmul.f32 v60, v25;
	v60 =	vmul.f32 v41, v25;
	v11 =	vadd.f32 v47, v11  }
0x1b7: {  	v62 =	vmul.f32 v57, v57;
	v50 =	vmul.f32 v59, v59;
	v12 =	vadd.f32 v48, v12  }
0x1b8: {  	v54 =	vmul.f32 v54, v25;
	v63 =	vmul.f32 v48, v25;
	v13 =	vadd.f32 v60, v13;
	v47 =	vld [tilespmem:s19+$0x169A0]  }
0x1b9: {  	v15 =	vadd.f32 v62, v15;
	v60 =	vmul.f32 v62, v25;
	v14 =	vadd.f32 v50, v14  }
0x1ba: {  	v17 =	vadd.f32 v54, v17;
	v16 =	vadd.f32 v63, v16;
	v62 =	vld [tilespmem:s19+$0x12980];
	v48 =	vmul.f32 v61, v61  }
.Ltmp1:
0x1bb: {  	v18 =	vadd.f32 v60, v18;
	v60 =	vmul.f32 v53, v25;
	v54 =	vmul.f32 v49, v61;
	(pc) =	sbr.rel @p0 .LBB2_4-.Ltmp1, $4  }
0x1bc: {  	v52 =	vmul.f32 v52, v57;
	v61 =	vmul.f32 v55, v25;
	v23 =	vadd.f32 v48, v23  }
0x1bd: {  	v49 =	vmul.f32 v34, v34;
	v19 =	vadd.f32 v60, v19;
	v53 =	vmul.f32 v47, v47  }
0x1be: {  	v20 =	vadd.f32 v33, v20;
	v52 =	vmul.f32 v52, v25;
	v57 =	vmul.f32 v58, v56  }
0x1bf: {  	v4 =	vadd.f32 v61, v4;
	v55 =	vmul.f32 v62, v62;
	v56 =	vmul.f32 v59, v62  }
0x1c0: {  	[tilespmem:s0], [sflag:$0x1] =	stream.indirect.gather [hbm4b:s1+s31], $0x80, s21, s31, $0xb8;
	[tilespmem:$0x1AC00] =	vst v63  }
0x1c1: {  	s18 =	simm.s32 $0x0;
	s19 =	rddreg [dreg:$0x12]  }
0x1c2: {  	[tilespmem:s2], [sflag:$0x3] =	stream.linear.gather [hbm4b:s19+s18], $0x2000, $0x38;
	[tilespmem:$0x1AC00] =	vst v63  }
0x1c3: {  	_ =	swait.ge [sflag:s10], $0x2000  }
0x1c4: {  	[sflag:s10] =	ssyncset.done $0x0  }
0x1c5: {  	[sflag:s10] =	ssyncadd.s32 $0xFFFFE000  }
0x1c6: {  	_ =	swait.ge [sflag:s8], $0x2000  }
0x1c7: {  	v58 =	vmul.f32 v49, v25;
	v57 =	vmul.f32 v57, v25;
	v26 =	vadd.f32 v51, v26;
	[sflag:s8] =	ssyncset.done $0x0  }
0x1c8: {  	v54 =	vmul.f32 v54, v25;
	v27 =	vadd.f32 v53, v27;
	s21 =	simm.s32 $0x0;
	v50 =	vmul.f32 v50, v25;
	[sflag:s8] =	ssyncadd.s32 $0xFFFFE000  }
0x1c9: {  	v62 =	vmul.f32 v53, v25;
	v61 =	vmul.f32 v55, v25;
	v28 =	vadd.f32 v55, v28;
	v55 =	vld [tilespmem:s21+$0x189D0]  }
0x1ca: {  	v31 =	vadd.f32 v46, v31;
	v63 =	vmul.f32 v33, v25;
	v60 =	vmul.f32 v56, v25;
	v46 =	vld [tilespmem:s21+$0x149C0]  }
0x1cb: {  	v30 =	vadd.f32 v57, v30;
	v33 =	vadd.f32 v50, v45;
	v50 =	vmul.f32 v47, v34;
	v57 =	vld [tilespmem:s21+$0x189E0]  }
0x1cc: {  	v32 =	vadd.f32 v52, v32;
	v29 =	vadd.f32 v58, v29;
	v58 =	vmul.f32 v48, v25;
	v59 =	vld [tilespmem:s21+$0x149D0]  }
0x1cd: {  	v37 =	vadd.f32 v60, v37;
	v45 =	vmul.f32 v50, v25;
	v25 =	vadd.f32 v63, v38;
	v60 =	vld [tilespmem:s21+$0x189C0]  }
0x1ce: {  	v38 =	vadd.f32 v58, v39;
	v39 =	vadd.f32 v49, v40;
	v49 =	vld [tilespmem:s21+$0x18990]  }
0x1cf: {  	v34 =	vadd.f32 v62, v35;
	v35 =	vadd.f32 v61, v42;
	v42 =	vld [tilespmem:s21+$0x4980]  }
0x1d0: {  	v41 =	vadd.f32 v41, v43;
	v61 =	vmul.f32 v46, v46;
	v52 =	vmul.f32 v55, v55  }
0x1d1: {  	v36 =	vadd.f32 v54, v36;
	v53 =	vmul.f32 v57, v57;
	v43 =	vmul.f32 v59, v59  }
0x1d2: {  	v40 =	vadd.f32 v45, v44;
	v45 =	vld [tilespmem:s21+$0x149F0];
	v47 =	vmul.f32 v55, v59;
	v62 =	vmul.f32 v60, v60  }
0x1d3: {  	v48 =	vld [tilespmem:s21+$0x189F0];
	v46 =	vmul.f32 v60, v46;
	v63 =	vmul.f32 v49, v49;
	v24 =	vadd.f32 v61, v24  }
0x1d4: {  	v56 =	vld [tilespmem:s21+$0x149E0];
	v5 =	vadd.f32 v52, v5;
	v44 =	vmul.f32 v61, v42;
	v47 =	vmul.f32 v47, v42  }
0x1d5: {  	v58 =	vld [tilespmem:s21+$0x149B0];
	v6 =	vadd.f32 v53, v6;
	v60 =	vmul.f32 v46, v42;
	v21 =	vadd.f32 v62, v21  }
0x1d6: {  	v1 =	vld [tilespmem:s21+$0x14980];
	v61 =	vmul.f32 v62, v42;
	v46 =	vmul.f32 v63, v42;
	v7 =	vadd.f32 v63, v7  }
0x1d7: {  	v55 =	vld [tilespmem:s21+$0x189B0];
	v62 =	vmul.f32 v45, v45;
	v53 =	vmul.f32 v53, v42;
	v20 =	vadd.f32 v43, v20  }
0x1d8: {  	v59 =	vld [tilespmem:s21+$0x18980];
	v52 =	vmul.f32 v52, v42;
	v2 =	vadd.f32 v44, v2;
	v3 =	vadd.f32 v47, v3  }
0x1d9: {  	v8 =	vadd.f32 v60, v8;
	v9 =	vadd.f32 v61, v9;
	v44 =	vmul.f32 v48, v48  }
0x1da: {  	v54 =	vmul.f32 v62, v42;
	v10 =	vadd.f32 v62, v10;
	v61 =	vmul.f32 v56, v56  }
0x1db: {  	v62 =	vmul.f32 v48, v45;
	v17 =	vadd.f32 v53, v17;
	v56 =	vmul.f32 v57, v56  }
0x1dc: {  	v19 =	vadd.f32 v52, v19;
	v50 =	vmul.f32 v55, v55;
	v55 =	vmul.f32 v55, v58  }
0x1dd: {  	v60 =	vld [tilespmem:s21+$0x14990];
	v57 =	vmul.f32 v59, v1;
	v11 =	vadd.f32 v54, v11;
	v48 =	vmul.f32 v44, v42  }
0x1de: {  	v45 =	vld [tilespmem:s21+$0x149A0];
	v54 =	vmul.f32 v58, v58;
	v12 =	vadd.f32 v61, v12;
	v61 =	vmul.f32 v61, v42  }
0x1df: {  	v47 =	vld [tilespmem:s21+$0x189A0];
	v22 =	vadd.f32 v50, v22;
	v51 =	vmul.f32 v50, v42;
	v50 =	vmul.f32 v59, v59  }
0x1e0: {  	v52 =	vmul.f32 v55, v42;
	v13 =	vadd.f32 v48, v13;
	v63 =	vmul.f32 v54, v42  }
0x1e1: {  	v55 =	vmul.f32 v1, v1;
	v15 =	vadd.f32 v54, v15;
	v16 =	vadd.f32 v61, v16  }
0x1e2: {  	v48 =	vmul.f32 v60, v60;
	v18 =	vadd.f32 v63, v18;
	v63 =	vmul.f32 v62, v42  }
0x1e3: {  	v14 =	vadd.f32 v50, v14;
	v54 =	vmul.f32 v49, v60;
	v49 =	vmul.f32 v45, v45  }
0x1e4: {  	s18 =	simm.s32 $0x200;
	v53 =	vmul.f32 v47, v47;
	v23 =	vadd.f32 v48, v23;
	v4 =	vadd.f32 v63, v4  }
.LBB2_6:
0x1e5: {  	s19 =	sshra.s32 s18, $0x2;
	p0 =	sne.s32 s18, $0x7E00;
	s18 =	sadd.s32 $0x200, s18;
	v1 =	vmul.f32 v49, v42;
	v26 =	vadd.f32 v51, v26;
	v51 =	vmul.f32 v56, v42  }
0x1e6: {  	v54 =	vmul.f32 v54, v42;
	v27 =	vadd.f32 v53, v27;
	v56 =	vld [tilespmem:s19+$0x149B0];
	v57 =	vmul.f32 v57, v42  }
0x1e7: {  	v53 =	vmul.f32 v53, v42;
	v59 =	vmul.f32 v55, v42;
	v28 =	vadd.f32 v55, v28;
	v58 =	vld [tilespmem:s19+$0x189D0]  }
0x1e8: {  	v50 =	vmul.f32 v50, v42;
	v29 =	vadd.f32 v1, v29;
	v30 =	vadd.f32 v51, v30;
	v55 =	vld [tilespmem:s19+$0x149F0]  }
0x1e9: {  	v31 =	vadd.f32 v46, v31;
	v32 =	vadd.f32 v52, v32;
	v43 =	vmul.f32 v43, v42;
	v1 =	vld [tilespmem:s19+$0x149C0]  }
0x1ea: {  	v45 =	vmul.f32 v47, v45;
	v33 =	vadd.f32 v50, v33;
	v34 =	vadd.f32 v53, v34;
	v60 =	vld [tilespmem:s19+$0x189E0]  }
0x1eb: {  	v47 =	vmul.f32 v48, v42;
	v36 =	vadd.f32 v54, v36;
	v35 =	vadd.f32 v59, v35;
	v46 =	vld [tilespmem:s19+$0x149D0]  }
0x1ec: {  	v45 =	vmul.f32 v45, v42;
	v25 =	vadd.f32 v43, v25;
	v37 =	vadd.f32 v57, v37;
	v48 =	vld [tilespmem:s19+$0x189C0]  }
0x1ed: {  	v39 =	vadd.f32 v49, v39;
	v38 =	vadd.f32 v47, v38;
	v42 =	vld [tilespmem:s19+$0x4980]  }
0x1ee: {  	v41 =	vadd.f32 v44, v41;
	v40 =	vadd.f32 v45, v40;
	v49 =	vld [tilespmem:s19+$0x18990];
	v47 =	vmul.f32 v1, v1  }
0x1ef: {  	v53 =	vmul.f32 v58, v58;
	v52 =	vld [tilespmem:s19+$0x189B0];
	v54 =	vmul.f32 v60, v60  }
0x1f0: {  	v45 =	vld [tilespmem:s19+$0x149A0];
	v24 =	vadd.f32 v47, v24;
	v43 =	vmul.f32 v46, v46;
	v44 =	vmul.f32 v58, v46  }
0x1f1: {  	v5 =	vadd.f32 v53, v5;
	v46 =	vmul.f32 v48, v48;
	v1 =	vmul.f32 v48, v1;
	v48 =	vld [tilespmem:s19+$0x189F0]  }
0x1f2: {  	v6 =	vadd.f32 v54, v6;
	v47 =	vmul.f32 v47, v42;
	v44 =	vmul.f32 v44, v42  }
0x1f3: {  	v50 =	vmul.f32 v49, v49;
	v1 =	vmul.f32 v1, v42;
	v21 =	vadd.f32 v46, v21;
	v57 =	vld [tilespmem:s19+$0x149E0]  }
0x1f4: {  	v2 =	vadd.f32 v47, v2;
	v47 =	vmul.f32 v46, v42;
	v3 =	vadd.f32 v44, v3  }
0x1f5: {  	v58 =	vld [tilespmem:s19+$0x18980];
	v46 =	vmul.f32 v50, v42;
	v7 =	vadd.f32 v50, v7;
	v50 =	vmul.f32 v55, v55  }
0x1f6: {  	v51 =	vmul.f32 v52, v52;
	v8 =	vadd.f32 v1, v8;
	v9 =	vadd.f32 v47, v9  }
0x1f7: {  	v44 =	vmul.f32 v48, v48;
	v1 =	vmul.f32 v50, v42;
	v10 =	vadd.f32 v50, v10  }
0x1f8: {  	v22 =	vadd.f32 v51, v22;
	v55 =	vmul.f32 v48, v55;
	v59 =	vld [tilespmem:s19+$0x14990];
	v61 =	vmul.f32 v57, v57  }
0x1f9: {  	v51 =	vmul.f32 v51, v42;
	v11 =	vadd.f32 v1, v11;
	v1 =	vmul.f32 v44, v42  }
0x1fa: {  	v48 =	vmul.f32 v56, v56;
	v50 =	vmul.f32 v58, v58;
	v12 =	vadd.f32 v61, v12  }
0x1fb: {  	v54 =	vmul.f32 v54, v42;
	v61 =	vmul.f32 v61, v42;
	v47 =	vld [tilespmem:s19+$0x189A0];
	v13 =	vadd.f32 v1, v13  }
0x1fc: {  	v15 =	vadd.f32 v48, v15;
	v1 =	vmul.f32 v48, v42;
	v14 =	vadd.f32 v50, v14  }
0x1fd: {  	v17 =	vadd.f32 v54, v17;
	v16 =	vadd.f32 v61, v16;
	v62 =	vld [tilespmem:s19+$0x14980];
	v48 =	vmul.f32 v59, v59  }
.Ltmp2:
0x1fe: {  	v54 =	vmul.f32 v49, v59;
	v18 =	vadd.f32 v1, v18;
	v1 =	vmul.f32 v53, v42;
	(pc) =	sbr.rel @p0 .LBB2_6-.Ltmp2, $4  }
0x1ff: {  	v52 =	vmul.f32 v52, v56;
	v59 =	vmul.f32 v55, v42;
	v23 =	vadd.f32 v48, v23  }
0x200: {  	v49 =	vmul.f32 v45, v45;
	v19 =	vadd.f32 v1, v19;
	v53 =	vmul.f32 v47, v47  }
0x201: {  	v20 =	vadd.f32 v43, v20;
	v52 =	vmul.f32 v52, v42;
	v56 =	vmul.f32 v60, v57  }
0x202: {  	v4 =	vadd.f32 v59, v4;
	v55 =	vmul.f32 v62, v62;
	v57 =	vmul.f32 v58, v62  }
0x203: {  	s18 =	simm.s32 $0x2440  }
0x204: {  	[tilespmem:s14], [sflag:$0x2] =	stream.indirect.gather [hbm4b:s1+s31], $0x80, s18, s31, $0xb8;
	[tilespmem:$0x1AC00] =	vst v63  }
0x205: {  	s20 =	simm.s32 $0x0;
	s19 =	rddreg [dreg:$0x13]  }
0x206: {  	[tilespmem:s13], [sflag:$0x4] =	stream.linear.gather [hbm4b:s19+s20], $0x2000, $0x38;
	[tilespmem:$0x1AC00] =	vst v63  }
0x207: {  	_ =	swait.ge [sflag:s15], $0x2000  }
0x208: {  	[sflag:s15] =	ssyncset.done $0x0  }
0x209: {  	[sflag:s15] =	ssyncadd.s32 $0xFFFFE000  }
0x20a: {  	_ =	swait.ge [sflag:s16], $0x2000  }
0x20b: {  	v1 =	vmul.f32 v49, v42;
	[sflag:s16] =	ssyncset.done $0x0  }
0x20c: {  	s21 =	simm.s32 $0x0;
	[sflag:s16] =	ssyncadd.s32 $0xFFFFE000  }
0x20d: {  	v29 =	vadd.f32 v1, v29;
	v1 =	vld [tilespmem:s21+$0x169D0]  }
0x20e: {  	v56 =	vmul.f32 v56, v42;
	v31 =	vadd.f32 v46, v31;
	v46 =	vld [tilespmem:s21+$0x129C0]  }
0x20f: {  	v26 =	vadd.f32 v51, v26;
	v63 =	vmul.f32 v55, v42;
	v28 =	vadd.f32 v55, v28;
	v55 =	vld [tilespmem:s21+$0x169E0]  }
0x210: {  	v54 =	vmul.f32 v54, v42;
	v27 =	vadd.f32 v53, v27;
	v50 =	vmul.f32 v50, v42;
	v60 =	vld [tilespmem:s21+$0x129D0]  }
0x211: {  	v58 =	vmul.f32 v53, v42;
	v32 =	vadd.f32 v52, v32;
	v43 =	vmul.f32 v43, v42;
	v61 =	vld [tilespmem:s21+$0x169C0]  }
0x212: {  	v45 =	vmul.f32 v47, v45;
	v39 =	vadd.f32 v49, v39;
	v41 =	vadd.f32 v44, v41;
	v49 =	vld [tilespmem:s21+$0x16990]  }
0x213: {  	v62 =	vmul.f32 v57, v42;
	v30 =	vadd.f32 v56, v30;
	v33 =	vadd.f32 v50, v33;
	v47 =	vld [tilespmem:s21+$0x129F0]  }
0x214: {  	v59 =	vmul.f32 v48, v42;
	v34 =	vadd.f32 v58, v34;
	v36 =	vadd.f32 v54, v36;
	v56 =	vld [tilespmem:s21+$0x169B0]  }
0x215: {  	v45 =	vmul.f32 v45, v42;
	v37 =	vadd.f32 v62, v37;
	v58 =	vld [tilespmem:s21+$0x129B0];
	v62 =	vmul.f32 v46, v46  }
0x216: {  	v25 =	vadd.f32 v43, v25;
	v42 =	vld [tilespmem:s21+$0x6980];
	v52 =	vmul.f32 v1, v1;
	v53 =	vmul.f32 v55, v55  }
0x217: {  	v38 =	vadd.f32 v59, v38;
	v43 =	vmul.f32 v60, v60;
	v1 =	vmul.f32 v1, v60  }
0x218: {  	v35 =	vadd.f32 v63, v35;
	v63 =	vmul.f32 v61, v61;
	v46 =	vmul.f32 v61, v46  }
0x219: {  	v40 =	vadd.f32 v45, v40;
	v54 =	vmul.f32 v49, v49;
	v61 =	vmul.f32 v47, v47  }
0x21a: {  	v48 =	vld [tilespmem:s21+$0x169F0];
	v50 =	vmul.f32 v56, v56;
	v56 =	vmul.f32 v56, v58;
	v24 =	vadd.f32 v62, v24  }
0x21b: {  	v5 =	vadd.f32 v52, v5;
	v45 =	vmul.f32 v62, v42;
	v1 =	vmul.f32 v1, v42  }
0x21c: {  	v6 =	vadd.f32 v53, v6;
	v60 =	vmul.f32 v46, v42;
	v21 =	vadd.f32 v63, v21  }
0x21d: {  	v57 =	vld [tilespmem:s21+$0x129E0];
	v44 =	vmul.f32 v63, v42;
	v46 =	vmul.f32 v54, v42;
	v7 =	vadd.f32 v54, v7  }
0x21e: {  	v54 =	vmul.f32 v61, v42;
	v10 =	vadd.f32 v61, v10;
	v22 =	vadd.f32 v50, v22  }
0x21f: {  	v61 =	vmul.f32 v48, v47;
	v51 =	vmul.f32 v50, v42;
	v20 =	vadd.f32 v43, v20  }
0x220: {  	v59 =	vld [tilespmem:s21+$0x12990];
	v53 =	vmul.f32 v53, v42;
	v2 =	vadd.f32 v45, v2;
	v3 =	vadd.f32 v1, v3  }
0x221: {  	v47 =	vld [tilespmem:s21+$0x169A0];
	v52 =	vmul.f32 v52, v42;
	v8 =	vadd.f32 v60, v8;
	v9 =	vadd.f32 v44, v9  }
0x222: {  	v63 =	vld [tilespmem:s21+$0x12980];
	v44 =	vmul.f32 v48, v48;
	v60 =	vmul.f32 v57, v57;
	v11 =	vadd.f32 v54, v11  }
0x223: {  	v1 =	vld [tilespmem:s21+$0x16980];
	v54 =	vmul.f32 v58, v58;
	v19 =	vadd.f32 v52, v19;
	v52 =	vmul.f32 v56, v42  }
0x224: {  	v45 =	vld [tilespmem:s21+$0x129A0];
	v17 =	vadd.f32 v53, v17;
	v56 =	vmul.f32 v55, v57;
	v48 =	vmul.f32 v44, v42  }
0x225: {  	v12 =	vadd.f32 v60, v12;
	v60 =	vmul.f32 v60, v42;
	v62 =	vmul.f32 v54, v42  }
0x226: {  	v15 =	vadd.f32 v54, v15;
	v54 =	vmul.f32 v49, v59;
	v53 =	vmul.f32 v47, v47  }
0x227: {  	v55 =	vmul.f32 v63, v63;
	v13 =	vadd.f32 v48, v13;
	v48 =	vmul.f32 v59, v59  }
0x228: {  	v18 =	vadd.f32 v62, v18;
	v62 =	vmul.f32 v61, v42;
	v50 =	vmul.f32 v1, v1  }
0x229: {  	v16 =	vadd.f32 v60, v16;
	v49 =	vmul.f32 v45, v45;
	v23 =	vadd.f32 v48, v23  }
0x22a: {  	s18 =	simm.s32 $0x200;
	v57 =	vmul.f32 v1, v63;
	v4 =	vadd.f32 v62, v4;
	v14 =	vadd.f32 v50, v14  }
.LBB2_8:
0x22b: {  	s19 =	sshra.s32 s18, $0x2;
	p0 =	sne.s32 s18, $0x7E00;
	s18 =	sadd.s32 $0x200, s18;
	v1 =	vmul.f32 v49, v42;
	v26 =	vadd.f32 v51, v26;
	v51 =	vmul.f32 v56, v42  }
0x22c: {  	v54 =	vmul.f32 v54, v42;
	v27 =	vadd.f32 v53, v27;
	v56 =	vld [tilespmem:s19+$0x129B0];
	v57 =	vmul.f32 v57, v42  }
0x22d: {  	v53 =	vmul.f32 v53, v42;
	v59 =	vmul.f32 v55, v42;
	v28 =	vadd.f32 v55, v28;
	v58 =	vld [tilespmem:s19+$0x169D0]  }
0x22e: {  	v50 =	vmul.f32 v50, v42;
	v29 =	vadd.f32 v1, v29;
	v30 =	vadd.f32 v51, v30;
	v55 =	vld [tilespmem:s19+$0x129F0]  }
0x22f: {  	v31 =	vadd.f32 v46, v31;
	v32 =	vadd.f32 v52, v32;
	v43 =	vmul.f32 v43, v42;
	v1 =	vld [tilespmem:s19+$0x129C0]  }
0x230: {  	v45 =	vmul.f32 v47, v45;
	v33 =	vadd.f32 v50, v33;
	v34 =	vadd.f32 v53, v34;
	v60 =	vld [tilespmem:s19+$0x169E0]  }
0x231: {  	v47 =	vmul.f32 v48, v42;
	v36 =	vadd.f32 v54, v36;
	v35 =	vadd.f32 v59, v35;
	v46 =	vld [tilespmem:s19+$0x129D0]  }
0x232: {  	v45 =	vmul.f32 v45, v42;
	v25 =	vadd.f32 v43, v25;
	v37 =	vadd.f32 v57, v37;
	v48 =	vld [tilespmem:s19+$0x169C0]  }
0x233: {  	v39 =	vadd.f32 v49, v39;
	v38 =	vadd.f32 v47, v38;
	v42 =	vld [tilespmem:s19+$0x6980]  }
0x234: {  	v41 =	vadd.f32 v44, v41;
	v40 =	vadd.f32 v45, v40;
	v49 =	vld [tilespmem:s19+$0x16990];
	v47 =	vmul.f32 v1, v1  }
0x235: {  	v53 =	vmul.f32 v58, v58;
	v52 =	vld [tilespmem:s19+$0x169B0];
	v54 =	vmul.f32 v60, v60  }
0x236: {  	v45 =	vld [tilespmem:s19+$0x129A0];
	v24 =	vadd.f32 v47, v24;
	v43 =	vmul.f32 v46, v46;
	v44 =	vmul.f32 v58, v46  }
0x237: {  	v5 =	vadd.f32 v53, v5;
	v46 =	vmul.f32 v48, v48;
	v1 =	vmul.f32 v48, v1;
	v48 =	vld [tilespmem:s19+$0x169F0]  }
0x238: {  	v6 =	vadd.f32 v54, v6;
	v47 =	vmul.f32 v47, v42;
	v44 =	vmul.f32 v44, v42  }
0x239: {  	v50 =	vmul.f32 v49, v49;
	v1 =	vmul.f32 v1, v42;
	v21 =	vadd.f32 v46, v21;
	v57 =	vld [tilespmem:s19+$0x129E0]  }
0x23a: {  	v2 =	vadd.f32 v47, v2;
	v47 =	vmul.f32 v46, v42;
	v3 =	vadd.f32 v44, v3  }
0x23b: {  	v58 =	vld [tilespmem:s19+$0x16980];
	v46 =	vmul.f32 v50, v42;
	v7 =	vadd.f32 v50, v7;
	v50 =	vmul.f32 v55, v55  }
0x23c: {  	v51 =	vmul.f32 v52, v52;
	v8 =	vadd.f32 v1, v8;
	v9 =	vadd.f32 v47, v9  }
0x23d: {  	v44 =	vmul.f32 v48, v48;
	v1 =	vmul.f32 v50, v42;
	v10 =	vadd.f32 v50, v10  }
0x23e: {  	v22 =	vadd.f32 v51, v22;
	v55 =	vmul.f32 v48, v55;
	v59 =	vld [tilespmem:s19+$0x12990];
	v61 =	vmul.f32 v57, v57  }
0x23f: {  	v51 =	vmul.f32 v51, v42;
	v11 =	vadd.f32 v1, v11;
	v1 =	vmul.f32 v44, v42  }
0x240: {  	v48 =	vmul.f32 v56, v56;
	v50 =	vmul.f32 v58, v58;
	v12 =	vadd.f32 v61, v12  }
0x241: {  	v54 =	vmul.f32 v54, v42;
	v61 =	vmul.f32 v61, v42;
	v47 =	vld [tilespmem:s19+$0x169A0];
	v13 =	vadd.f32 v1, v13  }
0x242: {  	v15 =	vadd.f32 v48, v15;
	v1 =	vmul.f32 v48, v42;
	v14 =	vadd.f32 v50, v14  }
0x243: {  	v17 =	vadd.f32 v54, v17;
	v16 =	vadd.f32 v61, v16;
	v62 =	vld [tilespmem:s19+$0x12980];
	v48 =	vmul.f32 v59, v59  }
.Ltmp3:
0x244: {  	v54 =	vmul.f32 v49, v59;
	v18 =	vadd.f32 v1, v18;
	v1 =	vmul.f32 v53, v42;
	(pc) =	sbr.rel @p0 .LBB2_8-.Ltmp3, $4  }
0x245: {  	v52 =	vmul.f32 v52, v56;
	v59 =	vmul.f32 v55, v42;
	v23 =	vadd.f32 v48, v23  }
0x246: {  	v49 =	vmul.f32 v45, v45;
	v19 =	vadd.f32 v1, v19;
	v53 =	vmul.f32 v47, v47  }
0x247: {  	v20 =	vadd.f32 v43, v20;
	v52 =	vmul.f32 v52, v42;
	v56 =	vmul.f32 v60, v57  }
0x248: {  	v4 =	vadd.f32 v59, v4;
	v55 =	vmul.f32 v62, v62;
	v57 =	vmul.f32 v58, v62  }
0x249: {  	[tilespmem:s0], [sflag:$0x1] =	stream.indirect.gather [hbm4b:s1+s31], $0x80, s22, s31, $0xb8;
	[tilespmem:$0x1AC00] =	vst v63  }
0x24a: {  	s18 =	simm.s32 $0x0;
	s19 =	rddreg [dreg:$0x14]  }
0x24b: {  	[tilespmem:s2], [sflag:$0x3] =	stream.linear.gather [hbm4b:s19+s18], $0x2000, $0x38;
	[tilespmem:$0x1AC00] =	vst v63  }
0x24c: {  	_ =	swait.ge [sflag:s10], $0x2000  }
0x24d: {  	[sflag:s10] =	ssyncset.done $0x0  }
0x24e: {  	[sflag:s10] =	ssyncadd.s32 $0xFFFFE000  }
0x24f: {  	_ =	swait.ge [sflag:s8], $0x2000  }
0x250: {  	v1 =	vmul.f32 v49, v42;
	[sflag:s8] =	ssyncset.done $0x0  }
0x251: {  	s22 =	simm.s32 $0x0;
	[sflag:s8] =	ssyncadd.s32 $0xFFFFE000  }
0x252: {  	v29 =	vadd.f32 v1, v29;
	v1 =	vld [tilespmem:s22+$0x189D0]  }
0x253: {  	v56 =	vmul.f32 v56, v42;
	v31 =	vadd.f32 v46, v31;
	v46 =	vld [tilespmem:s22+$0x149C0]  }
0x254: {  	v26 =	vadd.f32 v51, v26;
	v63 =	vmul.f32 v55, v42;
	v28 =	vadd.f32 v55, v28;
	v55 =	vld [tilespmem:s22+$0x189E0]  }
0x255: {  	v54 =	vmul.f32 v54, v42;
	v27 =	vadd.f32 v53, v27;
	v50 =	vmul.f32 v50, v42;
	v60 =	vld [tilespmem:s22+$0x149D0]  }
0x256: {  	v58 =	vmul.f32 v53, v42;
	v32 =	vadd.f32 v52, v32;
	v43 =	vmul.f32 v43, v42;
	v61 =	vld [tilespmem:s22+$0x189C0]  }
0x257: {  	v45 =	vmul.f32 v47, v45;
	v39 =	vadd.f32 v49, v39;
	v41 =	vadd.f32 v44, v41;
	v49 =	vld [tilespmem:s22+$0x18990]  }
0x258: {  	v62 =	vmul.f32 v57, v42;
	v30 =	vadd.f32 v56, v30;
	v33 =	vadd.f32 v50, v33;
	v47 =	vld [tilespmem:s22+$0x149F0]  }
0x259: {  	v59 =	vmul.f32 v48, v42;
	v34 =	vadd.f32 v58, v34;
	v36 =	vadd.f32 v54, v36;
	v56 =	vld [tilespmem:s22+$0x189B0]  }
0x25a: {  	v45 =	vmul.f32 v45, v42;
	v37 =	vadd.f32 v62, v37;
	v58 =	vld [tilespmem:s22+$0x149B0];
	v62 =	vmul.f32 v46, v46  }
0x25b: {  	v25 =	vadd.f32 v43, v25;
	v42 =	vld [tilespmem:s22+$0x8980];
	v52 =	vmul.f32 v1, v1;
	v53 =	vmul.f32 v55, v55  }
0x25c: {  	v38 =	vadd.f32 v59, v38;
	v43 =	vmul.f32 v60, v60;
	v1 =	vmul.f32 v1, v60  }
0x25d: {  	v35 =	vadd.f32 v63, v35;
	v63 =	vmul.f32 v61, v61;
	v46 =	vmul.f32 v61, v46  }
0x25e: {  	v40 =	vadd.f32 v45, v40;
	v54 =	vmul.f32 v49, v49;
	v61 =	vmul.f32 v47, v47  }
0x25f: {  	v48 =	vld [tilespmem:s22+$0x189F0];
	v50 =	vmul.f32 v56, v56;
	v56 =	vmul.f32 v56, v58;
	v24 =	vadd.f32 v62, v24  }
0x260: {  	v5 =	vadd.f32 v52, v5;
	v45 =	vmul.f32 v62, v42;
	v1 =	vmul.f32 v1, v42  }
0x261: {  	v6 =	vadd.f32 v53, v6;
	v60 =	vmul.f32 v46, v42;
	v21 =	vadd.f32 v63, v21  }
0x262: {  	v57 =	vld [tilespmem:s22+$0x149E0];
	v44 =	vmul.f32 v63, v42;
	v46 =	vmul.f32 v54, v42;
	v7 =	vadd.f32 v54, v7  }
0x263: {  	v54 =	vmul.f32 v61, v42;
	v10 =	vadd.f32 v61, v10;
	v22 =	vadd.f32 v50, v22  }
0x264: {  	v61 =	vmul.f32 v48, v47;
	v51 =	vmul.f32 v50, v42;
	v20 =	vadd.f32 v43, v20  }
0x265: {  	v59 =	vld [tilespmem:s22+$0x14990];
	v53 =	vmul.f32 v53, v42;
	v2 =	vadd.f32 v45, v2;
	v3 =	vadd.f32 v1, v3  }
0x266: {  	v47 =	vld [tilespmem:s22+$0x189A0];
	v52 =	vmul.f32 v52, v42;
	v8 =	vadd.f32 v60, v8;
	v9 =	vadd.f32 v44, v9  }
0x267: {  	v63 =	vld [tilespmem:s22+$0x14980];
	v44 =	vmul.f32 v48, v48;
	v60 =	vmul.f32 v57, v57;
	v11 =	vadd.f32 v54, v11  }
0x268: {  	v1 =	vld [tilespmem:s22+$0x18980];
	v54 =	vmul.f32 v58, v58;
	v19 =	vadd.f32 v52, v19;
	v52 =	vmul.f32 v56, v42  }
0x269: {  	v45 =	vld [tilespmem:s22+$0x149A0];
	v17 =	vadd.f32 v53, v17;
	v56 =	vmul.f32 v55, v57;
	v48 =	vmul.f32 v44, v42  }
0x26a: {  	v12 =	vadd.f32 v60, v12;
	v60 =	vmul.f32 v60, v42;
	v62 =	vmul.f32 v54, v42  }
0x26b: {  	v15 =	vadd.f32 v54, v15;
	v54 =	vmul.f32 v49, v59;
	v53 =	vmul.f32 v47, v47  }
0x26c: {  	v55 =	vmul.f32 v63, v63;
	v13 =	vadd.f32 v48, v13;
	v48 =	vmul.f32 v59, v59  }
0x26d: {  	v18 =	vadd.f32 v62, v18;
	v62 =	vmul.f32 v61, v42;
	v50 =	vmul.f32 v1, v1  }
0x26e: {  	v16 =	vadd.f32 v60, v16;
	v49 =	vmul.f32 v45, v45;
	v23 =	vadd.f32 v48, v23  }
0x26f: {  	s18 =	simm.s32 $0x200;
	v57 =	vmul.f32 v1, v63;
	v4 =	vadd.f32 v62, v4;
	v14 =	vadd.f32 v50, v14  }
.LBB2_10:
0x270: {  	s19 =	sshra.s32 s18, $0x2;
	p0 =	sne.s32 s18, $0x7E00;
	s18 =	sadd.s32 $0x200, s18;
	v1 =	vmul.f32 v49, v42;
	v26 =	vadd.f32 v51, v26;
	v51 =	vmul.f32 v56, v42  }
0x271: {  	v54 =	vmul.f32 v54, v42;
	v27 =	vadd.f32 v53, v27;
	v56 =	vld [tilespmem:s19+$0x149B0];
	v57 =	vmul.f32 v57, v42  }
0x272: {  	v53 =	vmul.f32 v53, v42;
	v59 =	vmul.f32 v55, v42;
	v28 =	vadd.f32 v55, v28;
	v58 =	vld [tilespmem:s19+$0x189D0]  }
0x273: {  	v50 =	vmul.f32 v50, v42;
	v29 =	vadd.f32 v1, v29;
	v30 =	vadd.f32 v51, v30;
	v55 =	vld [tilespmem:s19+$0x149F0]  }
0x274: {  	v31 =	vadd.f32 v46, v31;
	v32 =	vadd.f32 v52, v32;
	v43 =	vmul.f32 v43, v42;
	v1 =	vld [tilespmem:s19+$0x149C0]  }
0x275: {  	v45 =	vmul.f32 v47, v45;
	v33 =	vadd.f32 v50, v33;
	v34 =	vadd.f32 v53, v34;
	v60 =	vld [tilespmem:s19+$0x189E0]  }
0x276: {  	v47 =	vmul.f32 v48, v42;
	v36 =	vadd.f32 v54, v36;
	v35 =	vadd.f32 v59, v35;
	v46 =	vld [tilespmem:s19+$0x149D0]  }
0x277: {  	v45 =	vmul.f32 v45, v42;
	v25 =	vadd.f32 v43, v25;
	v37 =	vadd.f32 v57, v37;
	v48 =	vld [tilespmem:s19+$0x189C0]  }
0x278: {  	v39 =	vadd.f32 v49, v39;
	v38 =	vadd.f32 v47, v38;
	v42 =	vld [tilespmem:s19+$0x8980]  }
0x279: {  	v41 =	vadd.f32 v44, v41;
	v40 =	vadd.f32 v45, v40;
	v49 =	vld [tilespmem:s19+$0x18990];
	v47 =	vmul.f32 v1, v1  }
0x27a: {  	v53 =	vmul.f32 v58, v58;
	v52 =	vld [tilespmem:s19+$0x189B0];
	v54 =	vmul.f32 v60, v60  }
0x27b: {  	v45 =	vld [tilespmem:s19+$0x149A0];
	v24 =	vadd.f32 v47, v24;
	v43 =	vmul.f32 v46, v46;
	v44 =	vmul.f32 v58, v46  }
0x27c: {  	v5 =	vadd.f32 v53, v5;
	v46 =	vmul.f32 v48, v48;
	v1 =	vmul.f32 v48, v1;
	v48 =	vld [tilespmem:s19+$0x189F0]  }
0x27d: {  	v6 =	vadd.f32 v54, v6;
	v47 =	vmul.f32 v47, v42;
	v44 =	vmul.f32 v44, v42  }
0x27e: {  	v50 =	vmul.f32 v49, v49;
	v1 =	vmul.f32 v1, v42;
	v21 =	vadd.f32 v46, v21;
	v57 =	vld [tilespmem:s19+$0x149E0]  }
0x27f: {  	v2 =	vadd.f32 v47, v2;
	v47 =	vmul.f32 v46, v42;
	v3 =	vadd.f32 v44, v3  }
0x280: {  	v58 =	vld [tilespmem:s19+$0x18980];
	v46 =	vmul.f32 v50, v42;
	v7 =	vadd.f32 v50, v7;
	v50 =	vmul.f32 v55, v55  }
0x281: {  	v51 =	vmul.f32 v52, v52;
	v8 =	vadd.f32 v1, v8;
	v9 =	vadd.f32 v47, v9  }
0x282: {  	v44 =	vmul.f32 v48, v48;
	v1 =	vmul.f32 v50, v42;
	v10 =	vadd.f32 v50, v10  }
0x283: {  	v22 =	vadd.f32 v51, v22;
	v55 =	vmul.f32 v48, v55;
	v59 =	vld [tilespmem:s19+$0x14990];
	v61 =	vmul.f32 v57, v57  }
0x284: {  	v51 =	vmul.f32 v51, v42;
	v11 =	vadd.f32 v1, v11;
	v1 =	vmul.f32 v44, v42  }
0x285: {  	v48 =	vmul.f32 v56, v56;
	v50 =	vmul.f32 v58, v58;
	v12 =	vadd.f32 v61, v12  }
0x286: {  	v54 =	vmul.f32 v54, v42;
	v61 =	vmul.f32 v61, v42;
	v47 =	vld [tilespmem:s19+$0x189A0];
	v13 =	vadd.f32 v1, v13  }
0x287: {  	v15 =	vadd.f32 v48, v15;
	v1 =	vmul.f32 v48, v42;
	v14 =	vadd.f32 v50, v14  }
0x288: {  	v17 =	vadd.f32 v54, v17;
	v16 =	vadd.f32 v61, v16;
	v62 =	vld [tilespmem:s19+$0x14980];
	v48 =	vmul.f32 v59, v59  }
.Ltmp4:
0x289: {  	v54 =	vmul.f32 v49, v59;
	v18 =	vadd.f32 v1, v18;
	v1 =	vmul.f32 v53, v42;
	(pc) =	sbr.rel @p0 .LBB2_10-.Ltmp4, $4  }
0x28a: {  	v52 =	vmul.f32 v52, v56;
	v59 =	vmul.f32 v55, v42;
	v23 =	vadd.f32 v48, v23  }
0x28b: {  	v49 =	vmul.f32 v45, v45;
	v19 =	vadd.f32 v1, v19;
	v53 =	vmul.f32 v47, v47  }
0x28c: {  	v20 =	vadd.f32 v43, v20;
	v52 =	vmul.f32 v52, v42;
	v56 =	vmul.f32 v60, v57  }
0x28d: {  	v4 =	vadd.f32 v59, v4;
	v55 =	vmul.f32 v62, v62;
	v57 =	vmul.f32 v58, v62  }
0x28e: {  	s18 =	simm.s32 $0x24C0  }
0x28f: {  	[tilespmem:s14], [sflag:$0x2] =	stream.indirect.gather [hbm4b:s1+s31], $0x80, s18, s31, $0xb8;
	[tilespmem:$0x1AC00] =	vst v63  }
0x290: {  	s21 =	simm.s32 $0x0;
	s19 =	rddreg [dreg:$0x16]  }
0x291: {  	[tilespmem:s13], [sflag:$0x4] =	stream.linear.gather [hbm4b:s19+s21], $0x2000, $0x38;
	[tilespmem:$0x1AC00] =	vst v63  }
0x292: {  	_ =	swait.ge [sflag:s15], $0x2000  }
0x293: {  	[sflag:s15] =	ssyncset.done $0x0  }
0x294: {  	[sflag:s15] =	ssyncadd.s32 $0xFFFFE000  }
0x295: {  	_ =	swait.ge [sflag:s16], $0x2000  }
0x296: {  	v1 =	vmul.f32 v49, v42;
	[sflag:s16] =	ssyncset.done $0x0  }
0x297: {  	s22 =	simm.s32 $0x0;
	[sflag:s16] =	ssyncadd.s32 $0xFFFFE000  }
0x298: {  	v29 =	vadd.f32 v1, v29;
	v1 =	vld [tilespmem:s22+$0x169D0]  }
0x299: {  	v56 =	vmul.f32 v56, v42;
	v31 =	vadd.f32 v46, v31;
	v46 =	vld [tilespmem:s22+$0x129C0]  }
0x29a: {  	v26 =	vadd.f32 v51, v26;
	v63 =	vmul.f32 v55, v42;
	v28 =	vadd.f32 v55, v28;
	v55 =	vld [tilespmem:s22+$0x169E0]  }
0x29b: {  	v54 =	vmul.f32 v54, v42;
	v27 =	vadd.f32 v53, v27;
	v50 =	vmul.f32 v50, v42;
	v60 =	vld [tilespmem:s22+$0x129D0]  }
0x29c: {  	v58 =	vmul.f32 v53, v42;
	v32 =	vadd.f32 v52, v32;
	v43 =	vmul.f32 v43, v42;
	v61 =	vld [tilespmem:s22+$0x169C0]  }
0x29d: {  	v45 =	vmul.f32 v47, v45;
	v39 =	vadd.f32 v49, v39;
	v41 =	vadd.f32 v44, v41;
	v49 =	vld [tilespmem:s22+$0x16990]  }
0x29e: {  	v62 =	vmul.f32 v57, v42;
	v30 =	vadd.f32 v56, v30;
	v33 =	vadd.f32 v50, v33;
	v47 =	vld [tilespmem:s22+$0x129F0]  }
0x29f: {  	v59 =	vmul.f32 v48, v42;
	v34 =	vadd.f32 v58, v34;
	v36 =	vadd.f32 v54, v36;
	v56 =	vld [tilespmem:s22+$0x169B0]  }
0x2a0: {  	v45 =	vmul.f32 v45, v42;
	v37 =	vadd.f32 v62, v37;
	v58 =	vld [tilespmem:s22+$0x129B0];
	v62 =	vmul.f32 v46, v46  }
0x2a1: {  	v25 =	vadd.f32 v43, v25;
	v42 =	vld [tilespmem:s22+$0xA980];
	v52 =	vmul.f32 v1, v1;
	v53 =	vmul.f32 v55, v55  }
0x2a2: {  	v38 =	vadd.f32 v59, v38;
	v43 =	vmul.f32 v60, v60;
	v1 =	vmul.f32 v1, v60  }
0x2a3: {  	v35 =	vadd.f32 v63, v35;
	v63 =	vmul.f32 v61, v61;
	v46 =	vmul.f32 v61, v46  }
0x2a4: {  	v40 =	vadd.f32 v45, v40;
	v54 =	vmul.f32 v49, v49;
	v61 =	vmul.f32 v47, v47  }
0x2a5: {  	v48 =	vld [tilespmem:s22+$0x169F0];
	v50 =	vmul.f32 v56, v56;
	v56 =	vmul.f32 v56, v58;
	v24 =	vadd.f32 v62, v24  }
0x2a6: {  	v5 =	vadd.f32 v52, v5;
	v45 =	vmul.f32 v62, v42;
	v1 =	vmul.f32 v1, v42  }
0x2a7: {  	v6 =	vadd.f32 v53, v6;
	v60 =	vmul.f32 v46, v42;
	v21 =	vadd.f32 v63, v21  }
0x2a8: {  	v57 =	vld [tilespmem:s22+$0x129E0];
	v44 =	vmul.f32 v63, v42;
	v46 =	vmul.f32 v54, v42;
	v7 =	vadd.f32 v54, v7  }
0x2a9: {  	v54 =	vmul.f32 v61, v42;
	v10 =	vadd.f32 v61, v10;
	v22 =	vadd.f32 v50, v22  }
0x2aa: {  	v61 =	vmul.f32 v48, v47;
	v51 =	vmul.f32 v50, v42;
	v20 =	vadd.f32 v43, v20  }
0x2ab: {  	v59 =	vld [tilespmem:s22+$0x12990];
	v53 =	vmul.f32 v53, v42;
	v2 =	vadd.f32 v45, v2;
	v3 =	vadd.f32 v1, v3  }
0x2ac: {  	v47 =	vld [tilespmem:s22+$0x169A0];
	v52 =	vmul.f32 v52, v42;
	v8 =	vadd.f32 v60, v8;
	v9 =	vadd.f32 v44, v9  }
0x2ad: {  	v63 =	vld [tilespmem:s22+$0x12980];
	v44 =	vmul.f32 v48, v48;
	v60 =	vmul.f32 v57, v57;
	v11 =	vadd.f32 v54, v11  }
0x2ae: {  	v1 =	vld [tilespmem:s22+$0x16980];
	v54 =	vmul.f32 v58, v58;
	v19 =	vadd.f32 v52, v19;
	v52 =	vmul.f32 v56, v42  }
0x2af: {  	v45 =	vld [tilespmem:s22+$0x129A0];
	v17 =	vadd.f32 v53, v17;
	v56 =	vmul.f32 v55, v57;
	v48 =	vmul.f32 v44, v42  }
0x2b0: {  	v12 =	vadd.f32 v60, v12;
	v60 =	vmul.f32 v60, v42;
	v62 =	vmul.f32 v54, v42  }
0x2b1: {  	v15 =	vadd.f32 v54, v15;
	v54 =	vmul.f32 v49, v59;
	v53 =	vmul.f32 v47, v47  }
0x2b2: {  	v55 =	vmul.f32 v63, v63;
	v13 =	vadd.f32 v48, v13;
	v48 =	vmul.f32 v59, v59  }
0x2b3: {  	v18 =	vadd.f32 v62, v18;
	v62 =	vmul.f32 v61, v42;
	v50 =	vmul.f32 v1, v1  }
0x2b4: {  	v16 =	vadd.f32 v60, v16;
	v49 =	vmul.f32 v45, v45;
	v23 =	vadd.f32 v48, v23  }
0x2b5: {  	s18 =	simm.s32 $0x200;
	v57 =	vmul.f32 v1, v63;
	v4 =	vadd.f32 v62, v4;
	v14 =	vadd.f32 v50, v14  }
.LBB2_12:
0x2b6: {  	s19 =	sshra.s32 s18, $0x2;
	p0 =	sne.s32 s18, $0x7E00;
	s18 =	sadd.s32 $0x200, s18;
	v1 =	vmul.f32 v49, v42;
	v26 =	vadd.f32 v51, v26;
	v51 =	vmul.f32 v56, v42  }
0x2b7: {  	v54 =	vmul.f32 v54, v42;
	v27 =	vadd.f32 v53, v27;
	v56 =	vld [tilespmem:s19+$0x129B0];
	v57 =	vmul.f32 v57, v42  }
0x2b8: {  	v53 =	vmul.f32 v53, v42;
	v59 =	vmul.f32 v55, v42;
	v28 =	vadd.f32 v55, v28;
	v58 =	vld [tilespmem:s19+$0x169D0]  }
0x2b9: {  	v50 =	vmul.f32 v50, v42;
	v29 =	vadd.f32 v1, v29;
	v30 =	vadd.f32 v51, v30;
	v55 =	vld [tilespmem:s19+$0x129F0]  }
0x2ba: {  	v31 =	vadd.f32 v46, v31;
	v32 =	vadd.f32 v52, v32;
	v43 =	vmul.f32 v43, v42;
	v1 =	vld [tilespmem:s19+$0x129C0]  }
0x2bb: {  	v45 =	vmul.f32 v47, v45;
	v33 =	vadd.f32 v50, v33;
	v34 =	vadd.f32 v53, v34;
	v60 =	vld [tilespmem:s19+$0x169E0]  }
0x2bc: {  	v47 =	vmul.f32 v48, v42;
	v36 =	vadd.f32 v54, v36;
	v35 =	vadd.f32 v59, v35;
	v46 =	vld [tilespmem:s19+$0x129D0]  }
0x2bd: {  	v45 =	vmul.f32 v45, v42;
	v25 =	vadd.f32 v43, v25;
	v37 =	vadd.f32 v57, v37;
	v48 =	vld [tilespmem:s19+$0x169C0]  }
0x2be: {  	v39 =	vadd.f32 v49, v39;
	v38 =	vadd.f32 v47, v38;
	v42 =	vld [tilespmem:s19+$0xA980]  }
0x2bf: {  	v41 =	vadd.f32 v44, v41;
	v40 =	vadd.f32 v45, v40;
	v49 =	vld [tilespmem:s19+$0x16990];
	v47 =	vmul.f32 v1, v1  }
0x2c0: {  	v53 =	vmul.f32 v58, v58;
	v52 =	vld [tilespmem:s19+$0x169B0];
	v54 =	vmul.f32 v60, v60  }
0x2c1: {  	v45 =	vld [tilespmem:s19+$0x129A0];
	v24 =	vadd.f32 v47, v24;
	v43 =	vmul.f32 v46, v46;
	v44 =	vmul.f32 v58, v46  }
0x2c2: {  	v5 =	vadd.f32 v53, v5;
	v46 =	vmul.f32 v48, v48;
	v1 =	vmul.f32 v48, v1;
	v48 =	vld [tilespmem:s19+$0x169F0]  }
0x2c3: {  	v6 =	vadd.f32 v54, v6;
	v47 =	vmul.f32 v47, v42;
	v44 =	vmul.f32 v44, v42  }
0x2c4: {  	v50 =	vmul.f32 v49, v49;
	v1 =	vmul.f32 v1, v42;
	v21 =	vadd.f32 v46, v21;
	v57 =	vld [tilespmem:s19+$0x129E0]  }
0x2c5: {  	v2 =	vadd.f32 v47, v2;
	v47 =	vmul.f32 v46, v42;
	v3 =	vadd.f32 v44, v3  }
0x2c6: {  	v58 =	vld [tilespmem:s19+$0x16980];
	v46 =	vmul.f32 v50, v42;
	v7 =	vadd.f32 v50, v7;
	v50 =	vmul.f32 v55, v55  }
0x2c7: {  	v51 =	vmul.f32 v52, v52;
	v8 =	vadd.f32 v1, v8;
	v9 =	vadd.f32 v47, v9  }
0x2c8: {  	v44 =	vmul.f32 v48, v48;
	v1 =	vmul.f32 v50, v42;
	v10 =	vadd.f32 v50, v10  }
0x2c9: {  	v22 =	vadd.f32 v51, v22;
	v55 =	vmul.f32 v48, v55;
	v59 =	vld [tilespmem:s19+$0x12990];
	v61 =	vmul.f32 v57, v57  }
0x2ca: {  	v51 =	vmul.f32 v51, v42;
	v11 =	vadd.f32 v1, v11;
	v1 =	vmul.f32 v44, v42  }
0x2cb: {  	v48 =	vmul.f32 v56, v56;
	v50 =	vmul.f32 v58, v58;
	v12 =	vadd.f32 v61, v12  }
0x2cc: {  	v54 =	vmul.f32 v54, v42;
	v61 =	vmul.f32 v61, v42;
	v47 =	vld [tilespmem:s19+$0x169A0];
	v13 =	vadd.f32 v1, v13  }
0x2cd: {  	v15 =	vadd.f32 v48, v15;
	v1 =	vmul.f32 v48, v42;
	v14 =	vadd.f32 v50, v14  }
0x2ce: {  	v17 =	vadd.f32 v54, v17;
	v16 =	vadd.f32 v61, v16;
	v62 =	vld [tilespmem:s19+$0x12980];
	v48 =	vmul.f32 v59, v59  }
.Ltmp5:
0x2cf: {  	v54 =	vmul.f32 v49, v59;
	v18 =	vadd.f32 v1, v18;
	v1 =	vmul.f32 v53, v42;
	(pc) =	sbr.rel @p0 .LBB2_12-.Ltmp5, $4  }
0x2d0: {  	v52 =	vmul.f32 v52, v56;
	v59 =	vmul.f32 v55, v42;
	v23 =	vadd.f32 v48, v23  }
0x2d1: {  	v49 =	vmul.f32 v45, v45;
	v19 =	vadd.f32 v1, v19;
	v53 =	vmul.f32 v47, v47  }
0x2d2: {  	v20 =	vadd.f32 v43, v20;
	v52 =	vmul.f32 v52, v42;
	v56 =	vmul.f32 v60, v57  }
0x2d3: {  	v4 =	vadd.f32 v59, v4;
	v55 =	vmul.f32 v62, v62;
	v57 =	vmul.f32 v58, v62  }
0x2d4: {  	[tilespmem:s0], [sflag:$0x1] =	stream.indirect.gather [hbm4b:s1+s31], $0x80, s23, s31, $0xb8;
	[tilespmem:$0x1AC00] =	vst v63  }
0x2d5: {  	s18 =	simm.s32 $0x0;
	s19 =	rddreg [dreg:$0x18]  }
0x2d6: {  	[tilespmem:s2], [sflag:$0x3] =	stream.linear.gather [hbm4b:s19+s18], $0x2000, $0x38;
	[tilespmem:$0x1AC00] =	vst v63  }
0x2d7: {  	_ =	swait.ge [sflag:s10], $0x2000  }
0x2d8: {  	[sflag:s10] =	ssyncset.done $0x0  }
0x2d9: {  	[sflag:s10] =	ssyncadd.s32 $0xFFFFE000  }
0x2da: {  	_ =	swait.ge [sflag:s8], $0x2000  }
0x2db: {  	v1 =	vmul.f32 v49, v42;
	[sflag:s8] =	ssyncset.done $0x0  }
0x2dc: {  	s23 =	simm.s32 $0x0;
	[sflag:s8] =	ssyncadd.s32 $0xFFFFE000  }
0x2dd: {  	v29 =	vadd.f32 v1, v29;
	v1 =	vld [tilespmem:s23+$0x189D0]  }
0x2de: {  	v56 =	vmul.f32 v56, v42;
	v31 =	vadd.f32 v46, v31;
	v46 =	vld [tilespmem:s23+$0x149C0]  }
0x2df: {  	v26 =	vadd.f32 v51, v26;
	v63 =	vmul.f32 v55, v42;
	v28 =	vadd.f32 v55, v28;
	v55 =	vld [tilespmem:s23+$0x189E0]  }
0x2e0: {  	v54 =	vmul.f32 v54, v42;
	v27 =	vadd.f32 v53, v27;
	v50 =	vmul.f32 v50, v42;
	v60 =	vld [tilespmem:s23+$0x149D0]  }
0x2e1: {  	v58 =	vmul.f32 v53, v42;
	v32 =	vadd.f32 v52, v32;
	v43 =	vmul.f32 v43, v42;
	v61 =	vld [tilespmem:s23+$0x189C0]  }
0x2e2: {  	v45 =	vmul.f32 v47, v45;
	v39 =	vadd.f32 v49, v39;
	v41 =	vadd.f32 v44, v41;
	v49 =	vld [tilespmem:s23+$0x18990]  }
0x2e3: {  	v62 =	vmul.f32 v57, v42;
	v30 =	vadd.f32 v56, v30;
	v33 =	vadd.f32 v50, v33;
	v47 =	vld [tilespmem:s23+$0x149F0]  }
0x2e4: {  	v59 =	vmul.f32 v48, v42;
	v34 =	vadd.f32 v58, v34;
	v36 =	vadd.f32 v54, v36;
	v56 =	vld [tilespmem:s23+$0x189B0]  }
0x2e5: {  	v45 =	vmul.f32 v45, v42;
	v37 =	vadd.f32 v62, v37;
	v58 =	vld [tilespmem:s23+$0x149B0];
	v62 =	vmul.f32 v46, v46  }
0x2e6: {  	v25 =	vadd.f32 v43, v25;
	v42 =	vld [tilespmem:s23+$0xC980];
	v52 =	vmul.f32 v1, v1;
	v53 =	vmul.f32 v55, v55  }
0x2e7: {  	v38 =	vadd.f32 v59, v38;
	v43 =	vmul.f32 v60, v60;
	v1 =	vmul.f32 v1, v60  }
0x2e8: {  	v35 =	vadd.f32 v63, v35;
	v63 =	vmul.f32 v61, v61;
	v46 =	vmul.f32 v61, v46  }
0x2e9: {  	v40 =	vadd.f32 v45, v40;
	v54 =	vmul.f32 v49, v49;
	v61 =	vmul.f32 v47, v47  }
0x2ea: {  	v48 =	vld [tilespmem:s23+$0x189F0];
	v50 =	vmul.f32 v56, v56;
	v56 =	vmul.f32 v56, v58;
	v24 =	vadd.f32 v62, v24  }
0x2eb: {  	v5 =	vadd.f32 v52, v5;
	v45 =	vmul.f32 v62, v42;
	v1 =	vmul.f32 v1, v42  }
0x2ec: {  	v6 =	vadd.f32 v53, v6;
	v60 =	vmul.f32 v46, v42;
	v21 =	vadd.f32 v63, v21  }
0x2ed: {  	v57 =	vld [tilespmem:s23+$0x149E0];
	v44 =	vmul.f32 v63, v42;
	v46 =	vmul.f32 v54, v42;
	v7 =	vadd.f32 v54, v7  }
0x2ee: {  	v54 =	vmul.f32 v61, v42;
	v10 =	vadd.f32 v61, v10;
	v22 =	vadd.f32 v50, v22  }
0x2ef: {  	v61 =	vmul.f32 v48, v47;
	v51 =	vmul.f32 v50, v42;
	v20 =	vadd.f32 v43, v20  }
0x2f0: {  	v59 =	vld [tilespmem:s23+$0x14990];
	v53 =	vmul.f32 v53, v42;
	v2 =	vadd.f32 v45, v2;
	v3 =	vadd.f32 v1, v3  }
0x2f1: {  	v47 =	vld [tilespmem:s23+$0x189A0];
	v52 =	vmul.f32 v52, v42;
	v8 =	vadd.f32 v60, v8;
	v9 =	vadd.f32 v44, v9  }
0x2f2: {  	v63 =	vld [tilespmem:s23+$0x14980];
	v44 =	vmul.f32 v48, v48;
	v60 =	vmul.f32 v57, v57;
	v11 =	vadd.f32 v54, v11  }
0x2f3: {  	v1 =	vld [tilespmem:s23+$0x18980];
	v54 =	vmul.f32 v58, v58;
	v19 =	vadd.f32 v52, v19;
	v52 =	vmul.f32 v56, v42  }
0x2f4: {  	v45 =	vld [tilespmem:s23+$0x149A0];
	v17 =	vadd.f32 v53, v17;
	v56 =	vmul.f32 v55, v57;
	v48 =	vmul.f32 v44, v42  }
0x2f5: {  	v12 =	vadd.f32 v60, v12;
	v60 =	vmul.f32 v60, v42;
	v62 =	vmul.f32 v54, v42  }
0x2f6: {  	v15 =	vadd.f32 v54, v15;
	v54 =	vmul.f32 v49, v59;
	v53 =	vmul.f32 v47, v47  }
0x2f7: {  	v55 =	vmul.f32 v63, v63;
	v13 =	vadd.f32 v48, v13;
	v48 =	vmul.f32 v59, v59  }
0x2f8: {  	v18 =	vadd.f32 v62, v18;
	v62 =	vmul.f32 v61, v42;
	v50 =	vmul.f32 v1, v1  }
0x2f9: {  	v16 =	vadd.f32 v60, v16;
	v49 =	vmul.f32 v45, v45;
	v23 =	vadd.f32 v48, v23  }
0x2fa: {  	s18 =	simm.s32 $0x200;
	v57 =	vmul.f32 v1, v63;
	v4 =	vadd.f32 v62, v4;
	v14 =	vadd.f32 v50, v14  }
.LBB2_14:
0x2fb: {  	s19 =	sshra.s32 s18, $0x2;
	p0 =	sne.s32 s18, $0x7E00;
	s18 =	sadd.s32 $0x200, s18;
	v1 =	vmul.f32 v49, v42;
	v26 =	vadd.f32 v51, v26;
	v51 =	vmul.f32 v56, v42  }
0x2fc: {  	v54 =	vmul.f32 v54, v42;
	v27 =	vadd.f32 v53, v27;
	v56 =	vld [tilespmem:s19+$0x149B0];
	v57 =	vmul.f32 v57, v42  }
0x2fd: {  	v53 =	vmul.f32 v53, v42;
	v59 =	vmul.f32 v55, v42;
	v28 =	vadd.f32 v55, v28;
	v58 =	vld [tilespmem:s19+$0x189D0]  }
0x2fe: {  	v50 =	vmul.f32 v50, v42;
	v29 =	vadd.f32 v1, v29;
	v30 =	vadd.f32 v51, v30;
	v55 =	vld [tilespmem:s19+$0x149F0]  }
0x2ff: {  	v31 =	vadd.f32 v46, v31;
	v32 =	vadd.f32 v52, v32;
	v43 =	vmul.f32 v43, v42;
	v1 =	vld [tilespmem:s19+$0x149C0]  }
0x300: {  	v45 =	vmul.f32 v47, v45;
	v33 =	vadd.f32 v50, v33;
	v34 =	vadd.f32 v53, v34;
	v60 =	vld [tilespmem:s19+$0x189E0]  }
0x301: {  	v47 =	vmul.f32 v48, v42;
	v36 =	vadd.f32 v54, v36;
	v35 =	vadd.f32 v59, v35;
	v46 =	vld [tilespmem:s19+$0x149D0]  }
0x302: {  	v45 =	vmul.f32 v45, v42;
	v25 =	vadd.f32 v43, v25;
	v37 =	vadd.f32 v57, v37;
	v48 =	vld [tilespmem:s19+$0x189C0]  }
0x303: {  	v39 =	vadd.f32 v49, v39;
	v38 =	vadd.f32 v47, v38;
	v42 =	vld [tilespmem:s19+$0xC980]  }
0x304: {  	v41 =	vadd.f32 v44, v41;
	v40 =	vadd.f32 v45, v40;
	v49 =	vld [tilespmem:s19+$0x18990];
	v47 =	vmul.f32 v1, v1  }
0x305: {  	v53 =	vmul.f32 v58, v58;
	v52 =	vld [tilespmem:s19+$0x189B0];
	v54 =	vmul.f32 v60, v60  }
0x306: {  	v45 =	vld [tilespmem:s19+$0x149A0];
	v24 =	vadd.f32 v47, v24;
	v43 =	vmul.f32 v46, v46;
	v44 =	vmul.f32 v58, v46  }
0x307: {  	v5 =	vadd.f32 v53, v5;
	v46 =	vmul.f32 v48, v48;
	v1 =	vmul.f32 v48, v1;
	v48 =	vld [tilespmem:s19+$0x189F0]  }
0x308: {  	v6 =	vadd.f32 v54, v6;
	v47 =	vmul.f32 v47, v42;
	v44 =	vmul.f32 v44, v42  }
0x309: {  	v50 =	vmul.f32 v49, v49;
	v1 =	vmul.f32 v1, v42;
	v21 =	vadd.f32 v46, v21;
	v57 =	vld [tilespmem:s19+$0x149E0]  }
0x30a: {  	v2 =	vadd.f32 v47, v2;
	v47 =	vmul.f32 v46, v42;
	v3 =	vadd.f32 v44, v3  }
0x30b: {  	v58 =	vld [tilespmem:s19+$0x18980];
	v46 =	vmul.f32 v50, v42;
	v7 =	vadd.f32 v50, v7;
	v50 =	vmul.f32 v55, v55  }
0x30c: {  	v51 =	vmul.f32 v52, v52;
	v8 =	vadd.f32 v1, v8;
	v9 =	vadd.f32 v47, v9  }
0x30d: {  	v44 =	vmul.f32 v48, v48;
	v1 =	vmul.f32 v50, v42;
	v10 =	vadd.f32 v50, v10  }
0x30e: {  	v22 =	vadd.f32 v51, v22;
	v55 =	vmul.f32 v48, v55;
	v59 =	vld [tilespmem:s19+$0x14990];
	v61 =	vmul.f32 v57, v57  }
0x30f: {  	v51 =	vmul.f32 v51, v42;
	v11 =	vadd.f32 v1, v11;
	v1 =	vmul.f32 v44, v42  }
0x310: {  	v48 =	vmul.f32 v56, v56;
	v50 =	vmul.f32 v58, v58;
	v12 =	vadd.f32 v61, v12  }
0x311: {  	v54 =	vmul.f32 v54, v42;
	v61 =	vmul.f32 v61, v42;
	v47 =	vld [tilespmem:s19+$0x189A0];
	v13 =	vadd.f32 v1, v13  }
0x312: {  	v15 =	vadd.f32 v48, v15;
	v1 =	vmul.f32 v48, v42;
	v14 =	vadd.f32 v50, v14  }
0x313: {  	v17 =	vadd.f32 v54, v17;
	v16 =	vadd.f32 v61, v16;
	v62 =	vld [tilespmem:s19+$0x14980];
	v48 =	vmul.f32 v59, v59  }
.Ltmp6:
0x314: {  	v54 =	vmul.f32 v49, v59;
	v18 =	vadd.f32 v1, v18;
	v1 =	vmul.f32 v53, v42;
	(pc) =	sbr.rel @p0 .LBB2_14-.Ltmp6, $4  }
0x315: {  	v52 =	vmul.f32 v52, v56;
	v59 =	vmul.f32 v55, v42;
	v23 =	vadd.f32 v48, v23  }
0x316: {  	v49 =	vmul.f32 v45, v45;
	v19 =	vadd.f32 v1, v19;
	v53 =	vmul.f32 v47, v47  }
0x317: {  	v20 =	vadd.f32 v43, v20;
	v52 =	vmul.f32 v52, v42;
	v56 =	vmul.f32 v60, v57  }
0x318: {  	v4 =	vadd.f32 v59, v4;
	v55 =	vmul.f32 v62, v62;
	v57 =	vmul.f32 v58, v62  }
0x319: {  	s18 =	simm.s32 $0x2540  }
0x31a: {  	[tilespmem:s14], [sflag:$0x2] =	stream.indirect.gather [hbm4b:s1+s31], $0x80, s18, s31, $0xb8;
	[tilespmem:$0x1AC00] =	vst v63  }
0x31b: {  	s22 =	simm.s32 $0x0  }
0x31c: {  	[tilespmem:s13], [sflag:$0x4] =	stream.linear.gather [hbm4b:s28+s22], $0x2000, $0x38;
	[tilespmem:$0x1AC00] =	vst v63  }
0x31d: {  	_ =	swait.ge [sflag:s15], $0x2000  }
0x31e: {  	[sflag:s15] =	ssyncset.done $0x0  }
0x31f: {  	[sflag:s15] =	ssyncadd.s32 $0xFFFFE000  }
0x320: {  	_ =	swait.ge [sflag:s16], $0x2000  }
0x321: {  	v1 =	vmul.f32 v49, v42;
	[sflag:s16] =	ssyncset.done $0x0  }
0x322: {  	s23 =	simm.s32 $0x0;
	[sflag:s16] =	ssyncadd.s32 $0xFFFFE000  }
0x323: {  	v56 =	vmul.f32 v56, v42;
	v29 =	vadd.f32 v1, v29;
	v1 =	vld [tilespmem:s23+$0x169D0]  }
0x324: {  	v31 =	vadd.f32 v46, v31;
	v46 =	vld [tilespmem:s23+$0x129C0]  }
0x325: {  	v26 =	vadd.f32 v51, v26;
	v61 =	vmul.f32 v53, v42;
	v30 =	vadd.f32 v56, v30;
	v56 =	vld [tilespmem:s23+$0x169E0]  }
0x326: {  	v54 =	vmul.f32 v54, v42;
	v27 =	vadd.f32 v53, v27;
	v50 =	vmul.f32 v50, v42;
	v63 =	vld [tilespmem:s23+$0x129D0]  }
0x327: {  	v32 =	vadd.f32 v52, v32;
	v45 =	vmul.f32 v47, v45;
	v34 =	vadd.f32 v61, v34;
	v61 =	vld [tilespmem:s23+$0x169C0]  }
0x328: {  	v62 =	vmul.f32 v48, v42;
	v39 =	vadd.f32 v49, v39;
	v51 =	vmul.f32 v57, v42;
	v53 =	vld [tilespmem:s23+$0x16990]  }
0x329: {  	v60 =	vmul.f32 v55, v42;
	v33 =	vadd.f32 v50, v33;
	v36 =	vadd.f32 v54, v36;
	v50 =	vld [tilespmem:s23+$0x129F0]  }
0x32a: {  	v43 =	vmul.f32 v43, v42;
	v38 =	vadd.f32 v62, v38;
	v37 =	vadd.f32 v51, v37;
	v51 =	vld [tilespmem:s23+$0x169F0]  }
0x32b: {  	v35 =	vadd.f32 v60, v35;
	v60 =	vmul.f32 v45, v42;
	v54 =	vld [tilespmem:s23+$0xE980];
	v62 =	vmul.f32 v46, v46  }
0x32c: {  	v41 =	vadd.f32 v44, v41;
	v57 =	vmul.f32 v1, v1;
	v52 =	vmul.f32 v56, v56  }
0x32d: {  	v28 =	vadd.f32 v55, v28;
	v58 =	vld [tilespmem:s23+$0x169B0];
	v55 =	vmul.f32 v63, v63;
	v1 =	vmul.f32 v1, v63  }
0x32e: {  	v40 =	vadd.f32 v60, v40;
	v60 =	vld [tilespmem:s23+$0x129B0];
	v47 =	vmul.f32 v61, v61;
	v63 =	vmul.f32 v61, v46  }
0x32f: {  	v25 =	vadd.f32 v43, v25;
	v46 =	vmul.f32 v53, v53;
	v61 =	vmul.f32 v51, v50  }
0x330: {  	v24 =	vadd.f32 v62, v24;
	v42 =	vadd.f32 v57, v5;
	v5 =	vmul.f32 v62, v54  }
0x331: {  	v1 =	vmul.f32 v1, v54;
	v43 =	vadd.f32 v52, v6;
	v48 =	vmul.f32 v63, v54  }
0x332: {  	v6 =	vmul.f32 v46, v54;
	v46 =	vadd.f32 v46, v7;
	v7 =	vmul.f32 v58, v58  }
0x333: {  	v59 =	vld [tilespmem:s23+$0x129E0];
	v21 =	vadd.f32 v47, v21;
	v62 =	vmul.f32 v60, v60;
	v63 =	vmul.f32 v52, v54  }
0x334: {  	v58 =	vmul.f32 v58, v60;
	v60 =	vmul.f32 v61, v54;
	v44 =	vadd.f32 v5, v2  }
0x335: {  	v2 =	vmul.f32 v47, v54;
	v45 =	vadd.f32 v1, v3;
	v3 =	vmul.f32 v50, v50  }
0x336: {  	v20 =	vadd.f32 v55, v20;
	v1 =	vld [tilespmem:s23+$0x16980];
	v47 =	vadd.f32 v48, v8;
	v5 =	vmul.f32 v51, v51  }
0x337: {  	v22 =	vadd.f32 v7, v22;
	v8 =	vld [tilespmem:s23+$0x169A0];
	v48 =	vadd.f32 v2, v9;
	v2 =	vmul.f32 v3, v54  }
0x338: {  	v15 =	vadd.f32 v62, v15;
	v49 =	vadd.f32 v3, v10;
	v9 =	vld [tilespmem:s23+$0x12990];
	v10 =	vmul.f32 v59, v59  }
0x339: {  	v17 =	vadd.f32 v63, v17;
	v50 =	vadd.f32 v2, v11;
	v11 =	vmul.f32 v5, v54  }
0x33a: {  	v3 =	vmul.f32 v7, v54;
	v7 =	vld [tilespmem:s23+$0x129A0];
	v51 =	vadd.f32 v10, v12;
	v12 =	vmul.f32 v10, v54  }
0x33b: {  	v2 =	vmul.f32 v1, v1;
	v52 =	vadd.f32 v11, v13;
	v11 =	vmul.f32 v62, v54;
	v62 =	vld [tilespmem:s23+$0x12980]  }
0x33c: {  	v16 =	vadd.f32 v12, v16;
	v12 =	vmul.f32 v57, v54;
	v13 =	vmul.f32 v8, v8  }
0x33d: {  	v57 =	vmul.f32 v56, v59;
	v14 =	vadd.f32 v2, v14;
	v10 =	vmul.f32 v9, v9  }
0x33e: {  	v9 =	vmul.f32 v53, v9;
	v53 =	vadd.f32 v60, v4;
	v18 =	vadd.f32 v11, v18  }
0x33f: {  	v11 =	vmul.f32 v7, v7;
	v19 =	vadd.f32 v12, v19;
	v12 =	vmul.f32 v58, v54  }
0x340: {  	s18 =	simm.s32 $0x200;
	v23 =	vadd.f32 v10, v23;
	v56 =	vmul.f32 v62, v62;
	v58 =	vmul.f32 v1, v62  }
.LBB2_16:
0x341: {  	s19 =	sshra.s32 s18, $0x2;
	p0 =	sne.s32 s18, $0x7E00;
	s18 =	sadd.s32 $0x200, s18;
	v1 =	vmul.f32 v11, v54;
	v26 =	vadd.f32 v3, v26;
	v3 =	vmul.f32 v57, v54  }
0x342: {  	v9 =	vmul.f32 v9, v54;
	v27 =	vadd.f32 v13, v27;
	v4 =	vld [tilespmem:s19+$0x129B0];
	v57 =	vmul.f32 v58, v54  }
0x343: {  	v13 =	vmul.f32 v13, v54;
	v59 =	vmul.f32 v56, v54;
	v28 =	vadd.f32 v56, v28;
	v58 =	vld [tilespmem:s19+$0x169D0]  }
0x344: {  	v2 =	vmul.f32 v2, v54;
	v29 =	vadd.f32 v1, v29;
	v30 =	vadd.f32 v3, v30;
	v56 =	vld [tilespmem:s19+$0x129F0]  }
0x345: {  	v31 =	vadd.f32 v6, v31;
	v32 =	vadd.f32 v12, v32;
	v3 =	vmul.f32 v55, v54;
	v1 =	vld [tilespmem:s19+$0x129C0]  }
0x346: {  	v33 =	vadd.f32 v2, v33;
	v2 =	vmul.f32 v8, v7;
	v34 =	vadd.f32 v13, v34;
	v60 =	vld [tilespmem:s19+$0x169E0]  }
0x347: {  	v7 =	vmul.f32 v10, v54;
	v36 =	vadd.f32 v9, v36;
	v35 =	vadd.f32 v59, v35;
	v6 =	vld [tilespmem:s19+$0x129D0]  }
0x348: {  	v37 =	vadd.f32 v57, v37;
	v2 =	vmul.f32 v2, v54;
	v25 =	vadd.f32 v3, v25;
	v8 =	vld [tilespmem:s19+$0x169C0]  }
0x349: {  	v39 =	vadd.f32 v11, v39;
	v38 =	vadd.f32 v7, v38;
	v54 =	vld [tilespmem:s19+$0xE980]  }
0x34a: {  	v41 =	vadd.f32 v5, v41;
	v40 =	vadd.f32 v2, v40;
	v9 =	vld [tilespmem:s19+$0x16990];
	v3 =	vmul.f32 v1, v1  }
0x34b: {  	v12 =	vmul.f32 v58, v58;
	v11 =	vld [tilespmem:s19+$0x169B0];
	v10 =	vmul.f32 v60, v60  }
0x34c: {  	v7 =	vld [tilespmem:s19+$0x129A0];
	v24 =	vadd.f32 v3, v24;
	v55 =	vmul.f32 v6, v6;
	v2 =	vmul.f32 v58, v6  }
0x34d: {  	v42 =	vadd.f32 v12, v42;
	v5 =	vmul.f32 v8, v8;
	v1 =	vmul.f32 v8, v1;
	v8 =	vld [tilespmem:s19+$0x169F0]  }
0x34e: {  	v43 =	vadd.f32 v10, v43;
	v3 =	vmul.f32 v3, v54;
	v2 =	vmul.f32 v2, v54  }
0x34f: {  	v13 =	vmul.f32 v9, v9;
	v1 =	vmul.f32 v1, v54;
	v21 =	vadd.f32 v5, v21;
	v57 =	vld [tilespmem:s19+$0x129E0]  }
0x350: {  	v44 =	vadd.f32 v3, v44;
	v3 =	vmul.f32 v5, v54;
	v45 =	vadd.f32 v2, v45  }
0x351: {  	v2 =	vmul.f32 v56, v56;
	v58 =	vld [tilespmem:s19+$0x16980];
	v6 =	vmul.f32 v13, v54;
	v46 =	vadd.f32 v13, v46  }
0x352: {  	v13 =	vmul.f32 v11, v11;
	v47 =	vadd.f32 v1, v47;
	v48 =	vadd.f32 v3, v48  }
0x353: {  	v5 =	vmul.f32 v8, v8;
	v1 =	vmul.f32 v2, v54;
	v49 =	vadd.f32 v2, v49  }
0x354: {  	v56 =	vmul.f32 v8, v56;
	v22 =	vadd.f32 v13, v22;
	v59 =	vld [tilespmem:s19+$0x12990];
	v61 =	vmul.f32 v57, v57  }
0x355: {  	v3 =	vmul.f32 v13, v54;
	v50 =	vadd.f32 v1, v50;
	v1 =	vmul.f32 v5, v54  }
0x356: {  	v13 =	vmul.f32 v4, v4;
	v2 =	vmul.f32 v58, v58;
	v51 =	vadd.f32 v61, v51  }
0x357: {  	v62 =	vmul.f32 v10, v54;
	v61 =	vmul.f32 v61, v54;
	v52 =	vadd.f32 v1, v52;
	v8 =	vld [tilespmem:s19+$0x169A0]  }
0x358: {  	v15 =	vadd.f32 v13, v15;
	v1 =	vmul.f32 v13, v54;
	v14 =	vadd.f32 v2, v14  }
0x359: {  	v17 =	vadd.f32 v62, v17;
	v16 =	vadd.f32 v61, v16;
	v63 =	vld [tilespmem:s19+$0x12980];
	v10 =	vmul.f32 v59, v59  }
.Ltmp7:
0x35a: {  	v18 =	vadd.f32 v1, v18;
	v1 =	vmul.f32 v12, v54;
	v9 =	vmul.f32 v9, v59;
	(pc) =	sbr.rel @p0 .LBB2_16-.Ltmp7, $4  }
0x35b: {  	v4 =	vmul.f32 v11, v4;
	v59 =	vmul.f32 v56, v54;
	v23 =	vadd.f32 v10, v23  }
0x35c: {  	v11 =	vmul.f32 v7, v7;
	v19 =	vadd.f32 v1, v19;
	v13 =	vmul.f32 v8, v8  }
0x35d: {  	v20 =	vadd.f32 v55, v20;
	v57 =	vmul.f32 v60, v57;
	v12 =	vmul.f32 v4, v54  }
0x35e: {  	v53 =	vadd.f32 v59, v53;
	v56 =	vmul.f32 v63, v63;
	v58 =	vmul.f32 v58, v63  }
0x35f: {  	_ =	swait.ge [sflag:s10], $0x2000  }
0x360: {  	[sflag:s10] =	ssyncset.done $0x0  }
0x361: {  	[sflag:s10] =	ssyncadd.s32 $0xFFFFE000  }
0x362: {  	_ =	swait.ge [sflag:s8], $0x2000  }
0x363: {  	v1 =	vmul.f32 v11, v54;
	[sflag:s8] =	ssyncset.done $0x0  }
0x364: {  	v57 =	vmul.f32 v57, v54;
	s18 =	simm.s32 $0x0;
	[sflag:s8] =	ssyncadd.s32 $0xFFFFE000  }
0x365: {  	v3 =	vadd.f32 v3, v26;
	v59 =	vmul.f32 v9, v54;
	v9 =	vadd.f32 v1, v29;
	v1 =	vld [tilespmem:s18+$0x189D0]  }
0x366: {  	v4 =	vadd.f32 v13, v27;
	v13 =	vmul.f32 v13, v54;
	v26 =	vadd.f32 v6, v31;
	v29 =	vld [tilespmem:s18+$0x149C0]  }
0x367: {  	v6 =	vadd.f32 v12, v32;
	v12 =	vmul.f32 v55, v54;
	v7 =	vmul.f32 v8, v7;
	v0 =	vld [tilespmem:s18+$0x189E0]  }
0x368: {  	v10 =	vmul.f32 v10, v54;
	v27 =	vadd.f32 v56, v28;
	v28 =	vmul.f32 v2, v54;
	v63 =	vld [tilespmem:s18+$0x149D0]  }
0x369: {  	v5 =	vadd.f32 v5, v41;
	v58 =	vmul.f32 v58, v54;
	v13 =	vadd.f32 v13, v34;
	v34 =	vld [tilespmem:s18+$0x189C0]  }
0x36a: {  	v60 =	vmul.f32 v56, v54;
	v31 =	vadd.f32 v28, v33;
	v33 =	vadd.f32 v10, v38;
	v38 =	vld [tilespmem:s18+$0x149F0]  }
0x36b: {  	v2 =	vadd.f32 v57, v30;
	v30 =	vadd.f32 v59, v36;
	v28 =	vmul.f32 v7, v54;
	v7 =	vld [tilespmem:s18+$0x10980]  }
0x36c: {  	v8 =	vadd.f32 v12, v25;
	v25 =	vadd.f32 v11, v39;
	v56 =	vld [tilespmem:s18+$0x18990];
	v10 =	vmul.f32 v29, v29  }
0x36d: {  	v35 =	vadd.f32 v60, v35;
	v57 =	vmul.f32 v1, v1;
	v59 =	vmul.f32 v0, v0  }
0x36e: {  	v28 =	vadd.f32 v28, v40;
	v40 =	vmul.f32 v63, v63;
	v1 =	vmul.f32 v1, v63  }
0x36f: {  	v55 =	vadd.f32 v58, v37;
	v58 =	vmul.f32 v34, v34;
	v63 =	vmul.f32 v38, v38  }
0x370: {  	v60 =	vld [tilespmem:s18+$0x189B0];
	v12 =	vadd.f32 v10, v24;
	v24 =	vmul.f32 v34, v29;
	v29 =	vmul.f32 v10, v7  }
0x371: {  	v61 =	vld [tilespmem:s18+$0x149E0];
	v1 =	vmul.f32 v1, v7;
	v10 =	vadd.f32 v59, v43;
	v43 =	vmul.f32 v56, v56  }
0x372: {  	v62 =	vld [tilespmem:s18+$0x149B0];
	v11 =	vadd.f32 v57, v42;
	v59 =	vmul.f32 v59, v7;
	v39 =	vmul.f32 v24, v7  }
0x373: {  	v34 =	vld [tilespmem:s18+$0x189F0];
	v24 =	vadd.f32 v58, v21;
	v32 =	vadd.f32 v29, v44;
	v21 =	vmul.f32 v58, v7  }
0x374: {  	v29 =	vadd.f32 v1, v45;
	v58 =	vld [tilespmem:s18+$0x18980];
	v54 =	vmul.f32 v43, v7;
	v41 =	vadd.f32 v43, v46  }
0x375: {  	v44 =	vmul.f32 v60, v60;
	v45 =	vmul.f32 v63, v7;
	v36 =	vadd.f32 v39, v47  }
0x376: {  	v43 =	vmul.f32 v61, v61;
	v37 =	vadd.f32 v21, v48;
	v21 =	vadd.f32 v63, v49  }
0x377: {  	v39 =	vadd.f32 v44, v22;
	v47 =	vmul.f32 v44, v7;
	v44 =	vmul.f32 v62, v62  }
0x378: {  	[tilespmem:$0x1FFF0] =	vst v0;
	v0 =	vld [tilespmem:s18+$0x14980];
	v22 =	vadd.f32 v45, v50;
	v1 =	vmul.f32 v43, v7;
	v42 =	vmul.f32 v34, v34  }
0x379: {  	v63 =	vmul.f32 v34, v38;
	v38 =	vadd.f32 v43, v51;
	v50 =	vmul.f32 v58, v58  }
0x37a: {  	v49 =	vld [tilespmem:s18+$0x14990];
	v43 =	vadd.f32 v44, v15;
	v15 =	vadd.f32 v1, v16;
	v1 =	vmul.f32 v57, v7  }
0x37b: {  	v46 =	vld [tilespmem:s18+$0x149A0];
	v16 =	vmul.f32 v60, v62;
	v45 =	vadd.f32 v50, v14  }
0x37c: {  	v34 =	vmul.f32 v42, v7;
	v14 =	vadd.f32 v59, v17;
	v17 =	vadd.f32 v1, v19;
	v1 =	vld [tilespmem:$0x1FFF0]  }
0x37d: {  	v48 =	vld [tilespmem:s18+$0x189A0];
	v57 =	vmul.f32 v0, v0;
	v63 =	vmul.f32 v63, v7  }
0x37e: {  	v58 =	vmul.f32 v58, v0;
	v34 =	vadd.f32 v34, v52;
	v52 =	vmul.f32 v44, v7  }
0x37f: {  	v51 =	vmul.f32 v49, v49;
	v56 =	vmul.f32 v56, v49  }
0x380: {  	v49 =	vmul.f32 v46, v46;
	v19 =	vmul.f32 v16, v7  }
0x381: {  	v44 =	vadd.f32 v52, v18;
	v18 =	vadd.f32 v40, v20;
	v20 =	vmul.f32 v1, v61  }
0x382: {  	s18 =	simm.s32 $0x200;
	v16 =	vadd.f32 v63, v53;
	v23 =	vadd.f32 v51, v23;
	v52 =	vmul.f32 v48, v48  }
.LBB2_18:
0x383: {  	s19 =	sshra.s32 s18, $0x2;
	p0 =	sne.s32 s18, $0x7E00;
	s18 =	sadd.s32 $0x200, s18;
	v0 =	vmul.f32 v49, v7;
	v3 =	vadd.f32 v47, v3;
	v1 =	vmul.f32 v20, v7  }
0x384: {  	v53 =	vmul.f32 v56, v7;
	v4 =	vadd.f32 v52, v4;
	v20 =	vld [tilespmem:s19+$0x149B0];
	v47 =	vmul.f32 v58, v7  }
0x385: {  	v52 =	vmul.f32 v52, v7;
	v58 =	vmul.f32 v57, v7;
	v27 =	vadd.f32 v57, v27;
	v56 =	vld [tilespmem:s19+$0x189D0]  }
0x386: {  	v50 =	vmul.f32 v50, v7;
	v9 =	vadd.f32 v0, v9;
	v2 =	vadd.f32 v1, v2;
	v57 =	vld [tilespmem:s19+$0x149F0]  }
0x387: {  	v26 =	vadd.f32 v54, v26;
	v6 =	vadd.f32 v19, v6;
	v1 =	vmul.f32 v40, v7;
	v0 =	vld [tilespmem:s19+$0x149C0]  }
0x388: {  	v19 =	vmul.f32 v48, v46;
	v31 =	vadd.f32 v50, v31;
	v13 =	vadd.f32 v52, v13;
	v59 =	vld [tilespmem:s19+$0x189E0]  }
0x389: {  	v40 =	vmul.f32 v51, v7;
	v30 =	vadd.f32 v53, v30;
	v35 =	vadd.f32 v58, v35;
	v48 =	vld [tilespmem:s19+$0x149D0]  }
0x38a: {  	v19 =	vmul.f32 v19, v7;
	v55 =	vadd.f32 v47, v55;
	v8 =	vadd.f32 v1, v8;
	v50 =	vld [tilespmem:s19+$0x189C0]  }
0x38b: {  	v25 =	vadd.f32 v49, v25;
	v33 =	vadd.f32 v40, v33;
	v7 =	vld [tilespmem:s19+$0x10980]  }
0x38c: {  	v5 =	vadd.f32 v42, v5;
	v28 =	vadd.f32 v19, v28;
	v1 =	vld [tilespmem:s19+$0x18990];
	v47 =	vmul.f32 v0, v0  }
0x38d: {  	v49 =	vmul.f32 v56, v56;
	v19 =	vld [tilespmem:s19+$0x189B0];
	v51 =	vmul.f32 v59, v59  }
0x38e: {  	v46 =	vld [tilespmem:s19+$0x149A0];
	v12 =	vadd.f32 v47, v12;
	v40 =	vmul.f32 v48, v48;
	v42 =	vmul.f32 v56, v48  }
0x38f: {  	v11 =	vadd.f32 v49, v11;
	v48 =	vmul.f32 v50, v50;
	v0 =	vmul.f32 v50, v0;
	v50 =	vld [tilespmem:s19+$0x189F0]  }
0x390: {  	v10 =	vadd.f32 v51, v10;
	v47 =	vmul.f32 v47, v7;
	v42 =	vmul.f32 v42, v7  }
0x391: {  	v52 =	vmul.f32 v1, v1;
	v0 =	vmul.f32 v0, v7;
	v24 =	vadd.f32 v48, v24;
	v53 =	vld [tilespmem:s19+$0x149E0]  }
0x392: {  	v32 =	vadd.f32 v47, v32;
	v47 =	vmul.f32 v48, v7;
	v29 =	vadd.f32 v42, v29  }
0x393: {  	v48 =	vmul.f32 v57, v57;
	v58 =	vld [tilespmem:s19+$0x18980];
	v54 =	vmul.f32 v52, v7;
	v41 =	vadd.f32 v52, v41  }
0x394: {  	v52 =	vmul.f32 v19, v19;
	v36 =	vadd.f32 v0, v36;
	v37 =	vadd.f32 v47, v37  }
0x395: {  	v42 =	vmul.f32 v50, v50;
	v0 =	vmul.f32 v48, v7;
	v21 =	vadd.f32 v48, v21  }
0x396: {  	v57 =	vmul.f32 v50, v57;
	v39 =	vadd.f32 v52, v39;
	v56 =	vld [tilespmem:s19+$0x14990];
	v60 =	vmul.f32 v53, v53  }
0x397: {  	v47 =	vmul.f32 v52, v7;
	v22 =	vadd.f32 v0, v22;
	v0 =	vmul.f32 v42, v7  }
0x398: {  	v52 =	vmul.f32 v20, v20;
	v50 =	vmul.f32 v58, v58;
	v38 =	vadd.f32 v60, v38  }
0x399: {  	v61 =	vmul.f32 v51, v7;
	v60 =	vmul.f32 v60, v7;
	v34 =	vadd.f32 v0, v34;
	v48 =	vld [tilespmem:s19+$0x189A0]  }
0x39a: {  	v43 =	vadd.f32 v52, v43;
	v0 =	vmul.f32 v52, v7;
	v45 =	vadd.f32 v50, v45  }
0x39b: {  	v14 =	vadd.f32 v61, v14;
	v15 =	vadd.f32 v60, v15;
	v62 =	vld [tilespmem:s19+$0x14980];
	v51 =	vmul.f32 v56, v56  }
.Ltmp8:
0x39c: {  	v44 =	vadd.f32 v0, v44;
	v0 =	vmul.f32 v49, v7;
	v56 =	vmul.f32 v1, v56;
	(pc) =	sbr.rel @p0 .LBB2_18-.Ltmp8, $4  }
0x39d: {  	v60 =	vmul.f32 v57, v7;
	v1 =	vmul.f32 v19, v20;
	v23 =	vadd.f32 v51, v23  }
0x39e: {  	v49 =	vmul.f32 v46, v46;
	v17 =	vadd.f32 v0, v17;
	v52 =	vmul.f32 v48, v48  }
0x39f: {  	v18 =	vadd.f32 v40, v18;
	v20 =	vmul.f32 v59, v53;
	v19 =	vmul.f32 v1, v7  }
0x3a0: {  	v16 =	vadd.f32 v60, v16;
	v57 =	vmul.f32 v62, v62;
	v58 =	vmul.f32 v58, v62  }
0x3a1: {  	[tilespmem:$0x1AB80] =	vst v45  }
0x3a2: {  	[tilespmem:$0x1AB10] =	vst v23  }
0x3a3: {  	[tilespmem:$0x1AB90] =	vst v41  }
0x3a4: {  	[tilespmem:$0x1A9B0] =	vst v44  }
0x3a5: {  	[tilespmem:$0x1AB30] =	vst v43  }
0x3a6: {  	[tilespmem:$0x1ABB0] =	vst v39  }
0x3a7: {  	[tilespmem:$0x1A9C0] =	vst v32  }
0x3a8: {  	[tilespmem:$0x1AA40] =	vst v36  }
0x3a9: {  	[tilespmem:$0x1AAC0] =	vst v37  }
0x3aa: {  	[tilespmem:$0x1AB40] =	vst v12  }
0x3ab: {  	[tilespmem:$0x1ABC0] =	vst v24  }
0x3ac: {  	[tilespmem:$0x1AA50] =	vst v29  }
0x3ad: {  	[tilespmem:$0x1AAD0] =	vst v17  }
0x3ae: {  	[tilespmem:$0x1AB50] =	vst v18  }
0x3af: {  	[tilespmem:$0x1ABD0] =	vst v11  }
0x3b0: {  	[tilespmem:$0x1A9E0] =	vst v15  }
0x3b1: {  	[tilespmem:$0x1AAE0] =	vst v14  }
0x3b2: {  	[tilespmem:$0x1AB60] =	vst v38  }
0x3b3: {  	[tilespmem:$0x1ABE0] =	vst v10  }
0x3b4: {  	[tilespmem:$0x1A9F0] =	vst v22  }
0x3b5: {  	[tilespmem:$0x1AAF0] =	vst v34  }
0x3b6: {  	v63 =	vmul.f32 v51, v7;
	v51 =	vadd.f32 v54, v26;
	[tilespmem:$0x1AB70] =	vst v21  }
0x3b7: {  	v59 =	vadd.f32 v19, v6;
	[tilespmem:$0x1AA70] =	vst v16  }
0x3b8: {  	v60 =	vadd.f32 v47, v3;
	[tilespmem:$0x1AA90] =	vst v51  }
0x3b9: {  	v62 =	vadd.f32 v57, v27;
	[tilespmem:$0x1AA30] =	vst v59  }
0x3ba: {  	v50 =	vmul.f32 v50, v7;
	v0 =	vmul.f32 v57, v7;
	v57 =	vadd.f32 v49, v25;
	[tilespmem:$0x1AAB0] =	vst v60  }
0x3bb: {  	v1 =	vmul.f32 v58, v7;
	v58 =	vadd.f32 v52, v4;
	[tilespmem:$0x1AB00] =	vst v62  }
0x3bc: {  	v54 =	vmul.f32 v49, v7;
	v31 =	vadd.f32 v50, v31;
	[tilespmem:$0x1AB20] =	vst v57  }
0x3bd: {  	v27 =	vadd.f32 v63, v33;
	[tilespmem:$0x1ABA0] =	vst v58  }
0x3be: {  	v53 =	vmul.f32 v48, v46;
	v9 =	vadd.f32 v54, v9;
	[tilespmem:$0x1AA80] =	vst v31  }
0x3bf: {  	v63 =	vadd.f32 v42, v5;
	[tilespmem:$0x1A990] =	vst v27  }
0x3c0: {  	v0 =	vadd.f32 v0, v35;
	v1 =	vadd.f32 v1, v55;
	v55 =	vmul.f32 v53, v7;
	[tilespmem:$0x1A9A0] =	vst v9  }
0x3c1: {  	v35 =	vmul.f32 v56, v7;
	[tilespmem:$0x1ABF0] =	vst v63  }
0x3c2: {  	v61 =	vmul.f32 v40, v7;
	[tilespmem:$0x1A980] =	vst v0;
	v0 =	vadd.f32 v55, v28  }
0x3c3: {  	v56 =	vmul.f32 v52, v7;
	[tilespmem:$0x1AA00] =	vst v1;
	v50 =	vadd.f32 v35, v30  }
0x3c4: {  	v62 =	vmul.f32 v20, v7;
	[tilespmem:$0x1AA20] =	vst v0;
	v0 =	vadd.f32 v61, v8  }
0x3c5: {  	v1 =	vadd.f32 v56, v13;
	[tilespmem:$0x1AA10] =	vst v50  }
0x3c6: {  	[tilespmem:$0x1A9D0] =	vst v0;
	v0 =	vadd.f32 v62, v2  }
0x3c7: {  	[tilespmem:$0x1AAA0] =	vst v1  }
0x3c8: {  	s18 =	rddreg [dreg:$0x15];
	s19 =	simm.s32 $0x400;
	s20 =	simm.s32 $0x1A980;
	[tilespmem:$0x1AA60] =	vst v0  }
0x3c9: {  	[hbm4b:s18+s11] =	stream.strided.scatter [tilespmem:s20], [sflag:$0x5], $0x280, s19, s11, $0x38;
	[tilespmem:$0x1AC00] =	vst v63  }
0x3ca: {  	_ =	swait.ge [sflag:s30], $0x280  }
0x3cb: {  	s17 =	sadd.s32 $0x1, s17;
	s23 =	rddreg [dreg:$0x17]  }
0x3cc: {  	p0 =	sne.s32 s17, s23  }
.Ltmp9:
0x3cd: {  	_ = 	snop;
	(pc) =	sbr.rel @p0 .LBB2_1-.Ltmp9, $3  }
0x3ce: {  	_ =	sdelay $0x1  }
0x3cf: {  	[sflag:s30] =	ssyncset.done $0x0  }
0x3d0: {  	[sflag:s30] =	ssyncadd.s32 $0xFFFFFD80  }
0x3d1: {  	_ =	sfence.sel $0x180000  }
0x3d2: {  	[bflag:$0x0] =	sbarrier.arrive $0xFFFF  }
0x3d3: {  	_ =	strace $0x90000047  }
0x3d4: {  	s0 =	stileid.u32;
	[bflag:$0x2] =	sbarrier.arrive $0xFFFF  }
0x3d5: {  	p0 =	sne.s32 s0, $0x0;
	s0 =	rddreg [dreg:$0x5]  }
0x3d6: {  	s0 =	sadd.s32 @!p0 $0x100000, s0  }
0x3d7: {  	[sflag:s0] =	ssyncadd.tile.s32 @!p0 $0x1;
	_ =	shalt  }
.Lfunc_end2:
_tile_overlayer_lowered:
.L_overlay_start_2:
0x3d8: {  	(tag) =	ssettag $0x2  }
0x3d9: {  	s0 =	rddreg [dreg:$0x0];
	s2 =	stileid.u32  }
0x3da: {  	s1 =	rddreg [dreg:$0x1];
	p0 =	sne.s32 s2, $0x0  }
0x3db: {  	s3 =	rddreg [dreg:$0x2];
	[bflag:$0x3] =	sbarrier.arrive $0xFFFF;
	s2 =	simm.s32 @!p0 $0x1C05  }
0x3dc: {  	[timem:s3], [sflag:s2] =	dma.local @!p0 [hbm:s0], s1  }
0x3dd: {  	s0 =	simm.s32 @!p0 $0x5  }
0x3de: {  	_ =	swait.ge @!p0 [sflag:s0], s1  }
0x3df: {  	s1 =	ssub.s32 @!p0 $0x0, s1;
	[sflag:s0] =	ssyncset.done @!p0 $0x0  }
0x3e0: {  	[sflag:s0] =	ssyncadd.s32 @!p0 s1  }
0x3e1: {  	[bflag:$0x3] =	sbarrier.arrive $0xFFFF  }
0x3e2: {  	_ =	shalt  }

</sc_bundles>
